<compile_context>
chip_gen: v7x
topology: tpu7x:2x2x1
jax: 0.10.2.dev20260603
libtpu: 0.0.44.dev20260713+nightly
codegen_flags: <defaults>
</compile_context>

<pallas_src>
import functools

import numpy as np

import jax
import jax.numpy as jnp
from jax import lax
from jax.experimental import pallas as pl
from jax.experimental.pallas import tpu as pltpu
from jax.experimental.pallas import tpu_sc as plsc

BATCH = 4096
D = 64
W = 2 * D
L = 16
NC = 2
NS = 16
NW = NC * NS
BPW = BATCH // NW
MARGIN = 1.0
ENT = 1000000
CHUNK = 4096

_MESH = plsc.VectorSubcoreMesh(core_axis_name="c", subcore_axis_name="s")


@functools.partial(
    pl.kernel,
    out_type=jax.ShapeDtypeStruct((NW * L,), jnp.float32),
    mesh=_MESH,
    compiler_params=pltpu.CompilerParams(needs_layout_passes=False),
    scratch_types=[
        pltpu.VMEM((BPW,), jnp.int32),
        pltpu.VMEM((BPW,), jnp.int32),
        pltpu.VMEM((BPW,), jnp.int32),
        pltpu.VMEM((BPW,), jnp.int32),
        pltpu.VMEM((BPW,), jnp.int32),
        pltpu.VMEM((BPW,), jnp.int32),
        pltpu.VMEM((BPW,), jnp.int32),
        pltpu.VMEM((BPW,), jnp.int32),
        pltpu.VMEM((BPW,), jnp.int32),
        pltpu.VMEM((BPW,), jnp.int32),
        pltpu.VMEM((BPW,), jnp.int32),
        pltpu.VMEM((BPW,), jnp.int32),
        pltpu.VMEM((BPW, W), jnp.int32),
        pltpu.VMEM((BPW, W), jnp.int32),
        pltpu.VMEM((BPW, W), jnp.float32),
        pltpu.VMEM((BPW, W), jnp.int32),
        pltpu.VMEM((BPW, W), jnp.int32),
        pltpu.VMEM((BPW, W), jnp.float32),
        pltpu.VMEM((L,), jnp.float32),
        pltpu.SemaphoreType.DMA,
    ],
)
def _transe_sc(ph_h, pt_h, pr_h, nh_h, nt_h, nr_h, ent_h, rel_h, out_h,
               ph_i, pt_i, pr_i, nh_i, nt_i, nr_i,
               ph_j, pt_j, pr_j, nh_j, nt_j, nr_j,
               ph_r, pt_r, pr_r, nh_r, nt_r, nr_r,
               res_v, sem):
    wid = lax.axis_index("s") * NC + lax.axis_index("c")
    base = wid * BPW

    idx_refs = (ph_i, pt_i, pr_i, nh_i, nt_i, nr_i)
    half_refs = (ph_j, pt_j, pr_j, nh_j, nt_j, nr_j)
    for src, dst in zip((ph_h, pt_h, pr_h, nh_h, nt_h, nr_h), idx_refs):
        pltpu.sync_copy(src.at[pl.ds(base, BPW)], dst)
    is_ent = (True, True, False, True, True, False)
    for iref, jref, ent in zip(idx_refs, half_refs, is_ent):
        for k in range(BPW // L):
            sl = pl.ds(k * L, L)
            iv = iref[sl]
            if ent:
                jref[sl] = (lax.shift_left(lax.shift_right_logical(iv, 13), 11)
                            + (iv & 2047))
            else:
                jref[sl] = lax.shift_right_logical(iv, 1)

    copies = [
        pltpu.async_copy(ent_h.at[ph_j], ph_r, sem),
        pltpu.async_copy(ent_h.at[pt_j], pt_r, sem),
        pltpu.async_copy(rel_h.at[pr_j], pr_r, sem),
        pltpu.async_copy(ent_h.at[nh_j], nh_r, sem),
        pltpu.async_copy(ent_h.at[nt_j], nt_r, sem),
        pltpu.async_copy(rel_h.at[nr_j], nr_r, sem),
    ]
    for c in copies:
        c.wait()

    lanes = lax.iota(jnp.int32, 16)

    def group_body(g, tot):
        sl = pl.ds(g * L, L)
        offv = [((lax.shift_right_logical(iref[sl], 11) & 3) * 32) if ent
                else ((iref[sl] & 1) * D)
                for iref, ent in zip(idx_refs, is_ent)]

        def _halves(word):
            lo = plsc.bitcast(lax.shift_left(word, 16), jnp.float32)
            hi = plsc.bitcast(word & _HIMASK, jnp.float32)
            return lo, hi

        for j in range(L):
            i = g * L + j
            o = [ov[j] for ov in offv]
            accp = jnp.zeros((L,), jnp.float32)
            accn = jnp.zeros((L,), jnp.float32)
            for c in range(2):
                cb = c * L
                hl, hh = _halves(ph_r[i, pl.ds(o[0] + cb, L)])
                tl, th = _halves(pt_r[i, pl.ds(o[1] + cb, L)])
                ra = pr_r[i, pl.ds(o[2] + cb, L)]
                rb = pr_r[i, pl.ds(o[2] + 32 + cb, L)]
                accp = accp + jnp.abs(hl - tl + ra) + jnp.abs(hh - th + rb)
                hl, hh = _halves(nh_r[i, pl.ds(o[3] + cb, L)])
                tl, th = _halves(nt_r[i, pl.ds(o[4] + cb, L)])
                ra = nr_r[i, pl.ds(o[5] + cb, L)]
                rb = nr_r[i, pl.ds(o[5] + 32 + cb, L)]
                accn = accn + jnp.abs(hl - tl + ra) + jnp.abs(hh - th + rb)
            p = jnp.sum(accp)
            n = jnp.sum(accn)
            tot = tot + jnp.maximum(p - n + MARGIN, 0.0)
        return tot

    tot = lax.fori_loop(0, BPW // L, group_body, jnp.float32(0.0))
    res_v[...] = jnp.where(lanes == 0, tot, 0.0)
    pltpu.sync_copy(res_v, out_h.at[pl.ds(wid * L, L)])


_C = 2048
_EPB = 4 * _C
_NSTEP = (ENT + _EPB - 1) // _EPB
ENT4 = _NSTEP * _C
_RND = 0x8000
_HIMASK = -65536


def _tc_pack_body(x_ref, o_ref):
    himask = np.uint32(0xFFFF0000)
    for g in range(4):
        x = x_ref[:, g * _C:(g + 1) * _C]
        lo = lax.bitcast_convert_type(x[0:32, :], jnp.uint32)
        hi = lax.bitcast_convert_type(x[32:64, :], jnp.uint32)
        w = lax.bitcast_convert_type(
            ((lo + _RND) >> 16) | ((hi + _RND) & himask), jnp.int32)
        o_ref[:, g * 32:(g + 1) * 32] = w.T


_tc_pack = pl.pallas_call(
    _tc_pack_body,
    grid=(_NSTEP,),
    in_specs=[pl.BlockSpec((D, _EPB), lambda i: (0, i))],
    out_specs=pl.BlockSpec((_C, W), lambda i: (i, 0)),
    out_shape=jax.ShapeDtypeStruct((ENT4, W), jnp.int32),
)


def kernel(pos_h, pos_t, pos_r, neg_h, neg_t, neg_r, ent_embeddings, rel_embeddings):
    idx = [x.reshape(-1).astype(jnp.int32)
           for x in (pos_h, pos_t, pos_r, neg_h, neg_t, neg_r)]
    ent2 = _tc_pack(ent_embeddings.T)
    rel2 = rel_embeddings.reshape(-1, W)
    partials = _transe_sc(*idx, ent2, rel2)
    return jnp.sum(partials)

# --- scband reference (transcript-rebuilt; emitter-appended) ---
"""Pipeline reference for scband-trans-e-80264348828322 (READ-ONLY COPY).

The authoritative reference and input builder live on the scoring server;
editing this copy changes nothing except your own understanding.
"""

import jax, jax.numpy as jnp
import numpy as np

ENT_TOTAL = 1000000
REL_TOTAL = 1000
HIDDEN = 64
MARGIN = 1.0
BATCH = 4096


def setup_inputs(seed: int = 0) -> dict:
    key = jax.random.key(seed)
    k1, k2, k3, k4, k5, k6, k7, k8 = jax.random.split(key, 8)
    pos_h = jax.random.randint(k1, (BATCH, 1), 0, ENT_TOTAL, dtype=jnp.int64) if jax.config.jax_enable_x64 else jax.random.randint(k1, (BATCH, 1), 0, ENT_TOTAL).astype(jnp.int32)
    pos_t = jax.random.randint(k2, (BATCH, 1), 0, ENT_TOTAL)
    pos_r = jax.random.randint(k3, (BATCH, 1), 0, REL_TOTAL)
    neg_h = jax.random.randint(k4, (BATCH, 1), 0, ENT_TOTAL)
    neg_t = jax.random.randint(k5, (BATCH, 1), 0, ENT_TOTAL)
    neg_r = jax.random.randint(k6, (BATCH, 1), 0, REL_TOTAL)
    # Xavier (glorot) normal init for embedding tables
    ent_std = float(np.sqrt(2.0 / (ENT_TOTAL + HIDDEN)))
    rel_std = float(np.sqrt(2.0 / (REL_TOTAL + HIDDEN)))
    ent_embeddings = jax.random.normal(k7, (ENT_TOTAL, HIDDEN), dtype=jnp.float32) * ent_std
    rel_embeddings = jax.random.normal(k8, (REL_TOTAL, HIDDEN), dtype=jnp.float32) * rel_std
    return {
        "pos_h": pos_h, "pos_t": pos_t, "pos_r": pos_r,
        "neg_h": neg_h, "neg_t": neg_t, "neg_r": neg_r,
        "ent_embeddings": ent_embeddings, "rel_embeddings": rel_embeddings,
    }


def reference(pos_h, pos_t, pos_r, neg_h, neg_t, neg_r, ent_embeddings, rel_embeddings):
    def _embeddings(h, t, r):
        he = jnp.take(ent_embeddings, h, axis=0)  # [B, 1, D]
        te = jnp.take(ent_embeddings, t, axis=0)  # [B, 1, D]
        re = jnp.take(rel_embeddings, r, axis=0)  # [B, 1, D]
        return he - te + re

    def scores(h, t, r):
        e = _embeddings(h, t, r)                      # [B, 1, D]
        m = jnp.mean(jnp.abs(e), axis=1)              # [B, D]
        return jnp.sum(m, axis=1, keepdims=True)      # [B, 1]

    p = scores(pos_h, pos_t, pos_r)
    n = scores(neg_h, neg_t, neg_r)
    loss = jnp.sum(jnp.maximum(p - n + MARGIN, 0.0))
    return loss

if __name__ == "__main__":
    import jax
    _d = setup_inputs()
    print(jax.jit(kernel)(*tuple(_d.values())))

</pallas_src>

<mosaic_0001>
#map = affine_map<(d0, d1) -> (0)>
#map1 = affine_map<(d0, d1) -> (0, 0)>
module attributes {stable_mosaic.version = 14 : i64} {
  func.func @_transe_sc(%arg0: i32, %arg1: i32, %arg2: memref<4096xi32, #tpu.memory_space<hbm>>, %arg3: memref<4096xi32, #tpu.memory_space<hbm>>, %arg4: memref<4096xi32, #tpu.memory_space<hbm>>, %arg5: memref<4096xi32, #tpu.memory_space<hbm>>, %arg6: memref<4096xi32, #tpu.memory_space<hbm>>, %arg7: memref<4096xi32, #tpu.memory_space<hbm>>, %arg8: memref<251904x128xi32, #tpu.memory_space<hbm>>, %arg9: memref<500x128xf32, #tpu.memory_space<hbm>>, %arg10: memref<512xf32, #tpu.memory_space<hbm>>, %arg11: memref<128xi32, #tpu.memory_space<vmem>>, %arg12: memref<128xi32, #tpu.memory_space<vmem>>, %arg13: memref<128xi32, #tpu.memory_space<vmem>>, %arg14: memref<128xi32, #tpu.memory_space<vmem>>, %arg15: memref<128xi32, #tpu.memory_space<vmem>>, %arg16: memref<128xi32, #tpu.memory_space<vmem>>, %arg17: memref<128xi32, #tpu.memory_space<vmem>>, %arg18: memref<128xi32, #tpu.memory_space<vmem>>, %arg19: memref<128xi32, #tpu.memory_space<vmem>>, %arg20: memref<128xi32, #tpu.memory_space<vmem>>, %arg21: memref<128xi32, #tpu.memory_space<vmem>>, %arg22: memref<128xi32, #tpu.memory_space<vmem>>, %arg23: memref<128x128xi32, #tpu.memory_space<vmem>>, %arg24: memref<128x128xi32, #tpu.memory_space<vmem>>, %arg25: memref<128x128xf32, #tpu.memory_space<vmem>>, %arg26: memref<128x128xi32, #tpu.memory_space<vmem>>, %arg27: memref<128x128xi32, #tpu.memory_space<vmem>>, %arg28: memref<128x128xf32, #tpu.memory_space<vmem>>, %arg29: memref<16xf32, #tpu.memory_space<vmem>>, %arg30: memref<!tpu.dma_semaphore, #tpu.memory_space<semaphore_mem>>) attributes {dimension_semantics = [#tpu.dimension_semantics<core_parallel>, #tpu.dimension_semantics<subcore_parallel>], iteration_bounds = array<i64: 2, 16>, scalar_prefetch = 0 : i64, scratch_operands = 20 : i64, tpu.core_type = #tpu.core_type<sc_vector_subcore>, window_params = [{transform_indices = #map}, {transform_indices = #map}, {transform_indices = #map}, {transform_indices = #map}, {transform_indices = #map}, {transform_indices = #map}, {transform_indices = #map1}, {transform_indices = #map1}, {transform_indices = #map}]} {
    %mul3A = arith.constant 2 : i32
    %mul3A_0 = arith.muli %arg1, %mul3A : i32
    %add3A = arith.addi %mul3A_0, %arg0 : i32
    %mul3A_1 = arith.constant 128 : i32
    %mul3A_2 = arith.muli %add3A, %mul3A_1 : i32
    "tpu.region"() ({
      %run_scoped3A = tpu.sem_alloc : memref<!tpu.dma_semaphore, #tpu.memory_space<semaphore_mem>>
      %dma_start3A_605 = tpu.memref_slice %arg2[%mul3A_2] : memref<4096xi32, #tpu.memory_space<hbm>> -> memref<128xi32, #tpu.memory_space<hbm>>
      %dma_start3A_606 = tpu.memref_slice %arg2[%mul3A_2] : memref<4096xi32, #tpu.memory_space<hbm>> -> memref<128xi32, #tpu.memory_space<hbm>>
      tpu.enqueue_dma source(%dma_start3A_606 : memref<128xi32, #tpu.memory_space<hbm>>) target(%arg11 : memref<128xi32, #tpu.memory_space<vmem>>) target_semaphore(%run_scoped3A : memref<!tpu.dma_semaphore, #tpu.memory_space<semaphore_mem>>)
      %dma_wait3A_607 = tpu.memref_slice %arg2[%mul3A_2] : memref<4096xi32, #tpu.memory_space<hbm>> -> memref<128xi32, #tpu.memory_space<hbm>>
      %dma_wait3A_608 = tpu.memref_slice %arg2[%mul3A_2] : memref<4096xi32, #tpu.memory_space<hbm>> -> memref<128xi32, #tpu.memory_space<hbm>>
      tpu.wait_dma2 semaphore(%run_scoped3A : memref<!tpu.dma_semaphore, #tpu.memory_space<semaphore_mem>>) src(%dma_wait3A_608 : memref<128xi32, #tpu.memory_space<hbm>>) dst(%arg11 : memref<128xi32, #tpu.memory_space<vmem>>)
      tpu.yield
    }) : () -> ()
    "tpu.region"() ({
      %run_scoped3A = tpu.sem_alloc : memref<!tpu.dma_semaphore, #tpu.memory_space<semaphore_mem>>
      %dma_start3A_605 = tpu.memref_slice %arg3[%mul3A_2] : memref<4096xi32, #tpu.memory_space<hbm>> -> memref<128xi32, #tpu.memory_space<hbm>>
      %dma_start3A_606 = tpu.memref_slice %arg3[%mul3A_2] : memref<4096xi32, #tpu.memory_space<hbm>> -> memref<128xi32, #tpu.memory_space<hbm>>
      tpu.enqueue_dma source(%dma_start3A_606 : memref<128xi32, #tpu.memory_space<hbm>>) target(%arg12 : memref<128xi32, #tpu.memory_space<vmem>>) target_semaphore(%run_scoped3A : memref<!tpu.dma_semaphore, #tpu.memory_space<semaphore_mem>>)
      %dma_wait3A_607 = tpu.memref_slice %arg3[%mul3A_2] : memref<4096xi32, #tpu.memory_space<hbm>> -> memref<128xi32, #tpu.memory_space<hbm>>
      %dma_wait3A_608 = tpu.memref_slice %arg3[%mul3A_2] : memref<4096xi32, #tpu.memory_space<hbm>> -> memref<128xi32, #tpu.memory_space<hbm>>
      tpu.wait_dma2 semaphore(%run_scoped3A : memref<!tpu.dma_semaphore, #tpu.memory_space<semaphore_mem>>) src(%dma_wait3A_608 : memref<128xi32, #tpu.memory_space<hbm>>) dst(%arg12 : memref<128xi32, #tpu.memory_space<vmem>>)
      tpu.yield
    }) : () -> ()
    "tpu.region"() ({
      %run_scoped3A = tpu.sem_alloc : memref<!tpu.dma_semaphore, #tpu.memory_space<semaphore_mem>>
      %dma_start3A_605 = tpu.memref_slice %arg4[%mul3A_2] : memref<4096xi32, #tpu.memory_space<hbm>> -> memref<128xi32, #tpu.memory_space<hbm>>
      %dma_start3A_606 = tpu.memref_slice %arg4[%mul3A_2] : memref<4096xi32, #tpu.memory_space<hbm>> -> memref<128xi32, #tpu.memory_space<hbm>>
      tpu.enqueue_dma source(%dma_start3A_606 : memref<128xi32, #tpu.memory_space<hbm>>) target(%arg13 : memref<128xi32, #tpu.memory_space<vmem>>) target_semaphore(%run_scoped3A : memref<!tpu.dma_semaphore, #tpu.memory_space<semaphore_mem>>)
      %dma_wait3A_607 = tpu.memref_slice %arg4[%mul3A_2] : memref<4096xi32, #tpu.memory_space<hbm>> -> memref<128xi32, #tpu.memory_space<hbm>>
      %dma_wait3A_608 = tpu.memref_slice %arg4[%mul3A_2] : memref<4096xi32, #tpu.memory_space<hbm>> -> memref<128xi32, #tpu.memory_space<hbm>>
      tpu.wait_dma2 semaphore(%run_scoped3A : memref<!tpu.dma_semaphore, #tpu.memory_space<semaphore_mem>>) src(%dma_wait3A_608 : memref<128xi32, #tpu.memory_space<hbm>>) dst(%arg13 : memref<128xi32, #tpu.memory_space<vmem>>)
      tpu.yield
    }) : () -> ()
    "tpu.region"() ({
      %run_scoped3A = tpu.sem_alloc : memref<!tpu.dma_semaphore, #tpu.memory_space<semaphore_mem>>
      %dma_start3A_605 = tpu.memref_slice %arg5[%mul3A_2] : memref<4096xi32, #tpu.memory_space<hbm>> -> memref<128xi32, #tpu.memory_space<hbm>>
      %dma_start3A_606 = tpu.memref_slice %arg5[%mul3A_2] : memref<4096xi32, #tpu.memory_space<hbm>> -> memref<128xi32, #tpu.memory_space<hbm>>
      tpu.enqueue_dma source(%dma_start3A_606 : memref<128xi32, #tpu.memory_space<hbm>>) target(%arg14 : memref<128xi32, #tpu.memory_space<vmem>>) target_semaphore(%run_scoped3A : memref<!tpu.dma_semaphore, #tpu.memory_space<semaphore_mem>>)
      %dma_wait3A_607 = tpu.memref_slice %arg5[%mul3A_2] : memref<4096xi32, #tpu.memory_space<hbm>> -> memref<128xi32, #tpu.memory_space<hbm>>
      %dma_wait3A_608 = tpu.memref_slice %arg5[%mul3A_2] : memref<4096xi32, #tpu.memory_space<hbm>> -> memref<128xi32, #tpu.memory_space<hbm>>
      tpu.wait_dma2 semaphore(%run_scoped3A : memref<!tpu.dma_semaphore, #tpu.memory_space<semaphore_mem>>) src(%dma_wait3A_608 : memref<128xi32, #tpu.memory_space<hbm>>) dst(%arg14 : memref<128xi32, #tpu.memory_space<vmem>>)
      tpu.yield
    }) : () -> ()
    "tpu.region"() ({
      %run_scoped3A = tpu.sem_alloc : memref<!tpu.dma_semaphore, #tpu.memory_space<semaphore_mem>>
      %dma_start3A_605 = tpu.memref_slice %arg6[%mul3A_2] : memref<4096xi32, #tpu.memory_space<hbm>> -> memref<128xi32, #tpu.memory_space<hbm>>
      %dma_start3A_606 = tpu.memref_slice %arg6[%mul3A_2] : memref<4096xi32, #tpu.memory_space<hbm>> -> memref<128xi32, #tpu.memory_space<hbm>>
      tpu.enqueue_dma source(%dma_start3A_606 : memref<128xi32, #tpu.memory_space<hbm>>) target(%arg15 : memref<128xi32, #tpu.memory_space<vmem>>) target_semaphore(%run_scoped3A : memref<!tpu.dma_semaphore, #tpu.memory_space<semaphore_mem>>)
      %dma_wait3A_607 = tpu.memref_slice %arg6[%mul3A_2] : memref<4096xi32, #tpu.memory_space<hbm>> -> memref<128xi32, #tpu.memory_space<hbm>>
      %dma_wait3A_608 = tpu.memref_slice %arg6[%mul3A_2] : memref<4096xi32, #tpu.memory_space<hbm>> -> memref<128xi32, #tpu.memory_space<hbm>>
      tpu.wait_dma2 semaphore(%run_scoped3A : memref<!tpu.dma_semaphore, #tpu.memory_space<semaphore_mem>>) src(%dma_wait3A_608 : memref<128xi32, #tpu.memory_space<hbm>>) dst(%arg15 : memref<128xi32, #tpu.memory_space<vmem>>)
      tpu.yield
    }) : () -> ()
    "tpu.region"() ({
      %run_scoped3A = tpu.sem_alloc : memref<!tpu.dma_semaphore, #tpu.memory_space<semaphore_mem>>
      %dma_start3A_605 = tpu.memref_slice %arg7[%mul3A_2] : memref<4096xi32, #tpu.memory_space<hbm>> -> memref<128xi32, #tpu.memory_space<hbm>>
      %dma_start3A_606 = tpu.memref_slice %arg7[%mul3A_2] : memref<4096xi32, #tpu.memory_space<hbm>> -> memref<128xi32, #tpu.memory_space<hbm>>
      tpu.enqueue_dma source(%dma_start3A_606 : memref<128xi32, #tpu.memory_space<hbm>>) target(%arg16 : memref<128xi32, #tpu.memory_space<vmem>>) target_semaphore(%run_scoped3A : memref<!tpu.dma_semaphore, #tpu.memory_space<semaphore_mem>>)
      %dma_wait3A_607 = tpu.memref_slice %arg7[%mul3A_2] : memref<4096xi32, #tpu.memory_space<hbm>> -> memref<128xi32, #tpu.memory_space<hbm>>
      %dma_wait3A_608 = tpu.memref_slice %arg7[%mul3A_2] : memref<4096xi32, #tpu.memory_space<hbm>> -> memref<128xi32, #tpu.memory_space<hbm>>
      tpu.wait_dma2 semaphore(%run_scoped3A : memref<!tpu.dma_semaphore, #tpu.memory_space<semaphore_mem>>) src(%dma_wait3A_608 : memref<128xi32, #tpu.memory_space<hbm>>) dst(%arg16 : memref<128xi32, #tpu.memory_space<vmem>>)
      tpu.yield
    }) : () -> ()
    %get3A = arith.constant 0 : index
    %get3A_3 = tpu.vector_load %arg11[%get3A] {strides = array<i32>} : memref<128xi32, #tpu.memory_space<vmem>>, vector<16xi32>,
    %shift_right_logical3A = arith.constant 13 : i32
    %shift_right_logical3A_4 = vector.broadcast %shift_right_logical3A : i32 to vector<16xi32>
    %shift_right_logical3A_5 = arith.shrui %get3A_3, %shift_right_logical3A_4 : vector<16xi32>
    %shift_left3A = arith.constant 11 : i32
    %shift_left3A_6 = vector.broadcast %shift_left3A : i32 to vector<16xi32>
    %shift_left3A_7 = arith.shli %shift_right_logical3A_5, %shift_left3A_6 : vector<16xi32>
    %and3A = arith.constant 2047 : i32
    %and3A_8 = vector.broadcast %and3A : i32 to vector<16xi32>
    %and3A_9 = arith.andi %get3A_3, %and3A_8 : vector<16xi32>
    %add3A_10 = arith.addi %shift_left3A_7, %and3A_9 : vector<16xi32>
    %swap3A = arith.constant 0 : index
    %swap3A_11 = tpu.vector_load %arg17[%swap3A] {strides = array<i32>} : memref<128xi32, #tpu.memory_space<vmem>>, vector<16xi32>,
    tpu.vector_store %arg17[%swap3A], %add3A_10 {strides = array<i32>} : memref<128xi32, #tpu.memory_space<vmem>>, vector<16xi32>,
    %get3A_12 = arith.constant 16 : index
    %get3A_13 = tpu.vector_load %arg11[%get3A_12] {strides = array<i32>} : memref<128xi32, #tpu.memory_space<vmem>>, vector<16xi32>,
    %shift_right_logical3A_14 = arith.constant 13 : i32
    %shift_right_logical3A_15 = vector.broadcast %shift_right_logical3A_14 : i32 to vector<16xi32>
    %shift_right_logical3A_16 = arith.shrui %get3A_13, %shift_right_logical3A_15 : vector<16xi32>
    %shift_left3A_17 = arith.constant 11 : i32
    %shift_left3A_18 = vector.broadcast %shift_left3A_17 : i32 to vector<16xi32>
    %shift_left3A_19 = arith.shli %shift_right_logical3A_16, %shift_left3A_18 : vector<16xi32>
    %and3A_20 = arith.constant 2047 : i32
    %and3A_21 = vector.broadcast %and3A_20 : i32 to vector<16xi32>
    %and3A_22 = arith.andi %get3A_13, %and3A_21 : vector<16xi32>
    %add3A_23 = arith.addi %shift_left3A_19, %and3A_22 : vector<16xi32>
    %swap3A_24 = arith.constant 16 : index
    %swap3A_25 = tpu.vector_load %arg17[%swap3A_24] {strides = array<i32>} : memref<128xi32, #tpu.memory_space<vmem>>, vector<16xi32>,
    tpu.vector_store %arg17[%swap3A_24], %add3A_23 {strides = array<i32>} : memref<128xi32, #tpu.memory_space<vmem>>, vector<16xi32>,
    %get3A_26 = arith.constant 32 : index
    %get3A_27 = tpu.vector_load %arg11[%get3A_26] {strides = array<i32>} : memref<128xi32, #tpu.memory_space<vmem>>, vector<16xi32>,
    %shift_right_logical3A_28 = arith.constant 13 : i32
    %shift_right_logical3A_29 = vector.broadcast %shift_right_logical3A_28 : i32 to vector<16xi32>
    %shift_right_logical3A_30 = arith.shrui %get3A_27, %shift_right_logical3A_29 : vector<16xi32>
    %shift_left3A_31 = arith.constant 11 : i32
    %shift_left3A_32 = vector.broadcast %shift_left3A_31 : i32 to vector<16xi32>
    %shift_left3A_33 = arith.shli %shift_right_logical3A_30, %shift_left3A_32 : vector<16xi32>
    %and3A_34 = arith.constant 2047 : i32
    %and3A_35 = vector.broadcast %and3A_34 : i32 to vector<16xi32>
    %and3A_36 = arith.andi %get3A_27, %and3A_35 : vector<16xi32>
    %add3A_37 = arith.addi %shift_left3A_33, %and3A_36 : vector<16xi32>
    %swap3A_38 = arith.constant 32 : index
    %swap3A_39 = tpu.vector_load %arg17[%swap3A_38] {strides = array<i32>} : memref<128xi32, #tpu.memory_space<vmem>>, vector<16xi32>,
    tpu.vector_store %arg17[%swap3A_38], %add3A_37 {strides = array<i32>} : memref<128xi32, #tpu.memory_space<vmem>>, vector<16xi32>,
    %get3A_40 = arith.constant 48 : index
    %get3A_41 = tpu.vector_load %arg11[%get3A_40] {strides = array<i32>} : memref<128xi32, #tpu.memory_space<vmem>>, vector<16xi32>,
    %shift_right_logical3A_42 = arith.constant 13 : i32
    %shift_right_logical3A_43 = vector.broadcast %shift_right_logical3A_42 : i32 to vector<16xi32>
    %shift_right_logical3A_44 = arith.shrui %get3A_41, %shift_right_logical3A_43 : vector<16xi32>
    %shift_left3A_45 = arith.constant 11 : i32
    %shift_left3A_46 = vector.broadcast %shift_left3A_45 : i32 to vector<16xi32>
    %shift_left3A_47 = arith.shli %shift_right_logical3A_44, %shift_left3A_46 : vector<16xi32>
    %and3A_48 = arith.constant 2047 : i32
    %and3A_49 = vector.broadcast %and3A_48 : i32 to vector<16xi32>
    %and3A_50 = arith.andi %get3A_41, %and3A_49 : vector<16xi32>
    %add3A_51 = arith.addi %shift_left3A_47, %and3A_50 : vector<16xi32>
    %swap3A_52 = arith.constant 48 : index
    %swap3A_53 = tpu.vector_load %arg17[%swap3A_52] {strides = array<i32>} : memref<128xi32, #tpu.memory_space<vmem>>, vector<16xi32>,
    tpu.vector_store %arg17[%swap3A_52], %add3A_51 {strides = array<i32>} : memref<128xi32, #tpu.memory_space<vmem>>, vector<16xi32>,
    %get3A_54 = arith.constant 64 : index
    %get3A_55 = tpu.vector_load %arg11[%get3A_54] {strides = array<i32>} : memref<128xi32, #tpu.memory_space<vmem>>, vector<16xi32>,
    %shift_right_logical3A_56 = arith.constant 13 : i32
    %shift_right_logical3A_57 = vector.broadcast %shift_right_logical3A_56 : i32 to vector<16xi32>
    %shift_right_logical3A_58 = arith.shrui %get3A_55, %shift_right_logical3A_57 : vector<16xi32>
    %shift_left3A_59 = arith.constant 11 : i32
    %shift_left3A_60 = vector.broadcast %shift_left3A_59 : i32 to vector<16xi32>
    %shift_left3A_61 = arith.shli %shift_right_logical3A_58, %shift_left3A_60 : vector<16xi32>
    %and3A_62 = arith.constant 2047 : i32
    %and3A_63 = vector.broadcast %and3A_62 : i32 to vector<16xi32>
    %and3A_64 = arith.andi %get3A_55, %and3A_63 : vector<16xi32>
    %add3A_65 = arith.addi %shift_left3A_61, %and3A_64 : vector<16xi32>
    %swap3A_66 = arith.constant 64 : index
    %swap3A_67 = tpu.vector_load %arg17[%swap3A_66] {strides = array<i32>} : memref<128xi32, #tpu.memory_space<vmem>>, vector<16xi32>,
    tpu.vector_store %arg17[%swap3A_66], %add3A_65 {strides = array<i32>} : memref<128xi32, #tpu.memory_space<vmem>>, vector<16xi32>,
    %get3A_68 = arith.constant 80 : index
    %get3A_69 = tpu.vector_load %arg11[%get3A_68] {strides = array<i32>} : memref<128xi32, #tpu.memory_space<vmem>>, vector<16xi32>,
    %shift_right_logical3A_70 = arith.constant 13 : i32
    %shift_right_logical3A_71 = vector.broadcast %shift_right_logical3A_70 : i32 to vector<16xi32>
    %shift_right_logical3A_72 = arith.shrui %get3A_69, %shift_right_logical3A_71 : vector<16xi32>
    %shift_left3A_73 = arith.constant 11 : i32
    %shift_left3A_74 = vector.broadcast %shift_left3A_73 : i32 to vector<16xi32>
    %shift_left3A_75 = arith.shli %shift_right_logical3A_72, %shift_left3A_74 : vector<16xi32>
    %and3A_76 = arith.constant 2047 : i32
    %and3A_77 = vector.broadcast %and3A_76 : i32 to vector<16xi32>
    %and3A_78 = arith.andi %get3A_69, %and3A_77 : vector<16xi32>
    %add3A_79 = arith.addi %shift_left3A_75, %and3A_78 : vector<16xi32>
    %swap3A_80 = arith.constant 80 : index
    %swap3A_81 = tpu.vector_load %arg17[%swap3A_80] {strides = array<i32>} : memref<128xi32, #tpu.memory_space<vmem>>, vector<16xi32>,
    tpu.vector_store %arg17[%swap3A_80], %add3A_79 {strides = array<i32>} : memref<128xi32, #tpu.memory_space<vmem>>, vector<16xi32>,
    %get3A_82 = arith.constant 96 : index
    %get3A_83 = tpu.vector_load %arg11[%get3A_82] {strides = array<i32>} : memref<128xi32, #tpu.memory_space<vmem>>, vector<16xi32>,
    %shift_right_logical3A_84 = arith.constant 13 : i32
    %shift_right_logical3A_85 = vector.broadcast %shift_right_logical3A_84 : i32 to vector<16xi32>
    %shift_right_logical3A_86 = arith.shrui %get3A_83, %shift_right_logical3A_85 : vector<16xi32>
    %shift_left3A_87 = arith.constant 11 : i32
    %shift_left3A_88 = vector.broadcast %shift_left3A_87 : i32 to vector<16xi32>
    %shift_left3A_89 = arith.shli %shift_right_logical3A_86, %shift_left3A_88 : vector<16xi32>
    %and3A_90 = arith.constant 2047 : i32
    %and3A_91 = vector.broadcast %and3A_90 : i32 to vector<16xi32>
    %and3A_92 = arith.andi %get3A_83, %and3A_91 : vector<16xi32>
    %add3A_93 = arith.addi %shift_left3A_89, %and3A_92 : vector<16xi32>
    %swap3A_94 = arith.constant 96 : index
    %swap3A_95 = tpu.vector_load %arg17[%swap3A_94] {strides = array<i32>} : memref<128xi32, #tpu.memory_space<vmem>>, vector<16xi32>,
    tpu.vector_store %arg17[%swap3A_94], %add3A_93 {strides = array<i32>} : memref<128xi32, #tpu.memory_space<vmem>>, vector<16xi32>,
    %get3A_96 = arith.constant 112 : index
    %get3A_97 = tpu.vector_load %arg11[%get3A_96] {strides = array<i32>} : memref<128xi32, #tpu.memory_space<vmem>>, vector<16xi32>,
    %shift_right_logical3A_98 = arith.constant 13 : i32
    %shift_right_logical3A_99 = vector.broadcast %shift_right_logical3A_98 : i32 to vector<16xi32>
    %shift_right_logical3A_100 = arith.shrui %get3A_97, %shift_right_logical3A_99 : vector<16xi32>
    %shift_left3A_101 = arith.constant 11 : i32
    %shift_left3A_102 = vector.broadcast %shift_left3A_101 : i32 to vector<16xi32>
    %shift_left3A_103 = arith.shli %shift_right_logical3A_100, %shift_left3A_102 : vector<16xi32>
    %and3A_104 = arith.constant 2047 : i32
    %and3A_105 = vector.broadcast %and3A_104 : i32 to vector<16xi32>
    %and3A_106 = arith.andi %get3A_97, %and3A_105 : vector<16xi32>
    %add3A_107 = arith.addi %shift_left3A_103, %and3A_106 : vector<16xi32>
    %swap3A_108 = arith.constant 112 : index
    %swap3A_109 = tpu.vector_load %arg17[%swap3A_108] {strides = array<i32>} : memref<128xi32, #tpu.memory_space<vmem>>, vector<16xi32>,
    tpu.vector_store %arg17[%swap3A_108], %add3A_107 {strides = array<i32>} : memref<128xi32, #tpu.memory_space<vmem>>, vector<16xi32>,
    %get3A_110 = arith.constant 0 : index
    %get3A_111 = tpu.vector_load %arg12[%get3A_110] {strides = array<i32>} : memref<128xi32, #tpu.memory_space<vmem>>, vector<16xi32>,
    %shift_right_logical3A_112 = arith.constant 13 : i32
    %shift_right_logical3A_113 = vector.broadcast %shift_right_logical3A_112 : i32 to vector<16xi32>
    %shift_right_logical3A_114 = arith.shrui %get3A_111, %shift_right_logical3A_113 : vector<16xi32>
    %shift_left3A_115 = arith.constant 11 : i32
    %shift_left3A_116 = vector.broadcast %shift_left3A_115 : i32 to vector<16xi32>
    %shift_left3A_117 = arith.shli %shift_right_logical3A_114, %shift_left3A_116 : vector<16xi32>
    %and3A_118 = arith.constant 2047 : i32
    %and3A_119 = vector.broadcast %and3A_118 : i32 to vector<16xi32>
    %and3A_120 = arith.andi %get3A_111, %and3A_119 : vector<16xi32>
    %add3A_121 = arith.addi %shift_left3A_117, %and3A_120 : vector<16xi32>
    %swap3A_122 = arith.constant 0 : index
    %swap3A_123 = tpu.vector_load %arg18[%swap3A_122] {strides = array<i32>} : memref<128xi32, #tpu.memory_space<vmem>>, vector<16xi32>,
    tpu.vector_store %arg18[%swap3A_122], %add3A_121 {strides = array<i32>} : memref<128xi32, #tpu.memory_space<vmem>>, vector<16xi32>,
    %get3A_124 = arith.constant 16 : index
    %get3A_125 = tpu.vector_load %arg12[%get3A_124] {strides = array<i32>} : memref<128xi32, #tpu.memory_space<vmem>>, vector<16xi32>,
    %shift_right_logical3A_126 = arith.constant 13 : i32
    %shift_right_logical3A_127 = vector.broadcast %shift_right_logical3A_126 : i32 to vector<16xi32>
    %shift_right_logical3A_128 = arith.shrui %get3A_125, %shift_right_logical3A_127 : vector<16xi32>
    %shift_left3A_129 = arith.constant 11 : i32
    %shift_left3A_130 = vector.broadcast %shift_left3A_129 : i32 to vector<16xi32>
    %shift_left3A_131 = arith.shli %shift_right_logical3A_128, %shift_left3A_130 : vector<16xi32>
    %and3A_132 = arith.constant 2047 : i32
    %and3A_133 = vector.broadcast %and3A_132 : i32 to vector<16xi32>
    %and3A_134 = arith.andi %get3A_125, %and3A_133 : vector<16xi32>
    %add3A_135 = arith.addi %shift_left3A_131, %and3A_134 : vector<16xi32>
    %swap3A_136 = arith.constant 16 : index
    %swap3A_137 = tpu.vector_load %arg18[%swap3A_136] {strides = array<i32>} : memref<128xi32, #tpu.memory_space<vmem>>, vector<16xi32>,
    tpu.vector_store %arg18[%swap3A_136], %add3A_135 {strides = array<i32>} : memref<128xi32, #tpu.memory_space<vmem>>, vector<16xi32>,
    %get3A_138 = arith.constant 32 : index
    %get3A_139 = tpu.vector_load %arg12[%get3A_138] {strides = array<i32>} : memref<128xi32, #tpu.memory_space<vmem>>, vector<16xi32>,
    %shift_right_logical3A_140 = arith.constant 13 : i32
    %shift_right_logical3A_141 = vector.broadcast %shift_right_logical3A_140 : i32 to vector<16xi32>
    %shift_right_logical3A_142 = arith.shrui %get3A_139, %shift_right_logical3A_141 : vector<16xi32>
    %shift_left3A_143 = arith.constant 11 : i32
    %shift_left3A_144 = vector.broadcast %shift_left3A_143 : i32 to vector<16xi32>
    %shift_left3A_145 = arith.shli %shift_right_logical3A_142, %shift_left3A_144 : vector<16xi32>
    %and3A_146 = arith.constant 2047 : i32
    %and3A_147 = vector.broadcast %and3A_146 : i32 to vector<16xi32>
    %and3A_148 = arith.andi %get3A_139, %and3A_147 : vector<16xi32>
    %add3A_149 = arith.addi %shift_left3A_145, %and3A_148 : vector<16xi32>
    %swap3A_150 = arith.constant 32 : index
    %swap3A_151 = tpu.vector_load %arg18[%swap3A_150] {strides = array<i32>} : memref<128xi32, #tpu.memory_space<vmem>>, vector<16xi32>,
    tpu.vector_store %arg18[%swap3A_150], %add3A_149 {strides = array<i32>} : memref<128xi32, #tpu.memory_space<vmem>>, vector<16xi32>,
    %get3A_152 = arith.constant 48 : index
    %get3A_153 = tpu.vector_load %arg12[%get3A_152] {strides = array<i32>} : memref<128xi32, #tpu.memory_space<vmem>>, vector<16xi32>,
    %shift_right_logical3A_154 = arith.constant 13 : i32
    %shift_right_logical3A_155 = vector.broadcast %shift_right_logical3A_154 : i32 to vector<16xi32>
    %shift_right_logical3A_156 = arith.shrui %get3A_153, %shift_right_logical3A_155 : vector<16xi32>
    %shift_left3A_157 = arith.constant 11 : i32
    %shift_left3A_158 = vector.broadcast %shift_left3A_157 : i32 to vector<16xi32>
    %shift_left3A_159 = arith.shli %shift_right_logical3A_156, %shift_left3A_158 : vector<16xi32>
    %and3A_160 = arith.constant 2047 : i32
    %and3A_161 = vector.broadcast %and3A_160 : i32 to vector<16xi32>
    %and3A_162 = arith.andi %get3A_153, %and3A_161 : vector<16xi32>
    %add3A_163 = arith.addi %shift_left3A_159, %and3A_162 : vector<16xi32>
    %swap3A_164 = arith.constant 48 : index
    %swap3A_165 = tpu.vector_load %arg18[%swap3A_164] {strides = array<i32>} : memref<128xi32, #tpu.memory_space<vmem>>, vector<16xi32>,
    tpu.vector_store %arg18[%swap3A_164], %add3A_163 {strides = array<i32>} : memref<128xi32, #tpu.memory_space<vmem>>, vector<16xi32>,
    %get3A_166 = arith.constant 64 : index
    %get3A_167 = tpu.vector_load %arg12[%get3A_166] {strides = array<i32>} : memref<128xi32, #tpu.memory_space<vmem>>, vector<16xi32>,
    %shift_right_logical3A_168 = arith.constant 13 : i32
    %shift_right_logical3A_169 = vector.broadcast %shift_right_logical3A_168 : i32 to vector<16xi32>
    %shift_right_logical3A_170 = arith.shrui %get3A_167, %shift_right_logical3A_169 : vector<16xi32>
    %shift_left3A_171 = arith.constant 11 : i32
    %shift_left3A_172 = vector.broadcast %shift_left3A_171 : i32 to vector<16xi32>
    %shift_left3A_173 = arith.shli %shift_right_logical3A_170, %shift_left3A_172 : vector<16xi32>
    %and3A_174 = arith.constant 2047 : i32
    %and3A_175 = vector.broadcast %and3A_174 : i32 to vector<16xi32>
    %and3A_176 = arith.andi %get3A_167, %and3A_175 : vector<16xi32>
    %add3A_177 = arith.addi %shift_left3A_173, %and3A_176 : vector<16xi32>
    %swap3A_178 = arith.constant 64 : index
    %swap3A_179 = tpu.vector_load %arg18[%swap3A_178] {strides = array<i32>} : memref<128xi32, #tpu.memory_space<vmem>>, vector<16xi32>,
    tpu.vector_store %arg18[%swap3A_178], %add3A_177 {strides = array<i32>} : memref<128xi32, #tpu.memory_space<vmem>>, vector<16xi32>,
    %get3A_180 = arith.constant 80 : index
    %get3A_181 = tpu.vector_load %arg12[%get3A_180] {strides = array<i32>} : memref<128xi32, #tpu.memory_space<vmem>>, vector<16xi32>,
    %shift_right_logical3A_182 = arith.constant 13 : i32
    %shift_right_logical3A_183 = vector.broadcast %shift_right_logical3A_182 : i32 to vector<16xi32>
    %shift_right_logical3A_184 = arith.shrui %get3A_181, %shift_right_logical3A_183 : vector<16xi32>
    %shift_left3A_185 = arith.constant 11 : i32
    %shift_left3A_186 = vector.broadcast %shift_left3A_185 : i32 to vector<16xi32>
    %shift_left3A_187 = arith.shli %shift_right_logical3A_184, %shift_left3A_186 : vector<16xi32>
    %and3A_188 = arith.constant 2047 : i32
    %and3A_189 = vector.broadcast %and3A_188 : i32 to vector<16xi32>
    %and3A_190 = arith.andi %get3A_181, %and3A_189 : vector<16xi32>
    %add3A_191 = arith.addi %shift_left3A_187, %and3A_190 : vector<16xi32>
    %swap3A_192 = arith.constant 80 : index
    %swap3A_193 = tpu.vector_load %arg18[%swap3A_192] {strides = array<i32>} : memref<128xi32, #tpu.memory_space<vmem>>, vector<16xi32>,
    tpu.vector_store %arg18[%swap3A_192], %add3A_191 {strides = array<i32>} : memref<128xi32, #tpu.memory_space<vmem>>, vector<16xi32>,
    %get3A_194 = arith.constant 96 : index
    %get3A_195 = tpu.vector_load %arg12[%get3A_194] {strides = array<i32>} : memref<128xi32, #tpu.memory_space<vmem>>, vector<16xi32>,
    %shift_right_logical3A_196 = arith.constant 13 : i32
    %shift_right_logical3A_197 = vector.broadcast %shift_right_logical3A_196 : i32 to vector<16xi32>
    %shift_right_logical3A_198 = arith.shrui %get3A_195, %shift_right_logical3A_197 : vector<16xi32>
    %shift_left3A_199 = arith.constant 11 : i32
    %shift_left3A_200 = vector.broadcast %shift_left3A_199 : i32 to vector<16xi32>
    %shift_left3A_201 = arith.shli %shift_right_logical3A_198, %shift_left3A_200 : vector<16xi32>
    %and3A_202 = arith.constant 2047 : i32
    %and3A_203 = vector.broadcast %and3A_202 : i32 to vector<16xi32>
    %and3A_204 = arith.andi %get3A_195, %and3A_203 : vector<16xi32>
    %add3A_205 = arith.addi %shift_left3A_201, %and3A_204 : vector<16xi32>
    %swap3A_206 = arith.constant 96 : index
    %swap3A_207 = tpu.vector_load %arg18[%swap3A_206] {strides = array<i32>} : memref<128xi32, #tpu.memory_space<vmem>>, vector<16xi32>,
    tpu.vector_store %arg18[%swap3A_206], %add3A_205 {strides = array<i32>} : memref<128xi32, #tpu.memory_space<vmem>>, vector<16xi32>,
    %get3A_208 = arith.constant 112 : index
    %get3A_209 = tpu.vector_load %arg12[%get3A_208] {strides = array<i32>} : memref<128xi32, #tpu.memory_space<vmem>>, vector<16xi32>,
    %shift_right_logical3A_210 = arith.constant 13 : i32
    %shift_right_logical3A_211 = vector.broadcast %shift_right_logical3A_210 : i32 to vector<16xi32>
    %shift_right_logical3A_212 = arith.shrui %get3A_209, %shift_right_logical3A_211 : vector<16xi32>
    %shift_left3A_213 = arith.constant 11 : i32
    %shift_left3A_214 = vector.broadcast %shift_left3A_213 : i32 to vector<16xi32>
    %shift_left3A_215 = arith.shli %shift_right_logical3A_212, %shift_left3A_214 : vector<16xi32>
    %and3A_216 = arith.constant 2047 : i32
    %and3A_217 = vector.broadcast %and3A_216 : i32 to vector<16xi32>
    %and3A_218 = arith.andi %get3A_209, %and3A_217 : vector<16xi32>
    %add3A_219 = arith.addi %shift_left3A_215, %and3A_218 : vector<16xi32>
    %swap3A_220 = arith.constant 112 : index
    %swap3A_221 = tpu.vector_load %arg18[%swap3A_220] {strides = array<i32>} : memref<128xi32, #tpu.memory_space<vmem>>, vector<16xi32>,
    tpu.vector_store %arg18[%swap3A_220], %add3A_219 {strides = array<i32>} : memref<128xi32, #tpu.memory_space<vmem>>, vector<16xi32>,
    %get3A_222 = arith.constant 0 : index
    %get3A_223 = tpu.vector_load %arg13[%get3A_222] {strides = array<i32>} : memref<128xi32, #tpu.memory_space<vmem>>, vector<16xi32>,
    %shift_right_logical3A_224 = arith.constant 1 : i32
    %shift_right_logical3A_225 = vector.broadcast %shift_right_logical3A_224 : i32 to vector<16xi32>
    %shift_right_logical3A_226 = arith.shrui %get3A_223, %shift_right_logical3A_225 : vector<16xi32>
    %swap3A_227 = arith.constant 0 : index
    %swap3A_228 = tpu.vector_load %arg19[%swap3A_227] {strides = array<i32>} : memref<128xi32, #tpu.memory_space<vmem>>, vector<16xi32>,
    tpu.vector_store %arg19[%swap3A_227], %shift_right_logical3A_226 {strides = array<i32>} : memref<128xi32, #tpu.memory_space<vmem>>, vector<16xi32>,
    %get3A_229 = arith.constant 16 : index
    %get3A_230 = tpu.vector_load %arg13[%get3A_229] {strides = array<i32>} : memref<128xi32, #tpu.memory_space<vmem>>, vector<16xi32>,
    %shift_right_logical3A_231 = arith.constant 1 : i32
    %shift_right_logical3A_232 = vector.broadcast %shift_right_logical3A_231 : i32 to vector<16xi32>
    %shift_right_logical3A_233 = arith.shrui %get3A_230, %shift_right_logical3A_232 : vector<16xi32>
    %swap3A_234 = arith.constant 16 : index
    %swap3A_235 = tpu.vector_load %arg19[%swap3A_234] {strides = array<i32>} : memref<128xi32, #tpu.memory_space<vmem>>, vector<16xi32>,
    tpu.vector_store %arg19[%swap3A_234], %shift_right_logical3A_233 {strides = array<i32>} : memref<128xi32, #tpu.memory_space<vmem>>, vector<16xi32>,
    %get3A_236 = arith.constant 32 : index
    %get3A_237 = tpu.vector_load %arg13[%get3A_236] {strides = array<i32>} : memref<128xi32, #tpu.memory_space<vmem>>, vector<16xi32>,
    %shift_right_logical3A_238 = arith.constant 1 : i32
    %shift_right_logical3A_239 = vector.broadcast %shift_right_logical3A_238 : i32 to vector<16xi32>
    %shift_right_logical3A_240 = arith.shrui %get3A_237, %shift_right_logical3A_239 : vector<16xi32>
    %swap3A_241 = arith.constant 32 : index
    %swap3A_242 = tpu.vector_load %arg19[%swap3A_241] {strides = array<i32>} : memref<128xi32, #tpu.memory_space<vmem>>, vector<16xi32>,
    tpu.vector_store %arg19[%swap3A_241], %shift_right_logical3A_240 {strides = array<i32>} : memref<128xi32, #tpu.memory_space<vmem>>, vector<16xi32>,
    %get3A_243 = arith.constant 48 : index
    %get3A_244 = tpu.vector_load %arg13[%get3A_243] {strides = array<i32>} : memref<128xi32, #tpu.memory_space<vmem>>, vector<16xi32>,
    %shift_right_logical3A_245 = arith.constant 1 : i32
    %shift_right_logical3A_246 = vector.broadcast %shift_right_logical3A_245 : i32 to vector<16xi32>
    %shift_right_logical3A_247 = arith.shrui %get3A_244, %shift_right_logical3A_246 : vector<16xi32>
    %swap3A_248 = arith.constant 48 : index
    %swap3A_249 = tpu.vector_load %arg19[%swap3A_248] {strides = array<i32>} : memref<128xi32, #tpu.memory_space<vmem>>, vector<16xi32>,
    tpu.vector_store %arg19[%swap3A_248], %shift_right_logical3A_247 {strides = array<i32>} : memref<128xi32, #tpu.memory_space<vmem>>, vector<16xi32>,
    %get3A_250 = arith.constant 64 : index
    %get3A_251 = tpu.vector_load %arg13[%get3A_250] {strides = array<i32>} : memref<128xi32, #tpu.memory_space<vmem>>, vector<16xi32>,
    %shift_right_logical3A_252 = arith.constant 1 : i32
    %shift_right_logical3A_253 = vector.broadcast %shift_right_logical3A_252 : i32 to vector<16xi32>
    %shift_right_logical3A_254 = arith.shrui %get3A_251, %shift_right_logical3A_253 : vector<16xi32>
    %swap3A_255 = arith.constant 64 : index
    %swap3A_256 = tpu.vector_load %arg19[%swap3A_255] {strides = array<i32>} : memref<128xi32, #tpu.memory_space<vmem>>, vector<16xi32>,
    tpu.vector_store %arg19[%swap3A_255], %shift_right_logical3A_254 {strides = array<i32>} : memref<128xi32, #tpu.memory_space<vmem>>, vector<16xi32>,
    %get3A_257 = arith.constant 80 : index
    %get3A_258 = tpu.vector_load %arg13[%get3A_257] {strides = array<i32>} : memref<128xi32, #tpu.memory_space<vmem>>, vector<16xi32>,
    %shift_right_logical3A_259 = arith.constant 1 : i32
    %shift_right_logical3A_260 = vector.broadcast %shift_right_logical3A_259 : i32 to vector<16xi32>
    %shift_right_logical3A_261 = arith.shrui %get3A_258, %shift_right_logical3A_260 : vector<16xi32>
    %swap3A_262 = arith.constant 80 : index
    %swap3A_263 = tpu.vector_load %arg19[%swap3A_262] {strides = array<i32>} : memref<128xi32, #tpu.memory_space<vmem>>, vector<16xi32>,
    tpu.vector_store %arg19[%swap3A_262], %shift_right_logical3A_261 {strides = array<i32>} : memref<128xi32, #tpu.memory_space<vmem>>, vector<16xi32>,
    %get3A_264 = arith.constant 96 : index
    %get3A_265 = tpu.vector_load %arg13[%get3A_264] {strides = array<i32>} : memref<128xi32, #tpu.memory_space<vmem>>, vector<16xi32>,
    %shift_right_logical3A_266 = arith.constant 1 : i32
    %shift_right_logical3A_267 = vector.broadcast %shift_right_logical3A_266 : i32 to vector<16xi32>
    %shift_right_logical3A_268 = arith.shrui %get3A_265, %shift_right_logical3A_267 : vector<16xi32>
    %swap3A_269 = arith.constant 96 : index
    %swap3A_270 = tpu.vector_load %arg19[%swap3A_269] {strides = array<i32>} : memref<128xi32, #tpu.memory_space<vmem>>, vector<16xi32>,
    tpu.vector_store %arg19[%swap3A_269], %shift_right_logical3A_268 {strides = array<i32>} : memref<128xi32, #tpu.memory_space<vmem>>, vector<16xi32>,
    %get3A_271 = arith.constant 112 : index
    %get3A_272 = tpu.vector_load %arg13[%get3A_271] {strides = array<i32>} : memref<128xi32, #tpu.memory_space<vmem>>, vector<16xi32>,
    %shift_right_logical3A_273 = arith.constant 1 : i32
    %shift_right_logical3A_274 = vector.broadcast %shift_right_logical3A_273 : i32 to vector<16xi32>
    %shift_right_logical3A_275 = arith.shrui %get3A_272, %shift_right_logical3A_274 : vector<16xi32>
    %swap3A_276 = arith.constant 112 : index
    %swap3A_277 = tpu.vector_load %arg19[%swap3A_276] {strides = array<i32>} : memref<128xi32, #tpu.memory_space<vmem>>, vector<16xi32>,
    tpu.vector_store %arg19[%swap3A_276], %shift_right_logical3A_275 {strides = array<i32>} : memref<128xi32, #tpu.memory_space<vmem>>, vector<16xi32>,
    %get3A_278 = arith.constant 0 : index
    %get3A_279 = tpu.vector_load %arg14[%get3A_278] {strides = array<i32>} : memref<128xi32, #tpu.memory_space<vmem>>, vector<16xi32>,
    %shift_right_logical3A_280 = arith.constant 13 : i32
    %shift_right_logical3A_281 = vector.broadcast %shift_right_logical3A_280 : i32 to vector<16xi32>
    %shift_right_logical3A_282 = arith.shrui %get3A_279, %shift_right_logical3A_281 : vector<16xi32>
    %shift_left3A_283 = arith.constant 11 : i32
    %shift_left3A_284 = vector.broadcast %shift_left3A_283 : i32 to vector<16xi32>
    %shift_left3A_285 = arith.shli %shift_right_logical3A_282, %shift_left3A_284 : vector<16xi32>
    %and3A_286 = arith.constant 2047 : i32
    %and3A_287 = vector.broadcast %and3A_286 : i32 to vector<16xi32>
    %and3A_288 = arith.andi %get3A_279, %and3A_287 : vector<16xi32>
    %add3A_289 = arith.addi %shift_left3A_285, %and3A_288 : vector<16xi32>
    %swap3A_290 = arith.constant 0 : index
    %swap3A_291 = tpu.vector_load %arg20[%swap3A_290] {strides = array<i32>} : memref<128xi32, #tpu.memory_space<vmem>>, vector<16xi32>,
    tpu.vector_store %arg20[%swap3A_290], %add3A_289 {strides = array<i32>} : memref<128xi32, #tpu.memory_space<vmem>>, vector<16xi32>,
    %get3A_292 = arith.constant 16 : index
    %get3A_293 = tpu.vector_load %arg14[%get3A_292] {strides = array<i32>} : memref<128xi32, #tpu.memory_space<vmem>>, vector<16xi32>,
    %shift_right_logical3A_294 = arith.constant 13 : i32
    %shift_right_logical3A_295 = vector.broadcast %shift_right_logical3A_294 : i32 to vector<16xi32>
    %shift_right_logical3A_296 = arith.shrui %get3A_293, %shift_right_logical3A_295 : vector<16xi32>
    %shift_left3A_297 = arith.constant 11 : i32
    %shift_left3A_298 = vector.broadcast %shift_left3A_297 : i32 to vector<16xi32>
    %shift_left3A_299 = arith.shli %shift_right_logical3A_296, %shift_left3A_298 : vector<16xi32>
    %and3A_300 = arith.constant 2047 : i32
    %and3A_301 = vector.broadcast %and3A_300 : i32 to vector<16xi32>
    %and3A_302 = arith.andi %get3A_293, %and3A_301 : vector<16xi32>
    %add3A_303 = arith.addi %shift_left3A_299, %and3A_302 : vector<16xi32>
    %swap3A_304 = arith.constant 16 : index
    %swap3A_305 = tpu.vector_load %arg20[%swap3A_304] {strides = array<i32>} : memref<128xi32, #tpu.memory_space<vmem>>, vector<16xi32>,
    tpu.vector_store %arg20[%swap3A_304], %add3A_303 {strides = array<i32>} : memref<128xi32, #tpu.memory_space<vmem>>, vector<16xi32>,
    %get3A_306 = arith.constant 32 : index
    %get3A_307 = tpu.vector_load %arg14[%get3A_306] {strides = array<i32>} : memref<128xi32, #tpu.memory_space<vmem>>, vector<16xi32>,
    %shift_right_logical3A_308 = arith.constant 13 : i32
    %shift_right_logical3A_309 = vector.broadcast %shift_right_logical3A_308 : i32 to vector<16xi32>
    %shift_right_logical3A_310 = arith.shrui %get3A_307, %shift_right_logical3A_309 : vector<16xi32>
    %shift_left3A_311 = arith.constant 11 : i32
    %shift_left3A_312 = vector.broadcast %shift_left3A_311 : i32 to vector<16xi32>
    %shift_left3A_313 = arith.shli %shift_right_logical3A_310, %shift_left3A_312 : vector<16xi32>
    %and3A_314 = arith.constant 2047 : i32
    %and3A_315 = vector.broadcast %and3A_314 : i32 to vector<16xi32>
    %and3A_316 = arith.andi %get3A_307, %and3A_315 : vector<16xi32>
    %add3A_317 = arith.addi %shift_left3A_313, %and3A_316 : vector<16xi32>
    %swap3A_318 = arith.constant 32 : index
    %swap3A_319 = tpu.vector_load %arg20[%swap3A_318] {strides = array<i32>} : memref<128xi32, #tpu.memory_space<vmem>>, vector<16xi32>,
    tpu.vector_store %arg20[%swap3A_318], %add3A_317 {strides = array<i32>} : memref<128xi32, #tpu.memory_space<vmem>>, vector<16xi32>,
    %get3A_320 = arith.constant 48 : index
    %get3A_321 = tpu.vector_load %arg14[%get3A_320] {strides = array<i32>} : memref<128xi32, #tpu.memory_space<vmem>>, vector<16xi32>,
    %shift_right_logical3A_322 = arith.constant 13 : i32
    %shift_right_logical3A_323 = vector.broadcast %shift_right_logical3A_322 : i32 to vector<16xi32>
    %shift_right_logical3A_324 = arith.shrui %get3A_321, %shift_right_logical3A_323 : vector<16xi32>
    %shift_left3A_325 = arith.constant 11 : i32
    %shift_left3A_326 = vector.broadcast %shift_left3A_325 : i32 to vector<16xi32>
    %shift_left3A_327 = arith.shli %shift_right_logical3A_324, %shift_left3A_326 : vector<16xi32>
    %and3A_328 = arith.constant 2047 : i32
    %and3A_329 = vector.broadcast %and3A_328 : i32 to vector<16xi32>
    %and3A_330 = arith.andi %get3A_321, %and3A_329 : vector<16xi32>
    %add3A_331 = arith.addi %shift_left3A_327, %and3A_330 : vector<16xi32>
    %swap3A_332 = arith.constant 48 : index
    %swap3A_333 = tpu.vector_load %arg20[%swap3A_332] {strides = array<i32>} : memref<128xi32, #tpu.memory_space<vmem>>, vector<16xi32>,
    tpu.vector_store %arg20[%swap3A_332], %add3A_331 {strides = array<i32>} : memref<128xi32, #tpu.memory_space<vmem>>, vector<16xi32>,
    %get3A_334 = arith.constant 64 : index
    %get3A_335 = tpu.vector_load %arg14[%get3A_334] {strides = array<i32>} : memref<128xi32, #tpu.memory_space<vmem>>, vector<16xi32>,
    %shift_right_logical3A_336 = arith.constant 13 : i32
    %shift_right_logical3A_337 = vector.broadcast %shift_right_logical3A_336 : i32 to vector<16xi32>
    %shift_right_logical3A_338 = arith.shrui %get3A_335, %shift_right_logical3A_337 : vector<16xi32>
    %shift_left3A_339 = arith.constant 11 : i32
    %shift_left3A_340 = vector.broadcast %shift_left3A_339 : i32 to vector<16xi32>
    %shift_left3A_341 = arith.shli %shift_right_logical3A_338, %shift_left3A_340 : vector<16xi32>
    %and3A_342 = arith.constant 2047 : i32
    %and3A_343 = vector.broadcast %and3A_342 : i32 to vector<16xi32>
    %and3A_344 = arith.andi %get3A_335, %and3A_343 : vector<16xi32>
    %add3A_345 = arith.addi %shift_left3A_341, %and3A_344 : vector<16xi32>
    %swap3A_346 = arith.constant 64 : index
    %swap3A_347 = tpu.vector_load %arg20[%swap3A_346] {strides = array<i32>} : memref<128xi32, #tpu.memory_space<vmem>>, vector<16xi32>,
    tpu.vector_store %arg20[%swap3A_346], %add3A_345 {strides = array<i32>} : memref<128xi32, #tpu.memory_space<vmem>>, vector<16xi32>,
    %get3A_348 = arith.constant 80 : index
    %get3A_349 = tpu.vector_load %arg14[%get3A_348] {strides = array<i32>} : memref<128xi32, #tpu.memory_space<vmem>>, vector<16xi32>,
    %shift_right_logical3A_350 = arith.constant 13 : i32
    %shift_right_logical3A_351 = vector.broadcast %shift_right_logical3A_350 : i32 to vector<16xi32>
    %shift_right_logical3A_352 = arith.shrui %get3A_349, %shift_right_logical3A_351 : vector<16xi32>
    %shift_left3A_353 = arith.constant 11 : i32
    %shift_left3A_354 = vector.broadcast %shift_left3A_353 : i32 to vector<16xi32>
    %shift_left3A_355 = arith.shli %shift_right_logical3A_352, %shift_left3A_354 : vector<16xi32>
    %and3A_356 = arith.constant 2047 : i32
    %and3A_357 = vector.broadcast %and3A_356 : i32 to vector<16xi32>
    %and3A_358 = arith.andi %get3A_349, %and3A_357 : vector<16xi32>
    %add3A_359 = arith.addi %shift_left3A_355, %and3A_358 : vector<16xi32>
    %swap3A_360 = arith.constant 80 : index
    %swap3A_361 = tpu.vector_load %arg20[%swap3A_360] {strides = array<i32>} : memref<128xi32, #tpu.memory_space<vmem>>, vector<16xi32>,
    tpu.vector_store %arg20[%swap3A_360], %add3A_359 {strides = array<i32>} : memref<128xi32, #tpu.memory_space<vmem>>, vector<16xi32>,
    %get3A_362 = arith.constant 96 : index
    %get3A_363 = tpu.vector_load %arg14[%get3A_362] {strides = array<i32>} : memref<128xi32, #tpu.memory_space<vmem>>, vector<16xi32>,
    %shift_right_logical3A_364 = arith.constant 13 : i32
    %shift_right_logical3A_365 = vector.broadcast %shift_right_logical3A_364 : i32 to vector<16xi32>
    %shift_right_logical3A_366 = arith.shrui %get3A_363, %shift_right_logical3A_365 : vector<16xi32>
    %shift_left3A_367 = arith.constant 11 : i32
    %shift_left3A_368 = vector.broadcast %shift_left3A_367 : i32 to vector<16xi32>
    %shift_left3A_369 = arith.shli %shift_right_logical3A_366, %shift_left3A_368 : vector<16xi32>
    %and3A_370 = arith.constant 2047 : i32
    %and3A_371 = vector.broadcast %and3A_370 : i32 to vector<16xi32>
    %and3A_372 = arith.andi %get3A_363, %and3A_371 : vector<16xi32>
    %add3A_373 = arith.addi %shift_left3A_369, %and3A_372 : vector<16xi32>
    %swap3A_374 = arith.constant 96 : index
    %swap3A_375 = tpu.vector_load %arg20[%swap3A_374] {strides = array<i32>} : memref<128xi32, #tpu.memory_space<vmem>>, vector<16xi32>,
    tpu.vector_store %arg20[%swap3A_374], %add3A_373 {strides = array<i32>} : memref<128xi32, #tpu.memory_space<vmem>>, vector<16xi32>,
    %get3A_376 = arith.constant 112 : index
    %get3A_377 = tpu.vector_load %arg14[%get3A_376] {strides = array<i32>} : memref<128xi32, #tpu.memory_space<vmem>>, vector<16xi32>,
    %shift_right_logical3A_378 = arith.constant 13 : i32
    %shift_right_logical3A_379 = vector.broadcast %shift_right_logical3A_378 : i32 to vector<16xi32>
    %shift_right_logical3A_380 = arith.shrui %get3A_377, %shift_right_logical3A_379 : vector<16xi32>
    %shift_left3A_381 = arith.constant 11 : i32
    %shift_left3A_382 = vector.broadcast %shift_left3A_381 : i32 to vector<16xi32>
    %shift_left3A_383 = arith.shli %shift_right_logical3A_380, %shift_left3A_382 : vector<16xi32>
    %and3A_384 = arith.constant 2047 : i32
    %and3A_385 = vector.broadcast %and3A_384 : i32 to vector<16xi32>
    %and3A_386 = arith.andi %get3A_377, %and3A_385 : vector<16xi32>
    %add3A_387 = arith.addi %shift_left3A_383, %and3A_386 : vector<16xi32>
    %swap3A_388 = arith.constant 112 : index
    %swap3A_389 = tpu.vector_load %arg20[%swap3A_388] {strides = array<i32>} : memref<128xi32, #tpu.memory_space<vmem>>, vector<16xi32>,
    tpu.vector_store %arg20[%swap3A_388], %add3A_387 {strides = array<i32>} : memref<128xi32, #tpu.memory_space<vmem>>, vector<16xi32>,
    %get3A_390 = arith.constant 0 : index
    %get3A_391 = tpu.vector_load %arg15[%get3A_390] {strides = array<i32>} : memref<128xi32, #tpu.memory_space<vmem>>, vector<16xi32>,
    %shift_right_logical3A_392 = arith.constant 13 : i32
    %shift_right_logical3A_393 = vector.broadcast %shift_right_logical3A_392 : i32 to vector<16xi32>
    %shift_right_logical3A_394 = arith.shrui %get3A_391, %shift_right_logical3A_393 : vector<16xi32>
    %shift_left3A_395 = arith.constant 11 : i32
    %shift_left3A_396 = vector.broadcast %shift_left3A_395 : i32 to vector<16xi32>
    %shift_left3A_397 = arith.shli %shift_right_logical3A_394, %shift_left3A_396 : vector<16xi32>
    %and3A_398 = arith.constant 2047 : i32
    %and3A_399 = vector.broadcast %and3A_398 : i32 to vector<16xi32>
    %and3A_400 = arith.andi %get3A_391, %and3A_399 : vector<16xi32>
    %add3A_401 = arith.addi %shift_left3A_397, %and3A_400 : vector<16xi32>
    %swap3A_402 = arith.constant 0 : index
    %swap3A_403 = tpu.vector_load %arg21[%swap3A_402] {strides = array<i32>} : memref<128xi32, #tpu.memory_space<vmem>>, vector<16xi32>,
    tpu.vector_store %arg21[%swap3A_402], %add3A_401 {strides = array<i32>} : memref<128xi32, #tpu.memory_space<vmem>>, vector<16xi32>,
    %get3A_404 = arith.constant 16 : index
    %get3A_405 = tpu.vector_load %arg15[%get3A_404] {strides = array<i32>} : memref<128xi32, #tpu.memory_space<vmem>>, vector<16xi32>,
    %shift_right_logical3A_406 = arith.constant 13 : i32
    %shift_right_logical3A_407 = vector.broadcast %shift_right_logical3A_406 : i32 to vector<16xi32>
    %shift_right_logical3A_408 = arith.shrui %get3A_405, %shift_right_logical3A_407 : vector<16xi32>
    %shift_left3A_409 = arith.constant 11 : i32
    %shift_left3A_410 = vector.broadcast %shift_left3A_409 : i32 to vector<16xi32>
    %shift_left3A_411 = arith.shli %shift_right_logical3A_408, %shift_left3A_410 : vector<16xi32>
    %and3A_412 = arith.constant 2047 : i32
    %and3A_413 = vector.broadcast %and3A_412 : i32 to vector<16xi32>
    %and3A_414 = arith.andi %get3A_405, %and3A_413 : vector<16xi32>
    %add3A_415 = arith.addi %shift_left3A_411, %and3A_414 : vector<16xi32>
    %swap3A_416 = arith.constant 16 : index
    %swap3A_417 = tpu.vector_load %arg21[%swap3A_416] {strides = array<i32>} : memref<128xi32, #tpu.memory_space<vmem>>, vector<16xi32>,
    tpu.vector_store %arg21[%swap3A_416], %add3A_415 {strides = array<i32>} : memref<128xi32, #tpu.memory_space<vmem>>, vector<16xi32>,
    %get3A_418 = arith.constant 32 : index
    %get3A_419 = tpu.vector_load %arg15[%get3A_418] {strides = array<i32>} : memref<128xi32, #tpu.memory_space<vmem>>, vector<16xi32>,
    %shift_right_logical3A_420 = arith.constant 13 : i32
    %shift_right_logical3A_421 = vector.broadcast %shift_right_logical3A_420 : i32 to vector<16xi32>
    %shift_right_logical3A_422 = arith.shrui %get3A_419, %shift_right_logical3A_421 : vector<16xi32>
    %shift_left3A_423 = arith.constant 11 : i32
    %shift_left3A_424 = vector.broadcast %shift_left3A_423 : i32 to vector<16xi32>
    %shift_left3A_425 = arith.shli %shift_right_logical3A_422, %shift_left3A_424 : vector<16xi32>
    %and3A_426 = arith.constant 2047 : i32
    %and3A_427 = vector.broadcast %and3A_426 : i32 to vector<16xi32>
    %and3A_428 = arith.andi %get3A_419, %and3A_427 : vector<16xi32>
    %add3A_429 = arith.addi %shift_left3A_425, %and3A_428 : vector<16xi32>
    %swap3A_430 = arith.constant 32 : index
    %swap3A_431 = tpu.vector_load %arg21[%swap3A_430] {strides = array<i32>} : memref<128xi32, #tpu.memory_space<vmem>>, vector<16xi32>,
    tpu.vector_store %arg21[%swap3A_430], %add3A_429 {strides = array<i32>} : memref<128xi32, #tpu.memory_space<vmem>>, vector<16xi32>,
    %get3A_432 = arith.constant 48 : index
    %get3A_433 = tpu.vector_load %arg15[%get3A_432] {strides = array<i32>} : memref<128xi32, #tpu.memory_space<vmem>>, vector<16xi32>,
    %shift_right_logical3A_434 = arith.constant 13 : i32
    %shift_right_logical3A_435 = vector.broadcast %shift_right_logical3A_434 : i32 to vector<16xi32>
    %shift_right_logical3A_436 = arith.shrui %get3A_433, %shift_right_logical3A_435 : vector<16xi32>
    %shift_left3A_437 = arith.constant 11 : i32
    %shift_left3A_438 = vector.broadcast %shift_left3A_437 : i32 to vector<16xi32>
    %shift_left3A_439 = arith.shli %shift_right_logical3A_436, %shift_left3A_438 : vector<16xi32>
    %and3A_440 = arith.constant 2047 : i32
    %and3A_441 = vector.broadcast %and3A_440 : i32 to vector<16xi32>
    %and3A_442 = arith.andi %get3A_433, %and3A_441 : vector<16xi32>
    %add3A_443 = arith.addi %shift_left3A_439, %and3A_442 : vector<16xi32>
    %swap3A_444 = arith.constant 48 : index
    %swap3A_445 = tpu.vector_load %arg21[%swap3A_444] {strides = array<i32>} : memref<128xi32, #tpu.memory_space<vmem>>, vector<16xi32>,
    tpu.vector_store %arg21[%swap3A_444], %add3A_443 {strides = array<i32>} : memref<128xi32, #tpu.memory_space<vmem>>, vector<16xi32>,
    %get3A_446 = arith.constant 64 : index
    %get3A_447 = tpu.vector_load %arg15[%get3A_446] {strides = array<i32>} : memref<128xi32, #tpu.memory_space<vmem>>, vector<16xi32>,
    %shift_right_logical3A_448 = arith.constant 13 : i32
    %shift_right_logical3A_449 = vector.broadcast %shift_right_logical3A_448 : i32 to vector<16xi32>
    %shift_right_logical3A_450 = arith.shrui %get3A_447, %shift_right_logical3A_449 : vector<16xi32>
    %shift_left3A_451 = arith.constant 11 : i32
    %shift_left3A_452 = vector.broadcast %shift_left3A_451 : i32 to vector<16xi32>
    %shift_left3A_453 = arith.shli %shift_right_logical3A_450, %shift_left3A_452 : vector<16xi32>
    %and3A_454 = arith.constant 2047 : i32
    %and3A_455 = vector.broadcast %and3A_454 : i32 to vector<16xi32>
    %and3A_456 = arith.andi %get3A_447, %and3A_455 : vector<16xi32>
    %add3A_457 = arith.addi %shift_left3A_453, %and3A_456 : vector<16xi32>
    %swap3A_458 = arith.constant 64 : index
    %swap3A_459 = tpu.vector_load %arg21[%swap3A_458] {strides = array<i32>} : memref<128xi32, #tpu.memory_space<vmem>>, vector<16xi32>,
    tpu.vector_store %arg21[%swap3A_458], %add3A_457 {strides = array<i32>} : memref<128xi32, #tpu.memory_space<vmem>>, vector<16xi32>,
    %get3A_460 = arith.constant 80 : index
    %get3A_461 = tpu.vector_load %arg15[%get3A_460] {strides = array<i32>} : memref<128xi32, #tpu.memory_space<vmem>>, vector<16xi32>,
    %shift_right_logical3A_462 = arith.constant 13 : i32
    %shift_right_logical3A_463 = vector.broadcast %shift_right_logical3A_462 : i32 to vector<16xi32>
    %shift_right_logical3A_464 = arith.shrui %get3A_461, %shift_right_logical3A_463 : vector<16xi32>
    %shift_left3A_465 = arith.constant 11 : i32
    %shift_left3A_466 = vector.broadcast %shift_left3A_465 : i32 to vector<16xi32>
    %shift_left3A_467 = arith.shli %shift_right_logical3A_464, %shift_left3A_466 : vector<16xi32>
    %and3A_468 = arith.constant 2047 : i32
    %and3A_469 = vector.broadcast %and3A_468 : i32 to vector<16xi32>
    %and3A_470 = arith.andi %get3A_461, %and3A_469 : vector<16xi32>
    %add3A_471 = arith.addi %shift_left3A_467, %and3A_470 : vector<16xi32>
    %swap3A_472 = arith.constant 80 : index
    %swap3A_473 = tpu.vector_load %arg21[%swap3A_472] {strides = array<i32>} : memref<128xi32, #tpu.memory_space<vmem>>, vector<16xi32>,
    tpu.vector_store %arg21[%swap3A_472], %add3A_471 {strides = array<i32>} : memref<128xi32, #tpu.memory_space<vmem>>, vector<16xi32>,
    %get3A_474 = arith.constant 96 : index
    %get3A_475 = tpu.vector_load %arg15[%get3A_474] {strides = array<i32>} : memref<128xi32, #tpu.memory_space<vmem>>, vector<16xi32>,
    %shift_right_logical3A_476 = arith.constant 13 : i32
    %shift_right_logical3A_477 = vector.broadcast %shift_right_logical3A_476 : i32 to vector<16xi32>
    %shift_right_logical3A_478 = arith.shrui %get3A_475, %shift_right_logical3A_477 : vector<16xi32>
    %shift_left3A_479 = arith.constant 11 : i32
    %shift_left3A_480 = vector.broadcast %shift_left3A_479 : i32 to vector<16xi32>
    %shift_left3A_481 = arith.shli %shift_right_logical3A_478, %shift_left3A_480 : vector<16xi32>
    %and3A_482 = arith.constant 2047 : i32
    %and3A_483 = vector.broadcast %and3A_482 : i32 to vector<16xi32>
    %and3A_484 = arith.andi %get3A_475, %and3A_483 : vector<16xi32>
    %add3A_485 = arith.addi %shift_left3A_481, %and3A_484 : vector<16xi32>
    %swap3A_486 = arith.constant 96 : index
    %swap3A_487 = tpu.vector_load %arg21[%swap3A_486] {strides = array<i32>} : memref<128xi32, #tpu.memory_space<vmem>>, vector<16xi32>,
    tpu.vector_store %arg21[%swap3A_486], %add3A_485 {strides = array<i32>} : memref<128xi32, #tpu.memory_space<vmem>>, vector<16xi32>,
    %get3A_488 = arith.constant 112 : index
    %get3A_489 = tpu.vector_load %arg15[%get3A_488] {strides = array<i32>} : memref<128xi32, #tpu.memory_space<vmem>>, vector<16xi32>,
    %shift_right_logical3A_490 = arith.constant 13 : i32
    %shift_right_logical3A_491 = vector.broadcast %shift_right_logical3A_490 : i32 to vector<16xi32>
    %shift_right_logical3A_492 = arith.shrui %get3A_489, %shift_right_logical3A_491 : vector<16xi32>
    %shift_left3A_493 = arith.constant 11 : i32
    %shift_left3A_494 = vector.broadcast %shift_left3A_493 : i32 to vector<16xi32>
    %shift_left3A_495 = arith.shli %shift_right_logical3A_492, %shift_left3A_494 : vector<16xi32>
    %and3A_496 = arith.constant 2047 : i32
    %and3A_497 = vector.broadcast %and3A_496 : i32 to vector<16xi32>
    %and3A_498 = arith.andi %get3A_489, %and3A_497 : vector<16xi32>
    %add3A_499 = arith.addi %shift_left3A_495, %and3A_498 : vector<16xi32>
    %swap3A_500 = arith.constant 112 : index
    %swap3A_501 = tpu.vector_load %arg21[%swap3A_500] {strides = array<i32>} : memref<128xi32, #tpu.memory_space<vmem>>, vector<16xi32>,
    tpu.vector_store %arg21[%swap3A_500], %add3A_499 {strides = array<i32>} : memref<128xi32, #tpu.memory_space<vmem>>, vector<16xi32>,
    %get3A_502 = arith.constant 0 : index
    %get3A_503 = tpu.vector_load %arg16[%get3A_502] {strides = array<i32>} : memref<128xi32, #tpu.memory_space<vmem>>, vector<16xi32>,
    %shift_right_logical3A_504 = arith.constant 1 : i32
    %shift_right_logical3A_505 = vector.broadcast %shift_right_logical3A_504 : i32 to vector<16xi32>
    %shift_right_logical3A_506 = arith.shrui %get3A_503, %shift_right_logical3A_505 : vector<16xi32>
    %swap3A_507 = arith.constant 0 : index
    %swap3A_508 = tpu.vector_load %arg22[%swap3A_507] {strides = array<i32>} : memref<128xi32, #tpu.memory_space<vmem>>, vector<16xi32>,
    tpu.vector_store %arg22[%swap3A_507], %shift_right_logical3A_506 {strides = array<i32>} : memref<128xi32, #tpu.memory_space<vmem>>, vector<16xi32>,
    %get3A_509 = arith.constant 16 : index
    %get3A_510 = tpu.vector_load %arg16[%get3A_509] {strides = array<i32>} : memref<128xi32, #tpu.memory_space<vmem>>, vector<16xi32>,
    %shift_right_logical3A_511 = arith.constant 1 : i32
    %shift_right_logical3A_512 = vector.broadcast %shift_right_logical3A_511 : i32 to vector<16xi32>
    %shift_right_logical3A_513 = arith.shrui %get3A_510, %shift_right_logical3A_512 : vector<16xi32>
    %swap3A_514 = arith.constant 16 : index
    %swap3A_515 = tpu.vector_load %arg22[%swap3A_514] {strides = array<i32>} : memref<128xi32, #tpu.memory_space<vmem>>, vector<16xi32>,
    tpu.vector_store %arg22[%swap3A_514], %shift_right_logical3A_513 {strides = array<i32>} : memref<128xi32, #tpu.memory_space<vmem>>, vector<16xi32>,
    %get3A_516 = arith.constant 32 : index
    %get3A_517 = tpu.vector_load %arg16[%get3A_516] {strides = array<i32>} : memref<128xi32, #tpu.memory_space<vmem>>, vector<16xi32>,
    %shift_right_logical3A_518 = arith.constant 1 : i32
    %shift_right_logical3A_519 = vector.broadcast %shift_right_logical3A_518 : i32 to vector<16xi32>
    %shift_right_logical3A_520 = arith.shrui %get3A_517, %shift_right_logical3A_519 : vector<16xi32>
    %swap3A_521 = arith.constant 32 : index
    %swap3A_522 = tpu.vector_load %arg22[%swap3A_521] {strides = array<i32>} : memref<128xi32, #tpu.memory_space<vmem>>, vector<16xi32>,
    tpu.vector_store %arg22[%swap3A_521], %shift_right_logical3A_520 {strides = array<i32>} : memref<128xi32, #tpu.memory_space<vmem>>, vector<16xi32>,
    %get3A_523 = arith.constant 48 : index
    %get3A_524 = tpu.vector_load %arg16[%get3A_523] {strides = array<i32>} : memref<128xi32, #tpu.memory_space<vmem>>, vector<16xi32>,
    %shift_right_logical3A_525 = arith.constant 1 : i32
    %shift_right_logical3A_526 = vector.broadcast %shift_right_logical3A_525 : i32 to vector<16xi32>
    %shift_right_logical3A_527 = arith.shrui %get3A_524, %shift_right_logical3A_526 : vector<16xi32>
    %swap3A_528 = arith.constant 48 : index
    %swap3A_529 = tpu.vector_load %arg22[%swap3A_528] {strides = array<i32>} : memref<128xi32, #tpu.memory_space<vmem>>, vector<16xi32>,
    tpu.vector_store %arg22[%swap3A_528], %shift_right_logical3A_527 {strides = array<i32>} : memref<128xi32, #tpu.memory_space<vmem>>, vector<16xi32>,
    %get3A_530 = arith.constant 64 : index
    %get3A_531 = tpu.vector_load %arg16[%get3A_530] {strides = array<i32>} : memref<128xi32, #tpu.memory_space<vmem>>, vector<16xi32>,
    %shift_right_logical3A_532 = arith.constant 1 : i32
    %shift_right_logical3A_533 = vector.broadcast %shift_right_logical3A_532 : i32 to vector<16xi32>
    %shift_right_logical3A_534 = arith.shrui %get3A_531, %shift_right_logical3A_533 : vector<16xi32>
    %swap3A_535 = arith.constant 64 : index
    %swap3A_536 = tpu.vector_load %arg22[%swap3A_535] {strides = array<i32>} : memref<128xi32, #tpu.memory_space<vmem>>, vector<16xi32>,
    tpu.vector_store %arg22[%swap3A_535], %shift_right_logical3A_534 {strides = array<i32>} : memref<128xi32, #tpu.memory_space<vmem>>, vector<16xi32>,
    %get3A_537 = arith.constant 80 : index
    %get3A_538 = tpu.vector_load %arg16[%get3A_537] {strides = array<i32>} : memref<128xi32, #tpu.memory_space<vmem>>, vector<16xi32>,
    %shift_right_logical3A_539 = arith.constant 1 : i32
    %shift_right_logical3A_540 = vector.broadcast %shift_right_logical3A_539 : i32 to vector<16xi32>
    %shift_right_logical3A_541 = arith.shrui %get3A_538, %shift_right_logical3A_540 : vector<16xi32>
    %swap3A_542 = arith.constant 80 : index
    %swap3A_543 = tpu.vector_load %arg22[%swap3A_542] {strides = array<i32>} : memref<128xi32, #tpu.memory_space<vmem>>, vector<16xi32>,
    tpu.vector_store %arg22[%swap3A_542], %shift_right_logical3A_541 {strides = array<i32>} : memref<128xi32, #tpu.memory_space<vmem>>, vector<16xi32>,
    %get3A_544 = arith.constant 96 : index
    %get3A_545 = tpu.vector_load %arg16[%get3A_544] {strides = array<i32>} : memref<128xi32, #tpu.memory_space<vmem>>, vector<16xi32>,
    %shift_right_logical3A_546 = arith.constant 1 : i32
    %shift_right_logical3A_547 = vector.broadcast %shift_right_logical3A_546 : i32 to vector<16xi32>
    %shift_right_logical3A_548 = arith.shrui %get3A_545, %shift_right_logical3A_547 : vector<16xi32>
    %swap3A_549 = arith.constant 96 : index
    %swap3A_550 = tpu.vector_load %arg22[%swap3A_549] {strides = array<i32>} : memref<128xi32, #tpu.memory_space<vmem>>, vector<16xi32>,
    tpu.vector_store %arg22[%swap3A_549], %shift_right_logical3A_548 {strides = array<i32>} : memref<128xi32, #tpu.memory_space<vmem>>, vector<16xi32>,
    %get3A_551 = arith.constant 112 : index
    %get3A_552 = tpu.vector_load %arg16[%get3A_551] {strides = array<i32>} : memref<128xi32, #tpu.memory_space<vmem>>, vector<16xi32>,
    %shift_right_logical3A_553 = arith.constant 1 : i32
    %shift_right_logical3A_554 = vector.broadcast %shift_right_logical3A_553 : i32 to vector<16xi32>
    %shift_right_logical3A_555 = arith.shrui %get3A_552, %shift_right_logical3A_554 : vector<16xi32>
    %swap3A_556 = arith.constant 112 : index
    %swap3A_557 = tpu.vector_load %arg22[%swap3A_556] {strides = array<i32>} : memref<128xi32, #tpu.memory_space<vmem>>, vector<16xi32>,
    tpu.vector_store %arg22[%swap3A_556], %shift_right_logical3A_555 {strides = array<i32>} : memref<128xi32, #tpu.memory_space<vmem>>, vector<16xi32>,
    %dma_start3A = arith.constant 0 : i32
    %dma_start3A_558 = arith.constant 0 : i32
    %dma_start3A_559 = tpu.memref_slice %arg8[%dma_start3A, %dma_start3A_558] : memref<251904x128xi32, #tpu.memory_space<hbm>> -> memref<251904x128xi32, #tpu.memory_space<hbm>>
    tpu.enqueue_indirect_dma source(%dma_start3A_559 : memref<251904x128xi32, #tpu.memory_space<hbm>>) target(%arg23 : memref<128x128xi32, #tpu.memory_space<vmem>>) offsets(%arg17 : memref<128xi32, #tpu.memory_space<vmem>>) semaphore(%arg30 : memref<!tpu.dma_semaphore, #tpu.memory_space<semaphore_mem>>)
    %dma_start3A_560 = arith.constant 0 : i32
    %dma_start3A_561 = arith.constant 0 : i32
    %dma_start3A_562 = tpu.memref_slice %arg8[%dma_start3A_560, %dma_start3A_561] : memref<251904x128xi32, #tpu.memory_space<hbm>> -> memref<251904x128xi32, #tpu.memory_space<hbm>>
    tpu.enqueue_indirect_dma source(%dma_start3A_562 : memref<251904x128xi32, #tpu.memory_space<hbm>>) target(%arg24 : memref<128x128xi32, #tpu.memory_space<vmem>>) offsets(%arg18 : memref<128xi32, #tpu.memory_space<vmem>>) semaphore(%arg30 : memref<!tpu.dma_semaphore, #tpu.memory_space<semaphore_mem>>)
    %dma_start3A_563 = arith.constant 0 : i32
    %dma_start3A_564 = arith.constant 0 : i32
    %dma_start3A_565 = tpu.memref_slice %arg9[%dma_start3A_563, %dma_start3A_564] : memref<500x128xf32, #tpu.memory_space<hbm>> -> memref<500x128xf32, #tpu.memory_space<hbm>>
    tpu.enqueue_indirect_dma source(%dma_start3A_565 : memref<500x128xf32, #tpu.memory_space<hbm>>) target(%arg25 : memref<128x128xf32, #tpu.memory_space<vmem>>) offsets(%arg19 : memref<128xi32, #tpu.memory_space<vmem>>) semaphore(%arg30 : memref<!tpu.dma_semaphore, #tpu.memory_space<semaphore_mem>>)
    %dma_start3A_566 = arith.constant 0 : i32
    %dma_start3A_567 = arith.constant 0 : i32
    %dma_start3A_568 = tpu.memref_slice %arg8[%dma_start3A_566, %dma_start3A_567] : memref<251904x128xi32, #tpu.memory_space<hbm>> -> memref<251904x128xi32, #tpu.memory_space<hbm>>
    tpu.enqueue_indirect_dma source(%dma_start3A_568 : memref<251904x128xi32, #tpu.memory_space<hbm>>) target(%arg26 : memref<128x128xi32, #tpu.memory_space<vmem>>) offsets(%arg20 : memref<128xi32, #tpu.memory_space<vmem>>) semaphore(%arg30 : memref<!tpu.dma_semaphore, #tpu.memory_space<semaphore_mem>>)
    %dma_start3A_569 = arith.constant 0 : i32
    %dma_start3A_570 = arith.constant 0 : i32
    %dma_start3A_571 = tpu.memref_slice %arg8[%dma_start3A_569, %dma_start3A_570] : memref<251904x128xi32, #tpu.memory_space<hbm>> -> memref<251904x128xi32, #tpu.memory_space<hbm>>
    tpu.enqueue_indirect_dma source(%dma_start3A_571 : memref<251904x128xi32, #tpu.memory_space<hbm>>) target(%arg27 : memref<128x128xi32, #tpu.memory_space<vmem>>) offsets(%arg21 : memref<128xi32, #tpu.memory_space<vmem>>) semaphore(%arg30 : memref<!tpu.dma_semaphore, #tpu.memory_space<semaphore_mem>>)
    %dma_start3A_572 = arith.constant 0 : i32
    %dma_start3A_573 = arith.constant 0 : i32
    %dma_start3A_574 = tpu.memref_slice %arg9[%dma_start3A_572, %dma_start3A_573] : memref<500x128xf32, #tpu.memory_space<hbm>> -> memref<500x128xf32, #tpu.memory_space<hbm>>
    tpu.enqueue_indirect_dma source(%dma_start3A_574 : memref<500x128xf32, #tpu.memory_space<hbm>>) target(%arg28 : memref<128x128xf32, #tpu.memory_space<vmem>>) offsets(%arg22 : memref<128xi32, #tpu.memory_space<vmem>>) semaphore(%arg30 : memref<!tpu.dma_semaphore, #tpu.memory_space<semaphore_mem>>)
    %dma_wait3A = arith.constant 0 : i32
    %dma_wait3A_575 = arith.constant 0 : i32
    %dma_wait3A_576 = tpu.memref_slice %arg8[%dma_wait3A, %dma_wait3A_575] : memref<251904x128xi32, #tpu.memory_space<hbm>> -> memref<251904x128xi32, #tpu.memory_space<hbm>>
    tpu.wait_indirect_dma semaphore(%arg30 : memref<!tpu.dma_semaphore, #tpu.memory_space<semaphore_mem>>) src(%dma_wait3A_576 : memref<251904x128xi32, #tpu.memory_space<hbm>>) dst(%arg23 : memref<128x128xi32, #tpu.memory_space<vmem>>)
    %dma_wait3A_577 = arith.constant 0 : i32
    %dma_wait3A_578 = arith.constant 0 : i32
    %dma_wait3A_579 = tpu.memref_slice %arg8[%dma_wait3A_577, %dma_wait3A_578] : memref<251904x128xi32, #tpu.memory_space<hbm>> -> memref<251904x128xi32, #tpu.memory_space<hbm>>
    tpu.wait_indirect_dma semaphore(%arg30 : memref<!tpu.dma_semaphore, #tpu.memory_space<semaphore_mem>>) src(%dma_wait3A_579 : memref<251904x128xi32, #tpu.memory_space<hbm>>) dst(%arg24 : memref<128x128xi32, #tpu.memory_space<vmem>>)
    %dma_wait3A_580 = arith.constant 0 : i32
    %dma_wait3A_581 = arith.constant 0 : i32
    %dma_wait3A_582 = tpu.memref_slice %arg9[%dma_wait3A_580, %dma_wait3A_581] : memref<500x128xf32, #tpu.memory_space<hbm>> -> memref<500x128xf32, #tpu.memory_space<hbm>>
    tpu.wait_indirect_dma semaphore(%arg30 : memref<!tpu.dma_semaphore, #tpu.memory_space<semaphore_mem>>) src(%dma_wait3A_582 : memref<500x128xf32, #tpu.memory_space<hbm>>) dst(%arg25 : memref<128x128xf32, #tpu.memory_space<vmem>>)
    %dma_wait3A_583 = arith.constant 0 : i32
    %dma_wait3A_584 = arith.constant 0 : i32
    %dma_wait3A_585 = tpu.memref_slice %arg8[%dma_wait3A_583, %dma_wait3A_584] : memref<251904x128xi32, #tpu.memory_space<hbm>> -> memref<251904x128xi32, #tpu.memory_space<hbm>>
    tpu.wait_indirect_dma semaphore(%arg30 : memref<!tpu.dma_semaphore, #tpu.memory_space<semaphore_mem>>) src(%dma_wait3A_585 : memref<251904x128xi32, #tpu.memory_space<hbm>>) dst(%arg26 : memref<128x128xi32, #tpu.memory_space<vmem>>)
    %dma_wait3A_586 = arith.constant 0 : i32
    %dma_wait3A_587 = arith.constant 0 : i32
    %dma_wait3A_588 = tpu.memref_slice %arg8[%dma_wait3A_586, %dma_wait3A_587] : memref<251904x128xi32, #tpu.memory_space<hbm>> -> memref<251904x128xi32, #tpu.memory_space<hbm>>
    tpu.wait_indirect_dma semaphore(%arg30 : memref<!tpu.dma_semaphore, #tpu.memory_space<semaphore_mem>>) src(%dma_wait3A_588 : memref<251904x128xi32, #tpu.memory_space<hbm>>) dst(%arg27 : memref<128x128xi32, #tpu.memory_space<vmem>>)
    %dma_wait3A_589 = arith.constant 0 : i32
    %dma_wait3A_590 = arith.constant 0 : i32
    %dma_wait3A_591 = tpu.memref_slice %arg9[%dma_wait3A_589, %dma_wait3A_590] : memref<500x128xf32, #tpu.memory_space<hbm>> -> memref<500x128xf32, #tpu.memory_space<hbm>>
    tpu.wait_indirect_dma semaphore(%arg30 : memref<!tpu.dma_semaphore, #tpu.memory_space<semaphore_mem>>) src(%dma_wait3A_591 : memref<500x128xf32, #tpu.memory_space<hbm>>) dst(%arg28 : memref<128x128xf32, #tpu.memory_space<vmem>>)
    %iota3A = tpu.iota {dimensions = array<i32: 0>} : vector<16xi32>
    %scan3A = arith.constant 0.000000e+00 : f32
    %scan3A_592 = arith.constant 0 : i32
    %scan3A_593 = arith.constant 8 : i32
    %scan3A_594 = arith.addi %scan3A_592, %scan3A_593 : i32
    %scan3A_595 = arith.constant 1 : i32
    %scan3A_596 = scf.for %scan3A_605 = %scan3A_592 to %scan3A_594 step %scan3A_595 iter_args(%scan3A_606 = %scan3A) -> (f32)  : i32 {
      %mul3A_607 = arith.constant 16 : i32
      %mul3A_608 = arith.muli %scan3A_605, %mul3A_607 : i32
      %get3A_609 = arith.index_cast %mul3A_608 : i32 to index
      %get3A_610 = tpu.vector_load %arg11[%get3A_609] {strides = array<i32>} : memref<128xi32, #tpu.memory_space<vmem>>, vector<16xi32>,
      %shift_right_logical3A_611 = arith.constant 11 : i32
      %shift_right_logical3A_612 = vector.broadcast %shift_right_logical3A_611 : i32 to vector<16xi32>
      %shift_right_logical3A_613 = arith.shrui %get3A_610, %shift_right_logical3A_612 : vector<16xi32>
      %and3A_614 = arith.constant 3 : i32
      %and3A_615 = vector.broadcast %and3A_614 : i32 to vector<16xi32>
      %and3A_616 = arith.andi %shift_right_logical3A_613, %and3A_615 : vector<16xi32>
      %mul3A_617 = arith.constant 32 : i32
      %mul3A_618 = vector.broadcast %mul3A_617 : i32 to vector<16xi32>
      %mul3A_619 = arith.muli %and3A_616, %mul3A_618 : vector<16xi32>
      %get3A_620 = arith.index_cast %mul3A_608 : i32 to index
      %get3A_621 = tpu.vector_load %arg12[%get3A_620] {strides = array<i32>} : memref<128xi32, #tpu.memory_space<vmem>>, vector<16xi32>,
      %shift_right_logical3A_622 = arith.constant 11 : i32
      %shift_right_logical3A_623 = vector.broadcast %shift_right_logical3A_622 : i32 to vector<16xi32>
      %shift_right_logical3A_624 = arith.shrui %get3A_621, %shift_right_logical3A_623 : vector<16xi32>
      %and3A_625 = arith.constant 3 : i32
      %and3A_626 = vector.broadcast %and3A_625 : i32 to vector<16xi32>
      %and3A_627 = arith.andi %shift_right_logical3A_624, %and3A_626 : vector<16xi32>
      %mul3A_628 = arith.constant 32 : i32
      %mul3A_629 = vector.broadcast %mul3A_628 : i32 to vector<16xi32>
      %mul3A_630 = arith.muli %and3A_627, %mul3A_629 : vector<16xi32>
      %get3A_631 = arith.index_cast %mul3A_608 : i32 to index
      %get3A_632 = tpu.vector_load %arg13[%get3A_631] {strides = array<i32>} : memref<128xi32, #tpu.memory_space<vmem>>, vector<16xi32>,
      %and3A_633 = arith.constant 1 : i32
      %and3A_634 = vector.broadcast %and3A_633 : i32 to vector<16xi32>
      %and3A_635 = arith.andi %get3A_632, %and3A_634 : vector<16xi32>
      %mul3A_636 = arith.constant 64 : i32
      %mul3A_637 = vector.broadcast %mul3A_636 : i32 to vector<16xi32>
      %mul3A_638 = arith.muli %and3A_635, %mul3A_637 : vector<16xi32>
      %get3A_639 = arith.index_cast %mul3A_608 : i32 to index
      %get3A_640 = tpu.vector_load %arg14[%get3A_639] {strides = array<i32>} : memref<128xi32, #tpu.memory_space<vmem>>, vector<16xi32>,
      %shift_right_logical3A_641 = arith.constant 11 : i32
      %shift_right_logical3A_642 = vector.broadcast %shift_right_logical3A_641 : i32 to vector<16xi32>
      %shift_right_logical3A_643 = arith.shrui %get3A_640, %shift_right_logical3A_642 : vector<16xi32>
      %and3A_644 = arith.constant 3 : i32
      %and3A_645 = vector.broadcast %and3A_644 : i32 to vector<16xi32>
      %and3A_646 = arith.andi %shift_right_logical3A_643, %and3A_645 : vector<16xi32>
      %mul3A_647 = arith.constant 32 : i32
      %mul3A_648 = vector.broadcast %mul3A_647 : i32 to vector<16xi32>
      %mul3A_649 = arith.muli %and3A_646, %mul3A_648 : vector<16xi32>
      %get3A_650 = arith.index_cast %mul3A_608 : i32 to index
      %get3A_651 = tpu.vector_load %arg15[%get3A_650] {strides = array<i32>} : memref<128xi32, #tpu.memory_space<vmem>>, vector<16xi32>,
      %shift_right_logical3A_652 = arith.constant 11 : i32
      %shift_right_logical3A_653 = vector.broadcast %shift_right_logical3A_652 : i32 to vector<16xi32>
      %shift_right_logical3A_654 = arith.shrui %get3A_651, %shift_right_logical3A_653 : vector<16xi32>
      %and3A_655 = arith.constant 3 : i32
      %and3A_656 = vector.broadcast %and3A_655 : i32 to vector<16xi32>
      %and3A_657 = arith.andi %shift_right_logical3A_654, %and3A_656 : vector<16xi32>
      %mul3A_658 = arith.constant 32 : i32
      %mul3A_659 = vector.broadcast %mul3A_658 : i32 to vector<16xi32>
      %mul3A_660 = arith.muli %and3A_657, %mul3A_659 : vector<16xi32>
      %get3A_661 = arith.index_cast %mul3A_608 : i32 to index
      %get3A_662 = tpu.vector_load %arg16[%get3A_661] {strides = array<i32>} : memref<128xi32, #tpu.memory_space<vmem>>, vector<16xi32>,
      %and3A_663 = arith.constant 1 : i32
      %and3A_664 = vector.broadcast %and3A_663 : i32 to vector<16xi32>
      %and3A_665 = arith.andi %get3A_662, %and3A_664 : vector<16xi32>
      %mul3A_666 = arith.constant 64 : i32
      %mul3A_667 = vector.broadcast %mul3A_666 : i32 to vector<16xi32>
      %mul3A_668 = arith.muli %and3A_665, %mul3A_667 : vector<16xi32>
      %mul3A_669 = arith.constant 16 : i32
      %mul3A_670 = arith.muli %scan3A_605, %mul3A_669 : i32
      %add3A_671 = arith.constant 0 : i32
      %add3A_672 = arith.addi %mul3A_670, %add3A_671 : i32
      %slice3A = vector.extract_strided_slice %mul3A_619 {offsets = [0], sizes = [1], strides = [1]} : vector<16xi32> to vector<1xi32>
      %squeeze3A = vector.extract %slice3A[0] : i32 from vector<1xi32>
      %slice3A_673 = vector.extract_strided_slice %mul3A_630 {offsets = [0], sizes = [1], strides = [1]} : vector<16xi32> to vector<1xi32>
      %squeeze3A_674 = vector.extract %slice3A_673[0] : i32 from vector<1xi32>
      %slice3A_675 = vector.extract_strided_slice %mul3A_638 {offsets = [0], sizes = [1], strides = [1]} : vector<16xi32> to vector<1xi32>
      %squeeze3A_676 = vector.extract %slice3A_675[0] : i32 from vector<1xi32>
      %slice3A_677 = vector.extract_strided_slice %mul3A_649 {offsets = [0], sizes = [1], strides = [1]} : vector<16xi32> to vector<1xi32>
      %squeeze3A_678 = vector.extract %slice3A_677[0] : i32 from vector<1xi32>
      %slice3A_679 = vector.extract_strided_slice %mul3A_660 {offsets = [0], sizes = [1], strides = [1]} : vector<16xi32> to vector<1xi32>
      %squeeze3A_680 = vector.extract %slice3A_679[0] : i32 from vector<1xi32>
      %slice3A_681 = vector.extract_strided_slice %mul3A_668 {offsets = [0], sizes = [1], strides = [1]} : vector<16xi32> to vector<1xi32>
      %squeeze3A_682 = vector.extract %slice3A_681[0] : i32 from vector<1xi32>
      %broadcast_in_dim3A_683 = arith.constant 0.000000e+00 : f32
      %broadcast_in_dim3A_684 = vector.broadcast %broadcast_in_dim3A_683 : f32 to vector<16xf32>
      %broadcast_in_dim3A_685 = arith.constant 0.000000e+00 : f32
      %broadcast_in_dim3A_686 = vector.broadcast %broadcast_in_dim3A_685 : f32 to vector<16xf32>
      %add3A_687 = arith.constant 0 : i32
      %add3A_688 = arith.addi %squeeze3A, %add3A_687 : i32
      %get3A_689 = arith.index_cast %add3A_672 : i32 to index
      %get3A_690 = arith.index_cast %add3A_688 : i32 to index
      %get3A_691 = tpu.vector_load %arg23[%get3A_689, %get3A_690] {strides = array<i32>} : memref<128x128xi32, #tpu.memory_space<vmem>>, vector<16xi32>,
      %shift_left3A_692 = arith.constant 16 : i32
      %shift_left3A_693 = vector.broadcast %shift_left3A_692 : i32 to vector<16xi32>
      %shift_left3A_694 = arith.shli %get3A_691, %shift_left3A_693 : vector<16xi32>
      %bitcast3A = vector.bitcast %shift_left3A_694 : vector<16xi32> to vector<16xf32>
      %and3A_695 = arith.constant -65536 : i32
      %and3A_696 = vector.broadcast %and3A_695 : i32 to vector<16xi32>
      %and3A_697 = arith.andi %get3A_691, %and3A_696 : vector<16xi32>
      %bitcast3A_698 = vector.bitcast %and3A_697 : vector<16xi32> to vector<16xf32>
      %add3A_699 = arith.constant 0 : i32
      %add3A_700 = arith.addi %squeeze3A_674, %add3A_699 : i32
      %get3A_701 = arith.index_cast %add3A_672 : i32 to index
      %get3A_702 = arith.index_cast %add3A_700 : i32 to index
      %get3A_703 = tpu.vector_load %arg24[%get3A_701, %get3A_702] {strides = array<i32>} : memref<128x128xi32, #tpu.memory_space<vmem>>, vector<16xi32>,
      %shift_left3A_704 = arith.constant 16 : i32
      %shift_left3A_705 = vector.broadcast %shift_left3A_704 : i32 to vector<16xi32>
      %shift_left3A_706 = arith.shli %get3A_703, %shift_left3A_705 : vector<16xi32>
      %bitcast3A_707 = vector.bitcast %shift_left3A_706 : vector<16xi32> to vector<16xf32>
      %and3A_708 = arith.constant -65536 : i32
      %and3A_709 = vector.broadcast %and3A_708 : i32 to vector<16xi32>
      %and3A_710 = arith.andi %get3A_703, %and3A_709 : vector<16xi32>
      %bitcast3A_711 = vector.bitcast %and3A_710 : vector<16xi32> to vector<16xf32>
      %add3A_712 = arith.constant 0 : i32
      %add3A_713 = arith.addi %squeeze3A_676, %add3A_712 : i32
      %get3A_714 = arith.index_cast %add3A_672 : i32 to index
      %get3A_715 = arith.index_cast %add3A_713 : i32 to index
      %get3A_716 = tpu.vector_load %arg25[%get3A_714, %get3A_715] {strides = array<i32>} : memref<128x128xf32, #tpu.memory_space<vmem>>, vector<16xf32>,
      %add3A_717 = arith.constant 32 : i32
      %add3A_718 = arith.addi %squeeze3A_676, %add3A_717 : i32
      %add3A_719 = arith.constant 0 : i32
      %add3A_720 = arith.addi %add3A_718, %add3A_719 : i32
      %get3A_721 = arith.index_cast %add3A_672 : i32 to index
      %get3A_722 = arith.index_cast %add3A_720 : i32 to index
      %get3A_723 = tpu.vector_load %arg25[%get3A_721, %get3A_722] {strides = array<i32>} : memref<128x128xf32, #tpu.memory_space<vmem>>, vector<16xf32>,
      %sub3A = arith.subf %bitcast3A, %bitcast3A_707 : vector<16xf32>
      %add3A_724 = arith.addf %sub3A, %get3A_716 : vector<16xf32>
      %abs3A = math.absf %add3A_724 : vector<16xf32>
      %add3A_725 = arith.addf %broadcast_in_dim3A_684, %abs3A : vector<16xf32>
      %sub3A_726 = arith.subf %bitcast3A_698, %bitcast3A_711 : vector<16xf32>
      %add3A_727 = arith.addf %sub3A_726, %get3A_723 : vector<16xf32>
      %abs3A_728 = math.absf %add3A_727 : vector<16xf32>
      %add3A_729 = arith.addf %add3A_725, %abs3A_728 : vector<16xf32>
      %add3A_730 = arith.constant 0 : i32
      %add3A_731 = arith.addi %squeeze3A_678, %add3A_730 : i32
      %get3A_732 = arith.index_cast %add3A_672 : i32 to index
      %get3A_733 = arith.index_cast %add3A_731 : i32 to index
      %get3A_734 = tpu.vector_load %arg26[%get3A_732, %get3A_733] {strides = array<i32>} : memref<128x128xi32, #tpu.memory_space<vmem>>, vector<16xi32>,
      %shift_left3A_735 = arith.constant 16 : i32
      %shift_left3A_736 = vector.broadcast %shift_left3A_735 : i32 to vector<16xi32>
      %shift_left3A_737 = arith.shli %get3A_734, %shift_left3A_736 : vector<16xi32>
      %bitcast3A_738 = vector.bitcast %shift_left3A_737 : vector<16xi32> to vector<16xf32>
      %and3A_739 = arith.constant -65536 : i32
      %and3A_740 = vector.broadcast %and3A_739 : i32 to vector<16xi32>
      %and3A_741 = arith.andi %get3A_734, %and3A_740 : vector<16xi32>
      %bitcast3A_742 = vector.bitcast %and3A_741 : vector<16xi32> to vector<16xf32>
      %add3A_743 = arith.constant 0 : i32
      %add3A_744 = arith.addi %squeeze3A_680, %add3A_743 : i32
      %get3A_745 = arith.index_cast %add3A_672 : i32 to index
      %get3A_746 = arith.index_cast %add3A_744 : i32 to index
      %get3A_747 = tpu.vector_load %arg27[%get3A_745, %get3A_746] {strides = array<i32>} : memref<128x128xi32, #tpu.memory_space<vmem>>, vector<16xi32>,
      %shift_left3A_748 = arith.constant 16 : i32
      %shift_left3A_749 = vector.broadcast %shift_left3A_748 : i32 to vector<16xi32>
      %shift_left3A_750 = arith.shli %get3A_747, %shift_left3A_749 : vector<16xi32>
      %bitcast3A_751 = vector.bitcast %shift_left3A_750 : vector<16xi32> to vector<16xf32>
      %and3A_752 = arith.constant -65536 : i32
      %and3A_753 = vector.broadcast %and3A_752 : i32 to vector<16xi32>
      %and3A_754 = arith.andi %get3A_747, %and3A_753 : vector<16xi32>
      %bitcast3A_755 = vector.bitcast %and3A_754 : vector<16xi32> to vector<16xf32>
      %add3A_756 = arith.constant 0 : i32
      %add3A_757 = arith.addi %squeeze3A_682, %add3A_756 : i32
      %get3A_758 = arith.index_cast %add3A_672 : i32 to index
      %get3A_759 = arith.index_cast %add3A_757 : i32 to index
      %get3A_760 = tpu.vector_load %arg28[%get3A_758, %get3A_759] {strides = array<i32>} : memref<128x128xf32, #tpu.memory_space<vmem>>, vector<16xf32>,
      %add3A_761 = arith.constant 32 : i32
      %add3A_762 = arith.addi %squeeze3A_682, %add3A_761 : i32
      %add3A_763 = arith.constant 0 : i32
      %add3A_764 = arith.addi %add3A_762, %add3A_763 : i32
      %get3A_765 = arith.index_cast %add3A_672 : i32 to index
      %get3A_766 = arith.index_cast %add3A_764 : i32 to index
      %get3A_767 = tpu.vector_load %arg28[%get3A_765, %get3A_766] {strides = array<i32>} : memref<128x128xf32, #tpu.memory_space<vmem>>, vector<16xf32>,
      %sub3A_768 = arith.subf %bitcast3A_738, %bitcast3A_751 : vector<16xf32>
      %add3A_769 = arith.addf %sub3A_768, %get3A_760 : vector<16xf32>
      %abs3A_770 = math.absf %add3A_769 : vector<16xf32>
      %add3A_771 = arith.addf %broadcast_in_dim3A_686, %abs3A_770 : vector<16xf32>
      %sub3A_772 = arith.subf %bitcast3A_742, %bitcast3A_755 : vector<16xf32>
      %add3A_773 = arith.addf %sub3A_772, %get3A_767 : vector<16xf32>
      %abs3A_774 = math.absf %add3A_773 : vector<16xf32>
      %add3A_775 = arith.addf %add3A_771, %abs3A_774 : vector<16xf32>
      %add3A_776 = arith.constant 16 : i32
      %add3A_777 = arith.addi %squeeze3A, %add3A_776 : i32
      %get3A_778 = arith.index_cast %add3A_672 : i32 to index
      %get3A_779 = arith.index_cast %add3A_777 : i32 to index
      %get3A_780 = tpu.vector_load %arg23[%get3A_778, %get3A_779] {strides = array<i32>} : memref<128x128xi32, #tpu.memory_space<vmem>>, vector<16xi32>,
      %shift_left3A_781 = arith.constant 16 : i32
      %shift_left3A_782 = vector.broadcast %shift_left3A_781 : i32 to vector<16xi32>
      %shift_left3A_783 = arith.shli %get3A_780, %shift_left3A_782 : vector<16xi32>
      %bitcast3A_784 = vector.bitcast %shift_left3A_783 : vector<16xi32> to vector<16xf32>
      %and3A_785 = arith.constant -65536 : i32
      %and3A_786 = vector.broadcast %and3A_785 : i32 to vector<16xi32>
      %and3A_787 = arith.andi %get3A_780, %and3A_786 : vector<16xi32>
      %bitcast3A_788 = vector.bitcast %and3A_787 : vector<16xi32> to vector<16xf32>
      %add3A_789 = arith.constant 16 : i32
      %add3A_790 = arith.addi %squeeze3A_674, %add3A_789 : i32
      %get3A_791 = arith.index_cast %add3A_672 : i32 to index
      %get3A_792 = arith.index_cast %add3A_790 : i32 to index
      %get3A_793 = tpu.vector_load %arg24[%get3A_791, %get3A_792] {strides = array<i32>} : memref<128x128xi32, #tpu.memory_space<vmem>>, vector<16xi32>,
      %shift_left3A_794 = arith.constant 16 : i32
      %shift_left3A_795 = vector.broadcast %shift_left3A_794 : i32 to vector<16xi32>
      %shift_left3A_796 = arith.shli %get3A_793, %shift_left3A_795 : vector<16xi32>
      %bitcast3A_797 = vector.bitcast %shift_left3A_796 : vector<16xi32> to vector<16xf32>
      %and3A_798 = arith.constant -65536 : i32
      %and3A_799 = vector.broadcast %and3A_798 : i32 to vector<16xi32>
      %and3A_800 = arith.andi %get3A_793, %and3A_799 : vector<16xi32>
      %bitcast3A_801 = vector.bitcast %and3A_800 : vector<16xi32> to vector<16xf32>
      %add3A_802 = arith.constant 16 : i32
      %add3A_803 = arith.addi %squeeze3A_676, %add3A_802 : i32
      %get3A_804 = arith.index_cast %add3A_672 : i32 to index
      %get3A_805 = arith.index_cast %add3A_803 : i32 to index
      %get3A_806 = tpu.vector_load %arg25[%get3A_804, %get3A_805] {strides = array<i32>} : memref<128x128xf32, #tpu.memory_space<vmem>>, vector<16xf32>,
      %add3A_807 = arith.constant 32 : i32
      %add3A_808 = arith.addi %squeeze3A_676, %add3A_807 : i32
      %add3A_809 = arith.constant 16 : i32
      %add3A_810 = arith.addi %add3A_808, %add3A_809 : i32
      %get3A_811 = arith.index_cast %add3A_672 : i32 to index
      %get3A_812 = arith.index_cast %add3A_810 : i32 to index
      %get3A_813 = tpu.vector_load %arg25[%get3A_811, %get3A_812] {strides = array<i32>} : memref<128x128xf32, #tpu.memory_space<vmem>>, vector<16xf32>,
      %sub3A_814 = arith.subf %bitcast3A_784, %bitcast3A_797 : vector<16xf32>
      %add3A_815 = arith.addf %sub3A_814, %get3A_806 : vector<16xf32>
      %abs3A_816 = math.absf %add3A_815 : vector<16xf32>
      %add3A_817 = arith.addf %add3A_729, %abs3A_816 : vector<16xf32>
      %sub3A_818 = arith.subf %bitcast3A_788, %bitcast3A_801 : vector<16xf32>
      %add3A_819 = arith.addf %sub3A_818, %get3A_813 : vector<16xf32>
      %abs3A_820 = math.absf %add3A_819 : vector<16xf32>
      %add3A_821 = arith.addf %add3A_817, %abs3A_820 : vector<16xf32>
      %add3A_822 = arith.constant 16 : i32
      %add3A_823 = arith.addi %squeeze3A_678, %add3A_822 : i32
      %get3A_824 = arith.index_cast %add3A_672 : i32 to index
      %get3A_825 = arith.index_cast %add3A_823 : i32 to index
      %get3A_826 = tpu.vector_load %arg26[%get3A_824, %get3A_825] {strides = array<i32>} : memref<128x128xi32, #tpu.memory_space<vmem>>, vector<16xi32>,
      %shift_left3A_827 = arith.constant 16 : i32
      %shift_left3A_828 = vector.broadcast %shift_left3A_827 : i32 to vector<16xi32>
      %shift_left3A_829 = arith.shli %get3A_826, %shift_left3A_828 : vector<16xi32>
      %bitcast3A_830 = vector.bitcast %shift_left3A_829 : vector<16xi32> to vector<16xf32>
      %and3A_831 = arith.constant -65536 : i32
      %and3A_832 = vector.broadcast %and3A_831 : i32 to vector<16xi32>
      %and3A_833 = arith.andi %get3A_826, %and3A_832 : vector<16xi32>
      %bitcast3A_834 = vector.bitcast %and3A_833 : vector<16xi32> to vector<16xf32>
      %add3A_835 = arith.constant 16 : i32
      %add3A_836 = arith.addi %squeeze3A_680, %add3A_835 : i32
      %get3A_837 = arith.index_cast %add3A_672 : i32 to index
      %get3A_838 = arith.index_cast %add3A_836 : i32 to index
      %get3A_839 = tpu.vector_load %arg27[%get3A_837, %get3A_838] {strides = array<i32>} : memref<128x128xi32, #tpu.memory_space<vmem>>, vector<16xi32>,
      %shift_left3A_840 = arith.constant 16 : i32
      %shift_left3A_841 = vector.broadcast %shift_left3A_840 : i32 to vector<16xi32>
      %shift_left3A_842 = arith.shli %get3A_839, %shift_left3A_841 : vector<16xi32>
      %bitcast3A_843 = vector.bitcast %shift_left3A_842 : vector<16xi32> to vector<16xf32>
      %and3A_844 = arith.constant -65536 : i32
      %and3A_845 = vector.broadcast %and3A_844 : i32 to vector<16xi32>
      %and3A_846 = arith.andi %get3A_839, %and3A_845 : vector<16xi32>
      %bitcast3A_847 = vector.bitcast %and3A_846 : vector<16xi32> to vector<16xf32>
      %add3A_848 = arith.constant 16 : i32
      %add3A_849 = arith.addi %squeeze3A_682, %add3A_848 : i32
      %get3A_850 = arith.index_cast %add3A_672 : i32 to index
      %get3A_851 = arith.index_cast %add3A_849 : i32 to index
      %get3A_852 = tpu.vector_load %arg28[%get3A_850, %get3A_851] {strides = array<i32>} : memref<128x128xf32, #tpu.memory_space<vmem>>, vector<16xf32>,
      %add3A_853 = arith.constant 32 : i32
      %add3A_854 = arith.addi %squeeze3A_682, %add3A_853 : i32
      %add3A_855 = arith.constant 16 : i32
      %add3A_856 = arith.addi %add3A_854, %add3A_855 : i32
      %get3A_857 = arith.index_cast %add3A_672 : i32 to index
      %get3A_858 = arith.index_cast %add3A_856 : i32 to index
      %get3A_859 = tpu.vector_load %arg28[%get3A_857, %get3A_858] {strides = array<i32>} : memref<128x128xf32, #tpu.memory_space<vmem>>, vector<16xf32>,
      %sub3A_860 = arith.subf %bitcast3A_830, %bitcast3A_843 : vector<16xf32>
      %add3A_861 = arith.addf %sub3A_860, %get3A_852 : vector<16xf32>
      %abs3A_862 = math.absf %add3A_861 : vector<16xf32>
      %add3A_863 = arith.addf %add3A_775, %abs3A_862 : vector<16xf32>
      %sub3A_864 = arith.subf %bitcast3A_834, %bitcast3A_847 : vector<16xf32>
      %add3A_865 = arith.addf %sub3A_864, %get3A_859 : vector<16xf32>
      %abs3A_866 = math.absf %add3A_865 : vector<16xf32>
      %add3A_867 = arith.addf %add3A_863, %abs3A_866 : vector<16xf32>
      %reduce_sum3A = arith.constant true
      %reduce_sum3A_868 = vector.broadcast %reduce_sum3A : i1 to vector<16xi1>
      %reduce_sum3A_869 = tpu.scan <sum>, %add3A_821 masked %reduce_sum3A_868 : vector<16xf32>, vector<16xi1> -> vector<16xf32>
      %reduce_sum3A_870 = vector.extract %reduce_sum3A_869[15] : f32 from vector<16xf32>
      %reduce_sum3A_871 = arith.constant true
      %reduce_sum3A_872 = vector.broadcast %reduce_sum3A_871 : i1 to vector<16xi1>
      %reduce_sum3A_873 = tpu.scan <sum>, %add3A_867 masked %reduce_sum3A_872 : vector<16xf32>, vector<16xi1> -> vector<16xf32>
      %reduce_sum3A_874 = vector.extract %reduce_sum3A_873[15] : f32 from vector<16xf32>
      %sub3A_875 = arith.subf %reduce_sum3A_870, %reduce_sum3A_874 : f32
      %add3A_876 = arith.constant 1.000000e+00 : f32
      %add3A_877 = arith.addf %sub3A_875, %add3A_876 : f32
      %max3A = arith.constant 0.000000e+00 : f32
      %max3A_878 = arith.maximumf %add3A_877, %max3A : f32
      %add3A_879 = arith.addf %scan3A_606, %max3A_878 : f32
      %mul3A_880 = arith.constant 16 : i32
      %mul3A_881 = arith.muli %scan3A_605, %mul3A_880 : i32
      %add3A_882 = arith.constant 1 : i32
      %add3A_883 = arith.addi %mul3A_881, %add3A_882 : i32
      %slice3A_884 = vector.extract_strided_slice %mul3A_619 {offsets = [1], sizes = [1], strides = [1]} : vector<16xi32> to vector<1xi32>
      %squeeze3A_885 = vector.extract %slice3A_884[0] : i32 from vector<1xi32>
      %slice3A_886 = vector.extract_strided_slice %mul3A_630 {offsets = [1], sizes = [1], strides = [1]} : vector<16xi32> to vector<1xi32>
      %squeeze3A_887 = vector.extract %slice3A_886[0] : i32 from vector<1xi32>
      %slice3A_888 = vector.extract_strided_slice %mul3A_638 {offsets = [1], sizes = [1], strides = [1]} : vector<16xi32> to vector<1xi32>
      %squeeze3A_889 = vector.extract %slice3A_888[0] : i32 from vector<1xi32>
      %slice3A_890 = vector.extract_strided_slice %mul3A_649 {offsets = [1], sizes = [1], strides = [1]} : vector<16xi32> to vector<1xi32>
      %squeeze3A_891 = vector.extract %slice3A_890[0] : i32 from vector<1xi32>
      %slice3A_892 = vector.extract_strided_slice %mul3A_660 {offsets = [1], sizes = [1], strides = [1]} : vector<16xi32> to vector<1xi32>
      %squeeze3A_893 = vector.extract %slice3A_892[0] : i32 from vector<1xi32>
      %slice3A_894 = vector.extract_strided_slice %mul3A_668 {offsets = [1], sizes = [1], strides = [1]} : vector<16xi32> to vector<1xi32>
      %squeeze3A_895 = vector.extract %slice3A_894[0] : i32 from vector<1xi32>
      %broadcast_in_dim3A_896 = arith.constant 0.000000e+00 : f32
      %broadcast_in_dim3A_897 = vector.broadcast %broadcast_in_dim3A_896 : f32 to vector<16xf32>
      %broadcast_in_dim3A_898 = arith.constant 0.000000e+00 : f32
      %broadcast_in_dim3A_899 = vector.broadcast %broadcast_in_dim3A_898 : f32 to vector<16xf32>
      %add3A_900 = arith.constant 0 : i32
      %add3A_901 = arith.addi %squeeze3A_885, %add3A_900 : i32
      %get3A_902 = arith.index_cast %add3A_883 : i32 to index
      %get3A_903 = arith.index_cast %add3A_901 : i32 to index
      %get3A_904 = tpu.vector_load %arg23[%get3A_902, %get3A_903] {strides = array<i32>} : memref<128x128xi32, #tpu.memory_space<vmem>>, vector<16xi32>,
      %shift_left3A_905 = arith.constant 16 : i32
      %shift_left3A_906 = vector.broadcast %shift_left3A_905 : i32 to vector<16xi32>
      %shift_left3A_907 = arith.shli %get3A_904, %shift_left3A_906 : vector<16xi32>
      %bitcast3A_908 = vector.bitcast %shift_left3A_907 : vector<16xi32> to vector<16xf32>
      %and3A_909 = arith.constant -65536 : i32
      %and3A_910 = vector.broadcast %and3A_909 : i32 to vector<16xi32>
      %and3A_911 = arith.andi %get3A_904, %and3A_910 : vector<16xi32>
      %bitcast3A_912 = vector.bitcast %and3A_911 : vector<16xi32> to vector<16xf32>
      %add3A_913 = arith.constant 0 : i32
      %add3A_914 = arith.addi %squeeze3A_887, %add3A_913 : i32
      %get3A_915 = arith.index_cast %add3A_883 : i32 to index
      %get3A_916 = arith.index_cast %add3A_914 : i32 to index
      %get3A_917 = tpu.vector_load %arg24[%get3A_915, %get3A_916] {strides = array<i32>} : memref<128x128xi32, #tpu.memory_space<vmem>>, vector<16xi32>,
      %shift_left3A_918 = arith.constant 16 : i32
      %shift_left3A_919 = vector.broadcast %shift_left3A_918 : i32 to vector<16xi32>
      %shift_left3A_920 = arith.shli %get3A_917, %shift_left3A_919 : vector<16xi32>
      %bitcast3A_921 = vector.bitcast %shift_left3A_920 : vector<16xi32> to vector<16xf32>
      %and3A_922 = arith.constant -65536 : i32
      %and3A_923 = vector.broadcast %and3A_922 : i32 to vector<16xi32>
      %and3A_924 = arith.andi %get3A_917, %and3A_923 : vector<16xi32>
      %bitcast3A_925 = vector.bitcast %and3A_924 : vector<16xi32> to vector<16xf32>
      %add3A_926 = arith.constant 0 : i32
      %add3A_927 = arith.addi %squeeze3A_889, %add3A_926 : i32
      %get3A_928 = arith.index_cast %add3A_883 : i32 to index
      %get3A_929 = arith.index_cast %add3A_927 : i32 to index
      %get3A_930 = tpu.vector_load %arg25[%get3A_928, %get3A_929] {strides = array<i32>} : memref<128x128xf32, #tpu.memory_space<vmem>>, vector<16xf32>,
      %add3A_931 = arith.constant 32 : i32
      %add3A_932 = arith.addi %squeeze3A_889, %add3A_931 : i32
      %add3A_933 = arith.constant 0 : i32
      %add3A_934 = arith.addi %add3A_932, %add3A_933 : i32
      %get3A_935 = arith.index_cast %add3A_883 : i32 to index
      %get3A_936 = arith.index_cast %add3A_934 : i32 to index
      %get3A_937 = tpu.vector_load %arg25[%get3A_935, %get3A_936] {strides = array<i32>} : memref<128x128xf32, #tpu.memory_space<vmem>>, vector<16xf32>,
      %sub3A_938 = arith.subf %bitcast3A_908, %bitcast3A_921 : vector<16xf32>
      %add3A_939 = arith.addf %sub3A_938, %get3A_930 : vector<16xf32>
      %abs3A_940 = math.absf %add3A_939 : vector<16xf32>
      %add3A_941 = arith.addf %broadcast_in_dim3A_897, %abs3A_940 : vector<16xf32>
      %sub3A_942 = arith.subf %bitcast3A_912, %bitcast3A_925 : vector<16xf32>
      %add3A_943 = arith.addf %sub3A_942, %get3A_937 : vector<16xf32>
      %abs3A_944 = math.absf %add3A_943 : vector<16xf32>
      %add3A_945 = arith.addf %add3A_941, %abs3A_944 : vector<16xf32>
      %add3A_946 = arith.constant 0 : i32
      %add3A_947 = arith.addi %squeeze3A_891, %add3A_946 : i32
      %get3A_948 = arith.index_cast %add3A_883 : i32 to index
      %get3A_949 = arith.index_cast %add3A_947 : i32 to index
      %get3A_950 = tpu.vector_load %arg26[%get3A_948, %get3A_949] {strides = array<i32>} : memref<128x128xi32, #tpu.memory_space<vmem>>, vector<16xi32>,
      %shift_left3A_951 = arith.constant 16 : i32
      %shift_left3A_952 = vector.broadcast %shift_left3A_951 : i32 to vector<16xi32>
      %shift_left3A_953 = arith.shli %get3A_950, %shift_left3A_952 : vector<16xi32>
      %bitcast3A_954 = vector.bitcast %shift_left3A_953 : vector<16xi32> to vector<16xf32>
      %and3A_955 = arith.constant -65536 : i32
      %and3A_956 = vector.broadcast %and3A_955 : i32 to vector<16xi32>
      %and3A_957 = arith.andi %get3A_950, %and3A_956 : vector<16xi32>
      %bitcast3A_958 = vector.bitcast %and3A_957 : vector<16xi32> to vector<16xf32>
      %add3A_959 = arith.constant 0 : i32
      %add3A_960 = arith.addi %squeeze3A_893, %add3A_959 : i32
      %get3A_961 = arith.index_cast %add3A_883 : i32 to index
      %get3A_962 = arith.index_cast %add3A_960 : i32 to index
      %get3A_963 = tpu.vector_load %arg27[%get3A_961, %get3A_962] {strides = array<i32>} : memref<128x128xi32, #tpu.memory_space<vmem>>, vector<16xi32>,
      %shift_left3A_964 = arith.constant 16 : i32
      %shift_left3A_965 = vector.broadcast %shift_left3A_964 : i32 to vector<16xi32>
      %shift_left3A_966 = arith.shli %get3A_963, %shift_left3A_965 : vector<16xi32>
      %bitcast3A_967 = vector.bitcast %shift_left3A_966 : vector<16xi32> to vector<16xf32>
      %and3A_968 = arith.constant -65536 : i32
      %and3A_969 = vector.broadcast %and3A_968 : i32 to vector<16xi32>
      %and3A_970 = arith.andi %get3A_963, %and3A_969 : vector<16xi32>
      %bitcast3A_971 = vector.bitcast %and3A_970 : vector<16xi32> to vector<16xf32>
      %add3A_972 = arith.constant 0 : i32
      %add3A_973 = arith.addi %squeeze3A_895, %add3A_972 : i32
      %get3A_974 = arith.index_cast %add3A_883 : i32 to index
      %get3A_975 = arith.index_cast %add3A_973 : i32 to index
      %get3A_976 = tpu.vector_load %arg28[%get3A_974, %get3A_975] {strides = array<i32>} : memref<128x128xf32, #tpu.memory_space<vmem>>, vector<16xf32>,
      %add3A_977 = arith.constant 32 : i32
      %add3A_978 = arith.addi %squeeze3A_895, %add3A_977 : i32
      %add3A_979 = arith.constant 0 : i32
      %add3A_980 = arith.addi %add3A_978, %add3A_979 : i32
      %get3A_981 = arith.index_cast %add3A_883 : i32 to index
      %get3A_982 = arith.index_cast %add3A_980 : i32 to index
      %get3A_983 = tpu.vector_load %arg28[%get3A_981, %get3A_982] {strides = array<i32>} : memref<128x128xf32, #tpu.memory_space<vmem>>, vector<16xf32>,
      %sub3A_984 = arith.subf %bitcast3A_954, %bitcast3A_967 : vector<16xf32>
      %add3A_985 = arith.addf %sub3A_984, %get3A_976 : vector<16xf32>
      %abs3A_986 = math.absf %add3A_985 : vector<16xf32>
      %add3A_987 = arith.addf %broadcast_in_dim3A_899, %abs3A_986 : vector<16xf32>
      %sub3A_988 = arith.subf %bitcast3A_958, %bitcast3A_971 : vector<16xf32>
      %add3A_989 = arith.addf %sub3A_988, %get3A_983 : vector<16xf32>
      %abs3A_990 = math.absf %add3A_989 : vector<16xf32>
      %add3A_991 = arith.addf %add3A_987, %abs3A_990 : vector<16xf32>
      %add3A_992 = arith.constant 16 : i32
      %add3A_993 = arith.addi %squeeze3A_885, %add3A_992 : i32
      %get3A_994 = arith.index_cast %add3A_883 : i32 to index
      %get3A_995 = arith.index_cast %add3A_993 : i32 to index
      %get3A_996 = tpu.vector_load %arg23[%get3A_994, %get3A_995] {strides = array<i32>} : memref<128x128xi32, #tpu.memory_space<vmem>>, vector<16xi32>,
      %shift_left3A_997 = arith.constant 16 : i32
      %shift_left3A_998 = vector.broadcast %shift_left3A_997 : i32 to vector<16xi32>
      %shift_left3A_999 = arith.shli %get3A_996, %shift_left3A_998 : vector<16xi32>
      %bitcast3A_1000 = vector.bitcast %shift_left3A_999 : vector<16xi32> to vector<16xf32>
      %and3A_1001 = arith.constant -65536 : i32
      %and3A_1002 = vector.broadcast %and3A_1001 : i32 to vector<16xi32>
      %and3A_1003 = arith.andi %get3A_996, %and3A_1002 : vector<16xi32>
      %bitcast3A_1004 = vector.bitcast %and3A_1003 : vector<16xi32> to vector<16xf32>
      %add3A_1005 = arith.constant 16 : i32
      %add3A_1006 = arith.addi %squeeze3A_887, %add3A_1005 : i32
      %get3A_1007 = arith.index_cast %add3A_883 : i32 to index
      %get3A_1008 = arith.index_cast %add3A_1006 : i32 to index
      %get3A_1009 = tpu.vector_load %arg24[%get3A_1007, %get3A_1008] {strides = array<i32>} : memref<128x128xi32, #tpu.memory_space<vmem>>, vector<16xi32>,
      %shift_left3A_1010 = arith.constant 16 : i32
      %shift_left3A_1011 = vector.broadcast %shift_left3A_1010 : i32 to vector<16xi32>
      %shift_left3A_1012 = arith.shli %get3A_1009, %shift_left3A_1011 : vector<16xi32>
      %bitcast3A_1013 = vector.bitcast %shift_left3A_1012 : vector<16xi32> to vector<16xf32>
      %and3A_1014 = arith.constant -65536 : i32
      %and3A_1015 = vector.broadcast %and3A_1014 : i32 to vector<16xi32>
      %and3A_1016 = arith.andi %get3A_1009, %and3A_1015 : vector<16xi32>
      %bitcast3A_1017 = vector.bitcast %and3A_1016 : vector<16xi32> to vector<16xf32>
      %add3A_1018 = arith.constant 16 : i32
      %add3A_1019 = arith.addi %squeeze3A_889, %add3A_1018 : i32
      %get3A_1020 = arith.index_cast %add3A_883 : i32 to index
      %get3A_1021 = arith.index_cast %add3A_1019 : i32 to index
      %get3A_1022 = tpu.vector_load %arg25[%get3A_1020, %get3A_1021] {strides = array<i32>} : memref<128x128xf32, #tpu.memory_space<vmem>>, vector<16xf32>,
      %add3A_1023 = arith.constant 32 : i32
      %add3A_1024 = arith.addi %squeeze3A_889, %add3A_1023 : i32
      %add3A_1025 = arith.constant 16 : i32
      %add3A_1026 = arith.addi %add3A_1024, %add3A_1025 : i32
      %get3A_1027 = arith.index_cast %add3A_883 : i32 to index
      %get3A_1028 = arith.index_cast %add3A_1026 : i32 to index
      %get3A_1029 = tpu.vector_load %arg25[%get3A_1027, %get3A_1028] {strides = array<i32>} : memref<128x128xf32, #tpu.memory_space<vmem>>, vector<16xf32>,
      %sub3A_1030 = arith.subf %bitcast3A_1000, %bitcast3A_1013 : vector<16xf32>
      %add3A_1031 = arith.addf %sub3A_1030, %get3A_1022 : vector<16xf32>
      %abs3A_1032 = math.absf %add3A_1031 : vector<16xf32>
      %add3A_1033 = arith.addf %add3A_945, %abs3A_1032 : vector<16xf32>
      %sub3A_1034 = arith.subf %bitcast3A_1004, %bitcast3A_1017 : vector<16xf32>
      %add3A_1035 = arith.addf %sub3A_1034, %get3A_1029 : vector<16xf32>
      %abs3A_1036 = math.absf %add3A_1035 : vector<16xf32>
      %add3A_1037 = arith.addf %add3A_1033, %abs3A_1036 : vector<16xf32>
      %add3A_1038 = arith.constant 16 : i32
      %add3A_1039 = arith.addi %squeeze3A_891, %add3A_1038 : i32
      %get3A_1040 = arith.index_cast %add3A_883 : i32 to index
      %get3A_1041 = arith.index_cast %add3A_1039 : i32 to index
      %get3A_1042 = tpu.vector_load %arg26[%get3A_1040, %get3A_1041] {strides = array<i32>} : memref<128x128xi32, #tpu.memory_space<vmem>>, vector<16xi32>,
      %shift_left3A_1043 = arith.constant 16 : i32
      %shift_left3A_1044 = vector.broadcast %shift_left3A_1043 : i32 to vector<16xi32>
      %shift_left3A_1045 = arith.shli %get3A_1042, %shift_left3A_1044 : vector<16xi32>
      %bitcast3A_1046 = vector.bitcast %shift_left3A_1045 : vector<16xi32> to vector<16xf32>
      %and3A_1047 = arith.constant -65536 : i32
      %and3A_1048 = vector.broadcast %and3A_1047 : i32 to vector<16xi32>
      %and3A_1049 = arith.andi %get3A_1042, %and3A_1048 : vector<16xi32>
      %bitcast3A_1050 = vector.bitcast %and3A_1049 : vector<16xi32> to vector<16xf32>
      %add3A_1051 = arith.constant 16 : i32
      %add3A_1052 = arith.addi %squeeze3A_893, %add3A_1051 : i32
      %get3A_1053 = arith.index_cast %add3A_883 : i32 to index
      %get3A_1054 = arith.index_cast %add3A_1052 : i32 to index
      %get3A_1055 = tpu.vector_load %arg27[%get3A_1053, %get3A_1054] {strides = array<i32>} : memref<128x128xi32, #tpu.memory_space<vmem>>, vector<16xi32>,
      %shift_left3A_1056 = arith.constant 16 : i32
      %shift_left3A_1057 = vector.broadcast %shift_left3A_1056 : i32 to vector<16xi32>
      %shift_left3A_1058 = arith.shli %get3A_1055, %shift_left3A_1057 : vector<16xi32>
      %bitcast3A_1059 = vector.bitcast %shift_left3A_1058 : vector<16xi32> to vector<16xf32>
      %and3A_1060 = arith.constant -65536 : i32
      %and3A_1061 = vector.broadcast %and3A_1060 : i32 to vector<16xi32>
      %and3A_1062 = arith.andi %get3A_1055, %and3A_1061 : vector<16xi32>
      %bitcast3A_1063 = vector.bitcast %and3A_1062 : vector<16xi32> to vector<16xf32>
      %add3A_1064 = arith.constant 16 : i32
      %add3A_1065 = arith.addi %squeeze3A_895, %add3A_1064 : i32
      %get3A_1066 = arith.index_cast %add3A_883 : i32 to index
      %get3A_1067 = arith.index_cast %add3A_1065 : i32 to index
      %get3A_1068 = tpu.vector_load %arg28[%get3A_1066, %get3A_1067] {strides = array<i32>} : memref<128x128xf32, #tpu.memory_space<vmem>>, vector<16xf32>,
      %add3A_1069 = arith.constant 32 : i32
      %add3A_1070 = arith.addi %squeeze3A_895, %add3A_1069 : i32
      %add3A_1071 = arith.constant 16 : i32
      %add3A_1072 = arith.addi %add3A_1070, %add3A_1071 : i32
      %get3A_1073 = arith.index_cast %add3A_883 : i32 to index
      %get3A_1074 = arith.index_cast %add3A_1072 : i32 to index
      %get3A_1075 = tpu.vector_load %arg28[%get3A_1073, %get3A_1074] {strides = array<i32>} : memref<128x128xf32, #tpu.memory_space<vmem>>, vector<16xf32>,
      %sub3A_1076 = arith.subf %bitcast3A_1046, %bitcast3A_1059 : vector<16xf32>
      %add3A_1077 = arith.addf %sub3A_1076, %get3A_1068 : vector<16xf32>
      %abs3A_1078 = math.absf %add3A_1077 : vector<16xf32>
      %add3A_1079 = arith.addf %add3A_991, %abs3A_1078 : vector<16xf32>
      %sub3A_1080 = arith.subf %bitcast3A_1050, %bitcast3A_1063 : vector<16xf32>
      %add3A_1081 = arith.addf %sub3A_1080, %get3A_1075 : vector<16xf32>
      %abs3A_1082 = math.absf %add3A_1081 : vector<16xf32>
      %add3A_1083 = arith.addf %add3A_1079, %abs3A_1082 : vector<16xf32>
      %reduce_sum3A_1084 = arith.constant true
      %reduce_sum3A_1085 = vector.broadcast %reduce_sum3A_1084 : i1 to vector<16xi1>
      %reduce_sum3A_1086 = tpu.scan <sum>, %add3A_1037 masked %reduce_sum3A_1085 : vector<16xf32>, vector<16xi1> -> vector<16xf32>
      %reduce_sum3A_1087 = vector.extract %reduce_sum3A_1086[15] : f32 from vector<16xf32>
      %reduce_sum3A_1088 = arith.constant true
      %reduce_sum3A_1089 = vector.broadcast %reduce_sum3A_1088 : i1 to vector<16xi1>
      %reduce_sum3A_1090 = tpu.scan <sum>, %add3A_1083 masked %reduce_sum3A_1089 : vector<16xf32>, vector<16xi1> -> vector<16xf32>
      %reduce_sum3A_1091 = vector.extract %reduce_sum3A_1090[15] : f32 from vector<16xf32>
      %sub3A_1092 = arith.subf %reduce_sum3A_1087, %reduce_sum3A_1091 : f32
      %add3A_1093 = arith.constant 1.000000e+00 : f32
      %add3A_1094 = arith.addf %sub3A_1092, %add3A_1093 : f32
      %max3A_1095 = arith.constant 0.000000e+00 : f32
      %max3A_1096 = arith.maximumf %add3A_1094, %max3A_1095 : f32
      %add3A_1097 = arith.addf %add3A_879, %max3A_1096 : f32
      %mul3A_1098 = arith.constant 16 : i32
      %mul3A_1099 = arith.muli %scan3A_605, %mul3A_1098 : i32
      %add3A_1100 = arith.constant 2 : i32
      %add3A_1101 = arith.addi %mul3A_1099, %add3A_1100 : i32
      %slice3A_1102 = vector.extract_strided_slice %mul3A_619 {offsets = [2], sizes = [1], strides = [1]} : vector<16xi32> to vector<1xi32>
      %squeeze3A_1103 = vector.extract %slice3A_1102[0] : i32 from vector<1xi32>
      %slice3A_1104 = vector.extract_strided_slice %mul3A_630 {offsets = [2], sizes = [1], strides = [1]} : vector<16xi32> to vector<1xi32>
      %squeeze3A_1105 = vector.extract %slice3A_1104[0] : i32 from vector<1xi32>
      %slice3A_1106 = vector.extract_strided_slice %mul3A_638 {offsets = [2], sizes = [1], strides = [1]} : vector<16xi32> to vector<1xi32>
      %squeeze3A_1107 = vector.extract %slice3A_1106[0] : i32 from vector<1xi32>
      %slice3A_1108 = vector.extract_strided_slice %mul3A_649 {offsets = [2], sizes = [1], strides = [1]} : vector<16xi32> to vector<1xi32>
      %squeeze3A_1109 = vector.extract %slice3A_1108[0] : i32 from vector<1xi32>
      %slice3A_1110 = vector.extract_strided_slice %mul3A_660 {offsets = [2], sizes = [1], strides = [1]} : vector<16xi32> to vector<1xi32>
      %squeeze3A_1111 = vector.extract %slice3A_1110[0] : i32 from vector<1xi32>
      %slice3A_1112 = vector.extract_strided_slice %mul3A_668 {offsets = [2], sizes = [1], strides = [1]} : vector<16xi32> to vector<1xi32>
      %squeeze3A_1113 = vector.extract %slice3A_1112[0] : i32 from vector<1xi32>
      %broadcast_in_dim3A_1114 = arith.constant 0.000000e+00 : f32
      %broadcast_in_dim3A_1115 = vector.broadcast %broadcast_in_dim3A_1114 : f32 to vector<16xf32>
      %broadcast_in_dim3A_1116 = arith.constant 0.000000e+00 : f32
      %broadcast_in_dim3A_1117 = vector.broadcast %broadcast_in_dim3A_1116 : f32 to vector<16xf32>
      %add3A_1118 = arith.constant 0 : i32
      %add3A_1119 = arith.addi %squeeze3A_1103, %add3A_1118 : i32
      %get3A_1120 = arith.index_cast %add3A_1101 : i32 to index
      %get3A_1121 = arith.index_cast %add3A_1119 : i32 to index
      %get3A_1122 = tpu.vector_load %arg23[%get3A_1120, %get3A_1121] {strides = array<i32>} : memref<128x128xi32, #tpu.memory_space<vmem>>, vector<16xi32>,
      %shift_left3A_1123 = arith.constant 16 : i32
      %shift_left3A_1124 = vector.broadcast %shift_left3A_1123 : i32 to vector<16xi32>
      %shift_left3A_1125 = arith.shli %get3A_1122, %shift_left3A_1124 : vector<16xi32>
      %bitcast3A_1126 = vector.bitcast %shift_left3A_1125 : vector<16xi32> to vector<16xf32>
      %and3A_1127 = arith.constant -65536 : i32
      %and3A_1128 = vector.broadcast %and3A_1127 : i32 to vector<16xi32>
      %and3A_1129 = arith.andi %get3A_1122, %and3A_1128 : vector<16xi32>
      %bitcast3A_1130 = vector.bitcast %and3A_1129 : vector<16xi32> to vector<16xf32>
      %add3A_1131 = arith.constant 0 : i32
      %add3A_1132 = arith.addi %squeeze3A_1105, %add3A_1131 : i32
      %get3A_1133 = arith.index_cast %add3A_1101 : i32 to index
      %get3A_1134 = arith.index_cast %add3A_1132 : i32 to index
      %get3A_1135 = tpu.vector_load %arg24[%get3A_1133, %get3A_1134] {strides = array<i32>} : memref<128x128xi32, #tpu.memory_space<vmem>>, vector<16xi32>,
      %shift_left3A_1136 = arith.constant 16 : i32
      %shift_left3A_1137 = vector.broadcast %shift_left3A_1136 : i32 to vector<16xi32>
      %shift_left3A_1138 = arith.shli %get3A_1135, %shift_left3A_1137 : vector<16xi32>
      %bitcast3A_1139 = vector.bitcast %shift_left3A_1138 : vector<16xi32> to vector<16xf32>
      %and3A_1140 = arith.constant -65536 : i32
      %and3A_1141 = vector.broadcast %and3A_1140 : i32 to vector<16xi32>
      %and3A_1142 = arith.andi %get3A_1135, %and3A_1141 : vector<16xi32>
      %bitcast3A_1143 = vector.bitcast %and3A_1142 : vector<16xi32> to vector<16xf32>
      %add3A_1144 = arith.constant 0 : i32
      %add3A_1145 = arith.addi %squeeze3A_1107, %add3A_1144 : i32
      %get3A_1146 = arith.index_cast %add3A_1101 : i32 to index
      %get3A_1147 = arith.index_cast %add3A_1145 : i32 to index
      %get3A_1148 = tpu.vector_load %arg25[%get3A_1146, %get3A_1147] {strides = array<i32>} : memref<128x128xf32, #tpu.memory_space<vmem>>, vector<16xf32>,
      %add3A_1149 = arith.constant 32 : i32
      %add3A_1150 = arith.addi %squeeze3A_1107, %add3A_1149 : i32
      %add3A_1151 = arith.constant 0 : i32
      %add3A_1152 = arith.addi %add3A_1150, %add3A_1151 : i32
      %get3A_1153 = arith.index_cast %add3A_1101 : i32 to index
      %get3A_1154 = arith.index_cast %add3A_1152 : i32 to index
      %get3A_1155 = tpu.vector_load %arg25[%get3A_1153, %get3A_1154] {strides = array<i32>} : memref<128x128xf32, #tpu.memory_space<vmem>>, vector<16xf32>,
      %sub3A_1156 = arith.subf %bitcast3A_1126, %bitcast3A_1139 : vector<16xf32>
      %add3A_1157 = arith.addf %sub3A_1156, %get3A_1148 : vector<16xf32>
      %abs3A_1158 = math.absf %add3A_1157 : vector<16xf32>
      %add3A_1159 = arith.addf %broadcast_in_dim3A_1115, %abs3A_1158 : vector<16xf32>
      %sub3A_1160 = arith.subf %bitcast3A_1130, %bitcast3A_1143 : vector<16xf32>
      %add3A_1161 = arith.addf %sub3A_1160, %get3A_1155 : vector<16xf32>
      %abs3A_1162 = math.absf %add3A_1161 : vector<16xf32>
      %add3A_1163 = arith.addf %add3A_1159, %abs3A_1162 : vector<16xf32>
      %add3A_1164 = arith.constant 0 : i32
      %add3A_1165 = arith.addi %squeeze3A_1109, %add3A_1164 : i32
      %get3A_1166 = arith.index_cast %add3A_1101 : i32 to index
      %get3A_1167 = arith.index_cast %add3A_1165 : i32 to index
      %get3A_1168 = tpu.vector_load %arg26[%get3A_1166, %get3A_1167] {strides = array<i32>} : memref<128x128xi32, #tpu.memory_space<vmem>>, vector<16xi32>,
      %shift_left3A_1169 = arith.constant 16 : i32
      %shift_left3A_1170 = vector.broadcast %shift_left3A_1169 : i32 to vector<16xi32>
      %shift_left3A_1171 = arith.shli %get3A_1168, %shift_left3A_1170 : vector<16xi32>
      %bitcast3A_1172 = vector.bitcast %shift_left3A_1171 : vector<16xi32> to vector<16xf32>
      %and3A_1173 = arith.constant -65536 : i32
      %and3A_1174 = vector.broadcast %and3A_1173 : i32 to vector<16xi32>
      %and3A_1175 = arith.andi %get3A_1168, %and3A_1174 : vector<16xi32>
      %bitcast3A_1176 = vector.bitcast %and3A_1175 : vector<16xi32> to vector<16xf32>
      %add3A_1177 = arith.constant 0 : i32
      %add3A_1178 = arith.addi %squeeze3A_1111, %add3A_1177 : i32
      %get3A_1179 = arith.index_cast %add3A_1101 : i32 to index
      %get3A_1180 = arith.index_cast %add3A_1178 : i32 to index
      %get3A_1181 = tpu.vector_load %arg27[%get3A_1179, %get3A_1180] {strides = array<i32>} : memref<128x128xi32, #tpu.memory_space<vmem>>, vector<16xi32>,
      %shift_left3A_1182 = arith.constant 16 : i32
      %shift_left3A_1183 = vector.broadcast %shift_left3A_1182 : i32 to vector<16xi32>
      %shift_left3A_1184 = arith.shli %get3A_1181, %shift_left3A_1183 : vector<16xi32>
      %bitcast3A_1185 = vector.bitcast %shift_left3A_1184 : vector<16xi32> to vector<16xf32>
      %and3A_1186 = arith.constant -65536 : i32
      %and3A_1187 = vector.broadcast %and3A_1186 : i32 to vector<16xi32>
      %and3A_1188 = arith.andi %get3A_1181, %and3A_1187 : vector<16xi32>
      %bitcast3A_1189 = vector.bitcast %and3A_1188 : vector<16xi32> to vector<16xf32>
      %add3A_1190 = arith.constant 0 : i32
      %add3A_1191 = arith.addi %squeeze3A_1113, %add3A_1190 : i32
      %get3A_1192 = arith.index_cast %add3A_1101 : i32 to index
      %get3A_1193 = arith.index_cast %add3A_1191 : i32 to index
      %get3A_1194 = tpu.vector_load %arg28[%get3A_1192, %get3A_1193] {strides = array<i32>} : memref<128x128xf32, #tpu.memory_space<vmem>>, vector<16xf32>,
      %add3A_1195 = arith.constant 32 : i32
      %add3A_1196 = arith.addi %squeeze3A_1113, %add3A_1195 : i32
      %add3A_1197 = arith.constant 0 : i32
      %add3A_1198 = arith.addi %add3A_1196, %add3A_1197 : i32
      %get3A_1199 = arith.index_cast %add3A_1101 : i32 to index
      %get3A_1200 = arith.index_cast %add3A_1198 : i32 to index
      %get3A_1201 = tpu.vector_load %arg28[%get3A_1199, %get3A_1200] {strides = array<i32>} : memref<128x128xf32, #tpu.memory_space<vmem>>, vector<16xf32>,
      %sub3A_1202 = arith.subf %bitcast3A_1172, %bitcast3A_1185 : vector<16xf32>
      %add3A_1203 = arith.addf %sub3A_1202, %get3A_1194 : vector<16xf32>
      %abs3A_1204 = math.absf %add3A_1203 : vector<16xf32>
      %add3A_1205 = arith.addf %broadcast_in_dim3A_1117, %abs3A_1204 : vector<16xf32>
      %sub3A_1206 = arith.subf %bitcast3A_1176, %bitcast3A_1189 : vector<16xf32>
      %add3A_1207 = arith.addf %sub3A_1206, %get3A_1201 : vector<16xf32>
      %abs3A_1208 = math.absf %add3A_1207 : vector<16xf32>
      %add3A_1209 = arith.addf %add3A_1205, %abs3A_1208 : vector<16xf32>
      %add3A_1210 = arith.constant 16 : i32
      %add3A_1211 = arith.addi %squeeze3A_1103, %add3A_1210 : i32
      %get3A_1212 = arith.index_cast %add3A_1101 : i32 to index
      %get3A_1213 = arith.index_cast %add3A_1211 : i32 to index
      %get3A_1214 = tpu.vector_load %arg23[%get3A_1212, %get3A_1213] {strides = array<i32>} : memref<128x128xi32, #tpu.memory_space<vmem>>, vector<16xi32>,
      %shift_left3A_1215 = arith.constant 16 : i32
      %shift_left3A_1216 = vector.broadcast %shift_left3A_1215 : i32 to vector<16xi32>
      %shift_left3A_1217 = arith.shli %get3A_1214, %shift_left3A_1216 : vector<16xi32>
      %bitcast3A_1218 = vector.bitcast %shift_left3A_1217 : vector<16xi32> to vector<16xf32>
      %and3A_1219 = arith.constant -65536 : i32
      %and3A_1220 = vector.broadcast %and3A_1219 : i32 to vector<16xi32>
      %and3A_1221 = arith.andi %get3A_1214, %and3A_1220 : vector<16xi32>
      %bitcast3A_1222 = vector.bitcast %and3A_1221 : vector<16xi32> to vector<16xf32>
      %add3A_1223 = arith.constant 16 : i32
      %add3A_1224 = arith.addi %squeeze3A_1105, %add3A_1223 : i32
      %get3A_1225 = arith.index_cast %add3A_1101 : i32 to index
      %get3A_1226 = arith.index_cast %add3A_1224 : i32 to index
      %get3A_1227 = tpu.vector_load %arg24[%get3A_1225, %get3A_1226] {strides = array<i32>} : memref<128x128xi32, #tpu.memory_space<vmem>>, vector<16xi32>,
      %shift_left3A_1228 = arith.constant 16 : i32
      %shift_left3A_1229 = vector.broadcast %shift_left3A_1228 : i32 to vector<16xi32>
      %shift_left3A_1230 = arith.shli %get3A_1227, %shift_left3A_1229 : vector<16xi32>
      %bitcast3A_1231 = vector.bitcast %shift_left3A_1230 : vector<16xi32> to vector<16xf32>
      %and3A_1232 = arith.constant -65536 : i32
      %and3A_1233 = vector.broadcast %and3A_1232 : i32 to vector<16xi32>
      %and3A_1234 = arith.andi %get3A_1227, %and3A_1233 : vector<16xi32>
      %bitcast3A_1235 = vector.bitcast %and3A_1234 : vector<16xi32> to vector<16xf32>
      %add3A_1236 = arith.constant 16 : i32
      %add3A_1237 = arith.addi %squeeze3A_1107, %add3A_1236 : i32
      %get3A_1238 = arith.index_cast %add3A_1101 : i32 to index
      %get3A_1239 = arith.index_cast %add3A_1237 : i32 to index
      %get3A_1240 = tpu.vector_load %arg25[%get3A_1238, %get3A_1239] {strides = array<i32>} : memref<128x128xf32, #tpu.memory_space<vmem>>, vector<16xf32>,
      %add3A_1241 = arith.constant 32 : i32
      %add3A_1242 = arith.addi %squeeze3A_1107, %add3A_1241 : i32
      %add3A_1243 = arith.constant 16 : i32
      %add3A_1244 = arith.addi %add3A_1242, %add3A_1243 : i32
      %get3A_1245 = arith.index_cast %add3A_1101 : i32 to index
      %get3A_1246 = arith.index_cast %add3A_1244 : i32 to index
      %get3A_1247 = tpu.vector_load %arg25[%get3A_1245, %get3A_1246] {strides = array<i32>} : memref<128x128xf32, #tpu.memory_space<vmem>>, vector<16xf32>,
      %sub3A_1248 = arith.subf %bitcast3A_1218, %bitcast3A_1231 : vector<16xf32>
      %add3A_1249 = arith.addf %sub3A_1248, %get3A_1240 : vector<16xf32>
      %abs3A_1250 = math.absf %add3A_1249 : vector<16xf32>
      %add3A_1251 = arith.addf %add3A_1163, %abs3A_1250 : vector<16xf32>
      %sub3A_1252 = arith.subf %bitcast3A_1222, %bitcast3A_1235 : vector<16xf32>
      %add3A_1253 = arith.addf %sub3A_1252, %get3A_1247 : vector<16xf32>
      %abs3A_1254 = math.absf %add3A_1253 : vector<16xf32>
      %add3A_1255 = arith.addf %add3A_1251, %abs3A_1254 : vector<16xf32>
      %add3A_1256 = arith.constant 16 : i32
      %add3A_1257 = arith.addi %squeeze3A_1109, %add3A_1256 : i32
      %get3A_1258 = arith.index_cast %add3A_1101 : i32 to index
      %get3A_1259 = arith.index_cast %add3A_1257 : i32 to index
      %get3A_1260 = tpu.vector_load %arg26[%get3A_1258, %get3A_1259] {strides = array<i32>} : memref<128x128xi32, #tpu.memory_space<vmem>>, vector<16xi32>,
      %shift_left3A_1261 = arith.constant 16 : i32
      %shift_left3A_1262 = vector.broadcast %shift_left3A_1261 : i32 to vector<16xi32>
      %shift_left3A_1263 = arith.shli %get3A_1260, %shift_left3A_1262 : vector<16xi32>
      %bitcast3A_1264 = vector.bitcast %shift_left3A_1263 : vector<16xi32> to vector<16xf32>
      %and3A_1265 = arith.constant -65536 : i32
      %and3A_1266 = vector.broadcast %and3A_1265 : i32 to vector<16xi32>
      %and3A_1267 = arith.andi %get3A_1260, %and3A_1266 : vector<16xi32>
      %bitcast3A_1268 = vector.bitcast %and3A_1267 : vector<16xi32> to vector<16xf32>
      %add3A_1269 = arith.constant 16 : i32
      %add3A_1270 = arith.addi %squeeze3A_1111, %add3A_1269 : i32
      %get3A_1271 = arith.index_cast %add3A_1101 : i32 to index
      %get3A_1272 = arith.index_cast %add3A_1270 : i32 to index
      %get3A_1273 = tpu.vector_load %arg27[%get3A_1271, %get3A_1272] {strides = array<i32>} : memref<128x128xi32, #tpu.memory_space<vmem>>, vector<16xi32>,
      %shift_left3A_1274 = arith.constant 16 : i32
      %shift_left3A_1275 = vector.broadcast %shift_left3A_1274 : i32 to vector<16xi32>
      %shift_left3A_1276 = arith.shli %get3A_1273, %shift_left3A_1275 : vector<16xi32>
      %bitcast3A_1277 = vector.bitcast %shift_left3A_1276 : vector<16xi32> to vector<16xf32>
      %and3A_1278 = arith.constant -65536 : i32
      %and3A_1279 = vector.broadcast %and3A_1278 : i32 to vector<16xi32>
      %and3A_1280 = arith.andi %get3A_1273, %and3A_1279 : vector<16xi32>
      %bitcast3A_1281 = vector.bitcast %and3A_1280 : vector<16xi32> to vector<16xf32>
      %add3A_1282 = arith.constant 16 : i32
      %add3A_1283 = arith.addi %squeeze3A_1113, %add3A_1282 : i32
      %get3A_1284 = arith.index_cast %add3A_1101 : i32 to index
      %get3A_1285 = arith.index_cast %add3A_1283 : i32 to index
      %get3A_1286 = tpu.vector_load %arg28[%get3A_1284, %get3A_1285] {strides = array<i32>} : memref<128x128xf32, #tpu.memory_space<vmem>>, vector<16xf32>,
      %add3A_1287 = arith.constant 32 : i32
      %add3A_1288 = arith.addi %squeeze3A_1113, %add3A_1287 : i32
      %add3A_1289 = arith.constant 16 : i32
      %add3A_1290 = arith.addi %add3A_1288, %add3A_1289 : i32
      %get3A_1291 = arith.index_cast %add3A_1101 : i32 to index
      %get3A_1292 = arith.index_cast %add3A_1290 : i32 to index
      %get3A_1293 = tpu.vector_load %arg28[%get3A_1291, %get3A_1292] {strides = array<i32>} : memref<128x128xf32, #tpu.memory_space<vmem>>, vector<16xf32>,
      %sub3A_1294 = arith.subf %bitcast3A_1264, %bitcast3A_1277 : vector<16xf32>
      %add3A_1295 = arith.addf %sub3A_1294, %get3A_1286 : vector<16xf32>
      %abs3A_1296 = math.absf %add3A_1295 : vector<16xf32>
      %add3A_1297 = arith.addf %add3A_1209, %abs3A_1296 : vector<16xf32>
      %sub3A_1298 = arith.subf %bitcast3A_1268, %bitcast3A_1281 : vector<16xf32>
      %add3A_1299 = arith.addf %sub3A_1298, %get3A_1293 : vector<16xf32>
      %abs3A_1300 = math.absf %add3A_1299 : vector<16xf32>
      %add3A_1301 = arith.addf %add3A_1297, %abs3A_1300 : vector<16xf32>
      %reduce_sum3A_1302 = arith.constant true
      %reduce_sum3A_1303 = vector.broadcast %reduce_sum3A_1302 : i1 to vector<16xi1>
      %reduce_sum3A_1304 = tpu.scan <sum>, %add3A_1255 masked %reduce_sum3A_1303 : vector<16xf32>, vector<16xi1> -> vector<16xf32>
      %reduce_sum3A_1305 = vector.extract %reduce_sum3A_1304[15] : f32 from vector<16xf32>
      %reduce_sum3A_1306 = arith.constant true
      %reduce_sum3A_1307 = vector.broadcast %reduce_sum3A_1306 : i1 to vector<16xi1>
      %reduce_sum3A_1308 = tpu.scan <sum>, %add3A_1301 masked %reduce_sum3A_1307 : vector<16xf32>, vector<16xi1> -> vector<16xf32>
      %reduce_sum3A_1309 = vector.extract %reduce_sum3A_1308[15] : f32 from vector<16xf32>
      %sub3A_1310 = arith.subf %reduce_sum3A_1305, %reduce_sum3A_1309 : f32
      %add3A_1311 = arith.constant 1.000000e+00 : f32
      %add3A_1312 = arith.addf %sub3A_1310, %add3A_1311 : f32
      %max3A_1313 = arith.constant 0.000000e+00 : f32
      %max3A_1314 = arith.maximumf %add3A_1312, %max3A_1313 : f32
      %add3A_1315 = arith.addf %add3A_1097, %max3A_1314 : f32
      %mul3A_1316 = arith.constant 16 : i32
      %mul3A_1317 = arith.muli %scan3A_605, %mul3A_1316 : i32
      %add3A_1318 = arith.constant 3 : i32
      %add3A_1319 = arith.addi %mul3A_1317, %add3A_1318 : i32
      %slice3A_1320 = vector.extract_strided_slice %mul3A_619 {offsets = [3], sizes = [1], strides = [1]} : vector<16xi32> to vector<1xi32>
      %squeeze3A_1321 = vector.extract %slice3A_1320[0] : i32 from vector<1xi32>
      %slice3A_1322 = vector.extract_strided_slice %mul3A_630 {offsets = [3], sizes = [1], strides = [1]} : vector<16xi32> to vector<1xi32>
      %squeeze3A_1323 = vector.extract %slice3A_1322[0] : i32 from vector<1xi32>
      %slice3A_1324 = vector.extract_strided_slice %mul3A_638 {offsets = [3], sizes = [1], strides = [1]} : vector<16xi32> to vector<1xi32>
      %squeeze3A_1325 = vector.extract %slice3A_1324[0] : i32 from vector<1xi32>
      %slice3A_1326 = vector.extract_strided_slice %mul3A_649 {offsets = [3], sizes = [1], strides = [1]} : vector<16xi32> to vector<1xi32>
      %squeeze3A_1327 = vector.extract %slice3A_1326[0] : i32 from vector<1xi32>
      %slice3A_1328 = vector.extract_strided_slice %mul3A_660 {offsets = [3], sizes = [1], strides = [1]} : vector<16xi32> to vector<1xi32>
      %squeeze3A_1329 = vector.extract %slice3A_1328[0] : i32 from vector<1xi32>
      %slice3A_1330 = vector.extract_strided_slice %mul3A_668 {offsets = [3], sizes = [1], strides = [1]} : vector<16xi32> to vector<1xi32>
      %squeeze3A_1331 = vector.extract %slice3A_1330[0] : i32 from vector<1xi32>
      %broadcast_in_dim3A_1332 = arith.constant 0.000000e+00 : f32
      %broadcast_in_dim3A_1333 = vector.broadcast %broadcast_in_dim3A_1332 : f32 to vector<16xf32>
      %broadcast_in_dim3A_1334 = arith.constant 0.000000e+00 : f32
      %broadcast_in_dim3A_1335 = vector.broadcast %broadcast_in_dim3A_1334 : f32 to vector<16xf32>
      %add3A_1336 = arith.constant 0 : i32
      %add3A_1337 = arith.addi %squeeze3A_1321, %add3A_1336 : i32
      %get3A_1338 = arith.index_cast %add3A_1319 : i32 to index
      %get3A_1339 = arith.index_cast %add3A_1337 : i32 to index
      %get3A_1340 = tpu.vector_load %arg23[%get3A_1338, %get3A_1339] {strides = array<i32>} : memref<128x128xi32, #tpu.memory_space<vmem>>, vector<16xi32>,
      %shift_left3A_1341 = arith.constant 16 : i32
      %shift_left3A_1342 = vector.broadcast %shift_left3A_1341 : i32 to vector<16xi32>
      %shift_left3A_1343 = arith.shli %get3A_1340, %shift_left3A_1342 : vector<16xi32>
      %bitcast3A_1344 = vector.bitcast %shift_left3A_1343 : vector<16xi32> to vector<16xf32>
      %and3A_1345 = arith.constant -65536 : i32
      %and3A_1346 = vector.broadcast %and3A_1345 : i32 to vector<16xi32>
      %and3A_1347 = arith.andi %get3A_1340, %and3A_1346 : vector<16xi32>
      %bitcast3A_1348 = vector.bitcast %and3A_1347 : vector<16xi32> to vector<16xf32>
      %add3A_1349 = arith.constant 0 : i32
      %add3A_1350 = arith.addi %squeeze3A_1323, %add3A_1349 : i32
      %get3A_1351 = arith.index_cast %add3A_1319 : i32 to index
      %get3A_1352 = arith.index_cast %add3A_1350 : i32 to index
      %get3A_1353 = tpu.vector_load %arg24[%get3A_1351, %get3A_1352] {strides = array<i32>} : memref<128x128xi32, #tpu.memory_space<vmem>>, vector<16xi32>,
      %shift_left3A_1354 = arith.constant 16 : i32
      %shift_left3A_1355 = vector.broadcast %shift_left3A_1354 : i32 to vector<16xi32>
      %shift_left3A_1356 = arith.shli %get3A_1353, %shift_left3A_1355 : vector<16xi32>
      %bitcast3A_1357 = vector.bitcast %shift_left3A_1356 : vector<16xi32> to vector<16xf32>
      %and3A_1358 = arith.constant -65536 : i32
      %and3A_1359 = vector.broadcast %and3A_1358 : i32 to vector<16xi32>
      %and3A_1360 = arith.andi %get3A_1353, %and3A_1359 : vector<16xi32>
      %bitcast3A_1361 = vector.bitcast %and3A_1360 : vector<16xi32> to vector<16xf32>
      %add3A_1362 = arith.constant 0 : i32
      %add3A_1363 = arith.addi %squeeze3A_1325, %add3A_1362 : i32
      %get3A_1364 = arith.index_cast %add3A_1319 : i32 to index
      %get3A_1365 = arith.index_cast %add3A_1363 : i32 to index
      %get3A_1366 = tpu.vector_load %arg25[%get3A_1364, %get3A_1365] {strides = array<i32>} : memref<128x128xf32, #tpu.memory_space<vmem>>, vector<16xf32>,
      %add3A_1367 = arith.constant 32 : i32
      %add3A_1368 = arith.addi %squeeze3A_1325, %add3A_1367 : i32
      %add3A_1369 = arith.constant 0 : i32
      %add3A_1370 = arith.addi %add3A_1368, %add3A_1369 : i32
      %get3A_1371 = arith.index_cast %add3A_1319 : i32 to index
      %get3A_1372 = arith.index_cast %add3A_1370 : i32 to index
      %get3A_1373 = tpu.vector_load %arg25[%get3A_1371, %get3A_1372] {strides = array<i32>} : memref<128x128xf32, #tpu.memory_space<vmem>>, vector<16xf32>,
      %sub3A_1374 = arith.subf %bitcast3A_1344, %bitcast3A_1357 : vector<16xf32>
      %add3A_1375 = arith.addf %sub3A_1374, %get3A_1366 : vector<16xf32>
      %abs3A_1376 = math.absf %add3A_1375 : vector<16xf32>
      %add3A_1377 = arith.addf %broadcast_in_dim3A_1333, %abs3A_1376 : vector<16xf32>
      %sub3A_1378 = arith.subf %bitcast3A_1348, %bitcast3A_1361 : vector<16xf32>
      %add3A_1379 = arith.addf %sub3A_1378, %get3A_1373 : vector<16xf32>
      %abs3A_1380 = math.absf %add3A_1379 : vector<16xf32>
      %add3A_1381 = arith.addf %add3A_1377, %abs3A_1380 : vector<16xf32>
      %add3A_1382 = arith.constant 0 : i32
      %add3A_1383 = arith.addi %squeeze3A_1327, %add3A_1382 : i32
      %get3A_1384 = arith.index_cast %add3A_1319 : i32 to index
      %get3A_1385 = arith.index_cast %add3A_1383 : i32 to index
      %get3A_1386 = tpu.vector_load %arg26[%get3A_1384, %get3A_1385] {strides = array<i32>} : memref<128x128xi32, #tpu.memory_space<vmem>>, vector<16xi32>,
      %shift_left3A_1387 = arith.constant 16 : i32
      %shift_left3A_1388 = vector.broadcast %shift_left3A_1387 : i32 to vector<16xi32>
      %shift_left3A_1389 = arith.shli %get3A_1386, %shift_left3A_1388 : vector<16xi32>
      %bitcast3A_1390 = vector.bitcast %shift_left3A_1389 : vector<16xi32> to vector<16xf32>
      %and3A_1391 = arith.constant -65536 : i32
      %and3A_1392 = vector.broadcast %and3A_1391 : i32 to vector<16xi32>
      %and3A_1393 = arith.andi %get3A_1386, %and3A_1392 : vector<16xi32>
      %bitcast3A_1394 = vector.bitcast %and3A_1393 : vector<16xi32> to vector<16xf32>
      %add3A_1395 = arith.constant 0 : i32
      %add3A_1396 = arith.addi %squeeze3A_1329, %add3A_1395 : i32
      %get3A_1397 = arith.index_cast %add3A_1319 : i32 to index
      %get3A_1398 = arith.index_cast %add3A_1396 : i32 to index
      %get3A_1399 = tpu.vector_load %arg27[%get3A_1397, %get3A_1398] {strides = array<i32>} : memref<128x128xi32, #tpu.memory_space<vmem>>, vector<16xi32>,
      %shift_left3A_1400 = arith.constant 16 : i32
      %shift_left3A_1401 = vector.broadcast %shift_left3A_1400 : i32 to vector<16xi32>
      %shift_left3A_1402 = arith.shli %get3A_1399, %shift_left3A_1401 : vector<16xi32>
      %bitcast3A_1403 = vector.bitcast %shift_left3A_1402 : vector<16xi32> to vector<16xf32>
      %and3A_1404 = arith.constant -65536 : i32
      %and3A_1405 = vector.broadcast %and3A_1404 : i32 to vector<16xi32>
      %and3A_1406 = arith.andi %get3A_1399, %and3A_1405 : vector<16xi32>
      %bitcast3A_1407 = vector.bitcast %and3A_1406 : vector<16xi32> to vector<16xf32>
      %add3A_1408 = arith.constant 0 : i32
      %add3A_1409 = arith.addi %squeeze3A_1331, %add3A_1408 : i32
      %get3A_1410 = arith.index_cast %add3A_1319 : i32 to index
      %get3A_1411 = arith.index_cast %add3A_1409 : i32 to index
      %get3A_1412 = tpu.vector_load %arg28[%get3A_1410, %get3A_1411] {strides = array<i32>} : memref<128x128xf32, #tpu.memory_space<vmem>>, vector<16xf32>,
      %add3A_1413 = arith.constant 32 : i32
      %add3A_1414 = arith.addi %squeeze3A_1331, %add3A_1413 : i32
      %add3A_1415 = arith.constant 0 : i32
      %add3A_1416 = arith.addi %add3A_1414, %add3A_1415 : i32
      %get3A_1417 = arith.index_cast %add3A_1319 : i32 to index
      %get3A_1418 = arith.index_cast %add3A_1416 : i32 to index
      %get3A_1419 = tpu.vector_load %arg28[%get3A_1417, %get3A_1418] {strides = array<i32>} : memref<128x128xf32, #tpu.memory_space<vmem>>, vector<16xf32>,
      %sub3A_1420 = arith.subf %bitcast3A_1390, %bitcast3A_1403 : vector<16xf32>
      %add3A_1421 = arith.addf %sub3A_1420, %get3A_1412 : vector<16xf32>
      %abs3A_1422 = math.absf %add3A_1421 : vector<16xf32>
      %add3A_1423 = arith.addf %broadcast_in_dim3A_1335, %abs3A_1422 : vector<16xf32>
      %sub3A_1424 = arith.subf %bitcast3A_1394, %bitcast3A_1407 : vector<16xf32>
      %add3A_1425 = arith.addf %sub3A_1424, %get3A_1419 : vector<16xf32>
      %abs3A_1426 = math.absf %add3A_1425 : vector<16xf32>
      %add3A_1427 = arith.addf %add3A_1423, %abs3A_1426 : vector<16xf32>
      %add3A_1428 = arith.constant 16 : i32
      %add3A_1429 = arith.addi %squeeze3A_1321, %add3A_1428 : i32
      %get3A_1430 = arith.index_cast %add3A_1319 : i32 to index
      %get3A_1431 = arith.index_cast %add3A_1429 : i32 to index
      %get3A_1432 = tpu.vector_load %arg23[%get3A_1430, %get3A_1431] {strides = array<i32>} : memref<128x128xi32, #tpu.memory_space<vmem>>, vector<16xi32>,
      %shift_left3A_1433 = arith.constant 16 : i32
      %shift_left3A_1434 = vector.broadcast %shift_left3A_1433 : i32 to vector<16xi32>
      %shift_left3A_1435 = arith.shli %get3A_1432, %shift_left3A_1434 : vector<16xi32>
      %bitcast3A_1436 = vector.bitcast %shift_left3A_1435 : vector<16xi32> to vector<16xf32>
      %and3A_1437 = arith.constant -65536 : i32
      %and3A_1438 = vector.broadcast %and3A_1437 : i32 to vector<16xi32>
      %and3A_1439 = arith.andi %get3A_1432, %and3A_1438 : vector<16xi32>
      %bitcast3A_1440 = vector.bitcast %and3A_1439 : vector<16xi32> to vector<16xf32>
      %add3A_1441 = arith.constant 16 : i32
      %add3A_1442 = arith.addi %squeeze3A_1323, %add3A_1441 : i32
      %get3A_1443 = arith.index_cast %add3A_1319 : i32 to index
      %get3A_1444 = arith.index_cast %add3A_1442 : i32 to index
      %get3A_1445 = tpu.vector_load %arg24[%get3A_1443, %get3A_1444] {strides = array<i32>} : memref<128x128xi32, #tpu.memory_space<vmem>>, vector<16xi32>,
      %shift_left3A_1446 = arith.constant 16 : i32
      %shift_left3A_1447 = vector.broadcast %shift_left3A_1446 : i32 to vector<16xi32>
      %shift_left3A_1448 = arith.shli %get3A_1445, %shift_left3A_1447 : vector<16xi32>
      %bitcast3A_1449 = vector.bitcast %shift_left3A_1448 : vector<16xi32> to vector<16xf32>
      %and3A_1450 = arith.constant -65536 : i32
      %and3A_1451 = vector.broadcast %and3A_1450 : i32 to vector<16xi32>
      %and3A_1452 = arith.andi %get3A_1445, %and3A_1451 : vector<16xi32>
      %bitcast3A_1453 = vector.bitcast %and3A_1452 : vector<16xi32> to vector<16xf32>
      %add3A_1454 = arith.constant 16 : i32
      %add3A_1455 = arith.addi %squeeze3A_1325, %add3A_1454 : i32
      %get3A_1456 = arith.index_cast %add3A_1319 : i32 to index
      %get3A_1457 = arith.index_cast %add3A_1455 : i32 to index
      %get3A_1458 = tpu.vector_load %arg25[%get3A_1456, %get3A_1457] {strides = array<i32>} : memref<128x128xf32, #tpu.memory_space<vmem>>, vector<16xf32>,
      %add3A_1459 = arith.constant 32 : i32
      %add3A_1460 = arith.addi %squeeze3A_1325, %add3A_1459 : i32
      %add3A_1461 = arith.constant 16 : i32
      %add3A_1462 = arith.addi %add3A_1460, %add3A_1461 : i32
      %get3A_1463 = arith.index_cast %add3A_1319 : i32 to index
      %get3A_1464 = arith.index_cast %add3A_1462 : i32 to index
      %get3A_1465 = tpu.vector_load %arg25[%get3A_1463, %get3A_1464] {strides = array<i32>} : memref<128x128xf32, #tpu.memory_space<vmem>>, vector<16xf32>,
      %sub3A_1466 = arith.subf %bitcast3A_1436, %bitcast3A_1449 : vector<16xf32>
      %add3A_1467 = arith.addf %sub3A_1466, %get3A_1458 : vector<16xf32>
      %abs3A_1468 = math.absf %add3A_1467 : vector<16xf32>
      %add3A_1469 = arith.addf %add3A_1381, %abs3A_1468 : vector<16xf32>
      %sub3A_1470 = arith.subf %bitcast3A_1440, %bitcast3A_1453 : vector<16xf32>
      %add3A_1471 = arith.addf %sub3A_1470, %get3A_1465 : vector<16xf32>
      %abs3A_1472 = math.absf %add3A_1471 : vector<16xf32>
      %add3A_1473 = arith.addf %add3A_1469, %abs3A_1472 : vector<16xf32>
      %add3A_1474 = arith.constant 16 : i32
      %add3A_1475 = arith.addi %squeeze3A_1327, %add3A_1474 : i32
      %get3A_1476 = arith.index_cast %add3A_1319 : i32 to index
      %get3A_1477 = arith.index_cast %add3A_1475 : i32 to index
      %get3A_1478 = tpu.vector_load %arg26[%get3A_1476, %get3A_1477] {strides = array<i32>} : memref<128x128xi32, #tpu.memory_space<vmem>>, vector<16xi32>,
      %shift_left3A_1479 = arith.constant 16 : i32
      %shift_left3A_1480 = vector.broadcast %shift_left3A_1479 : i32 to vector<16xi32>
      %shift_left3A_1481 = arith.shli %get3A_1478, %shift_left3A_1480 : vector<16xi32>
      %bitcast3A_1482 = vector.bitcast %shift_left3A_1481 : vector<16xi32> to vector<16xf32>
      %and3A_1483 = arith.constant -65536 : i32
      %and3A_1484 = vector.broadcast %and3A_1483 : i32 to vector<16xi32>
      %and3A_1485 = arith.andi %get3A_1478, %and3A_1484 : vector<16xi32>
      %bitcast3A_1486 = vector.bitcast %and3A_1485 : vector<16xi32> to vector<16xf32>
      %add3A_1487 = arith.constant 16 : i32
      %add3A_1488 = arith.addi %squeeze3A_1329, %add3A_1487 : i32
      %get3A_1489 = arith.index_cast %add3A_1319 : i32 to index
      %get3A_1490 = arith.index_cast %add3A_1488 : i32 to index
      %get3A_1491 = tpu.vector_load %arg27[%get3A_1489, %get3A_1490] {strides = array<i32>} : memref<128x128xi32, #tpu.memory_space<vmem>>, vector<16xi32>,
      %shift_left3A_1492 = arith.constant 16 : i32
      %shift_left3A_1493 = vector.broadcast %shift_left3A_1492 : i32 to vector<16xi32>
      %shift_left3A_1494 = arith.shli %get3A_1491, %shift_left3A_1493 : vector<16xi32>
      %bitcast3A_1495 = vector.bitcast %shift_left3A_1494 : vector<16xi32> to vector<16xf32>
      %and3A_1496 = arith.constant -65536 : i32
      %and3A_1497 = vector.broadcast %and3A_1496 : i32 to vector<16xi32>
      %and3A_1498 = arith.andi %get3A_1491, %and3A_1497 : vector<16xi32>
      %bitcast3A_1499 = vector.bitcast %and3A_1498 : vector<16xi32> to vector<16xf32>
      %add3A_1500 = arith.constant 16 : i32
      %add3A_1501 = arith.addi %squeeze3A_1331, %add3A_1500 : i32
      %get3A_1502 = arith.index_cast %add3A_1319 : i32 to index
      %get3A_1503 = arith.index_cast %add3A_1501 : i32 to index
      %get3A_1504 = tpu.vector_load %arg28[%get3A_1502, %get3A_1503] {strides = array<i32>} : memref<128x128xf32, #tpu.memory_space<vmem>>, vector<16xf32>,
      %add3A_1505 = arith.constant 32 : i32
      %add3A_1506 = arith.addi %squeeze3A_1331, %add3A_1505 : i32
      %add3A_1507 = arith.constant 16 : i32
      %add3A_1508 = arith.addi %add3A_1506, %add3A_1507 : i32
      %get3A_1509 = arith.index_cast %add3A_1319 : i32 to index
      %get3A_1510 = arith.index_cast %add3A_1508 : i32 to index
      %get3A_1511 = tpu.vector_load %arg28[%get3A_1509, %get3A_1510] {strides = array<i32>} : memref<128x128xf32, #tpu.memory_space<vmem>>, vector<16xf32>,
      %sub3A_1512 = arith.subf %bitcast3A_1482, %bitcast3A_1495 : vector<16xf32>
      %add3A_1513 = arith.addf %sub3A_1512, %get3A_1504 : vector<16xf32>
      %abs3A_1514 = math.absf %add3A_1513 : vector<16xf32>
      %add3A_1515 = arith.addf %add3A_1427, %abs3A_1514 : vector<16xf32>
      %sub3A_1516 = arith.subf %bitcast3A_1486, %bitcast3A_1499 : vector<16xf32>
      %add3A_1517 = arith.addf %sub3A_1516, %get3A_1511 : vector<16xf32>
      %abs3A_1518 = math.absf %add3A_1517 : vector<16xf32>
      %add3A_1519 = arith.addf %add3A_1515, %abs3A_1518 : vector<16xf32>
      %reduce_sum3A_1520 = arith.constant true
      %reduce_sum3A_1521 = vector.broadcast %reduce_sum3A_1520 : i1 to vector<16xi1>
      %reduce_sum3A_1522 = tpu.scan <sum>, %add3A_1473 masked %reduce_sum3A_1521 : vector<16xf32>, vector<16xi1> -> vector<16xf32>
      %reduce_sum3A_1523 = vector.extract %reduce_sum3A_1522[15] : f32 from vector<16xf32>
      %reduce_sum3A_1524 = arith.constant true
      %reduce_sum3A_1525 = vector.broadcast %reduce_sum3A_1524 : i1 to vector<16xi1>
      %reduce_sum3A_1526 = tpu.scan <sum>, %add3A_1519 masked %reduce_sum3A_1525 : vector<16xf32>, vector<16xi1> -> vector<16xf32>
      %reduce_sum3A_1527 = vector.extract %reduce_sum3A_1526[15] : f32 from vector<16xf32>
      %sub3A_1528 = arith.subf %reduce_sum3A_1523, %reduce_sum3A_1527 : f32
      %add3A_1529 = arith.constant 1.000000e+00 : f32
      %add3A_1530 = arith.addf %sub3A_1528, %add3A_1529 : f32
      %max3A_1531 = arith.constant 0.000000e+00 : f32
      %max3A_1532 = arith.maximumf %add3A_1530, %max3A_1531 : f32
      %add3A_1533 = arith.addf %add3A_1315, %max3A_1532 : f32
      %mul3A_1534 = arith.constant 16 : i32
      %mul3A_1535 = arith.muli %scan3A_605, %mul3A_1534 : i32
      %add3A_1536 = arith.constant 4 : i32
      %add3A_1537 = arith.addi %mul3A_1535, %add3A_1536 : i32
      %slice3A_1538 = vector.extract_strided_slice %mul3A_619 {offsets = [4], sizes = [1], strides = [1]} : vector<16xi32> to vector<1xi32>
      %squeeze3A_1539 = vector.extract %slice3A_1538[0] : i32 from vector<1xi32>
      %slice3A_1540 = vector.extract_strided_slice %mul3A_630 {offsets = [4], sizes = [1], strides = [1]} : vector<16xi32> to vector<1xi32>
      %squeeze3A_1541 = vector.extract %slice3A_1540[0] : i32 from vector<1xi32>
      %slice3A_1542 = vector.extract_strided_slice %mul3A_638 {offsets = [4], sizes = [1], strides = [1]} : vector<16xi32> to vector<1xi32>
      %squeeze3A_1543 = vector.extract %slice3A_1542[0] : i32 from vector<1xi32>
      %slice3A_1544 = vector.extract_strided_slice %mul3A_649 {offsets = [4], sizes = [1], strides = [1]} : vector<16xi32> to vector<1xi32>
      %squeeze3A_1545 = vector.extract %slice3A_1544[0] : i32 from vector<1xi32>
      %slice3A_1546 = vector.extract_strided_slice %mul3A_660 {offsets = [4], sizes = [1], strides = [1]} : vector<16xi32> to vector<1xi32>
      %squeeze3A_1547 = vector.extract %slice3A_1546[0] : i32 from vector<1xi32>
      %slice3A_1548 = vector.extract_strided_slice %mul3A_668 {offsets = [4], sizes = [1], strides = [1]} : vector<16xi32> to vector<1xi32>
      %squeeze3A_1549 = vector.extract %slice3A_1548[0] : i32 from vector<1xi32>
      %broadcast_in_dim3A_1550 = arith.constant 0.000000e+00 : f32
      %broadcast_in_dim3A_1551 = vector.broadcast %broadcast_in_dim3A_1550 : f32 to vector<16xf32>
      %broadcast_in_dim3A_1552 = arith.constant 0.000000e+00 : f32
      %broadcast_in_dim3A_1553 = vector.broadcast %broadcast_in_dim3A_1552 : f32 to vector<16xf32>
      %add3A_1554 = arith.constant 0 : i32
      %add3A_1555 = arith.addi %squeeze3A_1539, %add3A_1554 : i32
      %get3A_1556 = arith.index_cast %add3A_1537 : i32 to index
      %get3A_1557 = arith.index_cast %add3A_1555 : i32 to index
      %get3A_1558 = tpu.vector_load %arg23[%get3A_1556, %get3A_1557] {strides = array<i32>} : memref<128x128xi32, #tpu.memory_space<vmem>>, vector<16xi32>,
      %shift_left3A_1559 = arith.constant 16 : i32
      %shift_left3A_1560 = vector.broadcast %shift_left3A_1559 : i32 to vector<16xi32>
      %shift_left3A_1561 = arith.shli %get3A_1558, %shift_left3A_1560 : vector<16xi32>
      %bitcast3A_1562 = vector.bitcast %shift_left3A_1561 : vector<16xi32> to vector<16xf32>
      %and3A_1563 = arith.constant -65536 : i32
      %and3A_1564 = vector.broadcast %and3A_1563 : i32 to vector<16xi32>
      %and3A_1565 = arith.andi %get3A_1558, %and3A_1564 : vector<16xi32>
      %bitcast3A_1566 = vector.bitcast %and3A_1565 : vector<16xi32> to vector<16xf32>
      %add3A_1567 = arith.constant 0 : i32
      %add3A_1568 = arith.addi %squeeze3A_1541, %add3A_1567 : i32
      %get3A_1569 = arith.index_cast %add3A_1537 : i32 to index
      %get3A_1570 = arith.index_cast %add3A_1568 : i32 to index
      %get3A_1571 = tpu.vector_load %arg24[%get3A_1569, %get3A_1570] {strides = array<i32>} : memref<128x128xi32, #tpu.memory_space<vmem>>, vector<16xi32>,
      %shift_left3A_1572 = arith.constant 16 : i32
      %shift_left3A_1573 = vector.broadcast %shift_left3A_1572 : i32 to vector<16xi32>
      %shift_left3A_1574 = arith.shli %get3A_1571, %shift_left3A_1573 : vector<16xi32>
      %bitcast3A_1575 = vector.bitcast %shift_left3A_1574 : vector<16xi32> to vector<16xf32>
      %and3A_1576 = arith.constant -65536 : i32
      %and3A_1577 = vector.broadcast %and3A_1576 : i32 to vector<16xi32>
      %and3A_1578 = arith.andi %get3A_1571, %and3A_1577 : vector<16xi32>
      %bitcast3A_1579 = vector.bitcast %and3A_1578 : vector<16xi32> to vector<16xf32>
      %add3A_1580 = arith.constant 0 : i32
      %add3A_1581 = arith.addi %squeeze3A_1543, %add3A_1580 : i32
      %get3A_1582 = arith.index_cast %add3A_1537 : i32 to index
      %get3A_1583 = arith.index_cast %add3A_1581 : i32 to index
      %get3A_1584 = tpu.vector_load %arg25[%get3A_1582, %get3A_1583] {strides = array<i32>} : memref<128x128xf32, #tpu.memory_space<vmem>>, vector<16xf32>,
      %add3A_1585 = arith.constant 32 : i32
      %add3A_1586 = arith.addi %squeeze3A_1543, %add3A_1585 : i32
      %add3A_1587 = arith.constant 0 : i32
      %add3A_1588 = arith.addi %add3A_1586, %add3A_1587 : i32
      %get3A_1589 = arith.index_cast %add3A_1537 : i32 to index
      %get3A_1590 = arith.index_cast %add3A_1588 : i32 to index
      %get3A_1591 = tpu.vector_load %arg25[%get3A_1589, %get3A_1590] {strides = array<i32>} : memref<128x128xf32, #tpu.memory_space<vmem>>, vector<16xf32>,
      %sub3A_1592 = arith.subf %bitcast3A_1562, %bitcast3A_1575 : vector<16xf32>
      %add3A_1593 = arith.addf %sub3A_1592, %get3A_1584 : vector<16xf32>
      %abs3A_1594 = math.absf %add3A_1593 : vector<16xf32>
      %add3A_1595 = arith.addf %broadcast_in_dim3A_1551, %abs3A_1594 : vector<16xf32>
      %sub3A_1596 = arith.subf %bitcast3A_1566, %bitcast3A_1579 : vector<16xf32>
      %add3A_1597 = arith.addf %sub3A_1596, %get3A_1591 : vector<16xf32>
      %abs3A_1598 = math.absf %add3A_1597 : vector<16xf32>
      %add3A_1599 = arith.addf %add3A_1595, %abs3A_1598 : vector<16xf32>
      %add3A_1600 = arith.constant 0 : i32
      %add3A_1601 = arith.addi %squeeze3A_1545, %add3A_1600 : i32
      %get3A_1602 = arith.index_cast %add3A_1537 : i32 to index
      %get3A_1603 = arith.index_cast %add3A_1601 : i32 to index
      %get3A_1604 = tpu.vector_load %arg26[%get3A_1602, %get3A_1603] {strides = array<i32>} : memref<128x128xi32, #tpu.memory_space<vmem>>, vector<16xi32>,
      %shift_left3A_1605 = arith.constant 16 : i32
      %shift_left3A_1606 = vector.broadcast %shift_left3A_1605 : i32 to vector<16xi32>
      %shift_left3A_1607 = arith.shli %get3A_1604, %shift_left3A_1606 : vector<16xi32>
      %bitcast3A_1608 = vector.bitcast %shift_left3A_1607 : vector<16xi32> to vector<16xf32>
      %and3A_1609 = arith.constant -65536 : i32
      %and3A_1610 = vector.broadcast %and3A_1609 : i32 to vector<16xi32>
      %and3A_1611 = arith.andi %get3A_1604, %and3A_1610 : vector<16xi32>
      %bitcast3A_1612 = vector.bitcast %and3A_1611 : vector<16xi32> to vector<16xf32>
      %add3A_1613 = arith.constant 0 : i32
      %add3A_1614 = arith.addi %squeeze3A_1547, %add3A_1613 : i32
      %get3A_1615 = arith.index_cast %add3A_1537 : i32 to index
      %get3A_1616 = arith.index_cast %add3A_1614 : i32 to index
      %get3A_1617 = tpu.vector_load %arg27[%get3A_1615, %get3A_1616] {strides = array<i32>} : memref<128x128xi32, #tpu.memory_space<vmem>>, vector<16xi32>,
      %shift_left3A_1618 = arith.constant 16 : i32
      %shift_left3A_1619 = vector.broadcast %shift_left3A_1618 : i32 to vector<16xi32>
      %shift_left3A_1620 = arith.shli %get3A_1617, %shift_left3A_1619 : vector<16xi32>
      %bitcast3A_1621 = vector.bitcast %shift_left3A_1620 : vector<16xi32> to vector<16xf32>
      %and3A_1622 = arith.constant -65536 : i32
      %and3A_1623 = vector.broadcast %and3A_1622 : i32 to vector<16xi32>
      %and3A_1624 = arith.andi %get3A_1617, %and3A_1623 : vector<16xi32>
      %bitcast3A_1625 = vector.bitcast %and3A_1624 : vector<16xi32> to vector<16xf32>
      %add3A_1626 = arith.constant 0 : i32
      %add3A_1627 = arith.addi %squeeze3A_1549, %add3A_1626 : i32
      %get3A_1628 = arith.index_cast %add3A_1537 : i32 to index
      %get3A_1629 = arith.index_cast %add3A_1627 : i32 to index
      %get3A_1630 = tpu.vector_load %arg28[%get3A_1628, %get3A_1629] {strides = array<i32>} : memref<128x128xf32, #tpu.memory_space<vmem>>, vector<16xf32>,
      %add3A_1631 = arith.constant 32 : i32
      %add3A_1632 = arith.addi %squeeze3A_1549, %add3A_1631 : i32
      %add3A_1633 = arith.constant 0 : i32
      %add3A_1634 = arith.addi %add3A_1632, %add3A_1633 : i32
      %get3A_1635 = arith.index_cast %add3A_1537 : i32 to index
      %get3A_1636 = arith.index_cast %add3A_1634 : i32 to index
      %get3A_1637 = tpu.vector_load %arg28[%get3A_1635, %get3A_1636] {strides = array<i32>} : memref<128x128xf32, #tpu.memory_space<vmem>>, vector<16xf32>,
      %sub3A_1638 = arith.subf %bitcast3A_1608, %bitcast3A_1621 : vector<16xf32>
      %add3A_1639 = arith.addf %sub3A_1638, %get3A_1630 : vector<16xf32>
      %abs3A_1640 = math.absf %add3A_1639 : vector<16xf32>
      %add3A_1641 = arith.addf %broadcast_in_dim3A_1553, %abs3A_1640 : vector<16xf32>
      %sub3A_1642 = arith.subf %bitcast3A_1612, %bitcast3A_1625 : vector<16xf32>
      %add3A_1643 = arith.addf %sub3A_1642, %get3A_1637 : vector<16xf32>
      %abs3A_1644 = math.absf %add3A_1643 : vector<16xf32>
      %add3A_1645 = arith.addf %add3A_1641, %abs3A_1644 : vector<16xf32>
      %add3A_1646 = arith.constant 16 : i32
      %add3A_1647 = arith.addi %squeeze3A_1539, %add3A_1646 : i32
      %get3A_1648 = arith.index_cast %add3A_1537 : i32 to index
      %get3A_1649 = arith.index_cast %add3A_1647 : i32 to index
      %get3A_1650 = tpu.vector_load %arg23[%get3A_1648, %get3A_1649] {strides = array<i32>} : memref<128x128xi32, #tpu.memory_space<vmem>>, vector<16xi32>,
      %shift_left3A_1651 = arith.constant 16 : i32
      %shift_left3A_1652 = vector.broadcast %shift_left3A_1651 : i32 to vector<16xi32>
      %shift_left3A_1653 = arith.shli %get3A_1650, %shift_left3A_1652 : vector<16xi32>
      %bitcast3A_1654 = vector.bitcast %shift_left3A_1653 : vector<16xi32> to vector<16xf32>
      %and3A_1655 = arith.constant -65536 : i32
      %and3A_1656 = vector.broadcast %and3A_1655 : i32 to vector<16xi32>
      %and3A_1657 = arith.andi %get3A_1650, %and3A_1656 : vector<16xi32>
      %bitcast3A_1658 = vector.bitcast %and3A_1657 : vector<16xi32> to vector<16xf32>
      %add3A_1659 = arith.constant 16 : i32
      %add3A_1660 = arith.addi %squeeze3A_1541, %add3A_1659 : i32
      %get3A_1661 = arith.index_cast %add3A_1537 : i32 to index
      %get3A_1662 = arith.index_cast %add3A_1660 : i32 to index
      %get3A_1663 = tpu.vector_load %arg24[%get3A_1661, %get3A_1662] {strides = array<i32>} : memref<128x128xi32, #tpu.memory_space<vmem>>, vector<16xi32>,
      %shift_left3A_1664 = arith.constant 16 : i32
      %shift_left3A_1665 = vector.broadcast %shift_left3A_1664 : i32 to vector<16xi32>
      %shift_left3A_1666 = arith.shli %get3A_1663, %shift_left3A_1665 : vector<16xi32>
      %bitcast3A_1667 = vector.bitcast %shift_left3A_1666 : vector<16xi32> to vector<16xf32>
      %and3A_1668 = arith.constant -65536 : i32
      %and3A_1669 = vector.broadcast %and3A_1668 : i32 to vector<16xi32>
      %and3A_1670 = arith.andi %get3A_1663, %and3A_1669 : vector<16xi32>
      %bitcast3A_1671 = vector.bitcast %and3A_1670 : vector<16xi32> to vector<16xf32>
      %add3A_1672 = arith.constant 16 : i32
      %add3A_1673 = arith.addi %squeeze3A_1543, %add3A_1672 : i32
      %get3A_1674 = arith.index_cast %add3A_1537 : i32 to index
      %get3A_1675 = arith.index_cast %add3A_1673 : i32 to index
      %get3A_1676 = tpu.vector_load %arg25[%get3A_1674, %get3A_1675] {strides = array<i32>} : memref<128x128xf32, #tpu.memory_space<vmem>>, vector<16xf32>,
      %add3A_1677 = arith.constant 32 : i32
      %add3A_1678 = arith.addi %squeeze3A_1543, %add3A_1677 : i32
      %add3A_1679 = arith.constant 16 : i32
      %add3A_1680 = arith.addi %add3A_1678, %add3A_1679 : i32
      %get3A_1681 = arith.index_cast %add3A_1537 : i32 to index
      %get3A_1682 = arith.index_cast %add3A_1680 : i32 to index
      %get3A_1683 = tpu.vector_load %arg25[%get3A_1681, %get3A_1682] {strides = array<i32>} : memref<128x128xf32, #tpu.memory_space<vmem>>, vector<16xf32>,
      %sub3A_1684 = arith.subf %bitcast3A_1654, %bitcast3A_1667 : vector<16xf32>
      %add3A_1685 = arith.addf %sub3A_1684, %get3A_1676 : vector<16xf32>
      %abs3A_1686 = math.absf %add3A_1685 : vector<16xf32>
      %add3A_1687 = arith.addf %add3A_1599, %abs3A_1686 : vector<16xf32>
      %sub3A_1688 = arith.subf %bitcast3A_1658, %bitcast3A_1671 : vector<16xf32>
      %add3A_1689 = arith.addf %sub3A_1688, %get3A_1683 : vector<16xf32>
      %abs3A_1690 = math.absf %add3A_1689 : vector<16xf32>
      %add3A_1691 = arith.addf %add3A_1687, %abs3A_1690 : vector<16xf32>
      %add3A_1692 = arith.constant 16 : i32
      %add3A_1693 = arith.addi %squeeze3A_1545, %add3A_1692 : i32
      %get3A_1694 = arith.index_cast %add3A_1537 : i32 to index
      %get3A_1695 = arith.index_cast %add3A_1693 : i32 to index
      %get3A_1696 = tpu.vector_load %arg26[%get3A_1694, %get3A_1695] {strides = array<i32>} : memref<128x128xi32, #tpu.memory_space<vmem>>, vector<16xi32>,
      %shift_left3A_1697 = arith.constant 16 : i32
      %shift_left3A_1698 = vector.broadcast %shift_left3A_1697 : i32 to vector<16xi32>
      %shift_left3A_1699 = arith.shli %get3A_1696, %shift_left3A_1698 : vector<16xi32>
      %bitcast3A_1700 = vector.bitcast %shift_left3A_1699 : vector<16xi32> to vector<16xf32>
      %and3A_1701 = arith.constant -65536 : i32
      %and3A_1702 = vector.broadcast %and3A_1701 : i32 to vector<16xi32>
      %and3A_1703 = arith.andi %get3A_1696, %and3A_1702 : vector<16xi32>
      %bitcast3A_1704 = vector.bitcast %and3A_1703 : vector<16xi32> to vector<16xf32>
      %add3A_1705 = arith.constant 16 : i32
      %add3A_1706 = arith.addi %squeeze3A_1547, %add3A_1705 : i32
      %get3A_1707 = arith.index_cast %add3A_1537 : i32 to index
      %get3A_1708 = arith.index_cast %add3A_1706 : i32 to index
      %get3A_1709 = tpu.vector_load %arg27[%get3A_1707, %get3A_1708] {strides = array<i32>} : memref<128x128xi32, #tpu.memory_space<vmem>>, vector<16xi32>,
      %shift_left3A_1710 = arith.constant 16 : i32
      %shift_left3A_1711 = vector.broadcast %shift_left3A_1710 : i32 to vector<16xi32>
      %shift_left3A_1712 = arith.shli %get3A_1709, %shift_left3A_1711 : vector<16xi32>
      %bitcast3A_1713 = vector.bitcast %shift_left3A_1712 : vector<16xi32> to vector<16xf32>
      %and3A_1714 = arith.constant -65536 : i32
      %and3A_1715 = vector.broadcast %and3A_1714 : i32 to vector<16xi32>
      %and3A_1716 = arith.andi %get3A_1709, %and3A_1715 : vector<16xi32>
      %bitcast3A_1717 = vector.bitcast %and3A_1716 : vector<16xi32> to vector<16xf32>
      %add3A_1718 = arith.constant 16 : i32
      %add3A_1719 = arith.addi %squeeze3A_1549, %add3A_1718 : i32
      %get3A_1720 = arith.index_cast %add3A_1537 : i32 to index
      %get3A_1721 = arith.index_cast %add3A_1719 : i32 to index
      %get3A_1722 = tpu.vector_load %arg28[%get3A_1720, %get3A_1721] {strides = array<i32>} : memref<128x128xf32, #tpu.memory_space<vmem>>, vector<16xf32>,
      %add3A_1723 = arith.constant 32 : i32
      %add3A_1724 = arith.addi %squeeze3A_1549, %add3A_1723 : i32
      %add3A_1725 = arith.constant 16 : i32
      %add3A_1726 = arith.addi %add3A_1724, %add3A_1725 : i32
      %get3A_1727 = arith.index_cast %add3A_1537 : i32 to index
      %get3A_1728 = arith.index_cast %add3A_1726 : i32 to index
      %get3A_1729 = tpu.vector_load %arg28[%get3A_1727, %get3A_1728] {strides = array<i32>} : memref<128x128xf32, #tpu.memory_space<vmem>>, vector<16xf32>,
      %sub3A_1730 = arith.subf %bitcast3A_1700, %bitcast3A_1713 : vector<16xf32>
      %add3A_1731 = arith.addf %sub3A_1730, %get3A_1722 : vector<16xf32>
      %abs3A_1732 = math.absf %add3A_1731 : vector<16xf32>
      %add3A_1733 = arith.addf %add3A_1645, %abs3A_1732 : vector<16xf32>
      %sub3A_1734 = arith.subf %bitcast3A_1704, %bitcast3A_1717 : vector<16xf32>
      %add3A_1735 = arith.addf %sub3A_1734, %get3A_1729 : vector<16xf32>
      %abs3A_1736 = math.absf %add3A_1735 : vector<16xf32>
      %add3A_1737 = arith.addf %add3A_1733, %abs3A_1736 : vector<16xf32>
      %reduce_sum3A_1738 = arith.constant true
      %reduce_sum3A_1739 = vector.broadcast %reduce_sum3A_1738 : i1 to vector<16xi1>
      %reduce_sum3A_1740 = tpu.scan <sum>, %add3A_1691 masked %reduce_sum3A_1739 : vector<16xf32>, vector<16xi1> -> vector<16xf32>
      %reduce_sum3A_1741 = vector.extract %reduce_sum3A_1740[15] : f32 from vector<16xf32>
      %reduce_sum3A_1742 = arith.constant true
      %reduce_sum3A_1743 = vector.broadcast %reduce_sum3A_1742 : i1 to vector<16xi1>
      %reduce_sum3A_1744 = tpu.scan <sum>, %add3A_1737 masked %reduce_sum3A_1743 : vector<16xf32>, vector<16xi1> -> vector<16xf32>
      %reduce_sum3A_1745 = vector.extract %reduce_sum3A_1744[15] : f32 from vector<16xf32>
      %sub3A_1746 = arith.subf %reduce_sum3A_1741, %reduce_sum3A_1745 : f32
      %add3A_1747 = arith.constant 1.000000e+00 : f32
      %add3A_1748 = arith.addf %sub3A_1746, %add3A_1747 : f32
      %max3A_1749 = arith.constant 0.000000e+00 : f32
      %max3A_1750 = arith.maximumf %add3A_1748, %max3A_1749 : f32
      %add3A_1751 = arith.addf %add3A_1533, %max3A_1750 : f32
      %mul3A_1752 = arith.constant 16 : i32
      %mul3A_1753 = arith.muli %scan3A_605, %mul3A_1752 : i32
      %add3A_1754 = arith.constant 5 : i32
      %add3A_1755 = arith.addi %mul3A_1753, %add3A_1754 : i32
      %slice3A_1756 = vector.extract_strided_slice %mul3A_619 {offsets = [5], sizes = [1], strides = [1]} : vector<16xi32> to vector<1xi32>
      %squeeze3A_1757 = vector.extract %slice3A_1756[0] : i32 from vector<1xi32>
      %slice3A_1758 = vector.extract_strided_slice %mul3A_630 {offsets = [5], sizes = [1], strides = [1]} : vector<16xi32> to vector<1xi32>
      %squeeze3A_1759 = vector.extract %slice3A_1758[0] : i32 from vector<1xi32>
      %slice3A_1760 = vector.extract_strided_slice %mul3A_638 {offsets = [5], sizes = [1], strides = [1]} : vector<16xi32> to vector<1xi32>
      %squeeze3A_1761 = vector.extract %slice3A_1760[0] : i32 from vector<1xi32>
      %slice3A_1762 = vector.extract_strided_slice %mul3A_649 {offsets = [5], sizes = [1], strides = [1]} : vector<16xi32> to vector<1xi32>
      %squeeze3A_1763 = vector.extract %slice3A_1762[0] : i32 from vector<1xi32>
      %slice3A_1764 = vector.extract_strided_slice %mul3A_660 {offsets = [5], sizes = [1], strides = [1]} : vector<16xi32> to vector<1xi32>
      %squeeze3A_1765 = vector.extract %slice3A_1764[0] : i32 from vector<1xi32>
      %slice3A_1766 = vector.extract_strided_slice %mul3A_668 {offsets = [5], sizes = [1], strides = [1]} : vector<16xi32> to vector<1xi32>
      %squeeze3A_1767 = vector.extract %slice3A_1766[0] : i32 from vector<1xi32>
      %broadcast_in_dim3A_1768 = arith.constant 0.000000e+00 : f32
      %broadcast_in_dim3A_1769 = vector.broadcast %broadcast_in_dim3A_1768 : f32 to vector<16xf32>
      %broadcast_in_dim3A_1770 = arith.constant 0.000000e+00 : f32
      %broadcast_in_dim3A_1771 = vector.broadcast %broadcast_in_dim3A_1770 : f32 to vector<16xf32>
      %add3A_1772 = arith.constant 0 : i32
      %add3A_1773 = arith.addi %squeeze3A_1757, %add3A_1772 : i32
      %get3A_1774 = arith.index_cast %add3A_1755 : i32 to index
      %get3A_1775 = arith.index_cast %add3A_1773 : i32 to index
      %get3A_1776 = tpu.vector_load %arg23[%get3A_1774, %get3A_1775] {strides = array<i32>} : memref<128x128xi32, #tpu.memory_space<vmem>>, vector<16xi32>,
      %shift_left3A_1777 = arith.constant 16 : i32
      %shift_left3A_1778 = vector.broadcast %shift_left3A_1777 : i32 to vector<16xi32>
      %shift_left3A_1779 = arith.shli %get3A_1776, %shift_left3A_1778 : vector<16xi32>
      %bitcast3A_1780 = vector.bitcast %shift_left3A_1779 : vector<16xi32> to vector<16xf32>
      %and3A_1781 = arith.constant -65536 : i32
      %and3A_1782 = vector.broadcast %and3A_1781 : i32 to vector<16xi32>
      %and3A_1783 = arith.andi %get3A_1776, %and3A_1782 : vector<16xi32>
      %bitcast3A_1784 = vector.bitcast %and3A_1783 : vector<16xi32> to vector<16xf32>
      %add3A_1785 = arith.constant 0 : i32
      %add3A_1786 = arith.addi %squeeze3A_1759, %add3A_1785 : i32
      %get3A_1787 = arith.index_cast %add3A_1755 : i32 to index
      %get3A_1788 = arith.index_cast %add3A_1786 : i32 to index
      %get3A_1789 = tpu.vector_load %arg24[%get3A_1787, %get3A_1788] {strides = array<i32>} : memref<128x128xi32, #tpu.memory_space<vmem>>, vector<16xi32>,
      %shift_left3A_1790 = arith.constant 16 : i32
      %shift_left3A_1791 = vector.broadcast %shift_left3A_1790 : i32 to vector<16xi32>
      %shift_left3A_1792 = arith.shli %get3A_1789, %shift_left3A_1791 : vector<16xi32>
      %bitcast3A_1793 = vector.bitcast %shift_left3A_1792 : vector<16xi32> to vector<16xf32>
      %and3A_1794 = arith.constant -65536 : i32
      %and3A_1795 = vector.broadcast %and3A_1794 : i32 to vector<16xi32>
      %and3A_1796 = arith.andi %get3A_1789, %and3A_1795 : vector<16xi32>
      %bitcast3A_1797 = vector.bitcast %and3A_1796 : vector<16xi32> to vector<16xf32>
      %add3A_1798 = arith.constant 0 : i32
      %add3A_1799 = arith.addi %squeeze3A_1761, %add3A_1798 : i32
      %get3A_1800 = arith.index_cast %add3A_1755 : i32 to index
      %get3A_1801 = arith.index_cast %add3A_1799 : i32 to index
      %get3A_1802 = tpu.vector_load %arg25[%get3A_1800, %get3A_1801] {strides = array<i32>} : memref<128x128xf32, #tpu.memory_space<vmem>>, vector<16xf32>,
      %add3A_1803 = arith.constant 32 : i32
      %add3A_1804 = arith.addi %squeeze3A_1761, %add3A_1803 : i32
      %add3A_1805 = arith.constant 0 : i32
      %add3A_1806 = arith.addi %add3A_1804, %add3A_1805 : i32
      %get3A_1807 = arith.index_cast %add3A_1755 : i32 to index
      %get3A_1808 = arith.index_cast %add3A_1806 : i32 to index
      %get3A_1809 = tpu.vector_load %arg25[%get3A_1807, %get3A_1808] {strides = array<i32>} : memref<128x128xf32, #tpu.memory_space<vmem>>, vector<16xf32>,
      %sub3A_1810 = arith.subf %bitcast3A_1780, %bitcast3A_1793 : vector<16xf32>
      %add3A_1811 = arith.addf %sub3A_1810, %get3A_1802 : vector<16xf32>
      %abs3A_1812 = math.absf %add3A_1811 : vector<16xf32>
      %add3A_1813 = arith.addf %broadcast_in_dim3A_1769, %abs3A_1812 : vector<16xf32>
      %sub3A_1814 = arith.subf %bitcast3A_1784, %bitcast3A_1797 : vector<16xf32>
      %add3A_1815 = arith.addf %sub3A_1814, %get3A_1809 : vector<16xf32>
      %abs3A_1816 = math.absf %add3A_1815 : vector<16xf32>
      %add3A_1817 = arith.addf %add3A_1813, %abs3A_1816 : vector<16xf32>
      %add3A_1818 = arith.constant 0 : i32
      %add3A_1819 = arith.addi %squeeze3A_1763, %add3A_1818 : i32
      %get3A_1820 = arith.index_cast %add3A_1755 : i32 to index
      %get3A_1821 = arith.index_cast %add3A_1819 : i32 to index
      %get3A_1822 = tpu.vector_load %arg26[%get3A_1820, %get3A_1821] {strides = array<i32>} : memref<128x128xi32, #tpu.memory_space<vmem>>, vector<16xi32>,
      %shift_left3A_1823 = arith.constant 16 : i32
      %shift_left3A_1824 = vector.broadcast %shift_left3A_1823 : i32 to vector<16xi32>
      %shift_left3A_1825 = arith.shli %get3A_1822, %shift_left3A_1824 : vector<16xi32>
      %bitcast3A_1826 = vector.bitcast %shift_left3A_1825 : vector<16xi32> to vector<16xf32>
      %and3A_1827 = arith.constant -65536 : i32
      %and3A_1828 = vector.broadcast %and3A_1827 : i32 to vector<16xi32>
      %and3A_1829 = arith.andi %get3A_1822, %and3A_1828 : vector<16xi32>
      %bitcast3A_1830 = vector.bitcast %and3A_1829 : vector<16xi32> to vector<16xf32>
      %add3A_1831 = arith.constant 0 : i32
      %add3A_1832 = arith.addi %squeeze3A_1765, %add3A_1831 : i32
      %get3A_1833 = arith.index_cast %add3A_1755 : i32 to index
      %get3A_1834 = arith.index_cast %add3A_1832 : i32 to index
      %get3A_1835 = tpu.vector_load %arg27[%get3A_1833, %get3A_1834] {strides = array<i32>} : memref<128x128xi32, #tpu.memory_space<vmem>>, vector<16xi32>,
      %shift_left3A_1836 = arith.constant 16 : i32
      %shift_left3A_1837 = vector.broadcast %shift_left3A_1836 : i32 to vector<16xi32>
      %shift_left3A_1838 = arith.shli %get3A_1835, %shift_left3A_1837 : vector<16xi32>
      %bitcast3A_1839 = vector.bitcast %shift_left3A_1838 : vector<16xi32> to vector<16xf32>
      %and3A_1840 = arith.constant -65536 : i32
      %and3A_1841 = vector.broadcast %and3A_1840 : i32 to vector<16xi32>
      %and3A_1842 = arith.andi %get3A_1835, %and3A_1841 : vector<16xi32>
      %bitcast3A_1843 = vector.bitcast %and3A_1842 : vector<16xi32> to vector<16xf32>
      %add3A_1844 = arith.constant 0 : i32
      %add3A_1845 = arith.addi %squeeze3A_1767, %add3A_1844 : i32
      %get3A_1846 = arith.index_cast %add3A_1755 : i32 to index
      %get3A_1847 = arith.index_cast %add3A_1845 : i32 to index
      %get3A_1848 = tpu.vector_load %arg28[%get3A_1846, %get3A_1847] {strides = array<i32>} : memref<128x128xf32, #tpu.memory_space<vmem>>, vector<16xf32>,
      %add3A_1849 = arith.constant 32 : i32
      %add3A_1850 = arith.addi %squeeze3A_1767, %add3A_1849 : i32
      %add3A_1851 = arith.constant 0 : i32
      %add3A_1852 = arith.addi %add3A_1850, %add3A_1851 : i32
      %get3A_1853 = arith.index_cast %add3A_1755 : i32 to index
      %get3A_1854 = arith.index_cast %add3A_1852 : i32 to index
      %get3A_1855 = tpu.vector_load %arg28[%get3A_1853, %get3A_1854] {strides = array<i32>} : memref<128x128xf32, #tpu.memory_space<vmem>>, vector<16xf32>,
      %sub3A_1856 = arith.subf %bitcast3A_1826, %bitcast3A_1839 : vector<16xf32>
      %add3A_1857 = arith.addf %sub3A_1856, %get3A_1848 : vector<16xf32>
      %abs3A_1858 = math.absf %add3A_1857 : vector<16xf32>
      %add3A_1859 = arith.addf %broadcast_in_dim3A_1771, %abs3A_1858 : vector<16xf32>
      %sub3A_1860 = arith.subf %bitcast3A_1830, %bitcast3A_1843 : vector<16xf32>
      %add3A_1861 = arith.addf %sub3A_1860, %get3A_1855 : vector<16xf32>
      %abs3A_1862 = math.absf %add3A_1861 : vector<16xf32>
      %add3A_1863 = arith.addf %add3A_1859, %abs3A_1862 : vector<16xf32>
      %add3A_1864 = arith.constant 16 : i32
      %add3A_1865 = arith.addi %squeeze3A_1757, %add3A_1864 : i32
      %get3A_1866 = arith.index_cast %add3A_1755 : i32 to index
      %get3A_1867 = arith.index_cast %add3A_1865 : i32 to index
      %get3A_1868 = tpu.vector_load %arg23[%get3A_1866, %get3A_1867] {strides = array<i32>} : memref<128x128xi32, #tpu.memory_space<vmem>>, vector<16xi32>,
      %shift_left3A_1869 = arith.constant 16 : i32
      %shift_left3A_1870 = vector.broadcast %shift_left3A_1869 : i32 to vector<16xi32>
      %shift_left3A_1871 = arith.shli %get3A_1868, %shift_left3A_1870 : vector<16xi32>
      %bitcast3A_1872 = vector.bitcast %shift_left3A_1871 : vector<16xi32> to vector<16xf32>
      %and3A_1873 = arith.constant -65536 : i32
      %and3A_1874 = vector.broadcast %and3A_1873 : i32 to vector<16xi32>
      %and3A_1875 = arith.andi %get3A_1868, %and3A_1874 : vector<16xi32>
      %bitcast3A_1876 = vector.bitcast %and3A_1875 : vector<16xi32> to vector<16xf32>
      %add3A_1877 = arith.constant 16 : i32
      %add3A_1878 = arith.addi %squeeze3A_1759, %add3A_1877 : i32
      %get3A_1879 = arith.index_cast %add3A_1755 : i32 to index
      %get3A_1880 = arith.index_cast %add3A_1878 : i32 to index
      %get3A_1881 = tpu.vector_load %arg24[%get3A_1879, %get3A_1880] {strides = array<i32>} : memref<128x128xi32, #tpu.memory_space<vmem>>, vector<16xi32>,
      %shift_left3A_1882 = arith.constant 16 : i32
      %shift_left3A_1883 = vector.broadcast %shift_left3A_1882 : i32 to vector<16xi32>
      %shift_left3A_1884 = arith.shli %get3A_1881, %shift_left3A_1883 : vector<16xi32>
      %bitcast3A_1885 = vector.bitcast %shift_left3A_1884 : vector<16xi32> to vector<16xf32>
      %and3A_1886 = arith.constant -65536 : i32
      %and3A_1887 = vector.broadcast %and3A_1886 : i32 to vector<16xi32>
      %and3A_1888 = arith.andi %get3A_1881, %and3A_1887 : vector<16xi32>
      %bitcast3A_1889 = vector.bitcast %and3A_1888 : vector<16xi32> to vector<16xf32>
      %add3A_1890 = arith.constant 16 : i32
      %add3A_1891 = arith.addi %squeeze3A_1761, %add3A_1890 : i32
      %get3A_1892 = arith.index_cast %add3A_1755 : i32 to index
      %get3A_1893 = arith.index_cast %add3A_1891 : i32 to index
      %get3A_1894 = tpu.vector_load %arg25[%get3A_1892, %get3A_1893] {strides = array<i32>} : memref<128x128xf32, #tpu.memory_space<vmem>>, vector<16xf32>,
      %add3A_1895 = arith.constant 32 : i32
      %add3A_1896 = arith.addi %squeeze3A_1761, %add3A_1895 : i32
      %add3A_1897 = arith.constant 16 : i32
      %add3A_1898 = arith.addi %add3A_1896, %add3A_1897 : i32
      %get3A_1899 = arith.index_cast %add3A_1755 : i32 to index
      %get3A_1900 = arith.index_cast %add3A_1898 : i32 to index
      %get3A_1901 = tpu.vector_load %arg25[%get3A_1899, %get3A_1900] {strides = array<i32>} : memref<128x128xf32, #tpu.memory_space<vmem>>, vector<16xf32>,
      %sub3A_1902 = arith.subf %bitcast3A_1872, %bitcast3A_1885 : vector<16xf32>
      %add3A_1903 = arith.addf %sub3A_1902, %get3A_1894 : vector<16xf32>
      %abs3A_1904 = math.absf %add3A_1903 : vector<16xf32>
      %add3A_1905 = arith.addf %add3A_1817, %abs3A_1904 : vector<16xf32>
      %sub3A_1906 = arith.subf %bitcast3A_1876, %bitcast3A_1889 : vector<16xf32>
      %add3A_1907 = arith.addf %sub3A_1906, %get3A_1901 : vector<16xf32>
      %abs3A_1908 = math.absf %add3A_1907 : vector<16xf32>
      %add3A_1909 = arith.addf %add3A_1905, %abs3A_1908 : vector<16xf32>
      %add3A_1910 = arith.constant 16 : i32
      %add3A_1911 = arith.addi %squeeze3A_1763, %add3A_1910 : i32
      %get3A_1912 = arith.index_cast %add3A_1755 : i32 to index
      %get3A_1913 = arith.index_cast %add3A_1911 : i32 to index
      %get3A_1914 = tpu.vector_load %arg26[%get3A_1912, %get3A_1913] {strides = array<i32>} : memref<128x128xi32, #tpu.memory_space<vmem>>, vector<16xi32>,
      %shift_left3A_1915 = arith.constant 16 : i32
      %shift_left3A_1916 = vector.broadcast %shift_left3A_1915 : i32 to vector<16xi32>
      %shift_left3A_1917 = arith.shli %get3A_1914, %shift_left3A_1916 : vector<16xi32>
      %bitcast3A_1918 = vector.bitcast %shift_left3A_1917 : vector<16xi32> to vector<16xf32>
      %and3A_1919 = arith.constant -65536 : i32
      %and3A_1920 = vector.broadcast %and3A_1919 : i32 to vector<16xi32>
      %and3A_1921 = arith.andi %get3A_1914, %and3A_1920 : vector<16xi32>
      %bitcast3A_1922 = vector.bitcast %and3A_1921 : vector<16xi32> to vector<16xf32>
      %add3A_1923 = arith.constant 16 : i32
      %add3A_1924 = arith.addi %squeeze3A_1765, %add3A_1923 : i32
      %get3A_1925 = arith.index_cast %add3A_1755 : i32 to index
      %get3A_1926 = arith.index_cast %add3A_1924 : i32 to index
      %get3A_1927 = tpu.vector_load %arg27[%get3A_1925, %get3A_1926] {strides = array<i32>} : memref<128x128xi32, #tpu.memory_space<vmem>>, vector<16xi32>,
      %shift_left3A_1928 = arith.constant 16 : i32
      %shift_left3A_1929 = vector.broadcast %shift_left3A_1928 : i32 to vector<16xi32>
      %shift_left3A_1930 = arith.shli %get3A_1927, %shift_left3A_1929 : vector<16xi32>
      %bitcast3A_1931 = vector.bitcast %shift_left3A_1930 : vector<16xi32> to vector<16xf32>
      %and3A_1932 = arith.constant -65536 : i32
      %and3A_1933 = vector.broadcast %and3A_1932 : i32 to vector<16xi32>
      %and3A_1934 = arith.andi %get3A_1927, %and3A_1933 : vector<16xi32>
      %bitcast3A_1935 = vector.bitcast %and3A_1934 : vector<16xi32> to vector<16xf32>
      %add3A_1936 = arith.constant 16 : i32
      %add3A_1937 = arith.addi %squeeze3A_1767, %add3A_1936 : i32
      %get3A_1938 = arith.index_cast %add3A_1755 : i32 to index
      %get3A_1939 = arith.index_cast %add3A_1937 : i32 to index
      %get3A_1940 = tpu.vector_load %arg28[%get3A_1938, %get3A_1939] {strides = array<i32>} : memref<128x128xf32, #tpu.memory_space<vmem>>, vector<16xf32>,
      %add3A_1941 = arith.constant 32 : i32
      %add3A_1942 = arith.addi %squeeze3A_1767, %add3A_1941 : i32
      %add3A_1943 = arith.constant 16 : i32
      %add3A_1944 = arith.addi %add3A_1942, %add3A_1943 : i32
      %get3A_1945 = arith.index_cast %add3A_1755 : i32 to index
      %get3A_1946 = arith.index_cast %add3A_1944 : i32 to index
      %get3A_1947 = tpu.vector_load %arg28[%get3A_1945, %get3A_1946] {strides = array<i32>} : memref<128x128xf32, #tpu.memory_space<vmem>>, vector<16xf32>,
      %sub3A_1948 = arith.subf %bitcast3A_1918, %bitcast3A_1931 : vector<16xf32>
      %add3A_1949 = arith.addf %sub3A_1948, %get3A_1940 : vector<16xf32>
      %abs3A_1950 = math.absf %add3A_1949 : vector<16xf32>
      %add3A_1951 = arith.addf %add3A_1863, %abs3A_1950 : vector<16xf32>
      %sub3A_1952 = arith.subf %bitcast3A_1922, %bitcast3A_1935 : vector<16xf32>
      %add3A_1953 = arith.addf %sub3A_1952, %get3A_1947 : vector<16xf32>
      %abs3A_1954 = math.absf %add3A_1953 : vector<16xf32>
      %add3A_1955 = arith.addf %add3A_1951, %abs3A_1954 : vector<16xf32>
      %reduce_sum3A_1956 = arith.constant true
      %reduce_sum3A_1957 = vector.broadcast %reduce_sum3A_1956 : i1 to vector<16xi1>
      %reduce_sum3A_1958 = tpu.scan <sum>, %add3A_1909 masked %reduce_sum3A_1957 : vector<16xf32>, vector<16xi1> -> vector<16xf32>
      %reduce_sum3A_1959 = vector.extract %reduce_sum3A_1958[15] : f32 from vector<16xf32>
      %reduce_sum3A_1960 = arith.constant true
      %reduce_sum3A_1961 = vector.broadcast %reduce_sum3A_1960 : i1 to vector<16xi1>
      %reduce_sum3A_1962 = tpu.scan <sum>, %add3A_1955 masked %reduce_sum3A_1961 : vector<16xf32>, vector<16xi1> -> vector<16xf32>
      %reduce_sum3A_1963 = vector.extract %reduce_sum3A_1962[15] : f32 from vector<16xf32>
      %sub3A_1964 = arith.subf %reduce_sum3A_1959, %reduce_sum3A_1963 : f32
      %add3A_1965 = arith.constant 1.000000e+00 : f32
      %add3A_1966 = arith.addf %sub3A_1964, %add3A_1965 : f32
      %max3A_1967 = arith.constant 0.000000e+00 : f32
      %max3A_1968 = arith.maximumf %add3A_1966, %max3A_1967 : f32
      %add3A_1969 = arith.addf %add3A_1751, %max3A_1968 : f32
      %mul3A_1970 = arith.constant 16 : i32
      %mul3A_1971 = arith.muli %scan3A_605, %mul3A_1970 : i32
      %add3A_1972 = arith.constant 6 : i32
      %add3A_1973 = arith.addi %mul3A_1971, %add3A_1972 : i32
      %slice3A_1974 = vector.extract_strided_slice %mul3A_619 {offsets = [6], sizes = [1], strides = [1]} : vector<16xi32> to vector<1xi32>
      %squeeze3A_1975 = vector.extract %slice3A_1974[0] : i32 from vector<1xi32>
      %slice3A_1976 = vector.extract_strided_slice %mul3A_630 {offsets = [6], sizes = [1], strides = [1]} : vector<16xi32> to vector<1xi32>
      %squeeze3A_1977 = vector.extract %slice3A_1976[0] : i32 from vector<1xi32>
      %slice3A_1978 = vector.extract_strided_slice %mul3A_638 {offsets = [6], sizes = [1], strides = [1]} : vector<16xi32> to vector<1xi32>
      %squeeze3A_1979 = vector.extract %slice3A_1978[0] : i32 from vector<1xi32>
      %slice3A_1980 = vector.extract_strided_slice %mul3A_649 {offsets = [6], sizes = [1], strides = [1]} : vector<16xi32> to vector<1xi32>
      %squeeze3A_1981 = vector.extract %slice3A_1980[0] : i32 from vector<1xi32>
      %slice3A_1982 = vector.extract_strided_slice %mul3A_660 {offsets = [6], sizes = [1], strides = [1]} : vector<16xi32> to vector<1xi32>
      %squeeze3A_1983 = vector.extract %slice3A_1982[0] : i32 from vector<1xi32>
      %slice3A_1984 = vector.extract_strided_slice %mul3A_668 {offsets = [6], sizes = [1], strides = [1]} : vector<16xi32> to vector<1xi32>
      %squeeze3A_1985 = vector.extract %slice3A_1984[0] : i32 from vector<1xi32>
      %broadcast_in_dim3A_1986 = arith.constant 0.000000e+00 : f32
      %broadcast_in_dim3A_1987 = vector.broadcast %broadcast_in_dim3A_1986 : f32 to vector<16xf32>
      %broadcast_in_dim3A_1988 = arith.constant 0.000000e+00 : f32
      %broadcast_in_dim3A_1989 = vector.broadcast %broadcast_in_dim3A_1988 : f32 to vector<16xf32>
      %add3A_1990 = arith.constant 0 : i32
      %add3A_1991 = arith.addi %squeeze3A_1975, %add3A_1990 : i32
      %get3A_1992 = arith.index_cast %add3A_1973 : i32 to index
      %get3A_1993 = arith.index_cast %add3A_1991 : i32 to index
      %get3A_1994 = tpu.vector_load %arg23[%get3A_1992, %get3A_1993] {strides = array<i32>} : memref<128x128xi32, #tpu.memory_space<vmem>>, vector<16xi32>,
      %shift_left3A_1995 = arith.constant 16 : i32
      %shift_left3A_1996 = vector.broadcast %shift_left3A_1995 : i32 to vector<16xi32>
      %shift_left3A_1997 = arith.shli %get3A_1994, %shift_left3A_1996 : vector<16xi32>
      %bitcast3A_1998 = vector.bitcast %shift_left3A_1997 : vector<16xi32> to vector<16xf32>
      %and3A_1999 = arith.constant -65536 : i32
      %and3A_2000 = vector.broadcast %and3A_1999 : i32 to vector<16xi32>
      %and3A_2001 = arith.andi %get3A_1994, %and3A_2000 : vector<16xi32>
      %bitcast3A_2002 = vector.bitcast %and3A_2001 : vector<16xi32> to vector<16xf32>
      %add3A_2003 = arith.constant 0 : i32
      %add3A_2004 = arith.addi %squeeze3A_1977, %add3A_2003 : i32
      %get3A_2005 = arith.index_cast %add3A_1973 : i32 to index
      %get3A_2006 = arith.index_cast %add3A_2004 : i32 to index
      %get3A_2007 = tpu.vector_load %arg24[%get3A_2005, %get3A_2006] {strides = array<i32>} : memref<128x128xi32, #tpu.memory_space<vmem>>, vector<16xi32>,
      %shift_left3A_2008 = arith.constant 16 : i32
      %shift_left3A_2009 = vector.broadcast %shift_left3A_2008 : i32 to vector<16xi32>
      %shift_left3A_2010 = arith.shli %get3A_2007, %shift_left3A_2009 : vector<16xi32>
      %bitcast3A_2011 = vector.bitcast %shift_left3A_2010 : vector<16xi32> to vector<16xf32>
      %and3A_2012 = arith.constant -65536 : i32
      %and3A_2013 = vector.broadcast %and3A_2012 : i32 to vector<16xi32>
      %and3A_2014 = arith.andi %get3A_2007, %and3A_2013 : vector<16xi32>
      %bitcast3A_2015 = vector.bitcast %and3A_2014 : vector<16xi32> to vector<16xf32>
      %add3A_2016 = arith.constant 0 : i32
      %add3A_2017 = arith.addi %squeeze3A_1979, %add3A_2016 : i32
      %get3A_2018 = arith.index_cast %add3A_1973 : i32 to index
      %get3A_2019 = arith.index_cast %add3A_2017 : i32 to index
      %get3A_2020 = tpu.vector_load %arg25[%get3A_2018, %get3A_2019] {strides = array<i32>} : memref<128x128xf32, #tpu.memory_space<vmem>>, vector<16xf32>,
      %add3A_2021 = arith.constant 32 : i32
      %add3A_2022 = arith.addi %squeeze3A_1979, %add3A_2021 : i32
      %add3A_2023 = arith.constant 0 : i32
      %add3A_2024 = arith.addi %add3A_2022, %add3A_2023 : i32
      %get3A_2025 = arith.index_cast %add3A_1973 : i32 to index
      %get3A_2026 = arith.index_cast %add3A_2024 : i32 to index
      %get3A_2027 = tpu.vector_load %arg25[%get3A_2025, %get3A_2026] {strides = array<i32>} : memref<128x128xf32, #tpu.memory_space<vmem>>, vector<16xf32>,
      %sub3A_2028 = arith.subf %bitcast3A_1998, %bitcast3A_2011 : vector<16xf32>
      %add3A_2029 = arith.addf %sub3A_2028, %get3A_2020 : vector<16xf32>
      %abs3A_2030 = math.absf %add3A_2029 : vector<16xf32>
      %add3A_2031 = arith.addf %broadcast_in_dim3A_1987, %abs3A_2030 : vector<16xf32>
      %sub3A_2032 = arith.subf %bitcast3A_2002, %bitcast3A_2015 : vector<16xf32>
      %add3A_2033 = arith.addf %sub3A_2032, %get3A_2027 : vector<16xf32>
      %abs3A_2034 = math.absf %add3A_2033 : vector<16xf32>
      %add3A_2035 = arith.addf %add3A_2031, %abs3A_2034 : vector<16xf32>
      %add3A_2036 = arith.constant 0 : i32
      %add3A_2037 = arith.addi %squeeze3A_1981, %add3A_2036 : i32
      %get3A_2038 = arith.index_cast %add3A_1973 : i32 to index
      %get3A_2039 = arith.index_cast %add3A_2037 : i32 to index
      %get3A_2040 = tpu.vector_load %arg26[%get3A_2038, %get3A_2039] {strides = array<i32>} : memref<128x128xi32, #tpu.memory_space<vmem>>, vector<16xi32>,
      %shift_left3A_2041 = arith.constant 16 : i32
      %shift_left3A_2042 = vector.broadcast %shift_left3A_2041 : i32 to vector<16xi32>
      %shift_left3A_2043 = arith.shli %get3A_2040, %shift_left3A_2042 : vector<16xi32>
      %bitcast3A_2044 = vector.bitcast %shift_left3A_2043 : vector<16xi32> to vector<16xf32>
      %and3A_2045 = arith.constant -65536 : i32
      %and3A_2046 = vector.broadcast %and3A_2045 : i32 to vector<16xi32>
      %and3A_2047 = arith.andi %get3A_2040, %and3A_2046 : vector<16xi32>
      %bitcast3A_2048 = vector.bitcast %and3A_2047 : vector<16xi32> to vector<16xf32>
      %add3A_2049 = arith.constant 0 : i32
      %add3A_2050 = arith.addi %squeeze3A_1983, %add3A_2049 : i32
      %get3A_2051 = arith.index_cast %add3A_1973 : i32 to index
      %get3A_2052 = arith.index_cast %add3A_2050 : i32 to index
      %get3A_2053 = tpu.vector_load %arg27[%get3A_2051, %get3A_2052] {strides = array<i32>} : memref<128x128xi32, #tpu.memory_space<vmem>>, vector<16xi32>,
      %shift_left3A_2054 = arith.constant 16 : i32
      %shift_left3A_2055 = vector.broadcast %shift_left3A_2054 : i32 to vector<16xi32>
      %shift_left3A_2056 = arith.shli %get3A_2053, %shift_left3A_2055 : vector<16xi32>
      %bitcast3A_2057 = vector.bitcast %shift_left3A_2056 : vector<16xi32> to vector<16xf32>
      %and3A_2058 = arith.constant -65536 : i32
      %and3A_2059 = vector.broadcast %and3A_2058 : i32 to vector<16xi32>
      %and3A_2060 = arith.andi %get3A_2053, %and3A_2059 : vector<16xi32>
      %bitcast3A_2061 = vector.bitcast %and3A_2060 : vector<16xi32> to vector<16xf32>
      %add3A_2062 = arith.constant 0 : i32
      %add3A_2063 = arith.addi %squeeze3A_1985, %add3A_2062 : i32
      %get3A_2064 = arith.index_cast %add3A_1973 : i32 to index
      %get3A_2065 = arith.index_cast %add3A_2063 : i32 to index
      %get3A_2066 = tpu.vector_load %arg28[%get3A_2064, %get3A_2065] {strides = array<i32>} : memref<128x128xf32, #tpu.memory_space<vmem>>, vector<16xf32>,
      %add3A_2067 = arith.constant 32 : i32
      %add3A_2068 = arith.addi %squeeze3A_1985, %add3A_2067 : i32
      %add3A_2069 = arith.constant 0 : i32
      %add3A_2070 = arith.addi %add3A_2068, %add3A_2069 : i32
      %get3A_2071 = arith.index_cast %add3A_1973 : i32 to index
      %get3A_2072 = arith.index_cast %add3A_2070 : i32 to index
      %get3A_2073 = tpu.vector_load %arg28[%get3A_2071, %get3A_2072] {strides = array<i32>} : memref<128x128xf32, #tpu.memory_space<vmem>>, vector<16xf32>,
      %sub3A_2074 = arith.subf %bitcast3A_2044, %bitcast3A_2057 : vector<16xf32>
      %add3A_2075 = arith.addf %sub3A_2074, %get3A_2066 : vector<16xf32>
      %abs3A_2076 = math.absf %add3A_2075 : vector<16xf32>
      %add3A_2077 = arith.addf %broadcast_in_dim3A_1989, %abs3A_2076 : vector<16xf32>
      %sub3A_2078 = arith.subf %bitcast3A_2048, %bitcast3A_2061 : vector<16xf32>
      %add3A_2079 = arith.addf %sub3A_2078, %get3A_2073 : vector<16xf32>
      %abs3A_2080 = math.absf %add3A_2079 : vector<16xf32>
      %add3A_2081 = arith.addf %add3A_2077, %abs3A_2080 : vector<16xf32>
      %add3A_2082 = arith.constant 16 : i32
      %add3A_2083 = arith.addi %squeeze3A_1975, %add3A_2082 : i32
      %get3A_2084 = arith.index_cast %add3A_1973 : i32 to index
      %get3A_2085 = arith.index_cast %add3A_2083 : i32 to index
      %get3A_2086 = tpu.vector_load %arg23[%get3A_2084, %get3A_2085] {strides = array<i32>} : memref<128x128xi32, #tpu.memory_space<vmem>>, vector<16xi32>,
      %shift_left3A_2087 = arith.constant 16 : i32
      %shift_left3A_2088 = vector.broadcast %shift_left3A_2087 : i32 to vector<16xi32>
      %shift_left3A_2089 = arith.shli %get3A_2086, %shift_left3A_2088 : vector<16xi32>
      %bitcast3A_2090 = vector.bitcast %shift_left3A_2089 : vector<16xi32> to vector<16xf32>
      %and3A_2091 = arith.constant -65536 : i32
      %and3A_2092 = vector.broadcast %and3A_2091 : i32 to vector<16xi32>
      %and3A_2093 = arith.andi %get3A_2086, %and3A_2092 : vector<16xi32>
      %bitcast3A_2094 = vector.bitcast %and3A_2093 : vector<16xi32> to vector<16xf32>
      %add3A_2095 = arith.constant 16 : i32
      %add3A_2096 = arith.addi %squeeze3A_1977, %add3A_2095 : i32
      %get3A_2097 = arith.index_cast %add3A_1973 : i32 to index
      %get3A_2098 = arith.index_cast %add3A_2096 : i32 to index
      %get3A_2099 = tpu.vector_load %arg24[%get3A_2097, %get3A_2098] {strides = array<i32>} : memref<128x128xi32, #tpu.memory_space<vmem>>, vector<16xi32>,
      %shift_left3A_2100 = arith.constant 16 : i32
      %shift_left3A_2101 = vector.broadcast %shift_left3A_2100 : i32 to vector<16xi32>
      %shift_left3A_2102 = arith.shli %get3A_2099, %shift_left3A_2101 : vector<16xi32>
      %bitcast3A_2103 = vector.bitcast %shift_left3A_2102 : vector<16xi32> to vector<16xf32>
      %and3A_2104 = arith.constant -65536 : i32
      %and3A_2105 = vector.broadcast %and3A_2104 : i32 to vector<16xi32>
      %and3A_2106 = arith.andi %get3A_2099, %and3A_2105 : vector<16xi32>
      %bitcast3A_2107 = vector.bitcast %and3A_2106 : vector<16xi32> to vector<16xf32>
      %add3A_2108 = arith.constant 16 : i32
      %add3A_2109 = arith.addi %squeeze3A_1979, %add3A_2108 : i32
      %get3A_2110 = arith.index_cast %add3A_1973 : i32 to index
      %get3A_2111 = arith.index_cast %add3A_2109 : i32 to index
      %get3A_2112 = tpu.vector_load %arg25[%get3A_2110, %get3A_2111] {strides = array<i32>} : memref<128x128xf32, #tpu.memory_space<vmem>>, vector<16xf32>,
      %add3A_2113 = arith.constant 32 : i32
      %add3A_2114 = arith.addi %squeeze3A_1979, %add3A_2113 : i32
      %add3A_2115 = arith.constant 16 : i32
      %add3A_2116 = arith.addi %add3A_2114, %add3A_2115 : i32
      %get3A_2117 = arith.index_cast %add3A_1973 : i32 to index
      %get3A_2118 = arith.index_cast %add3A_2116 : i32 to index
      %get3A_2119 = tpu.vector_load %arg25[%get3A_2117, %get3A_2118] {strides = array<i32>} : memref<128x128xf32, #tpu.memory_space<vmem>>, vector<16xf32>,
      %sub3A_2120 = arith.subf %bitcast3A_2090, %bitcast3A_2103 : vector<16xf32>
      %add3A_2121 = arith.addf %sub3A_2120, %get3A_2112 : vector<16xf32>
      %abs3A_2122 = math.absf %add3A_2121 : vector<16xf32>
      %add3A_2123 = arith.addf %add3A_2035, %abs3A_2122 : vector<16xf32>
      %sub3A_2124 = arith.subf %bitcast3A_2094, %bitcast3A_2107 : vector<16xf32>
      %add3A_2125 = arith.addf %sub3A_2124, %get3A_2119 : vector<16xf32>
      %abs3A_2126 = math.absf %add3A_2125 : vector<16xf32>
      %add3A_2127 = arith.addf %add3A_2123, %abs3A_2126 : vector<16xf32>
      %add3A_2128 = arith.constant 16 : i32
      %add3A_2129 = arith.addi %squeeze3A_1981, %add3A_2128 : i32
      %get3A_2130 = arith.index_cast %add3A_1973 : i32 to index
      %get3A_2131 = arith.index_cast %add3A_2129 : i32 to index
      %get3A_2132 = tpu.vector_load %arg26[%get3A_2130, %get3A_2131] {strides = array<i32>} : memref<128x128xi32, #tpu.memory_space<vmem>>, vector<16xi32>,
      %shift_left3A_2133 = arith.constant 16 : i32
      %shift_left3A_2134 = vector.broadcast %shift_left3A_2133 : i32 to vector<16xi32>
      %shift_left3A_2135 = arith.shli %get3A_2132, %shift_left3A_2134 : vector<16xi32>
      %bitcast3A_2136 = vector.bitcast %shift_left3A_2135 : vector<16xi32> to vector<16xf32>
      %and3A_2137 = arith.constant -65536 : i32
      %and3A_2138 = vector.broadcast %and3A_2137 : i32 to vector<16xi32>
      %and3A_2139 = arith.andi %get3A_2132, %and3A_2138 : vector<16xi32>
      %bitcast3A_2140 = vector.bitcast %and3A_2139 : vector<16xi32> to vector<16xf32>
      %add3A_2141 = arith.constant 16 : i32
      %add3A_2142 = arith.addi %squeeze3A_1983, %add3A_2141 : i32
      %get3A_2143 = arith.index_cast %add3A_1973 : i32 to index
      %get3A_2144 = arith.index_cast %add3A_2142 : i32 to index
      %get3A_2145 = tpu.vector_load %arg27[%get3A_2143, %get3A_2144] {strides = array<i32>} : memref<128x128xi32, #tpu.memory_space<vmem>>, vector<16xi32>,
      %shift_left3A_2146 = arith.constant 16 : i32
      %shift_left3A_2147 = vector.broadcast %shift_left3A_2146 : i32 to vector<16xi32>
      %shift_left3A_2148 = arith.shli %get3A_2145, %shift_left3A_2147 : vector<16xi32>
      %bitcast3A_2149 = vector.bitcast %shift_left3A_2148 : vector<16xi32> to vector<16xf32>
      %and3A_2150 = arith.constant -65536 : i32
      %and3A_2151 = vector.broadcast %and3A_2150 : i32 to vector<16xi32>
      %and3A_2152 = arith.andi %get3A_2145, %and3A_2151 : vector<16xi32>
      %bitcast3A_2153 = vector.bitcast %and3A_2152 : vector<16xi32> to vector<16xf32>
      %add3A_2154 = arith.constant 16 : i32
      %add3A_2155 = arith.addi %squeeze3A_1985, %add3A_2154 : i32
      %get3A_2156 = arith.index_cast %add3A_1973 : i32 to index
      %get3A_2157 = arith.index_cast %add3A_2155 : i32 to index
      %get3A_2158 = tpu.vector_load %arg28[%get3A_2156, %get3A_2157] {strides = array<i32>} : memref<128x128xf32, #tpu.memory_space<vmem>>, vector<16xf32>,
      %add3A_2159 = arith.constant 32 : i32
      %add3A_2160 = arith.addi %squeeze3A_1985, %add3A_2159 : i32
      %add3A_2161 = arith.constant 16 : i32
      %add3A_2162 = arith.addi %add3A_2160, %add3A_2161 : i32
      %get3A_2163 = arith.index_cast %add3A_1973 : i32 to index
      %get3A_2164 = arith.index_cast %add3A_2162 : i32 to index
      %get3A_2165 = tpu.vector_load %arg28[%get3A_2163, %get3A_2164] {strides = array<i32>} : memref<128x128xf32, #tpu.memory_space<vmem>>, vector<16xf32>,
      %sub3A_2166 = arith.subf %bitcast3A_2136, %bitcast3A_2149 : vector<16xf32>
      %add3A_2167 = arith.addf %sub3A_2166, %get3A_2158 : vector<16xf32>
      %abs3A_2168 = math.absf %add3A_2167 : vector<16xf32>
      %add3A_2169 = arith.addf %add3A_2081, %abs3A_2168 : vector<16xf32>
      %sub3A_2170 = arith.subf %bitcast3A_2140, %bitcast3A_2153 : vector<16xf32>
      %add3A_2171 = arith.addf %sub3A_2170, %get3A_2165 : vector<16xf32>
      %abs3A_2172 = math.absf %add3A_2171 : vector<16xf32>
      %add3A_2173 = arith.addf %add3A_2169, %abs3A_2172 : vector<16xf32>
      %reduce_sum3A_2174 = arith.constant true
      %reduce_sum3A_2175 = vector.broadcast %reduce_sum3A_2174 : i1 to vector<16xi1>
      %reduce_sum3A_2176 = tpu.scan <sum>, %add3A_2127 masked %reduce_sum3A_2175 : vector<16xf32>, vector<16xi1> -> vector<16xf32>
      %reduce_sum3A_2177 = vector.extract %reduce_sum3A_2176[15] : f32 from vector<16xf32>
      %reduce_sum3A_2178 = arith.constant true
      %reduce_sum3A_2179 = vector.broadcast %reduce_sum3A_2178 : i1 to vector<16xi1>
      %reduce_sum3A_2180 = tpu.scan <sum>, %add3A_2173 masked %reduce_sum3A_2179 : vector<16xf32>, vector<16xi1> -> vector<16xf32>
      %reduce_sum3A_2181 = vector.extract %reduce_sum3A_2180[15] : f32 from vector<16xf32>
      %sub3A_2182 = arith.subf %reduce_sum3A_2177, %reduce_sum3A_2181 : f32
      %add3A_2183 = arith.constant 1.000000e+00 : f32
      %add3A_2184 = arith.addf %sub3A_2182, %add3A_2183 : f32
      %max3A_2185 = arith.constant 0.000000e+00 : f32
      %max3A_2186 = arith.maximumf %add3A_2184, %max3A_2185 : f32
      %add3A_2187 = arith.addf %add3A_1969, %max3A_2186 : f32
      %mul3A_2188 = arith.constant 16 : i32
      %mul3A_2189 = arith.muli %scan3A_605, %mul3A_2188 : i32
      %add3A_2190 = arith.constant 7 : i32
      %add3A_2191 = arith.addi %mul3A_2189, %add3A_2190 : i32
      %slice3A_2192 = vector.extract_strided_slice %mul3A_619 {offsets = [7], sizes = [1], strides = [1]} : vector<16xi32> to vector<1xi32>
      %squeeze3A_2193 = vector.extract %slice3A_2192[0] : i32 from vector<1xi32>
      %slice3A_2194 = vector.extract_strided_slice %mul3A_630 {offsets = [7], sizes = [1], strides = [1]} : vector<16xi32> to vector<1xi32>
      %squeeze3A_2195 = vector.extract %slice3A_2194[0] : i32 from vector<1xi32>
      %slice3A_2196 = vector.extract_strided_slice %mul3A_638 {offsets = [7], sizes = [1], strides = [1]} : vector<16xi32> to vector<1xi32>
      %squeeze3A_2197 = vector.extract %slice3A_2196[0] : i32 from vector<1xi32>
      %slice3A_2198 = vector.extract_strided_slice %mul3A_649 {offsets = [7], sizes = [1], strides = [1]} : vector<16xi32> to vector<1xi32>
      %squeeze3A_2199 = vector.extract %slice3A_2198[0] : i32 from vector<1xi32>
      %slice3A_2200 = vector.extract_strided_slice %mul3A_660 {offsets = [7], sizes = [1], strides = [1]} : vector<16xi32> to vector<1xi32>
      %squeeze3A_2201 = vector.extract %slice3A_2200[0] : i32 from vector<1xi32>
      %slice3A_2202 = vector.extract_strided_slice %mul3A_668 {offsets = [7], sizes = [1], strides = [1]} : vector<16xi32> to vector<1xi32>
      %squeeze3A_2203 = vector.extract %slice3A_2202[0] : i32 from vector<1xi32>
      %broadcast_in_dim3A_2204 = arith.constant 0.000000e+00 : f32
      %broadcast_in_dim3A_2205 = vector.broadcast %broadcast_in_dim3A_2204 : f32 to vector<16xf32>
      %broadcast_in_dim3A_2206 = arith.constant 0.000000e+00 : f32
      %broadcast_in_dim3A_2207 = vector.broadcast %broadcast_in_dim3A_2206 : f32 to vector<16xf32>
      %add3A_2208 = arith.constant 0 : i32
      %add3A_2209 = arith.addi %squeeze3A_2193, %add3A_2208 : i32
      %get3A_2210 = arith.index_cast %add3A_2191 : i32 to index
      %get3A_2211 = arith.index_cast %add3A_2209 : i32 to index
      %get3A_2212 = tpu.vector_load %arg23[%get3A_2210, %get3A_2211] {strides = array<i32>} : memref<128x128xi32, #tpu.memory_space<vmem>>, vector<16xi32>,
      %shift_left3A_2213 = arith.constant 16 : i32
      %shift_left3A_2214 = vector.broadcast %shift_left3A_2213 : i32 to vector<16xi32>
      %shift_left3A_2215 = arith.shli %get3A_2212, %shift_left3A_2214 : vector<16xi32>
      %bitcast3A_2216 = vector.bitcast %shift_left3A_2215 : vector<16xi32> to vector<16xf32>
      %and3A_2217 = arith.constant -65536 : i32
      %and3A_2218 = vector.broadcast %and3A_2217 : i32 to vector<16xi32>
      %and3A_2219 = arith.andi %get3A_2212, %and3A_2218 : vector<16xi32>
      %bitcast3A_2220 = vector.bitcast %and3A_2219 : vector<16xi32> to vector<16xf32>
      %add3A_2221 = arith.constant 0 : i32
      %add3A_2222 = arith.addi %squeeze3A_2195, %add3A_2221 : i32
      %get3A_2223 = arith.index_cast %add3A_2191 : i32 to index
      %get3A_2224 = arith.index_cast %add3A_2222 : i32 to index
      %get3A_2225 = tpu.vector_load %arg24[%get3A_2223, %get3A_2224] {strides = array<i32>} : memref<128x128xi32, #tpu.memory_space<vmem>>, vector<16xi32>,
      %shift_left3A_2226 = arith.constant 16 : i32
      %shift_left3A_2227 = vector.broadcast %shift_left3A_2226 : i32 to vector<16xi32>
      %shift_left3A_2228 = arith.shli %get3A_2225, %shift_left3A_2227 : vector<16xi32>
      %bitcast3A_2229 = vector.bitcast %shift_left3A_2228 : vector<16xi32> to vector<16xf32>
      %and3A_2230 = arith.constant -65536 : i32
      %and3A_2231 = vector.broadcast %and3A_2230 : i32 to vector<16xi32>
      %and3A_2232 = arith.andi %get3A_2225, %and3A_2231 : vector<16xi32>
      %bitcast3A_2233 = vector.bitcast %and3A_2232 : vector<16xi32> to vector<16xf32>
      %add3A_2234 = arith.constant 0 : i32
      %add3A_2235 = arith.addi %squeeze3A_2197, %add3A_2234 : i32
      %get3A_2236 = arith.index_cast %add3A_2191 : i32 to index
      %get3A_2237 = arith.index_cast %add3A_2235 : i32 to index
      %get3A_2238 = tpu.vector_load %arg25[%get3A_2236, %get3A_2237] {strides = array<i32>} : memref<128x128xf32, #tpu.memory_space<vmem>>, vector<16xf32>,
      %add3A_2239 = arith.constant 32 : i32
      %add3A_2240 = arith.addi %squeeze3A_2197, %add3A_2239 : i32
      %add3A_2241 = arith.constant 0 : i32
      %add3A_2242 = arith.addi %add3A_2240, %add3A_2241 : i32
      %get3A_2243 = arith.index_cast %add3A_2191 : i32 to index
      %get3A_2244 = arith.index_cast %add3A_2242 : i32 to index
      %get3A_2245 = tpu.vector_load %arg25[%get3A_2243, %get3A_2244] {strides = array<i32>} : memref<128x128xf32, #tpu.memory_space<vmem>>, vector<16xf32>,
      %sub3A_2246 = arith.subf %bitcast3A_2216, %bitcast3A_2229 : vector<16xf32>
      %add3A_2247 = arith.addf %sub3A_2246, %get3A_2238 : vector<16xf32>
      %abs3A_2248 = math.absf %add3A_2247 : vector<16xf32>
      %add3A_2249 = arith.addf %broadcast_in_dim3A_2205, %abs3A_2248 : vector<16xf32>
      %sub3A_2250 = arith.subf %bitcast3A_2220, %bitcast3A_2233 : vector<16xf32>
      %add3A_2251 = arith.addf %sub3A_2250, %get3A_2245 : vector<16xf32>
      %abs3A_2252 = math.absf %add3A_2251 : vector<16xf32>
      %add3A_2253 = arith.addf %add3A_2249, %abs3A_2252 : vector<16xf32>
      %add3A_2254 = arith.constant 0 : i32
      %add3A_2255 = arith.addi %squeeze3A_2199, %add3A_2254 : i32
      %get3A_2256 = arith.index_cast %add3A_2191 : i32 to index
      %get3A_2257 = arith.index_cast %add3A_2255 : i32 to index
      %get3A_2258 = tpu.vector_load %arg26[%get3A_2256, %get3A_2257] {strides = array<i32>} : memref<128x128xi32, #tpu.memory_space<vmem>>, vector<16xi32>,
      %shift_left3A_2259 = arith.constant 16 : i32
      %shift_left3A_2260 = vector.broadcast %shift_left3A_2259 : i32 to vector<16xi32>
      %shift_left3A_2261 = arith.shli %get3A_2258, %shift_left3A_2260 : vector<16xi32>
      %bitcast3A_2262 = vector.bitcast %shift_left3A_2261 : vector<16xi32> to vector<16xf32>
      %and3A_2263 = arith.constant -65536 : i32
      %and3A_2264 = vector.broadcast %and3A_2263 : i32 to vector<16xi32>
      %and3A_2265 = arith.andi %get3A_2258, %and3A_2264 : vector<16xi32>
      %bitcast3A_2266 = vector.bitcast %and3A_2265 : vector<16xi32> to vector<16xf32>
      %add3A_2267 = arith.constant 0 : i32
      %add3A_2268 = arith.addi %squeeze3A_2201, %add3A_2267 : i32
      %get3A_2269 = arith.index_cast %add3A_2191 : i32 to index
      %get3A_2270 = arith.index_cast %add3A_2268 : i32 to index
      %get3A_2271 = tpu.vector_load %arg27[%get3A_2269, %get3A_2270] {strides = array<i32>} : memref<128x128xi32, #tpu.memory_space<vmem>>, vector<16xi32>,
      %shift_left3A_2272 = arith.constant 16 : i32
      %shift_left3A_2273 = vector.broadcast %shift_left3A_2272 : i32 to vector<16xi32>
      %shift_left3A_2274 = arith.shli %get3A_2271, %shift_left3A_2273 : vector<16xi32>
      %bitcast3A_2275 = vector.bitcast %shift_left3A_2274 : vector<16xi32> to vector<16xf32>
      %and3A_2276 = arith.constant -65536 : i32
      %and3A_2277 = vector.broadcast %and3A_2276 : i32 to vector<16xi32>
      %and3A_2278 = arith.andi %get3A_2271, %and3A_2277 : vector<16xi32>
      %bitcast3A_2279 = vector.bitcast %and3A_2278 : vector<16xi32> to vector<16xf32>
      %add3A_2280 = arith.constant 0 : i32
      %add3A_2281 = arith.addi %squeeze3A_2203, %add3A_2280 : i32
      %get3A_2282 = arith.index_cast %add3A_2191 : i32 to index
      %get3A_2283 = arith.index_cast %add3A_2281 : i32 to index
      %get3A_2284 = tpu.vector_load %arg28[%get3A_2282, %get3A_2283] {strides = array<i32>} : memref<128x128xf32, #tpu.memory_space<vmem>>, vector<16xf32>,
      %add3A_2285 = arith.constant 32 : i32
      %add3A_2286 = arith.addi %squeeze3A_2203, %add3A_2285 : i32
      %add3A_2287 = arith.constant 0 : i32
      %add3A_2288 = arith.addi %add3A_2286, %add3A_2287 : i32
      %get3A_2289 = arith.index_cast %add3A_2191 : i32 to index
      %get3A_2290 = arith.index_cast %add3A_2288 : i32 to index
      %get3A_2291 = tpu.vector_load %arg28[%get3A_2289, %get3A_2290] {strides = array<i32>} : memref<128x128xf32, #tpu.memory_space<vmem>>, vector<16xf32>,
      %sub3A_2292 = arith.subf %bitcast3A_2262, %bitcast3A_2275 : vector<16xf32>
      %add3A_2293 = arith.addf %sub3A_2292, %get3A_2284 : vector<16xf32>
      %abs3A_2294 = math.absf %add3A_2293 : vector<16xf32>
      %add3A_2295 = arith.addf %broadcast_in_dim3A_2207, %abs3A_2294 : vector<16xf32>
      %sub3A_2296 = arith.subf %bitcast3A_2266, %bitcast3A_2279 : vector<16xf32>
      %add3A_2297 = arith.addf %sub3A_2296, %get3A_2291 : vector<16xf32>
      %abs3A_2298 = math.absf %add3A_2297 : vector<16xf32>
      %add3A_2299 = arith.addf %add3A_2295, %abs3A_2298 : vector<16xf32>
      %add3A_2300 = arith.constant 16 : i32
      %add3A_2301 = arith.addi %squeeze3A_2193, %add3A_2300 : i32
      %get3A_2302 = arith.index_cast %add3A_2191 : i32 to index
      %get3A_2303 = arith.index_cast %add3A_2301 : i32 to index
      %get3A_2304 = tpu.vector_load %arg23[%get3A_2302, %get3A_2303] {strides = array<i32>} : memref<128x128xi32, #tpu.memory_space<vmem>>, vector<16xi32>,
      %shift_left3A_2305 = arith.constant 16 : i32
      %shift_left3A_2306 = vector.broadcast %shift_left3A_2305 : i32 to vector<16xi32>
      %shift_left3A_2307 = arith.shli %get3A_2304, %shift_left3A_2306 : vector<16xi32>
      %bitcast3A_2308 = vector.bitcast %shift_left3A_2307 : vector<16xi32> to vector<16xf32>
      %and3A_2309 = arith.constant -65536 : i32
      %and3A_2310 = vector.broadcast %and3A_2309 : i32 to vector<16xi32>
      %and3A_2311 = arith.andi %get3A_2304, %and3A_2310 : vector<16xi32>
      %bitcast3A_2312 = vector.bitcast %and3A_2311 : vector<16xi32> to vector<16xf32>
      %add3A_2313 = arith.constant 16 : i32
      %add3A_2314 = arith.addi %squeeze3A_2195, %add3A_2313 : i32
      %get3A_2315 = arith.index_cast %add3A_2191 : i32 to index
      %get3A_2316 = arith.index_cast %add3A_2314 : i32 to index
      %get3A_2317 = tpu.vector_load %arg24[%get3A_2315, %get3A_2316] {strides = array<i32>} : memref<128x128xi32, #tpu.memory_space<vmem>>, vector<16xi32>,
      %shift_left3A_2318 = arith.constant 16 : i32
      %shift_left3A_2319 = vector.broadcast %shift_left3A_2318 : i32 to vector<16xi32>
      %shift_left3A_2320 = arith.shli %get3A_2317, %shift_left3A_2319 : vector<16xi32>
      %bitcast3A_2321 = vector.bitcast %shift_left3A_2320 : vector<16xi32> to vector<16xf32>
      %and3A_2322 = arith.constant -65536 : i32
      %and3A_2323 = vector.broadcast %and3A_2322 : i32 to vector<16xi32>
      %and3A_2324 = arith.andi %get3A_2317, %and3A_2323 : vector<16xi32>
      %bitcast3A_2325 = vector.bitcast %and3A_2324 : vector<16xi32> to vector<16xf32>
      %add3A_2326 = arith.constant 16 : i32
      %add3A_2327 = arith.addi %squeeze3A_2197, %add3A_2326 : i32
      %get3A_2328 = arith.index_cast %add3A_2191 : i32 to index
      %get3A_2329 = arith.index_cast %add3A_2327 : i32 to index
      %get3A_2330 = tpu.vector_load %arg25[%get3A_2328, %get3A_2329] {strides = array<i32>} : memref<128x128xf32, #tpu.memory_space<vmem>>, vector<16xf32>,
      %add3A_2331 = arith.constant 32 : i32
      %add3A_2332 = arith.addi %squeeze3A_2197, %add3A_2331 : i32
      %add3A_2333 = arith.constant 16 : i32
      %add3A_2334 = arith.addi %add3A_2332, %add3A_2333 : i32
      %get3A_2335 = arith.index_cast %add3A_2191 : i32 to index
      %get3A_2336 = arith.index_cast %add3A_2334 : i32 to index
      %get3A_2337 = tpu.vector_load %arg25[%get3A_2335, %get3A_2336] {strides = array<i32>} : memref<128x128xf32, #tpu.memory_space<vmem>>, vector<16xf32>,
      %sub3A_2338 = arith.subf %bitcast3A_2308, %bitcast3A_2321 : vector<16xf32>
      %add3A_2339 = arith.addf %sub3A_2338, %get3A_2330 : vector<16xf32>
      %abs3A_2340 = math.absf %add3A_2339 : vector<16xf32>
      %add3A_2341 = arith.addf %add3A_2253, %abs3A_2340 : vector<16xf32>
      %sub3A_2342 = arith.subf %bitcast3A_2312, %bitcast3A_2325 : vector<16xf32>
      %add3A_2343 = arith.addf %sub3A_2342, %get3A_2337 : vector<16xf32>
      %abs3A_2344 = math.absf %add3A_2343 : vector<16xf32>
      %add3A_2345 = arith.addf %add3A_2341, %abs3A_2344 : vector<16xf32>
      %add3A_2346 = arith.constant 16 : i32
      %add3A_2347 = arith.addi %squeeze3A_2199, %add3A_2346 : i32
      %get3A_2348 = arith.index_cast %add3A_2191 : i32 to index
      %get3A_2349 = arith.index_cast %add3A_2347 : i32 to index
      %get3A_2350 = tpu.vector_load %arg26[%get3A_2348, %get3A_2349] {strides = array<i32>} : memref<128x128xi32, #tpu.memory_space<vmem>>, vector<16xi32>,
      %shift_left3A_2351 = arith.constant 16 : i32
      %shift_left3A_2352 = vector.broadcast %shift_left3A_2351 : i32 to vector<16xi32>
      %shift_left3A_2353 = arith.shli %get3A_2350, %shift_left3A_2352 : vector<16xi32>
      %bitcast3A_2354 = vector.bitcast %shift_left3A_2353 : vector<16xi32> to vector<16xf32>
      %and3A_2355 = arith.constant -65536 : i32
      %and3A_2356 = vector.broadcast %and3A_2355 : i32 to vector<16xi32>
      %and3A_2357 = arith.andi %get3A_2350, %and3A_2356 : vector<16xi32>
      %bitcast3A_2358 = vector.bitcast %and3A_2357 : vector<16xi32> to vector<16xf32>
      %add3A_2359 = arith.constant 16 : i32
      %add3A_2360 = arith.addi %squeeze3A_2201, %add3A_2359 : i32
      %get3A_2361 = arith.index_cast %add3A_2191 : i32 to index
      %get3A_2362 = arith.index_cast %add3A_2360 : i32 to index
      %get3A_2363 = tpu.vector_load %arg27[%get3A_2361, %get3A_2362] {strides = array<i32>} : memref<128x128xi32, #tpu.memory_space<vmem>>, vector<16xi32>,
      %shift_left3A_2364 = arith.constant 16 : i32
      %shift_left3A_2365 = vector.broadcast %shift_left3A_2364 : i32 to vector<16xi32>
      %shift_left3A_2366 = arith.shli %get3A_2363, %shift_left3A_2365 : vector<16xi32>
      %bitcast3A_2367 = vector.bitcast %shift_left3A_2366 : vector<16xi32> to vector<16xf32>
      %and3A_2368 = arith.constant -65536 : i32
      %and3A_2369 = vector.broadcast %and3A_2368 : i32 to vector<16xi32>
      %and3A_2370 = arith.andi %get3A_2363, %and3A_2369 : vector<16xi32>
      %bitcast3A_2371 = vector.bitcast %and3A_2370 : vector<16xi32> to vector<16xf32>
      %add3A_2372 = arith.constant 16 : i32
      %add3A_2373 = arith.addi %squeeze3A_2203, %add3A_2372 : i32
      %get3A_2374 = arith.index_cast %add3A_2191 : i32 to index
      %get3A_2375 = arith.index_cast %add3A_2373 : i32 to index
      %get3A_2376 = tpu.vector_load %arg28[%get3A_2374, %get3A_2375] {strides = array<i32>} : memref<128x128xf32, #tpu.memory_space<vmem>>, vector<16xf32>,
      %add3A_2377 = arith.constant 32 : i32
      %add3A_2378 = arith.addi %squeeze3A_2203, %add3A_2377 : i32
      %add3A_2379 = arith.constant 16 : i32
      %add3A_2380 = arith.addi %add3A_2378, %add3A_2379 : i32
      %get3A_2381 = arith.index_cast %add3A_2191 : i32 to index
      %get3A_2382 = arith.index_cast %add3A_2380 : i32 to index
      %get3A_2383 = tpu.vector_load %arg28[%get3A_2381, %get3A_2382] {strides = array<i32>} : memref<128x128xf32, #tpu.memory_space<vmem>>, vector<16xf32>,
      %sub3A_2384 = arith.subf %bitcast3A_2354, %bitcast3A_2367 : vector<16xf32>
      %add3A_2385 = arith.addf %sub3A_2384, %get3A_2376 : vector<16xf32>
      %abs3A_2386 = math.absf %add3A_2385 : vector<16xf32>
      %add3A_2387 = arith.addf %add3A_2299, %abs3A_2386 : vector<16xf32>
      %sub3A_2388 = arith.subf %bitcast3A_2358, %bitcast3A_2371 : vector<16xf32>
      %add3A_2389 = arith.addf %sub3A_2388, %get3A_2383 : vector<16xf32>
      %abs3A_2390 = math.absf %add3A_2389 : vector<16xf32>
      %add3A_2391 = arith.addf %add3A_2387, %abs3A_2390 : vector<16xf32>
      %reduce_sum3A_2392 = arith.constant true
      %reduce_sum3A_2393 = vector.broadcast %reduce_sum3A_2392 : i1 to vector<16xi1>
      %reduce_sum3A_2394 = tpu.scan <sum>, %add3A_2345 masked %reduce_sum3A_2393 : vector<16xf32>, vector<16xi1> -> vector<16xf32>
      %reduce_sum3A_2395 = vector.extract %reduce_sum3A_2394[15] : f32 from vector<16xf32>
      %reduce_sum3A_2396 = arith.constant true
      %reduce_sum3A_2397 = vector.broadcast %reduce_sum3A_2396 : i1 to vector<16xi1>
      %reduce_sum3A_2398 = tpu.scan <sum>, %add3A_2391 masked %reduce_sum3A_2397 : vector<16xf32>, vector<16xi1> -> vector<16xf32>
      %reduce_sum3A_2399 = vector.extract %reduce_sum3A_2398[15] : f32 from vector<16xf32>
      %sub3A_2400 = arith.subf %reduce_sum3A_2395, %reduce_sum3A_2399 : f32
      %add3A_2401 = arith.constant 1.000000e+00 : f32
      %add3A_2402 = arith.addf %sub3A_2400, %add3A_2401 : f32
      %max3A_2403 = arith.constant 0.000000e+00 : f32
      %max3A_2404 = arith.maximumf %add3A_2402, %max3A_2403 : f32
      %add3A_2405 = arith.addf %add3A_2187, %max3A_2404 : f32
      %mul3A_2406 = arith.constant 16 : i32
      %mul3A_2407 = arith.muli %scan3A_605, %mul3A_2406 : i32
      %add3A_2408 = arith.constant 8 : i32
      %add3A_2409 = arith.addi %mul3A_2407, %add3A_2408 : i32
      %slice3A_2410 = vector.extract_strided_slice %mul3A_619 {offsets = [8], sizes = [1], strides = [1]} : vector<16xi32> to vector<1xi32>
      %squeeze3A_2411 = vector.extract %slice3A_2410[0] : i32 from vector<1xi32>
      %slice3A_2412 = vector.extract_strided_slice %mul3A_630 {offsets = [8], sizes = [1], strides = [1]} : vector<16xi32> to vector<1xi32>
      %squeeze3A_2413 = vector.extract %slice3A_2412[0] : i32 from vector<1xi32>
      %slice3A_2414 = vector.extract_strided_slice %mul3A_638 {offsets = [8], sizes = [1], strides = [1]} : vector<16xi32> to vector<1xi32>
      %squeeze3A_2415 = vector.extract %slice3A_2414[0] : i32 from vector<1xi32>
      %slice3A_2416 = vector.extract_strided_slice %mul3A_649 {offsets = [8], sizes = [1], strides = [1]} : vector<16xi32> to vector<1xi32>
      %squeeze3A_2417 = vector.extract %slice3A_2416[0] : i32 from vector<1xi32>
      %slice3A_2418 = vector.extract_strided_slice %mul3A_660 {offsets = [8], sizes = [1], strides = [1]} : vector<16xi32> to vector<1xi32>
      %squeeze3A_2419 = vector.extract %slice3A_2418[0] : i32 from vector<1xi32>
      %slice3A_2420 = vector.extract_strided_slice %mul3A_668 {offsets = [8], sizes = [1], strides = [1]} : vector<16xi32> to vector<1xi32>
      %squeeze3A_2421 = vector.extract %slice3A_2420[0] : i32 from vector<1xi32>
      %broadcast_in_dim3A_2422 = arith.constant 0.000000e+00 : f32
      %broadcast_in_dim3A_2423 = vector.broadcast %broadcast_in_dim3A_2422 : f32 to vector<16xf32>
      %broadcast_in_dim3A_2424 = arith.constant 0.000000e+00 : f32
      %broadcast_in_dim3A_2425 = vector.broadcast %broadcast_in_dim3A_2424 : f32 to vector<16xf32>
      %add3A_2426 = arith.constant 0 : i32
      %add3A_2427 = arith.addi %squeeze3A_2411, %add3A_2426 : i32
      %get3A_2428 = arith.index_cast %add3A_2409 : i32 to index
      %get3A_2429 = arith.index_cast %add3A_2427 : i32 to index
      %get3A_2430 = tpu.vector_load %arg23[%get3A_2428, %get3A_2429] {strides = array<i32>} : memref<128x128xi32, #tpu.memory_space<vmem>>, vector<16xi32>,
      %shift_left3A_2431 = arith.constant 16 : i32
      %shift_left3A_2432 = vector.broadcast %shift_left3A_2431 : i32 to vector<16xi32>
      %shift_left3A_2433 = arith.shli %get3A_2430, %shift_left3A_2432 : vector<16xi32>
      %bitcast3A_2434 = vector.bitcast %shift_left3A_2433 : vector<16xi32> to vector<16xf32>
      %and3A_2435 = arith.constant -65536 : i32
      %and3A_2436 = vector.broadcast %and3A_2435 : i32 to vector<16xi32>
      %and3A_2437 = arith.andi %get3A_2430, %and3A_2436 : vector<16xi32>
      %bitcast3A_2438 = vector.bitcast %and3A_2437 : vector<16xi32> to vector<16xf32>
      %add3A_2439 = arith.constant 0 : i32
      %add3A_2440 = arith.addi %squeeze3A_2413, %add3A_2439 : i32
      %get3A_2441 = arith.index_cast %add3A_2409 : i32 to index
      %get3A_2442 = arith.index_cast %add3A_2440 : i32 to index
      %get3A_2443 = tpu.vector_load %arg24[%get3A_2441, %get3A_2442] {strides = array<i32>} : memref<128x128xi32, #tpu.memory_space<vmem>>, vector<16xi32>,
      %shift_left3A_2444 = arith.constant 16 : i32
      %shift_left3A_2445 = vector.broadcast %shift_left3A_2444 : i32 to vector<16xi32>
      %shift_left3A_2446 = arith.shli %get3A_2443, %shift_left3A_2445 : vector<16xi32>
      %bitcast3A_2447 = vector.bitcast %shift_left3A_2446 : vector<16xi32> to vector<16xf32>
      %and3A_2448 = arith.constant -65536 : i32
      %and3A_2449 = vector.broadcast %and3A_2448 : i32 to vector<16xi32>
      %and3A_2450 = arith.andi %get3A_2443, %and3A_2449 : vector<16xi32>
      %bitcast3A_2451 = vector.bitcast %and3A_2450 : vector<16xi32> to vector<16xf32>
      %add3A_2452 = arith.constant 0 : i32
      %add3A_2453 = arith.addi %squeeze3A_2415, %add3A_2452 : i32
      %get3A_2454 = arith.index_cast %add3A_2409 : i32 to index
      %get3A_2455 = arith.index_cast %add3A_2453 : i32 to index
      %get3A_2456 = tpu.vector_load %arg25[%get3A_2454, %get3A_2455] {strides = array<i32>} : memref<128x128xf32, #tpu.memory_space<vmem>>, vector<16xf32>,
      %add3A_2457 = arith.constant 32 : i32
      %add3A_2458 = arith.addi %squeeze3A_2415, %add3A_2457 : i32
      %add3A_2459 = arith.constant 0 : i32
      %add3A_2460 = arith.addi %add3A_2458, %add3A_2459 : i32
      %get3A_2461 = arith.index_cast %add3A_2409 : i32 to index
      %get3A_2462 = arith.index_cast %add3A_2460 : i32 to index
      %get3A_2463 = tpu.vector_load %arg25[%get3A_2461, %get3A_2462] {strides = array<i32>} : memref<128x128xf32, #tpu.memory_space<vmem>>, vector<16xf32>,
      %sub3A_2464 = arith.subf %bitcast3A_2434, %bitcast3A_2447 : vector<16xf32>
      %add3A_2465 = arith.addf %sub3A_2464, %get3A_2456 : vector<16xf32>
      %abs3A_2466 = math.absf %add3A_2465 : vector<16xf32>
      %add3A_2467 = arith.addf %broadcast_in_dim3A_2423, %abs3A_2466 : vector<16xf32>
      %sub3A_2468 = arith.subf %bitcast3A_2438, %bitcast3A_2451 : vector<16xf32>
      %add3A_2469 = arith.addf %sub3A_2468, %get3A_2463 : vector<16xf32>
      %abs3A_2470 = math.absf %add3A_2469 : vector<16xf32>
      %add3A_2471 = arith.addf %add3A_2467, %abs3A_2470 : vector<16xf32>
      %add3A_2472 = arith.constant 0 : i32
      %add3A_2473 = arith.addi %squeeze3A_2417, %add3A_2472 : i32
      %get3A_2474 = arith.index_cast %add3A_2409 : i32 to index
      %get3A_2475 = arith.index_cast %add3A_2473 : i32 to index
      %get3A_2476 = tpu.vector_load %arg26[%get3A_2474, %get3A_2475] {strides = array<i32>} : memref<128x128xi32, #tpu.memory_space<vmem>>, vector<16xi32>,
      %shift_left3A_2477 = arith.constant 16 : i32
      %shift_left3A_2478 = vector.broadcast %shift_left3A_2477 : i32 to vector<16xi32>
      %shift_left3A_2479 = arith.shli %get3A_2476, %shift_left3A_2478 : vector<16xi32>
      %bitcast3A_2480 = vector.bitcast %shift_left3A_2479 : vector<16xi32> to vector<16xf32>
      %and3A_2481 = arith.constant -65536 : i32
      %and3A_2482 = vector.broadcast %and3A_2481 : i32 to vector<16xi32>
      %and3A_2483 = arith.andi %get3A_2476, %and3A_2482 : vector<16xi32>
      %bitcast3A_2484 = vector.bitcast %and3A_2483 : vector<16xi32> to vector<16xf32>
      %add3A_2485 = arith.constant 0 : i32
      %add3A_2486 = arith.addi %squeeze3A_2419, %add3A_2485 : i32
      %get3A_2487 = arith.index_cast %add3A_2409 : i32 to index
      %get3A_2488 = arith.index_cast %add3A_2486 : i32 to index
      %get3A_2489 = tpu.vector_load %arg27[%get3A_2487, %get3A_2488] {strides = array<i32>} : memref<128x128xi32, #tpu.memory_space<vmem>>, vector<16xi32>,
      %shift_left3A_2490 = arith.constant 16 : i32
      %shift_left3A_2491 = vector.broadcast %shift_left3A_2490 : i32 to vector<16xi32>
      %shift_left3A_2492 = arith.shli %get3A_2489, %shift_left3A_2491 : vector<16xi32>
      %bitcast3A_2493 = vector.bitcast %shift_left3A_2492 : vector<16xi32> to vector<16xf32>
      %and3A_2494 = arith.constant -65536 : i32
      %and3A_2495 = vector.broadcast %and3A_2494 : i32 to vector<16xi32>
      %and3A_2496 = arith.andi %get3A_2489, %and3A_2495 : vector<16xi32>
      %bitcast3A_2497 = vector.bitcast %and3A_2496 : vector<16xi32> to vector<16xf32>
      %add3A_2498 = arith.constant 0 : i32
      %add3A_2499 = arith.addi %squeeze3A_2421, %add3A_2498 : i32
      %get3A_2500 = arith.index_cast %add3A_2409 : i32 to index
      %get3A_2501 = arith.index_cast %add3A_2499 : i32 to index
      %get3A_2502 = tpu.vector_load %arg28[%get3A_2500, %get3A_2501] {strides = array<i32>} : memref<128x128xf32, #tpu.memory_space<vmem>>, vector<16xf32>,
      %add3A_2503 = arith.constant 32 : i32
      %add3A_2504 = arith.addi %squeeze3A_2421, %add3A_2503 : i32
      %add3A_2505 = arith.constant 0 : i32
      %add3A_2506 = arith.addi %add3A_2504, %add3A_2505 : i32
      %get3A_2507 = arith.index_cast %add3A_2409 : i32 to index
      %get3A_2508 = arith.index_cast %add3A_2506 : i32 to index
      %get3A_2509 = tpu.vector_load %arg28[%get3A_2507, %get3A_2508] {strides = array<i32>} : memref<128x128xf32, #tpu.memory_space<vmem>>, vector<16xf32>,
      %sub3A_2510 = arith.subf %bitcast3A_2480, %bitcast3A_2493 : vector<16xf32>
      %add3A_2511 = arith.addf %sub3A_2510, %get3A_2502 : vector<16xf32>
      %abs3A_2512 = math.absf %add3A_2511 : vector<16xf32>
      %add3A_2513 = arith.addf %broadcast_in_dim3A_2425, %abs3A_2512 : vector<16xf32>
      %sub3A_2514 = arith.subf %bitcast3A_2484, %bitcast3A_2497 : vector<16xf32>
      %add3A_2515 = arith.addf %sub3A_2514, %get3A_2509 : vector<16xf32>
      %abs3A_2516 = math.absf %add3A_2515 : vector<16xf32>
      %add3A_2517 = arith.addf %add3A_2513, %abs3A_2516 : vector<16xf32>
      %add3A_2518 = arith.constant 16 : i32
      %add3A_2519 = arith.addi %squeeze3A_2411, %add3A_2518 : i32
      %get3A_2520 = arith.index_cast %add3A_2409 : i32 to index
      %get3A_2521 = arith.index_cast %add3A_2519 : i32 to index
      %get3A_2522 = tpu.vector_load %arg23[%get3A_2520, %get3A_2521] {strides = array<i32>} : memref<128x128xi32, #tpu.memory_space<vmem>>, vector<16xi32>,
      %shift_left3A_2523 = arith.constant 16 : i32
      %shift_left3A_2524 = vector.broadcast %shift_left3A_2523 : i32 to vector<16xi32>
      %shift_left3A_2525 = arith.shli %get3A_2522, %shift_left3A_2524 : vector<16xi32>
      %bitcast3A_2526 = vector.bitcast %shift_left3A_2525 : vector<16xi32> to vector<16xf32>
      %and3A_2527 = arith.constant -65536 : i32
      %and3A_2528 = vector.broadcast %and3A_2527 : i32 to vector<16xi32>
      %and3A_2529 = arith.andi %get3A_2522, %and3A_2528 : vector<16xi32>
      %bitcast3A_2530 = vector.bitcast %and3A_2529 : vector<16xi32> to vector<16xf32>
      %add3A_2531 = arith.constant 16 : i32
      %add3A_2532 = arith.addi %squeeze3A_2413, %add3A_2531 : i32
      %get3A_2533 = arith.index_cast %add3A_2409 : i32 to index
      %get3A_2534 = arith.index_cast %add3A_2532 : i32 to index
      %get3A_2535 = tpu.vector_load %arg24[%get3A_2533, %get3A_2534] {strides = array<i32>} : memref<128x128xi32, #tpu.memory_space<vmem>>, vector<16xi32>,
      %shift_left3A_2536 = arith.constant 16 : i32
      %shift_left3A_2537 = vector.broadcast %shift_left3A_2536 : i32 to vector<16xi32>
      %shift_left3A_2538 = arith.shli %get3A_2535, %shift_left3A_2537 : vector<16xi32>
      %bitcast3A_2539 = vector.bitcast %shift_left3A_2538 : vector<16xi32> to vector<16xf32>
      %and3A_2540 = arith.constant -65536 : i32
      %and3A_2541 = vector.broadcast %and3A_2540 : i32 to vector<16xi32>
      %and3A_2542 = arith.andi %get3A_2535, %and3A_2541 : vector<16xi32>
      %bitcast3A_2543 = vector.bitcast %and3A_2542 : vector<16xi32> to vector<16xf32>
      %add3A_2544 = arith.constant 16 : i32
      %add3A_2545 = arith.addi %squeeze3A_2415, %add3A_2544 : i32
      %get3A_2546 = arith.index_cast %add3A_2409 : i32 to index
      %get3A_2547 = arith.index_cast %add3A_2545 : i32 to index
      %get3A_2548 = tpu.vector_load %arg25[%get3A_2546, %get3A_2547] {strides = array<i32>} : memref<128x128xf32, #tpu.memory_space<vmem>>, vector<16xf32>,
      %add3A_2549 = arith.constant 32 : i32
      %add3A_2550 = arith.addi %squeeze3A_2415, %add3A_2549 : i32
      %add3A_2551 = arith.constant 16 : i32
      %add3A_2552 = arith.addi %add3A_2550, %add3A_2551 : i32
      %get3A_2553 = arith.index_cast %add3A_2409 : i32 to index
      %get3A_2554 = arith.index_cast %add3A_2552 : i32 to index
      %get3A_2555 = tpu.vector_load %arg25[%get3A_2553, %get3A_2554] {strides = array<i32>} : memref<128x128xf32, #tpu.memory_space<vmem>>, vector<16xf32>,
      %sub3A_2556 = arith.subf %bitcast3A_2526, %bitcast3A_2539 : vector<16xf32>
      %add3A_2557 = arith.addf %sub3A_2556, %get3A_2548 : vector<16xf32>
      %abs3A_2558 = math.absf %add3A_2557 : vector<16xf32>
      %add3A_2559 = arith.addf %add3A_2471, %abs3A_2558 : vector<16xf32>
      %sub3A_2560 = arith.subf %bitcast3A_2530, %bitcast3A_2543 : vector<16xf32>
      %add3A_2561 = arith.addf %sub3A_2560, %get3A_2555 : vector<16xf32>
      %abs3A_2562 = math.absf %add3A_2561 : vector<16xf32>
      %add3A_2563 = arith.addf %add3A_2559, %abs3A_2562 : vector<16xf32>
      %add3A_2564 = arith.constant 16 : i32
      %add3A_2565 = arith.addi %squeeze3A_2417, %add3A_2564 : i32
      %get3A_2566 = arith.index_cast %add3A_2409 : i32 to index
      %get3A_2567 = arith.index_cast %add3A_2565 : i32 to index
      %get3A_2568 = tpu.vector_load %arg26[%get3A_2566, %get3A_2567] {strides = array<i32>} : memref<128x128xi32, #tpu.memory_space<vmem>>, vector<16xi32>,
      %shift_left3A_2569 = arith.constant 16 : i32
      %shift_left3A_2570 = vector.broadcast %shift_left3A_2569 : i32 to vector<16xi32>
      %shift_left3A_2571 = arith.shli %get3A_2568, %shift_left3A_2570 : vector<16xi32>
      %bitcast3A_2572 = vector.bitcast %shift_left3A_2571 : vector<16xi32> to vector<16xf32>
      %and3A_2573 = arith.constant -65536 : i32
      %and3A_2574 = vector.broadcast %and3A_2573 : i32 to vector<16xi32>
      %and3A_2575 = arith.andi %get3A_2568, %and3A_2574 : vector<16xi32>
      %bitcast3A_2576 = vector.bitcast %and3A_2575 : vector<16xi32> to vector<16xf32>
      %add3A_2577 = arith.constant 16 : i32
      %add3A_2578 = arith.addi %squeeze3A_2419, %add3A_2577 : i32
      %get3A_2579 = arith.index_cast %add3A_2409 : i32 to index
      %get3A_2580 = arith.index_cast %add3A_2578 : i32 to index
      %get3A_2581 = tpu.vector_load %arg27[%get3A_2579, %get3A_2580] {strides = array<i32>} : memref<128x128xi32, #tpu.memory_space<vmem>>, vector<16xi32>,
      %shift_left3A_2582 = arith.constant 16 : i32
      %shift_left3A_2583 = vector.broadcast %shift_left3A_2582 : i32 to vector<16xi32>
      %shift_left3A_2584 = arith.shli %get3A_2581, %shift_left3A_2583 : vector<16xi32>
      %bitcast3A_2585 = vector.bitcast %shift_left3A_2584 : vector<16xi32> to vector<16xf32>
      %and3A_2586 = arith.constant -65536 : i32
      %and3A_2587 = vector.broadcast %and3A_2586 : i32 to vector<16xi32>
      %and3A_2588 = arith.andi %get3A_2581, %and3A_2587 : vector<16xi32>
      %bitcast3A_2589 = vector.bitcast %and3A_2588 : vector<16xi32> to vector<16xf32>
      %add3A_2590 = arith.constant 16 : i32
      %add3A_2591 = arith.addi %squeeze3A_2421, %add3A_2590 : i32
      %get3A_2592 = arith.index_cast %add3A_2409 : i32 to index
      %get3A_2593 = arith.index_cast %add3A_2591 : i32 to index
      %get3A_2594 = tpu.vector_load %arg28[%get3A_2592, %get3A_2593] {strides = array<i32>} : memref<128x128xf32, #tpu.memory_space<vmem>>, vector<16xf32>,
      %add3A_2595 = arith.constant 32 : i32
      %add3A_2596 = arith.addi %squeeze3A_2421, %add3A_2595 : i32
      %add3A_2597 = arith.constant 16 : i32
      %add3A_2598 = arith.addi %add3A_2596, %add3A_2597 : i32
      %get3A_2599 = arith.index_cast %add3A_2409 : i32 to index
      %get3A_2600 = arith.index_cast %add3A_2598 : i32 to index
      %get3A_2601 = tpu.vector_load %arg28[%get3A_2599, %get3A_2600] {strides = array<i32>} : memref<128x128xf32, #tpu.memory_space<vmem>>, vector<16xf32>,
      %sub3A_2602 = arith.subf %bitcast3A_2572, %bitcast3A_2585 : vector<16xf32>
      %add3A_2603 = arith.addf %sub3A_2602, %get3A_2594 : vector<16xf32>
      %abs3A_2604 = math.absf %add3A_2603 : vector<16xf32>
      %add3A_2605 = arith.addf %add3A_2517, %abs3A_2604 : vector<16xf32>
      %sub3A_2606 = arith.subf %bitcast3A_2576, %bitcast3A_2589 : vector<16xf32>
      %add3A_2607 = arith.addf %sub3A_2606, %get3A_2601 : vector<16xf32>
      %abs3A_2608 = math.absf %add3A_2607 : vector<16xf32>
      %add3A_2609 = arith.addf %add3A_2605, %abs3A_2608 : vector<16xf32>
      %reduce_sum3A_2610 = arith.constant true
      %reduce_sum3A_2611 = vector.broadcast %reduce_sum3A_2610 : i1 to vector<16xi1>
      %reduce_sum3A_2612 = tpu.scan <sum>, %add3A_2563 masked %reduce_sum3A_2611 : vector<16xf32>, vector<16xi1> -> vector<16xf32>
      %reduce_sum3A_2613 = vector.extract %reduce_sum3A_2612[15] : f32 from vector<16xf32>
      %reduce_sum3A_2614 = arith.constant true
      %reduce_sum3A_2615 = vector.broadcast %reduce_sum3A_2614 : i1 to vector<16xi1>
      %reduce_sum3A_2616 = tpu.scan <sum>, %add3A_2609 masked %reduce_sum3A_2615 : vector<16xf32>, vector<16xi1> -> vector<16xf32>
      %reduce_sum3A_2617 = vector.extract %reduce_sum3A_2616[15] : f32 from vector<16xf32>
      %sub3A_2618 = arith.subf %reduce_sum3A_2613, %reduce_sum3A_2617 : f32
      %add3A_2619 = arith.constant 1.000000e+00 : f32
      %add3A_2620 = arith.addf %sub3A_2618, %add3A_2619 : f32
      %max3A_2621 = arith.constant 0.000000e+00 : f32
      %max3A_2622 = arith.maximumf %add3A_2620, %max3A_2621 : f32
      %add3A_2623 = arith.addf %add3A_2405, %max3A_2622 : f32
      %mul3A_2624 = arith.constant 16 : i32
      %mul3A_2625 = arith.muli %scan3A_605, %mul3A_2624 : i32
      %add3A_2626 = arith.constant 9 : i32
      %add3A_2627 = arith.addi %mul3A_2625, %add3A_2626 : i32
      %slice3A_2628 = vector.extract_strided_slice %mul3A_619 {offsets = [9], sizes = [1], strides = [1]} : vector<16xi32> to vector<1xi32>
      %squeeze3A_2629 = vector.extract %slice3A_2628[0] : i32 from vector<1xi32>
      %slice3A_2630 = vector.extract_strided_slice %mul3A_630 {offsets = [9], sizes = [1], strides = [1]} : vector<16xi32> to vector<1xi32>
      %squeeze3A_2631 = vector.extract %slice3A_2630[0] : i32 from vector<1xi32>
      %slice3A_2632 = vector.extract_strided_slice %mul3A_638 {offsets = [9], sizes = [1], strides = [1]} : vector<16xi32> to vector<1xi32>
      %squeeze3A_2633 = vector.extract %slice3A_2632[0] : i32 from vector<1xi32>
      %slice3A_2634 = vector.extract_strided_slice %mul3A_649 {offsets = [9], sizes = [1], strides = [1]} : vector<16xi32> to vector<1xi32>
      %squeeze3A_2635 = vector.extract %slice3A_2634[0] : i32 from vector<1xi32>
      %slice3A_2636 = vector.extract_strided_slice %mul3A_660 {offsets = [9], sizes = [1], strides = [1]} : vector<16xi32> to vector<1xi32>
      %squeeze3A_2637 = vector.extract %slice3A_2636[0] : i32 from vector<1xi32>
      %slice3A_2638 = vector.extract_strided_slice %mul3A_668 {offsets = [9], sizes = [1], strides = [1]} : vector<16xi32> to vector<1xi32>
      %squeeze3A_2639 = vector.extract %slice3A_2638[0] : i32 from vector<1xi32>
      %broadcast_in_dim3A_2640 = arith.constant 0.000000e+00 : f32
      %broadcast_in_dim3A_2641 = vector.broadcast %broadcast_in_dim3A_2640 : f32 to vector<16xf32>
      %broadcast_in_dim3A_2642 = arith.constant 0.000000e+00 : f32
      %broadcast_in_dim3A_2643 = vector.broadcast %broadcast_in_dim3A_2642 : f32 to vector<16xf32>
      %add3A_2644 = arith.constant 0 : i32
      %add3A_2645 = arith.addi %squeeze3A_2629, %add3A_2644 : i32
      %get3A_2646 = arith.index_cast %add3A_2627 : i32 to index
      %get3A_2647 = arith.index_cast %add3A_2645 : i32 to index
      %get3A_2648 = tpu.vector_load %arg23[%get3A_2646, %get3A_2647] {strides = array<i32>} : memref<128x128xi32, #tpu.memory_space<vmem>>, vector<16xi32>,
      %shift_left3A_2649 = arith.constant 16 : i32
      %shift_left3A_2650 = vector.broadcast %shift_left3A_2649 : i32 to vector<16xi32>
      %shift_left3A_2651 = arith.shli %get3A_2648, %shift_left3A_2650 : vector<16xi32>
      %bitcast3A_2652 = vector.bitcast %shift_left3A_2651 : vector<16xi32> to vector<16xf32>
      %and3A_2653 = arith.constant -65536 : i32
      %and3A_2654 = vector.broadcast %and3A_2653 : i32 to vector<16xi32>
      %and3A_2655 = arith.andi %get3A_2648, %and3A_2654 : vector<16xi32>
      %bitcast3A_2656 = vector.bitcast %and3A_2655 : vector<16xi32> to vector<16xf32>
      %add3A_2657 = arith.constant 0 : i32
      %add3A_2658 = arith.addi %squeeze3A_2631, %add3A_2657 : i32
      %get3A_2659 = arith.index_cast %add3A_2627 : i32 to index
      %get3A_2660 = arith.index_cast %add3A_2658 : i32 to index
      %get3A_2661 = tpu.vector_load %arg24[%get3A_2659, %get3A_2660] {strides = array<i32>} : memref<128x128xi32, #tpu.memory_space<vmem>>, vector<16xi32>,
      %shift_left3A_2662 = arith.constant 16 : i32
      %shift_left3A_2663 = vector.broadcast %shift_left3A_2662 : i32 to vector<16xi32>
      %shift_left3A_2664 = arith.shli %get3A_2661, %shift_left3A_2663 : vector<16xi32>
      %bitcast3A_2665 = vector.bitcast %shift_left3A_2664 : vector<16xi32> to vector<16xf32>
      %and3A_2666 = arith.constant -65536 : i32
      %and3A_2667 = vector.broadcast %and3A_2666 : i32 to vector<16xi32>
      %and3A_2668 = arith.andi %get3A_2661, %and3A_2667 : vector<16xi32>
      %bitcast3A_2669 = vector.bitcast %and3A_2668 : vector<16xi32> to vector<16xf32>
      %add3A_2670 = arith.constant 0 : i32
      %add3A_2671 = arith.addi %squeeze3A_2633, %add3A_2670 : i32
      %get3A_2672 = arith.index_cast %add3A_2627 : i32 to index
      %get3A_2673 = arith.index_cast %add3A_2671 : i32 to index
      %get3A_2674 = tpu.vector_load %arg25[%get3A_2672, %get3A_2673] {strides = array<i32>} : memref<128x128xf32, #tpu.memory_space<vmem>>, vector<16xf32>,
      %add3A_2675 = arith.constant 32 : i32
      %add3A_2676 = arith.addi %squeeze3A_2633, %add3A_2675 : i32
      %add3A_2677 = arith.constant 0 : i32
      %add3A_2678 = arith.addi %add3A_2676, %add3A_2677 : i32
      %get3A_2679 = arith.index_cast %add3A_2627 : i32 to index
      %get3A_2680 = arith.index_cast %add3A_2678 : i32 to index
      %get3A_2681 = tpu.vector_load %arg25[%get3A_2679, %get3A_2680] {strides = array<i32>} : memref<128x128xf32, #tpu.memory_space<vmem>>, vector<16xf32>,
      %sub3A_2682 = arith.subf %bitcast3A_2652, %bitcast3A_2665 : vector<16xf32>
      %add3A_2683 = arith.addf %sub3A_2682, %get3A_2674 : vector<16xf32>
      %abs3A_2684 = math.absf %add3A_2683 : vector<16xf32>
      %add3A_2685 = arith.addf %broadcast_in_dim3A_2641, %abs3A_2684 : vector<16xf32>
      %sub3A_2686 = arith.subf %bitcast3A_2656, %bitcast3A_2669 : vector<16xf32>
      %add3A_2687 = arith.addf %sub3A_2686, %get3A_2681 : vector<16xf32>
      %abs3A_2688 = math.absf %add3A_2687 : vector<16xf32>
      %add3A_2689 = arith.addf %add3A_2685, %abs3A_2688 : vector<16xf32>
      %add3A_2690 = arith.constant 0 : i32
      %add3A_2691 = arith.addi %squeeze3A_2635, %add3A_2690 : i32
      %get3A_2692 = arith.index_cast %add3A_2627 : i32 to index
      %get3A_2693 = arith.index_cast %add3A_2691 : i32 to index
      %get3A_2694 = tpu.vector_load %arg26[%get3A_2692, %get3A_2693] {strides = array<i32>} : memref<128x128xi32, #tpu.memory_space<vmem>>, vector<16xi32>,
      %shift_left3A_2695 = arith.constant 16 : i32
      %shift_left3A_2696 = vector.broadcast %shift_left3A_2695 : i32 to vector<16xi32>
      %shift_left3A_2697 = arith.shli %get3A_2694, %shift_left3A_2696 : vector<16xi32>
      %bitcast3A_2698 = vector.bitcast %shift_left3A_2697 : vector<16xi32> to vector<16xf32>
      %and3A_2699 = arith.constant -65536 : i32
      %and3A_2700 = vector.broadcast %and3A_2699 : i32 to vector<16xi32>
      %and3A_2701 = arith.andi %get3A_2694, %and3A_2700 : vector<16xi32>
      %bitcast3A_2702 = vector.bitcast %and3A_2701 : vector<16xi32> to vector<16xf32>
      %add3A_2703 = arith.constant 0 : i32
      %add3A_2704 = arith.addi %squeeze3A_2637, %add3A_2703 : i32
      %get3A_2705 = arith.index_cast %add3A_2627 : i32 to index
      %get3A_2706 = arith.index_cast %add3A_2704 : i32 to index
      %get3A_2707 = tpu.vector_load %arg27[%get3A_2705, %get3A_2706] {strides = array<i32>} : memref<128x128xi32, #tpu.memory_space<vmem>>, vector<16xi32>,
      %shift_left3A_2708 = arith.constant 16 : i32
      %shift_left3A_2709 = vector.broadcast %shift_left3A_2708 : i32 to vector<16xi32>
      %shift_left3A_2710 = arith.shli %get3A_2707, %shift_left3A_2709 : vector<16xi32>
      %bitcast3A_2711 = vector.bitcast %shift_left3A_2710 : vector<16xi32> to vector<16xf32>
      %and3A_2712 = arith.constant -65536 : i32
      %and3A_2713 = vector.broadcast %and3A_2712 : i32 to vector<16xi32>
      %and3A_2714 = arith.andi %get3A_2707, %and3A_2713 : vector<16xi32>
      %bitcast3A_2715 = vector.bitcast %and3A_2714 : vector<16xi32> to vector<16xf32>
      %add3A_2716 = arith.constant 0 : i32
      %add3A_2717 = arith.addi %squeeze3A_2639, %add3A_2716 : i32
      %get3A_2718 = arith.index_cast %add3A_2627 : i32 to index
      %get3A_2719 = arith.index_cast %add3A_2717 : i32 to index
      %get3A_2720 = tpu.vector_load %arg28[%get3A_2718, %get3A_2719] {strides = array<i32>} : memref<128x128xf32, #tpu.memory_space<vmem>>, vector<16xf32>,
      %add3A_2721 = arith.constant 32 : i32
      %add3A_2722 = arith.addi %squeeze3A_2639, %add3A_2721 : i32
      %add3A_2723 = arith.constant 0 : i32
      %add3A_2724 = arith.addi %add3A_2722, %add3A_2723 : i32
      %get3A_2725 = arith.index_cast %add3A_2627 : i32 to index
      %get3A_2726 = arith.index_cast %add3A_2724 : i32 to index
      %get3A_2727 = tpu.vector_load %arg28[%get3A_2725, %get3A_2726] {strides = array<i32>} : memref<128x128xf32, #tpu.memory_space<vmem>>, vector<16xf32>,
      %sub3A_2728 = arith.subf %bitcast3A_2698, %bitcast3A_2711 : vector<16xf32>
      %add3A_2729 = arith.addf %sub3A_2728, %get3A_2720 : vector<16xf32>
      %abs3A_2730 = math.absf %add3A_2729 : vector<16xf32>
      %add3A_2731 = arith.addf %broadcast_in_dim3A_2643, %abs3A_2730 : vector<16xf32>
      %sub3A_2732 = arith.subf %bitcast3A_2702, %bitcast3A_2715 : vector<16xf32>
      %add3A_2733 = arith.addf %sub3A_2732, %get3A_2727 : vector<16xf32>
      %abs3A_2734 = math.absf %add3A_2733 : vector<16xf32>
      %add3A_2735 = arith.addf %add3A_2731, %abs3A_2734 : vector<16xf32>
      %add3A_2736 = arith.constant 16 : i32
      %add3A_2737 = arith.addi %squeeze3A_2629, %add3A_2736 : i32
      %get3A_2738 = arith.index_cast %add3A_2627 : i32 to index
      %get3A_2739 = arith.index_cast %add3A_2737 : i32 to index
      %get3A_2740 = tpu.vector_load %arg23[%get3A_2738, %get3A_2739] {strides = array<i32>} : memref<128x128xi32, #tpu.memory_space<vmem>>, vector<16xi32>,
      %shift_left3A_2741 = arith.constant 16 : i32
      %shift_left3A_2742 = vector.broadcast %shift_left3A_2741 : i32 to vector<16xi32>
      %shift_left3A_2743 = arith.shli %get3A_2740, %shift_left3A_2742 : vector<16xi32>
      %bitcast3A_2744 = vector.bitcast %shift_left3A_2743 : vector<16xi32> to vector<16xf32>
      %and3A_2745 = arith.constant -65536 : i32
      %and3A_2746 = vector.broadcast %and3A_2745 : i32 to vector<16xi32>
      %and3A_2747 = arith.andi %get3A_2740, %and3A_2746 : vector<16xi32>
      %bitcast3A_2748 = vector.bitcast %and3A_2747 : vector<16xi32> to vector<16xf32>
      %add3A_2749 = arith.constant 16 : i32
      %add3A_2750 = arith.addi %squeeze3A_2631, %add3A_2749 : i32
      %get3A_2751 = arith.index_cast %add3A_2627 : i32 to index
      %get3A_2752 = arith.index_cast %add3A_2750 : i32 to index
      %get3A_2753 = tpu.vector_load %arg24[%get3A_2751, %get3A_2752] {strides = array<i32>} : memref<128x128xi32, #tpu.memory_space<vmem>>, vector<16xi32>,
      %shift_left3A_2754 = arith.constant 16 : i32
      %shift_left3A_2755 = vector.broadcast %shift_left3A_2754 : i32 to vector<16xi32>
      %shift_left3A_2756 = arith.shli %get3A_2753, %shift_left3A_2755 : vector<16xi32>
      %bitcast3A_2757 = vector.bitcast %shift_left3A_2756 : vector<16xi32> to vector<16xf32>
      %and3A_2758 = arith.constant -65536 : i32
      %and3A_2759 = vector.broadcast %and3A_2758 : i32 to vector<16xi32>
      %and3A_2760 = arith.andi %get3A_2753, %and3A_2759 : vector<16xi32>
      %bitcast3A_2761 = vector.bitcast %and3A_2760 : vector<16xi32> to vector<16xf32>
      %add3A_2762 = arith.constant 16 : i32
      %add3A_2763 = arith.addi %squeeze3A_2633, %add3A_2762 : i32
      %get3A_2764 = arith.index_cast %add3A_2627 : i32 to index
      %get3A_2765 = arith.index_cast %add3A_2763 : i32 to index
      %get3A_2766 = tpu.vector_load %arg25[%get3A_2764, %get3A_2765] {strides = array<i32>} : memref<128x128xf32, #tpu.memory_space<vmem>>, vector<16xf32>,
      %add3A_2767 = arith.constant 32 : i32
      %add3A_2768 = arith.addi %squeeze3A_2633, %add3A_2767 : i32
      %add3A_2769 = arith.constant 16 : i32
      %add3A_2770 = arith.addi %add3A_2768, %add3A_2769 : i32
      %get3A_2771 = arith.index_cast %add3A_2627 : i32 to index
      %get3A_2772 = arith.index_cast %add3A_2770 : i32 to index
      %get3A_2773 = tpu.vector_load %arg25[%get3A_2771, %get3A_2772] {strides = array<i32>} : memref<128x128xf32, #tpu.memory_space<vmem>>, vector<16xf32>,
      %sub3A_2774 = arith.subf %bitcast3A_2744, %bitcast3A_2757 : vector<16xf32>
      %add3A_2775 = arith.addf %sub3A_2774, %get3A_2766 : vector<16xf32>
      %abs3A_2776 = math.absf %add3A_2775 : vector<16xf32>
      %add3A_2777 = arith.addf %add3A_2689, %abs3A_2776 : vector<16xf32>
      %sub3A_2778 = arith.subf %bitcast3A_2748, %bitcast3A_2761 : vector<16xf32>
      %add3A_2779 = arith.addf %sub3A_2778, %get3A_2773 : vector<16xf32>
      %abs3A_2780 = math.absf %add3A_2779 : vector<16xf32>
      %add3A_2781 = arith.addf %add3A_2777, %abs3A_2780 : vector<16xf32>
      %add3A_2782 = arith.constant 16 : i32
      %add3A_2783 = arith.addi %squeeze3A_2635, %add3A_2782 : i32
      %get3A_2784 = arith.index_cast %add3A_2627 : i32 to index
      %get3A_2785 = arith.index_cast %add3A_2783 : i32 to index
      %get3A_2786 = tpu.vector_load %arg26[%get3A_2784, %get3A_2785] {strides = array<i32>} : memref<128x128xi32, #tpu.memory_space<vmem>>, vector<16xi32>,
      %shift_left3A_2787 = arith.constant 16 : i32
      %shift_left3A_2788 = vector.broadcast %shift_left3A_2787 : i32 to vector<16xi32>
      %shift_left3A_2789 = arith.shli %get3A_2786, %shift_left3A_2788 : vector<16xi32>
      %bitcast3A_2790 = vector.bitcast %shift_left3A_2789 : vector<16xi32> to vector<16xf32>
      %and3A_2791 = arith.constant -65536 : i32
      %and3A_2792 = vector.broadcast %and3A_2791 : i32 to vector<16xi32>
      %and3A_2793 = arith.andi %get3A_2786, %and3A_2792 : vector<16xi32>
      %bitcast3A_2794 = vector.bitcast %and3A_2793 : vector<16xi32> to vector<16xf32>
      %add3A_2795 = arith.constant 16 : i32
      %add3A_2796 = arith.addi %squeeze3A_2637, %add3A_2795 : i32
      %get3A_2797 = arith.index_cast %add3A_2627 : i32 to index
      %get3A_2798 = arith.index_cast %add3A_2796 : i32 to index
      %get3A_2799 = tpu.vector_load %arg27[%get3A_2797, %get3A_2798] {strides = array<i32>} : memref<128x128xi32, #tpu.memory_space<vmem>>, vector<16xi32>,
      %shift_left3A_2800 = arith.constant 16 : i32
      %shift_left3A_2801 = vector.broadcast %shift_left3A_2800 : i32 to vector<16xi32>
      %shift_left3A_2802 = arith.shli %get3A_2799, %shift_left3A_2801 : vector<16xi32>
      %bitcast3A_2803 = vector.bitcast %shift_left3A_2802 : vector<16xi32> to vector<16xf32>
      %and3A_2804 = arith.constant -65536 : i32
      %and3A_2805 = vector.broadcast %and3A_2804 : i32 to vector<16xi32>
      %and3A_2806 = arith.andi %get3A_2799, %and3A_2805 : vector<16xi32>
      %bitcast3A_2807 = vector.bitcast %and3A_2806 : vector<16xi32> to vector<16xf32>
      %add3A_2808 = arith.constant 16 : i32
      %add3A_2809 = arith.addi %squeeze3A_2639, %add3A_2808 : i32
      %get3A_2810 = arith.index_cast %add3A_2627 : i32 to index
      %get3A_2811 = arith.index_cast %add3A_2809 : i32 to index
      %get3A_2812 = tpu.vector_load %arg28[%get3A_2810, %get3A_2811] {strides = array<i32>} : memref<128x128xf32, #tpu.memory_space<vmem>>, vector<16xf32>,
      %add3A_2813 = arith.constant 32 : i32
      %add3A_2814 = arith.addi %squeeze3A_2639, %add3A_2813 : i32
      %add3A_2815 = arith.constant 16 : i32
      %add3A_2816 = arith.addi %add3A_2814, %add3A_2815 : i32
      %get3A_2817 = arith.index_cast %add3A_2627 : i32 to index
      %get3A_2818 = arith.index_cast %add3A_2816 : i32 to index
      %get3A_2819 = tpu.vector_load %arg28[%get3A_2817, %get3A_2818] {strides = array<i32>} : memref<128x128xf32, #tpu.memory_space<vmem>>, vector<16xf32>,
      %sub3A_2820 = arith.subf %bitcast3A_2790, %bitcast3A_2803 : vector<16xf32>
      %add3A_2821 = arith.addf %sub3A_2820, %get3A_2812 : vector<16xf32>
      %abs3A_2822 = math.absf %add3A_2821 : vector<16xf32>
      %add3A_2823 = arith.addf %add3A_2735, %abs3A_2822 : vector<16xf32>
      %sub3A_2824 = arith.subf %bitcast3A_2794, %bitcast3A_2807 : vector<16xf32>
      %add3A_2825 = arith.addf %sub3A_2824, %get3A_2819 : vector<16xf32>
      %abs3A_2826 = math.absf %add3A_2825 : vector<16xf32>
      %add3A_2827 = arith.addf %add3A_2823, %abs3A_2826 : vector<16xf32>
      %reduce_sum3A_2828 = arith.constant true
      %reduce_sum3A_2829 = vector.broadcast %reduce_sum3A_2828 : i1 to vector<16xi1>
      %reduce_sum3A_2830 = tpu.scan <sum>, %add3A_2781 masked %reduce_sum3A_2829 : vector<16xf32>, vector<16xi1> -> vector<16xf32>
      %reduce_sum3A_2831 = vector.extract %reduce_sum3A_2830[15] : f32 from vector<16xf32>
      %reduce_sum3A_2832 = arith.constant true
      %reduce_sum3A_2833 = vector.broadcast %reduce_sum3A_2832 : i1 to vector<16xi1>
      %reduce_sum3A_2834 = tpu.scan <sum>, %add3A_2827 masked %reduce_sum3A_2833 : vector<16xf32>, vector<16xi1> -> vector<16xf32>
      %reduce_sum3A_2835 = vector.extract %reduce_sum3A_2834[15] : f32 from vector<16xf32>
      %sub3A_2836 = arith.subf %reduce_sum3A_2831, %reduce_sum3A_2835 : f32
      %add3A_2837 = arith.constant 1.000000e+00 : f32
      %add3A_2838 = arith.addf %sub3A_2836, %add3A_2837 : f32
      %max3A_2839 = arith.constant 0.000000e+00 : f32
      %max3A_2840 = arith.maximumf %add3A_2838, %max3A_2839 : f32
      %add3A_2841 = arith.addf %add3A_2623, %max3A_2840 : f32
      %mul3A_2842 = arith.constant 16 : i32
      %mul3A_2843 = arith.muli %scan3A_605, %mul3A_2842 : i32
      %add3A_2844 = arith.constant 10 : i32
      %add3A_2845 = arith.addi %mul3A_2843, %add3A_2844 : i32
      %slice3A_2846 = vector.extract_strided_slice %mul3A_619 {offsets = [10], sizes = [1], strides = [1]} : vector<16xi32> to vector<1xi32>
      %squeeze3A_2847 = vector.extract %slice3A_2846[0] : i32 from vector<1xi32>
      %slice3A_2848 = vector.extract_strided_slice %mul3A_630 {offsets = [10], sizes = [1], strides = [1]} : vector<16xi32> to vector<1xi32>
      %squeeze3A_2849 = vector.extract %slice3A_2848[0] : i32 from vector<1xi32>
      %slice3A_2850 = vector.extract_strided_slice %mul3A_638 {offsets = [10], sizes = [1], strides = [1]} : vector<16xi32> to vector<1xi32>
      %squeeze3A_2851 = vector.extract %slice3A_2850[0] : i32 from vector<1xi32>
      %slice3A_2852 = vector.extract_strided_slice %mul3A_649 {offsets = [10], sizes = [1], strides = [1]} : vector<16xi32> to vector<1xi32>
      %squeeze3A_2853 = vector.extract %slice3A_2852[0] : i32 from vector<1xi32>
      %slice3A_2854 = vector.extract_strided_slice %mul3A_660 {offsets = [10], sizes = [1], strides = [1]} : vector<16xi32> to vector<1xi32>
      %squeeze3A_2855 = vector.extract %slice3A_2854[0] : i32 from vector<1xi32>
      %slice3A_2856 = vector.extract_strided_slice %mul3A_668 {offsets = [10], sizes = [1], strides = [1]} : vector<16xi32> to vector<1xi32>
      %squeeze3A_2857 = vector.extract %slice3A_2856[0] : i32 from vector<1xi32>
      %broadcast_in_dim3A_2858 = arith.constant 0.000000e+00 : f32
      %broadcast_in_dim3A_2859 = vector.broadcast %broadcast_in_dim3A_2858 : f32 to vector<16xf32>
      %broadcast_in_dim3A_2860 = arith.constant 0.000000e+00 : f32
      %broadcast_in_dim3A_2861 = vector.broadcast %broadcast_in_dim3A_2860 : f32 to vector<16xf32>
      %add3A_2862 = arith.constant 0 : i32
      %add3A_2863 = arith.addi %squeeze3A_2847, %add3A_2862 : i32
      %get3A_2864 = arith.index_cast %add3A_2845 : i32 to index
      %get3A_2865 = arith.index_cast %add3A_2863 : i32 to index
      %get3A_2866 = tpu.vector_load %arg23[%get3A_2864, %get3A_2865] {strides = array<i32>} : memref<128x128xi32, #tpu.memory_space<vmem>>, vector<16xi32>,
      %shift_left3A_2867 = arith.constant 16 : i32
      %shift_left3A_2868 = vector.broadcast %shift_left3A_2867 : i32 to vector<16xi32>
      %shift_left3A_2869 = arith.shli %get3A_2866, %shift_left3A_2868 : vector<16xi32>
      %bitcast3A_2870 = vector.bitcast %shift_left3A_2869 : vector<16xi32> to vector<16xf32>
      %and3A_2871 = arith.constant -65536 : i32
      %and3A_2872 = vector.broadcast %and3A_2871 : i32 to vector<16xi32>
      %and3A_2873 = arith.andi %get3A_2866, %and3A_2872 : vector<16xi32>
      %bitcast3A_2874 = vector.bitcast %and3A_2873 : vector<16xi32> to vector<16xf32>
      %add3A_2875 = arith.constant 0 : i32
      %add3A_2876 = arith.addi %squeeze3A_2849, %add3A_2875 : i32
      %get3A_2877 = arith.index_cast %add3A_2845 : i32 to index
      %get3A_2878 = arith.index_cast %add3A_2876 : i32 to index
      %get3A_2879 = tpu.vector_load %arg24[%get3A_2877, %get3A_2878] {strides = array<i32>} : memref<128x128xi32, #tpu.memory_space<vmem>>, vector<16xi32>,
      %shift_left3A_2880 = arith.constant 16 : i32
      %shift_left3A_2881 = vector.broadcast %shift_left3A_2880 : i32 to vector<16xi32>
      %shift_left3A_2882 = arith.shli %get3A_2879, %shift_left3A_2881 : vector<16xi32>
      %bitcast3A_2883 = vector.bitcast %shift_left3A_2882 : vector<16xi32> to vector<16xf32>
      %and3A_2884 = arith.constant -65536 : i32
      %and3A_2885 = vector.broadcast %and3A_2884 : i32 to vector<16xi32>
      %and3A_2886 = arith.andi %get3A_2879, %and3A_2885 : vector<16xi32>
      %bitcast3A_2887 = vector.bitcast %and3A_2886 : vector<16xi32> to vector<16xf32>
      %add3A_2888 = arith.constant 0 : i32
      %add3A_2889 = arith.addi %squeeze3A_2851, %add3A_2888 : i32
      %get3A_2890 = arith.index_cast %add3A_2845 : i32 to index
      %get3A_2891 = arith.index_cast %add3A_2889 : i32 to index
      %get3A_2892 = tpu.vector_load %arg25[%get3A_2890, %get3A_2891] {strides = array<i32>} : memref<128x128xf32, #tpu.memory_space<vmem>>, vector<16xf32>,
      %add3A_2893 = arith.constant 32 : i32
      %add3A_2894 = arith.addi %squeeze3A_2851, %add3A_2893 : i32
      %add3A_2895 = arith.constant 0 : i32
      %add3A_2896 = arith.addi %add3A_2894, %add3A_2895 : i32
      %get3A_2897 = arith.index_cast %add3A_2845 : i32 to index
      %get3A_2898 = arith.index_cast %add3A_2896 : i32 to index
      %get3A_2899 = tpu.vector_load %arg25[%get3A_2897, %get3A_2898] {strides = array<i32>} : memref<128x128xf32, #tpu.memory_space<vmem>>, vector<16xf32>,
      %sub3A_2900 = arith.subf %bitcast3A_2870, %bitcast3A_2883 : vector<16xf32>
      %add3A_2901 = arith.addf %sub3A_2900, %get3A_2892 : vector<16xf32>
      %abs3A_2902 = math.absf %add3A_2901 : vector<16xf32>
      %add3A_2903 = arith.addf %broadcast_in_dim3A_2859, %abs3A_2902 : vector<16xf32>
      %sub3A_2904 = arith.subf %bitcast3A_2874, %bitcast3A_2887 : vector<16xf32>
      %add3A_2905 = arith.addf %sub3A_2904, %get3A_2899 : vector<16xf32>
      %abs3A_2906 = math.absf %add3A_2905 : vector<16xf32>
      %add3A_2907 = arith.addf %add3A_2903, %abs3A_2906 : vector<16xf32>
      %add3A_2908 = arith.constant 0 : i32
      %add3A_2909 = arith.addi %squeeze3A_2853, %add3A_2908 : i32
      %get3A_2910 = arith.index_cast %add3A_2845 : i32 to index
      %get3A_2911 = arith.index_cast %add3A_2909 : i32 to index
      %get3A_2912 = tpu.vector_load %arg26[%get3A_2910, %get3A_2911] {strides = array<i32>} : memref<128x128xi32, #tpu.memory_space<vmem>>, vector<16xi32>,
      %shift_left3A_2913 = arith.constant 16 : i32
      %shift_left3A_2914 = vector.broadcast %shift_left3A_2913 : i32 to vector<16xi32>
      %shift_left3A_2915 = arith.shli %get3A_2912, %shift_left3A_2914 : vector<16xi32>
      %bitcast3A_2916 = vector.bitcast %shift_left3A_2915 : vector<16xi32> to vector<16xf32>
      %and3A_2917 = arith.constant -65536 : i32
      %and3A_2918 = vector.broadcast %and3A_2917 : i32 to vector<16xi32>
      %and3A_2919 = arith.andi %get3A_2912, %and3A_2918 : vector<16xi32>
      %bitcast3A_2920 = vector.bitcast %and3A_2919 : vector<16xi32> to vector<16xf32>
      %add3A_2921 = arith.constant 0 : i32
      %add3A_2922 = arith.addi %squeeze3A_2855, %add3A_2921 : i32
      %get3A_2923 = arith.index_cast %add3A_2845 : i32 to index
      %get3A_2924 = arith.index_cast %add3A_2922 : i32 to index
      %get3A_2925 = tpu.vector_load %arg27[%get3A_2923, %get3A_2924] {strides = array<i32>} : memref<128x128xi32, #tpu.memory_space<vmem>>, vector<16xi32>,
      %shift_left3A_2926 = arith.constant 16 : i32
      %shift_left3A_2927 = vector.broadcast %shift_left3A_2926 : i32 to vector<16xi32>
      %shift_left3A_2928 = arith.shli %get3A_2925, %shift_left3A_2927 : vector<16xi32>
      %bitcast3A_2929 = vector.bitcast %shift_left3A_2928 : vector<16xi32> to vector<16xf32>
      %and3A_2930 = arith.constant -65536 : i32
      %and3A_2931 = vector.broadcast %and3A_2930 : i32 to vector<16xi32>
      %and3A_2932 = arith.andi %get3A_2925, %and3A_2931 : vector<16xi32>
      %bitcast3A_2933 = vector.bitcast %and3A_2932 : vector<16xi32> to vector<16xf32>
      %add3A_2934 = arith.constant 0 : i32
      %add3A_2935 = arith.addi %squeeze3A_2857, %add3A_2934 : i32
      %get3A_2936 = arith.index_cast %add3A_2845 : i32 to index
      %get3A_2937 = arith.index_cast %add3A_2935 : i32 to index
      %get3A_2938 = tpu.vector_load %arg28[%get3A_2936, %get3A_2937] {strides = array<i32>} : memref<128x128xf32, #tpu.memory_space<vmem>>, vector<16xf32>,
      %add3A_2939 = arith.constant 32 : i32
      %add3A_2940 = arith.addi %squeeze3A_2857, %add3A_2939 : i32
      %add3A_2941 = arith.constant 0 : i32
      %add3A_2942 = arith.addi %add3A_2940, %add3A_2941 : i32
      %get3A_2943 = arith.index_cast %add3A_2845 : i32 to index
      %get3A_2944 = arith.index_cast %add3A_2942 : i32 to index
      %get3A_2945 = tpu.vector_load %arg28[%get3A_2943, %get3A_2944] {strides = array<i32>} : memref<128x128xf32, #tpu.memory_space<vmem>>, vector<16xf32>,
      %sub3A_2946 = arith.subf %bitcast3A_2916, %bitcast3A_2929 : vector<16xf32>
      %add3A_2947 = arith.addf %sub3A_2946, %get3A_2938 : vector<16xf32>
      %abs3A_2948 = math.absf %add3A_2947 : vector<16xf32>
      %add3A_2949 = arith.addf %broadcast_in_dim3A_2861, %abs3A_2948 : vector<16xf32>
      %sub3A_2950 = arith.subf %bitcast3A_2920, %bitcast3A_2933 : vector<16xf32>
      %add3A_2951 = arith.addf %sub3A_2950, %get3A_2945 : vector<16xf32>
      %abs3A_2952 = math.absf %add3A_2951 : vector<16xf32>
      %add3A_2953 = arith.addf %add3A_2949, %abs3A_2952 : vector<16xf32>
      %add3A_2954 = arith.constant 16 : i32
      %add3A_2955 = arith.addi %squeeze3A_2847, %add3A_2954 : i32
      %get3A_2956 = arith.index_cast %add3A_2845 : i32 to index
      %get3A_2957 = arith.index_cast %add3A_2955 : i32 to index
      %get3A_2958 = tpu.vector_load %arg23[%get3A_2956, %get3A_2957] {strides = array<i32>} : memref<128x128xi32, #tpu.memory_space<vmem>>, vector<16xi32>,
      %shift_left3A_2959 = arith.constant 16 : i32
      %shift_left3A_2960 = vector.broadcast %shift_left3A_2959 : i32 to vector<16xi32>
      %shift_left3A_2961 = arith.shli %get3A_2958, %shift_left3A_2960 : vector<16xi32>
      %bitcast3A_2962 = vector.bitcast %shift_left3A_2961 : vector<16xi32> to vector<16xf32>
      %and3A_2963 = arith.constant -65536 : i32
      %and3A_2964 = vector.broadcast %and3A_2963 : i32 to vector<16xi32>
      %and3A_2965 = arith.andi %get3A_2958, %and3A_2964 : vector<16xi32>
      %bitcast3A_2966 = vector.bitcast %and3A_2965 : vector<16xi32> to vector<16xf32>
      %add3A_2967 = arith.constant 16 : i32
      %add3A_2968 = arith.addi %squeeze3A_2849, %add3A_2967 : i32
      %get3A_2969 = arith.index_cast %add3A_2845 : i32 to index
      %get3A_2970 = arith.index_cast %add3A_2968 : i32 to index
      %get3A_2971 = tpu.vector_load %arg24[%get3A_2969, %get3A_2970] {strides = array<i32>} : memref<128x128xi32, #tpu.memory_space<vmem>>, vector<16xi32>,
      %shift_left3A_2972 = arith.constant 16 : i32
      %shift_left3A_2973 = vector.broadcast %shift_left3A_2972 : i32 to vector<16xi32>
      %shift_left3A_2974 = arith.shli %get3A_2971, %shift_left3A_2973 : vector<16xi32>
      %bitcast3A_2975 = vector.bitcast %shift_left3A_2974 : vector<16xi32> to vector<16xf32>
      %and3A_2976 = arith.constant -65536 : i32
      %and3A_2977 = vector.broadcast %and3A_2976 : i32 to vector<16xi32>
      %and3A_2978 = arith.andi %get3A_2971, %and3A_2977 : vector<16xi32>
      %bitcast3A_2979 = vector.bitcast %and3A_2978 : vector<16xi32> to vector<16xf32>
      %add3A_2980 = arith.constant 16 : i32
      %add3A_2981 = arith.addi %squeeze3A_2851, %add3A_2980 : i32
      %get3A_2982 = arith.index_cast %add3A_2845 : i32 to index
      %get3A_2983 = arith.index_cast %add3A_2981 : i32 to index
      %get3A_2984 = tpu.vector_load %arg25[%get3A_2982, %get3A_2983] {strides = array<i32>} : memref<128x128xf32, #tpu.memory_space<vmem>>, vector<16xf32>,
      %add3A_2985 = arith.constant 32 : i32
      %add3A_2986 = arith.addi %squeeze3A_2851, %add3A_2985 : i32
      %add3A_2987 = arith.constant 16 : i32
      %add3A_2988 = arith.addi %add3A_2986, %add3A_2987 : i32
      %get3A_2989 = arith.index_cast %add3A_2845 : i32 to index
      %get3A_2990 = arith.index_cast %add3A_2988 : i32 to index
      %get3A_2991 = tpu.vector_load %arg25[%get3A_2989, %get3A_2990] {strides = array<i32>} : memref<128x128xf32, #tpu.memory_space<vmem>>, vector<16xf32>,
      %sub3A_2992 = arith.subf %bitcast3A_2962, %bitcast3A_2975 : vector<16xf32>
      %add3A_2993 = arith.addf %sub3A_2992, %get3A_2984 : vector<16xf32>
      %abs3A_2994 = math.absf %add3A_2993 : vector<16xf32>
      %add3A_2995 = arith.addf %add3A_2907, %abs3A_2994 : vector<16xf32>
      %sub3A_2996 = arith.subf %bitcast3A_2966, %bitcast3A_2979 : vector<16xf32>
      %add3A_2997 = arith.addf %sub3A_2996, %get3A_2991 : vector<16xf32>
      %abs3A_2998 = math.absf %add3A_2997 : vector<16xf32>
      %add3A_2999 = arith.addf %add3A_2995, %abs3A_2998 : vector<16xf32>
      %add3A_3000 = arith.constant 16 : i32
      %add3A_3001 = arith.addi %squeeze3A_2853, %add3A_3000 : i32
      %get3A_3002 = arith.index_cast %add3A_2845 : i32 to index
      %get3A_3003 = arith.index_cast %add3A_3001 : i32 to index
      %get3A_3004 = tpu.vector_load %arg26[%get3A_3002, %get3A_3003] {strides = array<i32>} : memref<128x128xi32, #tpu.memory_space<vmem>>, vector<16xi32>,
      %shift_left3A_3005 = arith.constant 16 : i32
      %shift_left3A_3006 = vector.broadcast %shift_left3A_3005 : i32 to vector<16xi32>
      %shift_left3A_3007 = arith.shli %get3A_3004, %shift_left3A_3006 : vector<16xi32>
      %bitcast3A_3008 = vector.bitcast %shift_left3A_3007 : vector<16xi32> to vector<16xf32>
      %and3A_3009 = arith.constant -65536 : i32
      %and3A_3010 = vector.broadcast %and3A_3009 : i32 to vector<16xi32>
      %and3A_3011 = arith.andi %get3A_3004, %and3A_3010 : vector<16xi32>
      %bitcast3A_3012 = vector.bitcast %and3A_3011 : vector<16xi32> to vector<16xf32>
      %add3A_3013 = arith.constant 16 : i32
      %add3A_3014 = arith.addi %squeeze3A_2855, %add3A_3013 : i32
      %get3A_3015 = arith.index_cast %add3A_2845 : i32 to index
      %get3A_3016 = arith.index_cast %add3A_3014 : i32 to index
      %get3A_3017 = tpu.vector_load %arg27[%get3A_3015, %get3A_3016] {strides = array<i32>} : memref<128x128xi32, #tpu.memory_space<vmem>>, vector<16xi32>,
      %shift_left3A_3018 = arith.constant 16 : i32
      %shift_left3A_3019 = vector.broadcast %shift_left3A_3018 : i32 to vector<16xi32>
      %shift_left3A_3020 = arith.shli %get3A_3017, %shift_left3A_3019 : vector<16xi32>
      %bitcast3A_3021 = vector.bitcast %shift_left3A_3020 : vector<16xi32> to vector<16xf32>
      %and3A_3022 = arith.constant -65536 : i32
      %and3A_3023 = vector.broadcast %and3A_3022 : i32 to vector<16xi32>
      %and3A_3024 = arith.andi %get3A_3017, %and3A_3023 : vector<16xi32>
      %bitcast3A_3025 = vector.bitcast %and3A_3024 : vector<16xi32> to vector<16xf32>
      %add3A_3026 = arith.constant 16 : i32
      %add3A_3027 = arith.addi %squeeze3A_2857, %add3A_3026 : i32
      %get3A_3028 = arith.index_cast %add3A_2845 : i32 to index
      %get3A_3029 = arith.index_cast %add3A_3027 : i32 to index
      %get3A_3030 = tpu.vector_load %arg28[%get3A_3028, %get3A_3029] {strides = array<i32>} : memref<128x128xf32, #tpu.memory_space<vmem>>, vector<16xf32>,
      %add3A_3031 = arith.constant 32 : i32
      %add3A_3032 = arith.addi %squeeze3A_2857, %add3A_3031 : i32
      %add3A_3033 = arith.constant 16 : i32
      %add3A_3034 = arith.addi %add3A_3032, %add3A_3033 : i32
      %get3A_3035 = arith.index_cast %add3A_2845 : i32 to index
      %get3A_3036 = arith.index_cast %add3A_3034 : i32 to index
      %get3A_3037 = tpu.vector_load %arg28[%get3A_3035, %get3A_3036] {strides = array<i32>} : memref<128x128xf32, #tpu.memory_space<vmem>>, vector<16xf32>,
      %sub3A_3038 = arith.subf %bitcast3A_3008, %bitcast3A_3021 : vector<16xf32>
      %add3A_3039 = arith.addf %sub3A_3038, %get3A_3030 : vector<16xf32>
      %abs3A_3040 = math.absf %add3A_3039 : vector<16xf32>
      %add3A_3041 = arith.addf %add3A_2953, %abs3A_3040 : vector<16xf32>
      %sub3A_3042 = arith.subf %bitcast3A_3012, %bitcast3A_3025 : vector<16xf32>
      %add3A_3043 = arith.addf %sub3A_3042, %get3A_3037 : vector<16xf32>
      %abs3A_3044 = math.absf %add3A_3043 : vector<16xf32>
      %add3A_3045 = arith.addf %add3A_3041, %abs3A_3044 : vector<16xf32>
      %reduce_sum3A_3046 = arith.constant true
      %reduce_sum3A_3047 = vector.broadcast %reduce_sum3A_3046 : i1 to vector<16xi1>
      %reduce_sum3A_3048 = tpu.scan <sum>, %add3A_2999 masked %reduce_sum3A_3047 : vector<16xf32>, vector<16xi1> -> vector<16xf32>
      %reduce_sum3A_3049 = vector.extract %reduce_sum3A_3048[15] : f32 from vector<16xf32>
      %reduce_sum3A_3050 = arith.constant true
      %reduce_sum3A_3051 = vector.broadcast %reduce_sum3A_3050 : i1 to vector<16xi1>
      %reduce_sum3A_3052 = tpu.scan <sum>, %add3A_3045 masked %reduce_sum3A_3051 : vector<16xf32>, vector<16xi1> -> vector<16xf32>
      %reduce_sum3A_3053 = vector.extract %reduce_sum3A_3052[15] : f32 from vector<16xf32>
      %sub3A_3054 = arith.subf %reduce_sum3A_3049, %reduce_sum3A_3053 : f32
      %add3A_3055 = arith.constant 1.000000e+00 : f32
      %add3A_3056 = arith.addf %sub3A_3054, %add3A_3055 : f32
      %max3A_3057 = arith.constant 0.000000e+00 : f32
      %max3A_3058 = arith.maximumf %add3A_3056, %max3A_3057 : f32
      %add3A_3059 = arith.addf %add3A_2841, %max3A_3058 : f32
      %mul3A_3060 = arith.constant 16 : i32
      %mul3A_3061 = arith.muli %scan3A_605, %mul3A_3060 : i32
      %add3A_3062 = arith.constant 11 : i32
      %add3A_3063 = arith.addi %mul3A_3061, %add3A_3062 : i32
      %slice3A_3064 = vector.extract_strided_slice %mul3A_619 {offsets = [11], sizes = [1], strides = [1]} : vector<16xi32> to vector<1xi32>
      %squeeze3A_3065 = vector.extract %slice3A_3064[0] : i32 from vector<1xi32>
      %slice3A_3066 = vector.extract_strided_slice %mul3A_630 {offsets = [11], sizes = [1], strides = [1]} : vector<16xi32> to vector<1xi32>
      %squeeze3A_3067 = vector.extract %slice3A_3066[0] : i32 from vector<1xi32>
      %slice3A_3068 = vector.extract_strided_slice %mul3A_638 {offsets = [11], sizes = [1], strides = [1]} : vector<16xi32> to vector<1xi32>
      %squeeze3A_3069 = vector.extract %slice3A_3068[0] : i32 from vector<1xi32>
      %slice3A_3070 = vector.extract_strided_slice %mul3A_649 {offsets = [11], sizes = [1], strides = [1]} : vector<16xi32> to vector<1xi32>
      %squeeze3A_3071 = vector.extract %slice3A_3070[0] : i32 from vector<1xi32>
      %slice3A_3072 = vector.extract_strided_slice %mul3A_660 {offsets = [11], sizes = [1], strides = [1]} : vector<16xi32> to vector<1xi32>
      %squeeze3A_3073 = vector.extract %slice3A_3072[0] : i32 from vector<1xi32>
      %slice3A_3074 = vector.extract_strided_slice %mul3A_668 {offsets = [11], sizes = [1], strides = [1]} : vector<16xi32> to vector<1xi32>
      %squeeze3A_3075 = vector.extract %slice3A_3074[0] : i32 from vector<1xi32>
      %broadcast_in_dim3A_3076 = arith.constant 0.000000e+00 : f32
      %broadcast_in_dim3A_3077 = vector.broadcast %broadcast_in_dim3A_3076 : f32 to vector<16xf32>
      %broadcast_in_dim3A_3078 = arith.constant 0.000000e+00 : f32
      %broadcast_in_dim3A_3079 = vector.broadcast %broadcast_in_dim3A_3078 : f32 to vector<16xf32>
      %add3A_3080 = arith.constant 0 : i32
      %add3A_3081 = arith.addi %squeeze3A_3065, %add3A_3080 : i32
      %get3A_3082 = arith.index_cast %add3A_3063 : i32 to index
      %get3A_3083 = arith.index_cast %add3A_3081 : i32 to index
      %get3A_3084 = tpu.vector_load %arg23[%get3A_3082, %get3A_3083] {strides = array<i32>} : memref<128x128xi32, #tpu.memory_space<vmem>>, vector<16xi32>,
      %shift_left3A_3085 = arith.constant 16 : i32
      %shift_left3A_3086 = vector.broadcast %shift_left3A_3085 : i32 to vector<16xi32>
      %shift_left3A_3087 = arith.shli %get3A_3084, %shift_left3A_3086 : vector<16xi32>
      %bitcast3A_3088 = vector.bitcast %shift_left3A_3087 : vector<16xi32> to vector<16xf32>
      %and3A_3089 = arith.constant -65536 : i32
      %and3A_3090 = vector.broadcast %and3A_3089 : i32 to vector<16xi32>
      %and3A_3091 = arith.andi %get3A_3084, %and3A_3090 : vector<16xi32>
      %bitcast3A_3092 = vector.bitcast %and3A_3091 : vector<16xi32> to vector<16xf32>
      %add3A_3093 = arith.constant 0 : i32
      %add3A_3094 = arith.addi %squeeze3A_3067, %add3A_3093 : i32
      %get3A_3095 = arith.index_cast %add3A_3063 : i32 to index
      %get3A_3096 = arith.index_cast %add3A_3094 : i32 to index
      %get3A_3097 = tpu.vector_load %arg24[%get3A_3095, %get3A_3096] {strides = array<i32>} : memref<128x128xi32, #tpu.memory_space<vmem>>, vector<16xi32>,
      %shift_left3A_3098 = arith.constant 16 : i32
      %shift_left3A_3099 = vector.broadcast %shift_left3A_3098 : i32 to vector<16xi32>
      %shift_left3A_3100 = arith.shli %get3A_3097, %shift_left3A_3099 : vector<16xi32>
      %bitcast3A_3101 = vector.bitcast %shift_left3A_3100 : vector<16xi32> to vector<16xf32>
      %and3A_3102 = arith.constant -65536 : i32
      %and3A_3103 = vector.broadcast %and3A_3102 : i32 to vector<16xi32>
      %and3A_3104 = arith.andi %get3A_3097, %and3A_3103 : vector<16xi32>
      %bitcast3A_3105 = vector.bitcast %and3A_3104 : vector<16xi32> to vector<16xf32>
      %add3A_3106 = arith.constant 0 : i32
      %add3A_3107 = arith.addi %squeeze3A_3069, %add3A_3106 : i32
      %get3A_3108 = arith.index_cast %add3A_3063 : i32 to index
      %get3A_3109 = arith.index_cast %add3A_3107 : i32 to index
      %get3A_3110 = tpu.vector_load %arg25[%get3A_3108, %get3A_3109] {strides = array<i32>} : memref<128x128xf32, #tpu.memory_space<vmem>>, vector<16xf32>,
      %add3A_3111 = arith.constant 32 : i32
      %add3A_3112 = arith.addi %squeeze3A_3069, %add3A_3111 : i32
      %add3A_3113 = arith.constant 0 : i32
      %add3A_3114 = arith.addi %add3A_3112, %add3A_3113 : i32
      %get3A_3115 = arith.index_cast %add3A_3063 : i32 to index
      %get3A_3116 = arith.index_cast %add3A_3114 : i32 to index
      %get3A_3117 = tpu.vector_load %arg25[%get3A_3115, %get3A_3116] {strides = array<i32>} : memref<128x128xf32, #tpu.memory_space<vmem>>, vector<16xf32>,
      %sub3A_3118 = arith.subf %bitcast3A_3088, %bitcast3A_3101 : vector<16xf32>
      %add3A_3119 = arith.addf %sub3A_3118, %get3A_3110 : vector<16xf32>
      %abs3A_3120 = math.absf %add3A_3119 : vector<16xf32>
      %add3A_3121 = arith.addf %broadcast_in_dim3A_3077, %abs3A_3120 : vector<16xf32>
      %sub3A_3122 = arith.subf %bitcast3A_3092, %bitcast3A_3105 : vector<16xf32>
      %add3A_3123 = arith.addf %sub3A_3122, %get3A_3117 : vector<16xf32>
      %abs3A_3124 = math.absf %add3A_3123 : vector<16xf32>
      %add3A_3125 = arith.addf %add3A_3121, %abs3A_3124 : vector<16xf32>
      %add3A_3126 = arith.constant 0 : i32
      %add3A_3127 = arith.addi %squeeze3A_3071, %add3A_3126 : i32
      %get3A_3128 = arith.index_cast %add3A_3063 : i32 to index
      %get3A_3129 = arith.index_cast %add3A_3127 : i32 to index
      %get3A_3130 = tpu.vector_load %arg26[%get3A_3128, %get3A_3129] {strides = array<i32>} : memref<128x128xi32, #tpu.memory_space<vmem>>, vector<16xi32>,
      %shift_left3A_3131 = arith.constant 16 : i32
      %shift_left3A_3132 = vector.broadcast %shift_left3A_3131 : i32 to vector<16xi32>
      %shift_left3A_3133 = arith.shli %get3A_3130, %shift_left3A_3132 : vector<16xi32>
      %bitcast3A_3134 = vector.bitcast %shift_left3A_3133 : vector<16xi32> to vector<16xf32>
      %and3A_3135 = arith.constant -65536 : i32
      %and3A_3136 = vector.broadcast %and3A_3135 : i32 to vector<16xi32>
      %and3A_3137 = arith.andi %get3A_3130, %and3A_3136 : vector<16xi32>
      %bitcast3A_3138 = vector.bitcast %and3A_3137 : vector<16xi32> to vector<16xf32>
      %add3A_3139 = arith.constant 0 : i32
      %add3A_3140 = arith.addi %squeeze3A_3073, %add3A_3139 : i32
      %get3A_3141 = arith.index_cast %add3A_3063 : i32 to index
      %get3A_3142 = arith.index_cast %add3A_3140 : i32 to index
      %get3A_3143 = tpu.vector_load %arg27[%get3A_3141, %get3A_3142] {strides = array<i32>} : memref<128x128xi32, #tpu.memory_space<vmem>>, vector<16xi32>,
      %shift_left3A_3144 = arith.constant 16 : i32
      %shift_left3A_3145 = vector.broadcast %shift_left3A_3144 : i32 to vector<16xi32>
      %shift_left3A_3146 = arith.shli %get3A_3143, %shift_left3A_3145 : vector<16xi32>
      %bitcast3A_3147 = vector.bitcast %shift_left3A_3146 : vector<16xi32> to vector<16xf32>
      %and3A_3148 = arith.constant -65536 : i32
      %and3A_3149 = vector.broadcast %and3A_3148 : i32 to vector<16xi32>
      %and3A_3150 = arith.andi %get3A_3143, %and3A_3149 : vector<16xi32>
      %bitcast3A_3151 = vector.bitcast %and3A_3150 : vector<16xi32> to vector<16xf32>
      %add3A_3152 = arith.constant 0 : i32
      %add3A_3153 = arith.addi %squeeze3A_3075, %add3A_3152 : i32
      %get3A_3154 = arith.index_cast %add3A_3063 : i32 to index
      %get3A_3155 = arith.index_cast %add3A_3153 : i32 to index
      %get3A_3156 = tpu.vector_load %arg28[%get3A_3154, %get3A_3155] {strides = array<i32>} : memref<128x128xf32, #tpu.memory_space<vmem>>, vector<16xf32>,
      %add3A_3157 = arith.constant 32 : i32
      %add3A_3158 = arith.addi %squeeze3A_3075, %add3A_3157 : i32
      %add3A_3159 = arith.constant 0 : i32
      %add3A_3160 = arith.addi %add3A_3158, %add3A_3159 : i32
      %get3A_3161 = arith.index_cast %add3A_3063 : i32 to index
      %get3A_3162 = arith.index_cast %add3A_3160 : i32 to index
      %get3A_3163 = tpu.vector_load %arg28[%get3A_3161, %get3A_3162] {strides = array<i32>} : memref<128x128xf32, #tpu.memory_space<vmem>>, vector<16xf32>,
      %sub3A_3164 = arith.subf %bitcast3A_3134, %bitcast3A_3147 : vector<16xf32>
      %add3A_3165 = arith.addf %sub3A_3164, %get3A_3156 : vector<16xf32>
      %abs3A_3166 = math.absf %add3A_3165 : vector<16xf32>
      %add3A_3167 = arith.addf %broadcast_in_dim3A_3079, %abs3A_3166 : vector<16xf32>
      %sub3A_3168 = arith.subf %bitcast3A_3138, %bitcast3A_3151 : vector<16xf32>
      %add3A_3169 = arith.addf %sub3A_3168, %get3A_3163 : vector<16xf32>
      %abs3A_3170 = math.absf %add3A_3169 : vector<16xf32>
      %add3A_3171 = arith.addf %add3A_3167, %abs3A_3170 : vector<16xf32>
      %add3A_3172 = arith.constant 16 : i32
      %add3A_3173 = arith.addi %squeeze3A_3065, %add3A_3172 : i32
      %get3A_3174 = arith.index_cast %add3A_3063 : i32 to index
      %get3A_3175 = arith.index_cast %add3A_3173 : i32 to index
      %get3A_3176 = tpu.vector_load %arg23[%get3A_3174, %get3A_3175] {strides = array<i32>} : memref<128x128xi32, #tpu.memory_space<vmem>>, vector<16xi32>,
      %shift_left3A_3177 = arith.constant 16 : i32
      %shift_left3A_3178 = vector.broadcast %shift_left3A_3177 : i32 to vector<16xi32>
      %shift_left3A_3179 = arith.shli %get3A_3176, %shift_left3A_3178 : vector<16xi32>
      %bitcast3A_3180 = vector.bitcast %shift_left3A_3179 : vector<16xi32> to vector<16xf32>
      %and3A_3181 = arith.constant -65536 : i32
      %and3A_3182 = vector.broadcast %and3A_3181 : i32 to vector<16xi32>
      %and3A_3183 = arith.andi %get3A_3176, %and3A_3182 : vector<16xi32>
      %bitcast3A_3184 = vector.bitcast %and3A_3183 : vector<16xi32> to vector<16xf32>
      %add3A_3185 = arith.constant 16 : i32
      %add3A_3186 = arith.addi %squeeze3A_3067, %add3A_3185 : i32
      %get3A_3187 = arith.index_cast %add3A_3063 : i32 to index
      %get3A_3188 = arith.index_cast %add3A_3186 : i32 to index
      %get3A_3189 = tpu.vector_load %arg24[%get3A_3187, %get3A_3188] {strides = array<i32>} : memref<128x128xi32, #tpu.memory_space<vmem>>, vector<16xi32>,
      %shift_left3A_3190 = arith.constant 16 : i32
      %shift_left3A_3191 = vector.broadcast %shift_left3A_3190 : i32 to vector<16xi32>
      %shift_left3A_3192 = arith.shli %get3A_3189, %shift_left3A_3191 : vector<16xi32>
      %bitcast3A_3193 = vector.bitcast %shift_left3A_3192 : vector<16xi32> to vector<16xf32>
      %and3A_3194 = arith.constant -65536 : i32
      %and3A_3195 = vector.broadcast %and3A_3194 : i32 to vector<16xi32>
      %and3A_3196 = arith.andi %get3A_3189, %and3A_3195 : vector<16xi32>
      %bitcast3A_3197 = vector.bitcast %and3A_3196 : vector<16xi32> to vector<16xf32>
      %add3A_3198 = arith.constant 16 : i32
      %add3A_3199 = arith.addi %squeeze3A_3069, %add3A_3198 : i32
      %get3A_3200 = arith.index_cast %add3A_3063 : i32 to index
      %get3A_3201 = arith.index_cast %add3A_3199 : i32 to index
      %get3A_3202 = tpu.vector_load %arg25[%get3A_3200, %get3A_3201] {strides = array<i32>} : memref<128x128xf32, #tpu.memory_space<vmem>>, vector<16xf32>,
      %add3A_3203 = arith.constant 32 : i32
      %add3A_3204 = arith.addi %squeeze3A_3069, %add3A_3203 : i32
      %add3A_3205 = arith.constant 16 : i32
      %add3A_3206 = arith.addi %add3A_3204, %add3A_3205 : i32
      %get3A_3207 = arith.index_cast %add3A_3063 : i32 to index
      %get3A_3208 = arith.index_cast %add3A_3206 : i32 to index
      %get3A_3209 = tpu.vector_load %arg25[%get3A_3207, %get3A_3208] {strides = array<i32>} : memref<128x128xf32, #tpu.memory_space<vmem>>, vector<16xf32>,
      %sub3A_3210 = arith.subf %bitcast3A_3180, %bitcast3A_3193 : vector<16xf32>
      %add3A_3211 = arith.addf %sub3A_3210, %get3A_3202 : vector<16xf32>
      %abs3A_3212 = math.absf %add3A_3211 : vector<16xf32>
      %add3A_3213 = arith.addf %add3A_3125, %abs3A_3212 : vector<16xf32>
      %sub3A_3214 = arith.subf %bitcast3A_3184, %bitcast3A_3197 : vector<16xf32>
      %add3A_3215 = arith.addf %sub3A_3214, %get3A_3209 : vector<16xf32>
      %abs3A_3216 = math.absf %add3A_3215 : vector<16xf32>
      %add3A_3217 = arith.addf %add3A_3213, %abs3A_3216 : vector<16xf32>
      %add3A_3218 = arith.constant 16 : i32
      %add3A_3219 = arith.addi %squeeze3A_3071, %add3A_3218 : i32
      %get3A_3220 = arith.index_cast %add3A_3063 : i32 to index
      %get3A_3221 = arith.index_cast %add3A_3219 : i32 to index
      %get3A_3222 = tpu.vector_load %arg26[%get3A_3220, %get3A_3221] {strides = array<i32>} : memref<128x128xi32, #tpu.memory_space<vmem>>, vector<16xi32>,
      %shift_left3A_3223 = arith.constant 16 : i32
      %shift_left3A_3224 = vector.broadcast %shift_left3A_3223 : i32 to vector<16xi32>
      %shift_left3A_3225 = arith.shli %get3A_3222, %shift_left3A_3224 : vector<16xi32>
      %bitcast3A_3226 = vector.bitcast %shift_left3A_3225 : vector<16xi32> to vector<16xf32>
      %and3A_3227 = arith.constant -65536 : i32
      %and3A_3228 = vector.broadcast %and3A_3227 : i32 to vector<16xi32>
      %and3A_3229 = arith.andi %get3A_3222, %and3A_3228 : vector<16xi32>
      %bitcast3A_3230 = vector.bitcast %and3A_3229 : vector<16xi32> to vector<16xf32>
      %add3A_3231 = arith.constant 16 : i32
      %add3A_3232 = arith.addi %squeeze3A_3073, %add3A_3231 : i32
      %get3A_3233 = arith.index_cast %add3A_3063 : i32 to index
      %get3A_3234 = arith.index_cast %add3A_3232 : i32 to index
      %get3A_3235 = tpu.vector_load %arg27[%get3A_3233, %get3A_3234] {strides = array<i32>} : memref<128x128xi32, #tpu.memory_space<vmem>>, vector<16xi32>,
      %shift_left3A_3236 = arith.constant 16 : i32
      %shift_left3A_3237 = vector.broadcast %shift_left3A_3236 : i32 to vector<16xi32>
      %shift_left3A_3238 = arith.shli %get3A_3235, %shift_left3A_3237 : vector<16xi32>
      %bitcast3A_3239 = vector.bitcast %shift_left3A_3238 : vector<16xi32> to vector<16xf32>
      %and3A_3240 = arith.constant -65536 : i32
      %and3A_3241 = vector.broadcast %and3A_3240 : i32 to vector<16xi32>
      %and3A_3242 = arith.andi %get3A_3235, %and3A_3241 : vector<16xi32>
      %bitcast3A_3243 = vector.bitcast %and3A_3242 : vector<16xi32> to vector<16xf32>
      %add3A_3244 = arith.constant 16 : i32
      %add3A_3245 = arith.addi %squeeze3A_3075, %add3A_3244 : i32
      %get3A_3246 = arith.index_cast %add3A_3063 : i32 to index
      %get3A_3247 = arith.index_cast %add3A_3245 : i32 to index
      %get3A_3248 = tpu.vector_load %arg28[%get3A_3246, %get3A_3247] {strides = array<i32>} : memref<128x128xf32, #tpu.memory_space<vmem>>, vector<16xf32>,
      %add3A_3249 = arith.constant 32 : i32
      %add3A_3250 = arith.addi %squeeze3A_3075, %add3A_3249 : i32
      %add3A_3251 = arith.constant 16 : i32
      %add3A_3252 = arith.addi %add3A_3250, %add3A_3251 : i32
      %get3A_3253 = arith.index_cast %add3A_3063 : i32 to index
      %get3A_3254 = arith.index_cast %add3A_3252 : i32 to index
      %get3A_3255 = tpu.vector_load %arg28[%get3A_3253, %get3A_3254] {strides = array<i32>} : memref<128x128xf32, #tpu.memory_space<vmem>>, vector<16xf32>,
      %sub3A_3256 = arith.subf %bitcast3A_3226, %bitcast3A_3239 : vector<16xf32>
      %add3A_3257 = arith.addf %sub3A_3256, %get3A_3248 : vector<16xf32>
      %abs3A_3258 = math.absf %add3A_3257 : vector<16xf32>
      %add3A_3259 = arith.addf %add3A_3171, %abs3A_3258 : vector<16xf32>
      %sub3A_3260 = arith.subf %bitcast3A_3230, %bitcast3A_3243 : vector<16xf32>
      %add3A_3261 = arith.addf %sub3A_3260, %get3A_3255 : vector<16xf32>
      %abs3A_3262 = math.absf %add3A_3261 : vector<16xf32>
      %add3A_3263 = arith.addf %add3A_3259, %abs3A_3262 : vector<16xf32>
      %reduce_sum3A_3264 = arith.constant true
      %reduce_sum3A_3265 = vector.broadcast %reduce_sum3A_3264 : i1 to vector<16xi1>
      %reduce_sum3A_3266 = tpu.scan <sum>, %add3A_3217 masked %reduce_sum3A_3265 : vector<16xf32>, vector<16xi1> -> vector<16xf32>
      %reduce_sum3A_3267 = vector.extract %reduce_sum3A_3266[15] : f32 from vector<16xf32>
      %reduce_sum3A_3268 = arith.constant true
      %reduce_sum3A_3269 = vector.broadcast %reduce_sum3A_3268 : i1 to vector<16xi1>
      %reduce_sum3A_3270 = tpu.scan <sum>, %add3A_3263 masked %reduce_sum3A_3269 : vector<16xf32>, vector<16xi1> -> vector<16xf32>
      %reduce_sum3A_3271 = vector.extract %reduce_sum3A_3270[15] : f32 from vector<16xf32>
      %sub3A_3272 = arith.subf %reduce_sum3A_3267, %reduce_sum3A_3271 : f32
      %add3A_3273 = arith.constant 1.000000e+00 : f32
      %add3A_3274 = arith.addf %sub3A_3272, %add3A_3273 : f32
      %max3A_3275 = arith.constant 0.000000e+00 : f32
      %max3A_3276 = arith.maximumf %add3A_3274, %max3A_3275 : f32
      %add3A_3277 = arith.addf %add3A_3059, %max3A_3276 : f32
      %mul3A_3278 = arith.constant 16 : i32
      %mul3A_3279 = arith.muli %scan3A_605, %mul3A_3278 : i32
      %add3A_3280 = arith.constant 12 : i32
      %add3A_3281 = arith.addi %mul3A_3279, %add3A_3280 : i32
      %slice3A_3282 = vector.extract_strided_slice %mul3A_619 {offsets = [12], sizes = [1], strides = [1]} : vector<16xi32> to vector<1xi32>
      %squeeze3A_3283 = vector.extract %slice3A_3282[0] : i32 from vector<1xi32>
      %slice3A_3284 = vector.extract_strided_slice %mul3A_630 {offsets = [12], sizes = [1], strides = [1]} : vector<16xi32> to vector<1xi32>
      %squeeze3A_3285 = vector.extract %slice3A_3284[0] : i32 from vector<1xi32>
      %slice3A_3286 = vector.extract_strided_slice %mul3A_638 {offsets = [12], sizes = [1], strides = [1]} : vector<16xi32> to vector<1xi32>
      %squeeze3A_3287 = vector.extract %slice3A_3286[0] : i32 from vector<1xi32>
      %slice3A_3288 = vector.extract_strided_slice %mul3A_649 {offsets = [12], sizes = [1], strides = [1]} : vector<16xi32> to vector<1xi32>
      %squeeze3A_3289 = vector.extract %slice3A_3288[0] : i32 from vector<1xi32>
      %slice3A_3290 = vector.extract_strided_slice %mul3A_660 {offsets = [12], sizes = [1], strides = [1]} : vector<16xi32> to vector<1xi32>
      %squeeze3A_3291 = vector.extract %slice3A_3290[0] : i32 from vector<1xi32>
      %slice3A_3292 = vector.extract_strided_slice %mul3A_668 {offsets = [12], sizes = [1], strides = [1]} : vector<16xi32> to vector<1xi32>
      %squeeze3A_3293 = vector.extract %slice3A_3292[0] : i32 from vector<1xi32>
      %broadcast_in_dim3A_3294 = arith.constant 0.000000e+00 : f32
      %broadcast_in_dim3A_3295 = vector.broadcast %broadcast_in_dim3A_3294 : f32 to vector<16xf32>
      %broadcast_in_dim3A_3296 = arith.constant 0.000000e+00 : f32
      %broadcast_in_dim3A_3297 = vector.broadcast %broadcast_in_dim3A_3296 : f32 to vector<16xf32>
      %add3A_3298 = arith.constant 0 : i32
      %add3A_3299 = arith.addi %squeeze3A_3283, %add3A_3298 : i32
      %get3A_3300 = arith.index_cast %add3A_3281 : i32 to index
      %get3A_3301 = arith.index_cast %add3A_3299 : i32 to index
      %get3A_3302 = tpu.vector_load %arg23[%get3A_3300, %get3A_3301] {strides = array<i32>} : memref<128x128xi32, #tpu.memory_space<vmem>>, vector<16xi32>,
      %shift_left3A_3303 = arith.constant 16 : i32
      %shift_left3A_3304 = vector.broadcast %shift_left3A_3303 : i32 to vector<16xi32>
      %shift_left3A_3305 = arith.shli %get3A_3302, %shift_left3A_3304 : vector<16xi32>
      %bitcast3A_3306 = vector.bitcast %shift_left3A_3305 : vector<16xi32> to vector<16xf32>
      %and3A_3307 = arith.constant -65536 : i32
      %and3A_3308 = vector.broadcast %and3A_3307 : i32 to vector<16xi32>
      %and3A_3309 = arith.andi %get3A_3302, %and3A_3308 : vector<16xi32>
      %bitcast3A_3310 = vector.bitcast %and3A_3309 : vector<16xi32> to vector<16xf32>
      %add3A_3311 = arith.constant 0 : i32
      %add3A_3312 = arith.addi %squeeze3A_3285, %add3A_3311 : i32
      %get3A_3313 = arith.index_cast %add3A_3281 : i32 to index
      %get3A_3314 = arith.index_cast %add3A_3312 : i32 to index
      %get3A_3315 = tpu.vector_load %arg24[%get3A_3313, %get3A_3314] {strides = array<i32>} : memref<128x128xi32, #tpu.memory_space<vmem>>, vector<16xi32>,
      %shift_left3A_3316 = arith.constant 16 : i32
      %shift_left3A_3317 = vector.broadcast %shift_left3A_3316 : i32 to vector<16xi32>
      %shift_left3A_3318 = arith.shli %get3A_3315, %shift_left3A_3317 : vector<16xi32>
      %bitcast3A_3319 = vector.bitcast %shift_left3A_3318 : vector<16xi32> to vector<16xf32>
      %and3A_3320 = arith.constant -65536 : i32
      %and3A_3321 = vector.broadcast %and3A_3320 : i32 to vector<16xi32>
      %and3A_3322 = arith.andi %get3A_3315, %and3A_3321 : vector<16xi32>
      %bitcast3A_3323 = vector.bitcast %and3A_3322 : vector<16xi32> to vector<16xf32>
      %add3A_3324 = arith.constant 0 : i32
      %add3A_3325 = arith.addi %squeeze3A_3287, %add3A_3324 : i32
      %get3A_3326 = arith.index_cast %add3A_3281 : i32 to index
      %get3A_3327 = arith.index_cast %add3A_3325 : i32 to index
      %get3A_3328 = tpu.vector_load %arg25[%get3A_3326, %get3A_3327] {strides = array<i32>} : memref<128x128xf32, #tpu.memory_space<vmem>>, vector<16xf32>,
      %add3A_3329 = arith.constant 32 : i32
      %add3A_3330 = arith.addi %squeeze3A_3287, %add3A_3329 : i32
      %add3A_3331 = arith.constant 0 : i32
      %add3A_3332 = arith.addi %add3A_3330, %add3A_3331 : i32
      %get3A_3333 = arith.index_cast %add3A_3281 : i32 to index
      %get3A_3334 = arith.index_cast %add3A_3332 : i32 to index
      %get3A_3335 = tpu.vector_load %arg25[%get3A_3333, %get3A_3334] {strides = array<i32>} : memref<128x128xf32, #tpu.memory_space<vmem>>, vector<16xf32>,
      %sub3A_3336 = arith.subf %bitcast3A_3306, %bitcast3A_3319 : vector<16xf32>
      %add3A_3337 = arith.addf %sub3A_3336, %get3A_3328 : vector<16xf32>
      %abs3A_3338 = math.absf %add3A_3337 : vector<16xf32>
      %add3A_3339 = arith.addf %broadcast_in_dim3A_3295, %abs3A_3338 : vector<16xf32>
      %sub3A_3340 = arith.subf %bitcast3A_3310, %bitcast3A_3323 : vector<16xf32>
      %add3A_3341 = arith.addf %sub3A_3340, %get3A_3335 : vector<16xf32>
      %abs3A_3342 = math.absf %add3A_3341 : vector<16xf32>
      %add3A_3343 = arith.addf %add3A_3339, %abs3A_3342 : vector<16xf32>
      %add3A_3344 = arith.constant 0 : i32
      %add3A_3345 = arith.addi %squeeze3A_3289, %add3A_3344 : i32
      %get3A_3346 = arith.index_cast %add3A_3281 : i32 to index
      %get3A_3347 = arith.index_cast %add3A_3345 : i32 to index
      %get3A_3348 = tpu.vector_load %arg26[%get3A_3346, %get3A_3347] {strides = array<i32>} : memref<128x128xi32, #tpu.memory_space<vmem>>, vector<16xi32>,
      %shift_left3A_3349 = arith.constant 16 : i32
      %shift_left3A_3350 = vector.broadcast %shift_left3A_3349 : i32 to vector<16xi32>
      %shift_left3A_3351 = arith.shli %get3A_3348, %shift_left3A_3350 : vector<16xi32>
      %bitcast3A_3352 = vector.bitcast %shift_left3A_3351 : vector<16xi32> to vector<16xf32>
      %and3A_3353 = arith.constant -65536 : i32
      %and3A_3354 = vector.broadcast %and3A_3353 : i32 to vector<16xi32>
      %and3A_3355 = arith.andi %get3A_3348, %and3A_3354 : vector<16xi32>
      %bitcast3A_3356 = vector.bitcast %and3A_3355 : vector<16xi32> to vector<16xf32>
      %add3A_3357 = arith.constant 0 : i32
      %add3A_3358 = arith.addi %squeeze3A_3291, %add3A_3357 : i32
      %get3A_3359 = arith.index_cast %add3A_3281 : i32 to index
      %get3A_3360 = arith.index_cast %add3A_3358 : i32 to index
      %get3A_3361 = tpu.vector_load %arg27[%get3A_3359, %get3A_3360] {strides = array<i32>} : memref<128x128xi32, #tpu.memory_space<vmem>>, vector<16xi32>,
      %shift_left3A_3362 = arith.constant 16 : i32
      %shift_left3A_3363 = vector.broadcast %shift_left3A_3362 : i32 to vector<16xi32>
      %shift_left3A_3364 = arith.shli %get3A_3361, %shift_left3A_3363 : vector<16xi32>
      %bitcast3A_3365 = vector.bitcast %shift_left3A_3364 : vector<16xi32> to vector<16xf32>
      %and3A_3366 = arith.constant -65536 : i32
      %and3A_3367 = vector.broadcast %and3A_3366 : i32 to vector<16xi32>
      %and3A_3368 = arith.andi %get3A_3361, %and3A_3367 : vector<16xi32>
      %bitcast3A_3369 = vector.bitcast %and3A_3368 : vector<16xi32> to vector<16xf32>
      %add3A_3370 = arith.constant 0 : i32
      %add3A_3371 = arith.addi %squeeze3A_3293, %add3A_3370 : i32
      %get3A_3372 = arith.index_cast %add3A_3281 : i32 to index
      %get3A_3373 = arith.index_cast %add3A_3371 : i32 to index
      %get3A_3374 = tpu.vector_load %arg28[%get3A_3372, %get3A_3373] {strides = array<i32>} : memref<128x128xf32, #tpu.memory_space<vmem>>, vector<16xf32>,
      %add3A_3375 = arith.constant 32 : i32
      %add3A_3376 = arith.addi %squeeze3A_3293, %add3A_3375 : i32
      %add3A_3377 = arith.constant 0 : i32
      %add3A_3378 = arith.addi %add3A_3376, %add3A_3377 : i32
      %get3A_3379 = arith.index_cast %add3A_3281 : i32 to index
      %get3A_3380 = arith.index_cast %add3A_3378 : i32 to index
      %get3A_3381 = tpu.vector_load %arg28[%get3A_3379, %get3A_3380] {strides = array<i32>} : memref<128x128xf32, #tpu.memory_space<vmem>>, vector<16xf32>,
      %sub3A_3382 = arith.subf %bitcast3A_3352, %bitcast3A_3365 : vector<16xf32>
      %add3A_3383 = arith.addf %sub3A_3382, %get3A_3374 : vector<16xf32>
      %abs3A_3384 = math.absf %add3A_3383 : vector<16xf32>
      %add3A_3385 = arith.addf %broadcast_in_dim3A_3297, %abs3A_3384 : vector<16xf32>
      %sub3A_3386 = arith.subf %bitcast3A_3356, %bitcast3A_3369 : vector<16xf32>
      %add3A_3387 = arith.addf %sub3A_3386, %get3A_3381 : vector<16xf32>
      %abs3A_3388 = math.absf %add3A_3387 : vector<16xf32>
      %add3A_3389 = arith.addf %add3A_3385, %abs3A_3388 : vector<16xf32>
      %add3A_3390 = arith.constant 16 : i32
      %add3A_3391 = arith.addi %squeeze3A_3283, %add3A_3390 : i32
      %get3A_3392 = arith.index_cast %add3A_3281 : i32 to index
      %get3A_3393 = arith.index_cast %add3A_3391 : i32 to index
      %get3A_3394 = tpu.vector_load %arg23[%get3A_3392, %get3A_3393] {strides = array<i32>} : memref<128x128xi32, #tpu.memory_space<vmem>>, vector<16xi32>,
      %shift_left3A_3395 = arith.constant 16 : i32
      %shift_left3A_3396 = vector.broadcast %shift_left3A_3395 : i32 to vector<16xi32>
      %shift_left3A_3397 = arith.shli %get3A_3394, %shift_left3A_3396 : vector<16xi32>
      %bitcast3A_3398 = vector.bitcast %shift_left3A_3397 : vector<16xi32> to vector<16xf32>
      %and3A_3399 = arith.constant -65536 : i32
      %and3A_3400 = vector.broadcast %and3A_3399 : i32 to vector<16xi32>
      %and3A_3401 = arith.andi %get3A_3394, %and3A_3400 : vector<16xi32>
      %bitcast3A_3402 = vector.bitcast %and3A_3401 : vector<16xi32> to vector<16xf32>
      %add3A_3403 = arith.constant 16 : i32
      %add3A_3404 = arith.addi %squeeze3A_3285, %add3A_3403 : i32
      %get3A_3405 = arith.index_cast %add3A_3281 : i32 to index
      %get3A_3406 = arith.index_cast %add3A_3404 : i32 to index
      %get3A_3407 = tpu.vector_load %arg24[%get3A_3405, %get3A_3406] {strides = array<i32>} : memref<128x128xi32, #tpu.memory_space<vmem>>, vector<16xi32>,
      %shift_left3A_3408 = arith.constant 16 : i32
      %shift_left3A_3409 = vector.broadcast %shift_left3A_3408 : i32 to vector<16xi32>
      %shift_left3A_3410 = arith.shli %get3A_3407, %shift_left3A_3409 : vector<16xi32>
      %bitcast3A_3411 = vector.bitcast %shift_left3A_3410 : vector<16xi32> to vector<16xf32>
      %and3A_3412 = arith.constant -65536 : i32
      %and3A_3413 = vector.broadcast %and3A_3412 : i32 to vector<16xi32>
      %and3A_3414 = arith.andi %get3A_3407, %and3A_3413 : vector<16xi32>
      %bitcast3A_3415 = vector.bitcast %and3A_3414 : vector<16xi32> to vector<16xf32>
      %add3A_3416 = arith.constant 16 : i32
      %add3A_3417 = arith.addi %squeeze3A_3287, %add3A_3416 : i32
      %get3A_3418 = arith.index_cast %add3A_3281 : i32 to index
      %get3A_3419 = arith.index_cast %add3A_3417 : i32 to index
      %get3A_3420 = tpu.vector_load %arg25[%get3A_3418, %get3A_3419] {strides = array<i32>} : memref<128x128xf32, #tpu.memory_space<vmem>>, vector<16xf32>,
      %add3A_3421 = arith.constant 32 : i32
      %add3A_3422 = arith.addi %squeeze3A_3287, %add3A_3421 : i32
      %add3A_3423 = arith.constant 16 : i32
      %add3A_3424 = arith.addi %add3A_3422, %add3A_3423 : i32
      %get3A_3425 = arith.index_cast %add3A_3281 : i32 to index
      %get3A_3426 = arith.index_cast %add3A_3424 : i32 to index
      %get3A_3427 = tpu.vector_load %arg25[%get3A_3425, %get3A_3426] {strides = array<i32>} : memref<128x128xf32, #tpu.memory_space<vmem>>, vector<16xf32>,
      %sub3A_3428 = arith.subf %bitcast3A_3398, %bitcast3A_3411 : vector<16xf32>
      %add3A_3429 = arith.addf %sub3A_3428, %get3A_3420 : vector<16xf32>
      %abs3A_3430 = math.absf %add3A_3429 : vector<16xf32>
      %add3A_3431 = arith.addf %add3A_3343, %abs3A_3430 : vector<16xf32>
      %sub3A_3432 = arith.subf %bitcast3A_3402, %bitcast3A_3415 : vector<16xf32>
      %add3A_3433 = arith.addf %sub3A_3432, %get3A_3427 : vector<16xf32>
      %abs3A_3434 = math.absf %add3A_3433 : vector<16xf32>
      %add3A_3435 = arith.addf %add3A_3431, %abs3A_3434 : vector<16xf32>
      %add3A_3436 = arith.constant 16 : i32
      %add3A_3437 = arith.addi %squeeze3A_3289, %add3A_3436 : i32
      %get3A_3438 = arith.index_cast %add3A_3281 : i32 to index
      %get3A_3439 = arith.index_cast %add3A_3437 : i32 to index
      %get3A_3440 = tpu.vector_load %arg26[%get3A_3438, %get3A_3439] {strides = array<i32>} : memref<128x128xi32, #tpu.memory_space<vmem>>, vector<16xi32>,
      %shift_left3A_3441 = arith.constant 16 : i32
      %shift_left3A_3442 = vector.broadcast %shift_left3A_3441 : i32 to vector<16xi32>
      %shift_left3A_3443 = arith.shli %get3A_3440, %shift_left3A_3442 : vector<16xi32>
      %bitcast3A_3444 = vector.bitcast %shift_left3A_3443 : vector<16xi32> to vector<16xf32>
      %and3A_3445 = arith.constant -65536 : i32
      %and3A_3446 = vector.broadcast %and3A_3445 : i32 to vector<16xi32>
      %and3A_3447 = arith.andi %get3A_3440, %and3A_3446 : vector<16xi32>
      %bitcast3A_3448 = vector.bitcast %and3A_3447 : vector<16xi32> to vector<16xf32>
      %add3A_3449 = arith.constant 16 : i32
      %add3A_3450 = arith.addi %squeeze3A_3291, %add3A_3449 : i32
      %get3A_3451 = arith.index_cast %add3A_3281 : i32 to index
      %get3A_3452 = arith.index_cast %add3A_3450 : i32 to index
      %get3A_3453 = tpu.vector_load %arg27[%get3A_3451, %get3A_3452] {strides = array<i32>} : memref<128x128xi32, #tpu.memory_space<vmem>>, vector<16xi32>,
      %shift_left3A_3454 = arith.constant 16 : i32
      %shift_left3A_3455 = vector.broadcast %shift_left3A_3454 : i32 to vector<16xi32>
      %shift_left3A_3456 = arith.shli %get3A_3453, %shift_left3A_3455 : vector<16xi32>
      %bitcast3A_3457 = vector.bitcast %shift_left3A_3456 : vector<16xi32> to vector<16xf32>
      %and3A_3458 = arith.constant -65536 : i32
      %and3A_3459 = vector.broadcast %and3A_3458 : i32 to vector<16xi32>
      %and3A_3460 = arith.andi %get3A_3453, %and3A_3459 : vector<16xi32>
      %bitcast3A_3461 = vector.bitcast %and3A_3460 : vector<16xi32> to vector<16xf32>
      %add3A_3462 = arith.constant 16 : i32
      %add3A_3463 = arith.addi %squeeze3A_3293, %add3A_3462 : i32
      %get3A_3464 = arith.index_cast %add3A_3281 : i32 to index
      %get3A_3465 = arith.index_cast %add3A_3463 : i32 to index
      %get3A_3466 = tpu.vector_load %arg28[%get3A_3464, %get3A_3465] {strides = array<i32>} : memref<128x128xf32, #tpu.memory_space<vmem>>, vector<16xf32>,
      %add3A_3467 = arith.constant 32 : i32
      %add3A_3468 = arith.addi %squeeze3A_3293, %add3A_3467 : i32
      %add3A_3469 = arith.constant 16 : i32
      %add3A_3470 = arith.addi %add3A_3468, %add3A_3469 : i32
      %get3A_3471 = arith.index_cast %add3A_3281 : i32 to index
      %get3A_3472 = arith.index_cast %add3A_3470 : i32 to index
      %get3A_3473 = tpu.vector_load %arg28[%get3A_3471, %get3A_3472] {strides = array<i32>} : memref<128x128xf32, #tpu.memory_space<vmem>>, vector<16xf32>,
      %sub3A_3474 = arith.subf %bitcast3A_3444, %bitcast3A_3457 : vector<16xf32>
      %add3A_3475 = arith.addf %sub3A_3474, %get3A_3466 : vector<16xf32>
      %abs3A_3476 = math.absf %add3A_3475 : vector<16xf32>
      %add3A_3477 = arith.addf %add3A_3389, %abs3A_3476 : vector<16xf32>
      %sub3A_3478 = arith.subf %bitcast3A_3448, %bitcast3A_3461 : vector<16xf32>
      %add3A_3479 = arith.addf %sub3A_3478, %get3A_3473 : vector<16xf32>
      %abs3A_3480 = math.absf %add3A_3479 : vector<16xf32>
      %add3A_3481 = arith.addf %add3A_3477, %abs3A_3480 : vector<16xf32>
      %reduce_sum3A_3482 = arith.constant true
      %reduce_sum3A_3483 = vector.broadcast %reduce_sum3A_3482 : i1 to vector<16xi1>
      %reduce_sum3A_3484 = tpu.scan <sum>, %add3A_3435 masked %reduce_sum3A_3483 : vector<16xf32>, vector<16xi1> -> vector<16xf32>
      %reduce_sum3A_3485 = vector.extract %reduce_sum3A_3484[15] : f32 from vector<16xf32>
      %reduce_sum3A_3486 = arith.constant true
      %reduce_sum3A_3487 = vector.broadcast %reduce_sum3A_3486 : i1 to vector<16xi1>
      %reduce_sum3A_3488 = tpu.scan <sum>, %add3A_3481 masked %reduce_sum3A_3487 : vector<16xf32>, vector<16xi1> -> vector<16xf32>
      %reduce_sum3A_3489 = vector.extract %reduce_sum3A_3488[15] : f32 from vector<16xf32>
      %sub3A_3490 = arith.subf %reduce_sum3A_3485, %reduce_sum3A_3489 : f32
      %add3A_3491 = arith.constant 1.000000e+00 : f32
      %add3A_3492 = arith.addf %sub3A_3490, %add3A_3491 : f32
      %max3A_3493 = arith.constant 0.000000e+00 : f32
      %max3A_3494 = arith.maximumf %add3A_3492, %max3A_3493 : f32
      %add3A_3495 = arith.addf %add3A_3277, %max3A_3494 : f32
      %mul3A_3496 = arith.constant 16 : i32
      %mul3A_3497 = arith.muli %scan3A_605, %mul3A_3496 : i32
      %add3A_3498 = arith.constant 13 : i32
      %add3A_3499 = arith.addi %mul3A_3497, %add3A_3498 : i32
      %slice3A_3500 = vector.extract_strided_slice %mul3A_619 {offsets = [13], sizes = [1], strides = [1]} : vector<16xi32> to vector<1xi32>
      %squeeze3A_3501 = vector.extract %slice3A_3500[0] : i32 from vector<1xi32>
      %slice3A_3502 = vector.extract_strided_slice %mul3A_630 {offsets = [13], sizes = [1], strides = [1]} : vector<16xi32> to vector<1xi32>
      %squeeze3A_3503 = vector.extract %slice3A_3502[0] : i32 from vector<1xi32>
      %slice3A_3504 = vector.extract_strided_slice %mul3A_638 {offsets = [13], sizes = [1], strides = [1]} : vector<16xi32> to vector<1xi32>
      %squeeze3A_3505 = vector.extract %slice3A_3504[0] : i32 from vector<1xi32>
      %slice3A_3506 = vector.extract_strided_slice %mul3A_649 {offsets = [13], sizes = [1], strides = [1]} : vector<16xi32> to vector<1xi32>
      %squeeze3A_3507 = vector.extract %slice3A_3506[0] : i32 from vector<1xi32>
      %slice3A_3508 = vector.extract_strided_slice %mul3A_660 {offsets = [13], sizes = [1], strides = [1]} : vector<16xi32> to vector<1xi32>
      %squeeze3A_3509 = vector.extract %slice3A_3508[0] : i32 from vector<1xi32>
      %slice3A_3510 = vector.extract_strided_slice %mul3A_668 {offsets = [13], sizes = [1], strides = [1]} : vector<16xi32> to vector<1xi32>
      %squeeze3A_3511 = vector.extract %slice3A_3510[0] : i32 from vector<1xi32>
      %broadcast_in_dim3A_3512 = arith.constant 0.000000e+00 : f32
      %broadcast_in_dim3A_3513 = vector.broadcast %broadcast_in_dim3A_3512 : f32 to vector<16xf32>
      %broadcast_in_dim3A_3514 = arith.constant 0.000000e+00 : f32
      %broadcast_in_dim3A_3515 = vector.broadcast %broadcast_in_dim3A_3514 : f32 to vector<16xf32>
      %add3A_3516 = arith.constant 0 : i32
      %add3A_3517 = arith.addi %squeeze3A_3501, %add3A_3516 : i32
      %get3A_3518 = arith.index_cast %add3A_3499 : i32 to index
      %get3A_3519 = arith.index_cast %add3A_3517 : i32 to index
      %get3A_3520 = tpu.vector_load %arg23[%get3A_3518, %get3A_3519] {strides = array<i32>} : memref<128x128xi32, #tpu.memory_space<vmem>>, vector<16xi32>,
      %shift_left3A_3521 = arith.constant 16 : i32
      %shift_left3A_3522 = vector.broadcast %shift_left3A_3521 : i32 to vector<16xi32>
      %shift_left3A_3523 = arith.shli %get3A_3520, %shift_left3A_3522 : vector<16xi32>
      %bitcast3A_3524 = vector.bitcast %shift_left3A_3523 : vector<16xi32> to vector<16xf32>
      %and3A_3525 = arith.constant -65536 : i32
      %and3A_3526 = vector.broadcast %and3A_3525 : i32 to vector<16xi32>
      %and3A_3527 = arith.andi %get3A_3520, %and3A_3526 : vector<16xi32>
      %bitcast3A_3528 = vector.bitcast %and3A_3527 : vector<16xi32> to vector<16xf32>
      %add3A_3529 = arith.constant 0 : i32
      %add3A_3530 = arith.addi %squeeze3A_3503, %add3A_3529 : i32
      %get3A_3531 = arith.index_cast %add3A_3499 : i32 to index
      %get3A_3532 = arith.index_cast %add3A_3530 : i32 to index
      %get3A_3533 = tpu.vector_load %arg24[%get3A_3531, %get3A_3532] {strides = array<i32>} : memref<128x128xi32, #tpu.memory_space<vmem>>, vector<16xi32>,
      %shift_left3A_3534 = arith.constant 16 : i32
      %shift_left3A_3535 = vector.broadcast %shift_left3A_3534 : i32 to vector<16xi32>
      %shift_left3A_3536 = arith.shli %get3A_3533, %shift_left3A_3535 : vector<16xi32>
      %bitcast3A_3537 = vector.bitcast %shift_left3A_3536 : vector<16xi32> to vector<16xf32>
      %and3A_3538 = arith.constant -65536 : i32
      %and3A_3539 = vector.broadcast %and3A_3538 : i32 to vector<16xi32>
      %and3A_3540 = arith.andi %get3A_3533, %and3A_3539 : vector<16xi32>
      %bitcast3A_3541 = vector.bitcast %and3A_3540 : vector<16xi32> to vector<16xf32>
      %add3A_3542 = arith.constant 0 : i32
      %add3A_3543 = arith.addi %squeeze3A_3505, %add3A_3542 : i32
      %get3A_3544 = arith.index_cast %add3A_3499 : i32 to index
      %get3A_3545 = arith.index_cast %add3A_3543 : i32 to index
      %get3A_3546 = tpu.vector_load %arg25[%get3A_3544, %get3A_3545] {strides = array<i32>} : memref<128x128xf32, #tpu.memory_space<vmem>>, vector<16xf32>,
      %add3A_3547 = arith.constant 32 : i32
      %add3A_3548 = arith.addi %squeeze3A_3505, %add3A_3547 : i32
      %add3A_3549 = arith.constant 0 : i32
      %add3A_3550 = arith.addi %add3A_3548, %add3A_3549 : i32
      %get3A_3551 = arith.index_cast %add3A_3499 : i32 to index
      %get3A_3552 = arith.index_cast %add3A_3550 : i32 to index
      %get3A_3553 = tpu.vector_load %arg25[%get3A_3551, %get3A_3552] {strides = array<i32>} : memref<128x128xf32, #tpu.memory_space<vmem>>, vector<16xf32>,
      %sub3A_3554 = arith.subf %bitcast3A_3524, %bitcast3A_3537 : vector<16xf32>
      %add3A_3555 = arith.addf %sub3A_3554, %get3A_3546 : vector<16xf32>
      %abs3A_3556 = math.absf %add3A_3555 : vector<16xf32>
      %add3A_3557 = arith.addf %broadcast_in_dim3A_3513, %abs3A_3556 : vector<16xf32>
      %sub3A_3558 = arith.subf %bitcast3A_3528, %bitcast3A_3541 : vector<16xf32>
      %add3A_3559 = arith.addf %sub3A_3558, %get3A_3553 : vector<16xf32>
      %abs3A_3560 = math.absf %add3A_3559 : vector<16xf32>
      %add3A_3561 = arith.addf %add3A_3557, %abs3A_3560 : vector<16xf32>
      %add3A_3562 = arith.constant 0 : i32
      %add3A_3563 = arith.addi %squeeze3A_3507, %add3A_3562 : i32
      %get3A_3564 = arith.index_cast %add3A_3499 : i32 to index
      %get3A_3565 = arith.index_cast %add3A_3563 : i32 to index
      %get3A_3566 = tpu.vector_load %arg26[%get3A_3564, %get3A_3565] {strides = array<i32>} : memref<128x128xi32, #tpu.memory_space<vmem>>, vector<16xi32>,
      %shift_left3A_3567 = arith.constant 16 : i32
      %shift_left3A_3568 = vector.broadcast %shift_left3A_3567 : i32 to vector<16xi32>
      %shift_left3A_3569 = arith.shli %get3A_3566, %shift_left3A_3568 : vector<16xi32>
      %bitcast3A_3570 = vector.bitcast %shift_left3A_3569 : vector<16xi32> to vector<16xf32>
      %and3A_3571 = arith.constant -65536 : i32
      %and3A_3572 = vector.broadcast %and3A_3571 : i32 to vector<16xi32>
      %and3A_3573 = arith.andi %get3A_3566, %and3A_3572 : vector<16xi32>
      %bitcast3A_3574 = vector.bitcast %and3A_3573 : vector<16xi32> to vector<16xf32>
      %add3A_3575 = arith.constant 0 : i32
      %add3A_3576 = arith.addi %squeeze3A_3509, %add3A_3575 : i32
      %get3A_3577 = arith.index_cast %add3A_3499 : i32 to index
      %get3A_3578 = arith.index_cast %add3A_3576 : i32 to index
      %get3A_3579 = tpu.vector_load %arg27[%get3A_3577, %get3A_3578] {strides = array<i32>} : memref<128x128xi32, #tpu.memory_space<vmem>>, vector<16xi32>,
      %shift_left3A_3580 = arith.constant 16 : i32
      %shift_left3A_3581 = vector.broadcast %shift_left3A_3580 : i32 to vector<16xi32>
      %shift_left3A_3582 = arith.shli %get3A_3579, %shift_left3A_3581 : vector<16xi32>
      %bitcast3A_3583 = vector.bitcast %shift_left3A_3582 : vector<16xi32> to vector<16xf32>
      %and3A_3584 = arith.constant -65536 : i32
      %and3A_3585 = vector.broadcast %and3A_3584 : i32 to vector<16xi32>
      %and3A_3586 = arith.andi %get3A_3579, %and3A_3585 : vector<16xi32>
      %bitcast3A_3587 = vector.bitcast %and3A_3586 : vector<16xi32> to vector<16xf32>
      %add3A_3588 = arith.constant 0 : i32
      %add3A_3589 = arith.addi %squeeze3A_3511, %add3A_3588 : i32
      %get3A_3590 = arith.index_cast %add3A_3499 : i32 to index
      %get3A_3591 = arith.index_cast %add3A_3589 : i32 to index
      %get3A_3592 = tpu.vector_load %arg28[%get3A_3590, %get3A_3591] {strides = array<i32>} : memref<128x128xf32, #tpu.memory_space<vmem>>, vector<16xf32>,
      %add3A_3593 = arith.constant 32 : i32
      %add3A_3594 = arith.addi %squeeze3A_3511, %add3A_3593 : i32
      %add3A_3595 = arith.constant 0 : i32
      %add3A_3596 = arith.addi %add3A_3594, %add3A_3595 : i32
      %get3A_3597 = arith.index_cast %add3A_3499 : i32 to index
      %get3A_3598 = arith.index_cast %add3A_3596 : i32 to index
      %get3A_3599 = tpu.vector_load %arg28[%get3A_3597, %get3A_3598] {strides = array<i32>} : memref<128x128xf32, #tpu.memory_space<vmem>>, vector<16xf32>,
      %sub3A_3600 = arith.subf %bitcast3A_3570, %bitcast3A_3583 : vector<16xf32>
      %add3A_3601 = arith.addf %sub3A_3600, %get3A_3592 : vector<16xf32>
      %abs3A_3602 = math.absf %add3A_3601 : vector<16xf32>
      %add3A_3603 = arith.addf %broadcast_in_dim3A_3515, %abs3A_3602 : vector<16xf32>
      %sub3A_3604 = arith.subf %bitcast3A_3574, %bitcast3A_3587 : vector<16xf32>
      %add3A_3605 = arith.addf %sub3A_3604, %get3A_3599 : vector<16xf32>
      %abs3A_3606 = math.absf %add3A_3605 : vector<16xf32>
      %add3A_3607 = arith.addf %add3A_3603, %abs3A_3606 : vector<16xf32>
      %add3A_3608 = arith.constant 16 : i32
      %add3A_3609 = arith.addi %squeeze3A_3501, %add3A_3608 : i32
      %get3A_3610 = arith.index_cast %add3A_3499 : i32 to index
      %get3A_3611 = arith.index_cast %add3A_3609 : i32 to index
      %get3A_3612 = tpu.vector_load %arg23[%get3A_3610, %get3A_3611] {strides = array<i32>} : memref<128x128xi32, #tpu.memory_space<vmem>>, vector<16xi32>,
      %shift_left3A_3613 = arith.constant 16 : i32
      %shift_left3A_3614 = vector.broadcast %shift_left3A_3613 : i32 to vector<16xi32>
      %shift_left3A_3615 = arith.shli %get3A_3612, %shift_left3A_3614 : vector<16xi32>
      %bitcast3A_3616 = vector.bitcast %shift_left3A_3615 : vector<16xi32> to vector<16xf32>
      %and3A_3617 = arith.constant -65536 : i32
      %and3A_3618 = vector.broadcast %and3A_3617 : i32 to vector<16xi32>
      %and3A_3619 = arith.andi %get3A_3612, %and3A_3618 : vector<16xi32>
      %bitcast3A_3620 = vector.bitcast %and3A_3619 : vector<16xi32> to vector<16xf32>
      %add3A_3621 = arith.constant 16 : i32
      %add3A_3622 = arith.addi %squeeze3A_3503, %add3A_3621 : i32
      %get3A_3623 = arith.index_cast %add3A_3499 : i32 to index
      %get3A_3624 = arith.index_cast %add3A_3622 : i32 to index
      %get3A_3625 = tpu.vector_load %arg24[%get3A_3623, %get3A_3624] {strides = array<i32>} : memref<128x128xi32, #tpu.memory_space<vmem>>, vector<16xi32>,
      %shift_left3A_3626 = arith.constant 16 : i32
      %shift_left3A_3627 = vector.broadcast %shift_left3A_3626 : i32 to vector<16xi32>
      %shift_left3A_3628 = arith.shli %get3A_3625, %shift_left3A_3627 : vector<16xi32>
      %bitcast3A_3629 = vector.bitcast %shift_left3A_3628 : vector<16xi32> to vector<16xf32>
      %and3A_3630 = arith.constant -65536 : i32
      %and3A_3631 = vector.broadcast %and3A_3630 : i32 to vector<16xi32>
      %and3A_3632 = arith.andi %get3A_3625, %and3A_3631 : vector<16xi32>
      %bitcast3A_3633 = vector.bitcast %and3A_3632 : vector<16xi32> to vector<16xf32>
      %add3A_3634 = arith.constant 16 : i32
      %add3A_3635 = arith.addi %squeeze3A_3505, %add3A_3634 : i32
      %get3A_3636 = arith.index_cast %add3A_3499 : i32 to index
      %get3A_3637 = arith.index_cast %add3A_3635 : i32 to index
      %get3A_3638 = tpu.vector_load %arg25[%get3A_3636, %get3A_3637] {strides = array<i32>} : memref<128x128xf32, #tpu.memory_space<vmem>>, vector<16xf32>,
      %add3A_3639 = arith.constant 32 : i32
      %add3A_3640 = arith.addi %squeeze3A_3505, %add3A_3639 : i32
      %add3A_3641 = arith.constant 16 : i32
      %add3A_3642 = arith.addi %add3A_3640, %add3A_3641 : i32
      %get3A_3643 = arith.index_cast %add3A_3499 : i32 to index
      %get3A_3644 = arith.index_cast %add3A_3642 : i32 to index
      %get3A_3645 = tpu.vector_load %arg25[%get3A_3643, %get3A_3644] {strides = array<i32>} : memref<128x128xf32, #tpu.memory_space<vmem>>, vector<16xf32>,
      %sub3A_3646 = arith.subf %bitcast3A_3616, %bitcast3A_3629 : vector<16xf32>
      %add3A_3647 = arith.addf %sub3A_3646, %get3A_3638 : vector<16xf32>
      %abs3A_3648 = math.absf %add3A_3647 : vector<16xf32>
      %add3A_3649 = arith.addf %add3A_3561, %abs3A_3648 : vector<16xf32>
      %sub3A_3650 = arith.subf %bitcast3A_3620, %bitcast3A_3633 : vector<16xf32>
      %add3A_3651 = arith.addf %sub3A_3650, %get3A_3645 : vector<16xf32>
      %abs3A_3652 = math.absf %add3A_3651 : vector<16xf32>
      %add3A_3653 = arith.addf %add3A_3649, %abs3A_3652 : vector<16xf32>
      %add3A_3654 = arith.constant 16 : i32
      %add3A_3655 = arith.addi %squeeze3A_3507, %add3A_3654 : i32
      %get3A_3656 = arith.index_cast %add3A_3499 : i32 to index
      %get3A_3657 = arith.index_cast %add3A_3655 : i32 to index
      %get3A_3658 = tpu.vector_load %arg26[%get3A_3656, %get3A_3657] {strides = array<i32>} : memref<128x128xi32, #tpu.memory_space<vmem>>, vector<16xi32>,
      %shift_left3A_3659 = arith.constant 16 : i32
      %shift_left3A_3660 = vector.broadcast %shift_left3A_3659 : i32 to vector<16xi32>
      %shift_left3A_3661 = arith.shli %get3A_3658, %shift_left3A_3660 : vector<16xi32>
      %bitcast3A_3662 = vector.bitcast %shift_left3A_3661 : vector<16xi32> to vector<16xf32>
      %and3A_3663 = arith.constant -65536 : i32
      %and3A_3664 = vector.broadcast %and3A_3663 : i32 to vector<16xi32>
      %and3A_3665 = arith.andi %get3A_3658, %and3A_3664 : vector<16xi32>
      %bitcast3A_3666 = vector.bitcast %and3A_3665 : vector<16xi32> to vector<16xf32>
      %add3A_3667 = arith.constant 16 : i32
      %add3A_3668 = arith.addi %squeeze3A_3509, %add3A_3667 : i32
      %get3A_3669 = arith.index_cast %add3A_3499 : i32 to index
      %get3A_3670 = arith.index_cast %add3A_3668 : i32 to index
      %get3A_3671 = tpu.vector_load %arg27[%get3A_3669, %get3A_3670] {strides = array<i32>} : memref<128x128xi32, #tpu.memory_space<vmem>>, vector<16xi32>,
      %shift_left3A_3672 = arith.constant 16 : i32
      %shift_left3A_3673 = vector.broadcast %shift_left3A_3672 : i32 to vector<16xi32>
      %shift_left3A_3674 = arith.shli %get3A_3671, %shift_left3A_3673 : vector<16xi32>
      %bitcast3A_3675 = vector.bitcast %shift_left3A_3674 : vector<16xi32> to vector<16xf32>
      %and3A_3676 = arith.constant -65536 : i32
      %and3A_3677 = vector.broadcast %and3A_3676 : i32 to vector<16xi32>
      %and3A_3678 = arith.andi %get3A_3671, %and3A_3677 : vector<16xi32>
      %bitcast3A_3679 = vector.bitcast %and3A_3678 : vector<16xi32> to vector<16xf32>
      %add3A_3680 = arith.constant 16 : i32
      %add3A_3681 = arith.addi %squeeze3A_3511, %add3A_3680 : i32
      %get3A_3682 = arith.index_cast %add3A_3499 : i32 to index
      %get3A_3683 = arith.index_cast %add3A_3681 : i32 to index
      %get3A_3684 = tpu.vector_load %arg28[%get3A_3682, %get3A_3683] {strides = array<i32>} : memref<128x128xf32, #tpu.memory_space<vmem>>, vector<16xf32>,
      %add3A_3685 = arith.constant 32 : i32
      %add3A_3686 = arith.addi %squeeze3A_3511, %add3A_3685 : i32
      %add3A_3687 = arith.constant 16 : i32
      %add3A_3688 = arith.addi %add3A_3686, %add3A_3687 : i32
      %get3A_3689 = arith.index_cast %add3A_3499 : i32 to index
      %get3A_3690 = arith.index_cast %add3A_3688 : i32 to index
      %get3A_3691 = tpu.vector_load %arg28[%get3A_3689, %get3A_3690] {strides = array<i32>} : memref<128x128xf32, #tpu.memory_space<vmem>>, vector<16xf32>,
      %sub3A_3692 = arith.subf %bitcast3A_3662, %bitcast3A_3675 : vector<16xf32>
      %add3A_3693 = arith.addf %sub3A_3692, %get3A_3684 : vector<16xf32>
      %abs3A_3694 = math.absf %add3A_3693 : vector<16xf32>
      %add3A_3695 = arith.addf %add3A_3607, %abs3A_3694 : vector<16xf32>
      %sub3A_3696 = arith.subf %bitcast3A_3666, %bitcast3A_3679 : vector<16xf32>
      %add3A_3697 = arith.addf %sub3A_3696, %get3A_3691 : vector<16xf32>
      %abs3A_3698 = math.absf %add3A_3697 : vector<16xf32>
      %add3A_3699 = arith.addf %add3A_3695, %abs3A_3698 : vector<16xf32>
      %reduce_sum3A_3700 = arith.constant true
      %reduce_sum3A_3701 = vector.broadcast %reduce_sum3A_3700 : i1 to vector<16xi1>
      %reduce_sum3A_3702 = tpu.scan <sum>, %add3A_3653 masked %reduce_sum3A_3701 : vector<16xf32>, vector<16xi1> -> vector<16xf32>
      %reduce_sum3A_3703 = vector.extract %reduce_sum3A_3702[15] : f32 from vector<16xf32>
      %reduce_sum3A_3704 = arith.constant true
      %reduce_sum3A_3705 = vector.broadcast %reduce_sum3A_3704 : i1 to vector<16xi1>
      %reduce_sum3A_3706 = tpu.scan <sum>, %add3A_3699 masked %reduce_sum3A_3705 : vector<16xf32>, vector<16xi1> -> vector<16xf32>
      %reduce_sum3A_3707 = vector.extract %reduce_sum3A_3706[15] : f32 from vector<16xf32>
      %sub3A_3708 = arith.subf %reduce_sum3A_3703, %reduce_sum3A_3707 : f32
      %add3A_3709 = arith.constant 1.000000e+00 : f32
      %add3A_3710 = arith.addf %sub3A_3708, %add3A_3709 : f32
      %max3A_3711 = arith.constant 0.000000e+00 : f32
      %max3A_3712 = arith.maximumf %add3A_3710, %max3A_3711 : f32
      %add3A_3713 = arith.addf %add3A_3495, %max3A_3712 : f32
      %mul3A_3714 = arith.constant 16 : i32
      %mul3A_3715 = arith.muli %scan3A_605, %mul3A_3714 : i32
      %add3A_3716 = arith.constant 14 : i32
      %add3A_3717 = arith.addi %mul3A_3715, %add3A_3716 : i32
      %slice3A_3718 = vector.extract_strided_slice %mul3A_619 {offsets = [14], sizes = [1], strides = [1]} : vector<16xi32> to vector<1xi32>
      %squeeze3A_3719 = vector.extract %slice3A_3718[0] : i32 from vector<1xi32>
      %slice3A_3720 = vector.extract_strided_slice %mul3A_630 {offsets = [14], sizes = [1], strides = [1]} : vector<16xi32> to vector<1xi32>
      %squeeze3A_3721 = vector.extract %slice3A_3720[0] : i32 from vector<1xi32>
      %slice3A_3722 = vector.extract_strided_slice %mul3A_638 {offsets = [14], sizes = [1], strides = [1]} : vector<16xi32> to vector<1xi32>
      %squeeze3A_3723 = vector.extract %slice3A_3722[0] : i32 from vector<1xi32>
      %slice3A_3724 = vector.extract_strided_slice %mul3A_649 {offsets = [14], sizes = [1], strides = [1]} : vector<16xi32> to vector<1xi32>
      %squeeze3A_3725 = vector.extract %slice3A_3724[0] : i32 from vector<1xi32>
      %slice3A_3726 = vector.extract_strided_slice %mul3A_660 {offsets = [14], sizes = [1], strides = [1]} : vector<16xi32> to vector<1xi32>
      %squeeze3A_3727 = vector.extract %slice3A_3726[0] : i32 from vector<1xi32>
      %slice3A_3728 = vector.extract_strided_slice %mul3A_668 {offsets = [14], sizes = [1], strides = [1]} : vector<16xi32> to vector<1xi32>
      %squeeze3A_3729 = vector.extract %slice3A_3728[0] : i32 from vector<1xi32>
      %broadcast_in_dim3A_3730 = arith.constant 0.000000e+00 : f32
      %broadcast_in_dim3A_3731 = vector.broadcast %broadcast_in_dim3A_3730 : f32 to vector<16xf32>
      %broadcast_in_dim3A_3732 = arith.constant 0.000000e+00 : f32
      %broadcast_in_dim3A_3733 = vector.broadcast %broadcast_in_dim3A_3732 : f32 to vector<16xf32>
      %add3A_3734 = arith.constant 0 : i32
      %add3A_3735 = arith.addi %squeeze3A_3719, %add3A_3734 : i32
      %get3A_3736 = arith.index_cast %add3A_3717 : i32 to index
      %get3A_3737 = arith.index_cast %add3A_3735 : i32 to index
      %get3A_3738 = tpu.vector_load %arg23[%get3A_3736, %get3A_3737] {strides = array<i32>} : memref<128x128xi32, #tpu.memory_space<vmem>>, vector<16xi32>,
      %shift_left3A_3739 = arith.constant 16 : i32
      %shift_left3A_3740 = vector.broadcast %shift_left3A_3739 : i32 to vector<16xi32>
      %shift_left3A_3741 = arith.shli %get3A_3738, %shift_left3A_3740 : vector<16xi32>
      %bitcast3A_3742 = vector.bitcast %shift_left3A_3741 : vector<16xi32> to vector<16xf32>
      %and3A_3743 = arith.constant -65536 : i32
      %and3A_3744 = vector.broadcast %and3A_3743 : i32 to vector<16xi32>
      %and3A_3745 = arith.andi %get3A_3738, %and3A_3744 : vector<16xi32>
      %bitcast3A_3746 = vector.bitcast %and3A_3745 : vector<16xi32> to vector<16xf32>
      %add3A_3747 = arith.constant 0 : i32
      %add3A_3748 = arith.addi %squeeze3A_3721, %add3A_3747 : i32
      %get3A_3749 = arith.index_cast %add3A_3717 : i32 to index
      %get3A_3750 = arith.index_cast %add3A_3748 : i32 to index
      %get3A_3751 = tpu.vector_load %arg24[%get3A_3749, %get3A_3750] {strides = array<i32>} : memref<128x128xi32, #tpu.memory_space<vmem>>, vector<16xi32>,
      %shift_left3A_3752 = arith.constant 16 : i32
      %shift_left3A_3753 = vector.broadcast %shift_left3A_3752 : i32 to vector<16xi32>
      %shift_left3A_3754 = arith.shli %get3A_3751, %shift_left3A_3753 : vector<16xi32>
      %bitcast3A_3755 = vector.bitcast %shift_left3A_3754 : vector<16xi32> to vector<16xf32>
      %and3A_3756 = arith.constant -65536 : i32
      %and3A_3757 = vector.broadcast %and3A_3756 : i32 to vector<16xi32>
      %and3A_3758 = arith.andi %get3A_3751, %and3A_3757 : vector<16xi32>
      %bitcast3A_3759 = vector.bitcast %and3A_3758 : vector<16xi32> to vector<16xf32>
      %add3A_3760 = arith.constant 0 : i32
      %add3A_3761 = arith.addi %squeeze3A_3723, %add3A_3760 : i32
      %get3A_3762 = arith.index_cast %add3A_3717 : i32 to index
      %get3A_3763 = arith.index_cast %add3A_3761 : i32 to index
      %get3A_3764 = tpu.vector_load %arg25[%get3A_3762, %get3A_3763] {strides = array<i32>} : memref<128x128xf32, #tpu.memory_space<vmem>>, vector<16xf32>,
      %add3A_3765 = arith.constant 32 : i32
      %add3A_3766 = arith.addi %squeeze3A_3723, %add3A_3765 : i32
      %add3A_3767 = arith.constant 0 : i32
      %add3A_3768 = arith.addi %add3A_3766, %add3A_3767 : i32
      %get3A_3769 = arith.index_cast %add3A_3717 : i32 to index
      %get3A_3770 = arith.index_cast %add3A_3768 : i32 to index
      %get3A_3771 = tpu.vector_load %arg25[%get3A_3769, %get3A_3770] {strides = array<i32>} : memref<128x128xf32, #tpu.memory_space<vmem>>, vector<16xf32>,
      %sub3A_3772 = arith.subf %bitcast3A_3742, %bitcast3A_3755 : vector<16xf32>
      %add3A_3773 = arith.addf %sub3A_3772, %get3A_3764 : vector<16xf32>
      %abs3A_3774 = math.absf %add3A_3773 : vector<16xf32>
      %add3A_3775 = arith.addf %broadcast_in_dim3A_3731, %abs3A_3774 : vector<16xf32>
      %sub3A_3776 = arith.subf %bitcast3A_3746, %bitcast3A_3759 : vector<16xf32>
      %add3A_3777 = arith.addf %sub3A_3776, %get3A_3771 : vector<16xf32>
      %abs3A_3778 = math.absf %add3A_3777 : vector<16xf32>
      %add3A_3779 = arith.addf %add3A_3775, %abs3A_3778 : vector<16xf32>
      %add3A_3780 = arith.constant 0 : i32
      %add3A_3781 = arith.addi %squeeze3A_3725, %add3A_3780 : i32
      %get3A_3782 = arith.index_cast %add3A_3717 : i32 to index
      %get3A_3783 = arith.index_cast %add3A_3781 : i32 to index
      %get3A_3784 = tpu.vector_load %arg26[%get3A_3782, %get3A_3783] {strides = array<i32>} : memref<128x128xi32, #tpu.memory_space<vmem>>, vector<16xi32>,
      %shift_left3A_3785 = arith.constant 16 : i32
      %shift_left3A_3786 = vector.broadcast %shift_left3A_3785 : i32 to vector<16xi32>
      %shift_left3A_3787 = arith.shli %get3A_3784, %shift_left3A_3786 : vector<16xi32>
      %bitcast3A_3788 = vector.bitcast %shift_left3A_3787 : vector<16xi32> to vector<16xf32>
      %and3A_3789 = arith.constant -65536 : i32
      %and3A_3790 = vector.broadcast %and3A_3789 : i32 to vector<16xi32>
      %and3A_3791 = arith.andi %get3A_3784, %and3A_3790 : vector<16xi32>
      %bitcast3A_3792 = vector.bitcast %and3A_3791 : vector<16xi32> to vector<16xf32>
      %add3A_3793 = arith.constant 0 : i32
      %add3A_3794 = arith.addi %squeeze3A_3727, %add3A_3793 : i32
      %get3A_3795 = arith.index_cast %add3A_3717 : i32 to index
      %get3A_3796 = arith.index_cast %add3A_3794 : i32 to index
      %get3A_3797 = tpu.vector_load %arg27[%get3A_3795, %get3A_3796] {strides = array<i32>} : memref<128x128xi32, #tpu.memory_space<vmem>>, vector<16xi32>,
      %shift_left3A_3798 = arith.constant 16 : i32
      %shift_left3A_3799 = vector.broadcast %shift_left3A_3798 : i32 to vector<16xi32>
      %shift_left3A_3800 = arith.shli %get3A_3797, %shift_left3A_3799 : vector<16xi32>
      %bitcast3A_3801 = vector.bitcast %shift_left3A_3800 : vector<16xi32> to vector<16xf32>
      %and3A_3802 = arith.constant -65536 : i32
      %and3A_3803 = vector.broadcast %and3A_3802 : i32 to vector<16xi32>
      %and3A_3804 = arith.andi %get3A_3797, %and3A_3803 : vector<16xi32>
      %bitcast3A_3805 = vector.bitcast %and3A_3804 : vector<16xi32> to vector<16xf32>
      %add3A_3806 = arith.constant 0 : i32
      %add3A_3807 = arith.addi %squeeze3A_3729, %add3A_3806 : i32
      %get3A_3808 = arith.index_cast %add3A_3717 : i32 to index
      %get3A_3809 = arith.index_cast %add3A_3807 : i32 to index
      %get3A_3810 = tpu.vector_load %arg28[%get3A_3808, %get3A_3809] {strides = array<i32>} : memref<128x128xf32, #tpu.memory_space<vmem>>, vector<16xf32>,
      %add3A_3811 = arith.constant 32 : i32
      %add3A_3812 = arith.addi %squeeze3A_3729, %add3A_3811 : i32
      %add3A_3813 = arith.constant 0 : i32
      %add3A_3814 = arith.addi %add3A_3812, %add3A_3813 : i32
      %get3A_3815 = arith.index_cast %add3A_3717 : i32 to index
      %get3A_3816 = arith.index_cast %add3A_3814 : i32 to index
      %get3A_3817 = tpu.vector_load %arg28[%get3A_3815, %get3A_3816] {strides = array<i32>} : memref<128x128xf32, #tpu.memory_space<vmem>>, vector<16xf32>,
      %sub3A_3818 = arith.subf %bitcast3A_3788, %bitcast3A_3801 : vector<16xf32>
      %add3A_3819 = arith.addf %sub3A_3818, %get3A_3810 : vector<16xf32>
      %abs3A_3820 = math.absf %add3A_3819 : vector<16xf32>
      %add3A_3821 = arith.addf %broadcast_in_dim3A_3733, %abs3A_3820 : vector<16xf32>
      %sub3A_3822 = arith.subf %bitcast3A_3792, %bitcast3A_3805 : vector<16xf32>
      %add3A_3823 = arith.addf %sub3A_3822, %get3A_3817 : vector<16xf32>
      %abs3A_3824 = math.absf %add3A_3823 : vector<16xf32>
      %add3A_3825 = arith.addf %add3A_3821, %abs3A_3824 : vector<16xf32>
      %add3A_3826 = arith.constant 16 : i32
      %add3A_3827 = arith.addi %squeeze3A_3719, %add3A_3826 : i32
      %get3A_3828 = arith.index_cast %add3A_3717 : i32 to index
      %get3A_3829 = arith.index_cast %add3A_3827 : i32 to index
      %get3A_3830 = tpu.vector_load %arg23[%get3A_3828, %get3A_3829] {strides = array<i32>} : memref<128x128xi32, #tpu.memory_space<vmem>>, vector<16xi32>,
      %shift_left3A_3831 = arith.constant 16 : i32
      %shift_left3A_3832 = vector.broadcast %shift_left3A_3831 : i32 to vector<16xi32>
      %shift_left3A_3833 = arith.shli %get3A_3830, %shift_left3A_3832 : vector<16xi32>
      %bitcast3A_3834 = vector.bitcast %shift_left3A_3833 : vector<16xi32> to vector<16xf32>
      %and3A_3835 = arith.constant -65536 : i32
      %and3A_3836 = vector.broadcast %and3A_3835 : i32 to vector<16xi32>
      %and3A_3837 = arith.andi %get3A_3830, %and3A_3836 : vector<16xi32>
      %bitcast3A_3838 = vector.bitcast %and3A_3837 : vector<16xi32> to vector<16xf32>
      %add3A_3839 = arith.constant 16 : i32
      %add3A_3840 = arith.addi %squeeze3A_3721, %add3A_3839 : i32
      %get3A_3841 = arith.index_cast %add3A_3717 : i32 to index
      %get3A_3842 = arith.index_cast %add3A_3840 : i32 to index
      %get3A_3843 = tpu.vector_load %arg24[%get3A_3841, %get3A_3842] {strides = array<i32>} : memref<128x128xi32, #tpu.memory_space<vmem>>, vector<16xi32>,
      %shift_left3A_3844 = arith.constant 16 : i32
      %shift_left3A_3845 = vector.broadcast %shift_left3A_3844 : i32 to vector<16xi32>
      %shift_left3A_3846 = arith.shli %get3A_3843, %shift_left3A_3845 : vector<16xi32>
      %bitcast3A_3847 = vector.bitcast %shift_left3A_3846 : vector<16xi32> to vector<16xf32>
      %and3A_3848 = arith.constant -65536 : i32
      %and3A_3849 = vector.broadcast %and3A_3848 : i32 to vector<16xi32>
      %and3A_3850 = arith.andi %get3A_3843, %and3A_3849 : vector<16xi32>
      %bitcast3A_3851 = vector.bitcast %and3A_3850 : vector<16xi32> to vector<16xf32>
      %add3A_3852 = arith.constant 16 : i32
      %add3A_3853 = arith.addi %squeeze3A_3723, %add3A_3852 : i32
      %get3A_3854 = arith.index_cast %add3A_3717 : i32 to index
      %get3A_3855 = arith.index_cast %add3A_3853 : i32 to index
      %get3A_3856 = tpu.vector_load %arg25[%get3A_3854, %get3A_3855] {strides = array<i32>} : memref<128x128xf32, #tpu.memory_space<vmem>>, vector<16xf32>,
      %add3A_3857 = arith.constant 32 : i32
      %add3A_3858 = arith.addi %squeeze3A_3723, %add3A_3857 : i32
      %add3A_3859 = arith.constant 16 : i32
      %add3A_3860 = arith.addi %add3A_3858, %add3A_3859 : i32
      %get3A_3861 = arith.index_cast %add3A_3717 : i32 to index
      %get3A_3862 = arith.index_cast %add3A_3860 : i32 to index
      %get3A_3863 = tpu.vector_load %arg25[%get3A_3861, %get3A_3862] {strides = array<i32>} : memref<128x128xf32, #tpu.memory_space<vmem>>, vector<16xf32>,
      %sub3A_3864 = arith.subf %bitcast3A_3834, %bitcast3A_3847 : vector<16xf32>
      %add3A_3865 = arith.addf %sub3A_3864, %get3A_3856 : vector<16xf32>
      %abs3A_3866 = math.absf %add3A_3865 : vector<16xf32>
      %add3A_3867 = arith.addf %add3A_3779, %abs3A_3866 : vector<16xf32>
      %sub3A_3868 = arith.subf %bitcast3A_3838, %bitcast3A_3851 : vector<16xf32>
      %add3A_3869 = arith.addf %sub3A_3868, %get3A_3863 : vector<16xf32>
      %abs3A_3870 = math.absf %add3A_3869 : vector<16xf32>
      %add3A_3871 = arith.addf %add3A_3867, %abs3A_3870 : vector<16xf32>
      %add3A_3872 = arith.constant 16 : i32
      %add3A_3873 = arith.addi %squeeze3A_3725, %add3A_3872 : i32
      %get3A_3874 = arith.index_cast %add3A_3717 : i32 to index
      %get3A_3875 = arith.index_cast %add3A_3873 : i32 to index
      %get3A_3876 = tpu.vector_load %arg26[%get3A_3874, %get3A_3875] {strides = array<i32>} : memref<128x128xi32, #tpu.memory_space<vmem>>, vector<16xi32>,
      %shift_left3A_3877 = arith.constant 16 : i32
      %shift_left3A_3878 = vector.broadcast %shift_left3A_3877 : i32 to vector<16xi32>
      %shift_left3A_3879 = arith.shli %get3A_3876, %shift_left3A_3878 : vector<16xi32>
      %bitcast3A_3880 = vector.bitcast %shift_left3A_3879 : vector<16xi32> to vector<16xf32>
      %and3A_3881 = arith.constant -65536 : i32
      %and3A_3882 = vector.broadcast %and3A_3881 : i32 to vector<16xi32>
      %and3A_3883 = arith.andi %get3A_3876, %and3A_3882 : vector<16xi32>
      %bitcast3A_3884 = vector.bitcast %and3A_3883 : vector<16xi32> to vector<16xf32>
      %add3A_3885 = arith.constant 16 : i32
      %add3A_3886 = arith.addi %squeeze3A_3727, %add3A_3885 : i32
      %get3A_3887 = arith.index_cast %add3A_3717 : i32 to index
      %get3A_3888 = arith.index_cast %add3A_3886 : i32 to index
      %get3A_3889 = tpu.vector_load %arg27[%get3A_3887, %get3A_3888] {strides = array<i32>} : memref<128x128xi32, #tpu.memory_space<vmem>>, vector<16xi32>,
      %shift_left3A_3890 = arith.constant 16 : i32
      %shift_left3A_3891 = vector.broadcast %shift_left3A_3890 : i32 to vector<16xi32>
      %shift_left3A_3892 = arith.shli %get3A_3889, %shift_left3A_3891 : vector<16xi32>
      %bitcast3A_3893 = vector.bitcast %shift_left3A_3892 : vector<16xi32> to vector<16xf32>
      %and3A_3894 = arith.constant -65536 : i32
      %and3A_3895 = vector.broadcast %and3A_3894 : i32 to vector<16xi32>
      %and3A_3896 = arith.andi %get3A_3889, %and3A_3895 : vector<16xi32>
      %bitcast3A_3897 = vector.bitcast %and3A_3896 : vector<16xi32> to vector<16xf32>
      %add3A_3898 = arith.constant 16 : i32
      %add3A_3899 = arith.addi %squeeze3A_3729, %add3A_3898 : i32
      %get3A_3900 = arith.index_cast %add3A_3717 : i32 to index
      %get3A_3901 = arith.index_cast %add3A_3899 : i32 to index
      %get3A_3902 = tpu.vector_load %arg28[%get3A_3900, %get3A_3901] {strides = array<i32>} : memref<128x128xf32, #tpu.memory_space<vmem>>, vector<16xf32>,
      %add3A_3903 = arith.constant 32 : i32
      %add3A_3904 = arith.addi %squeeze3A_3729, %add3A_3903 : i32
      %add3A_3905 = arith.constant 16 : i32
      %add3A_3906 = arith.addi %add3A_3904, %add3A_3905 : i32
      %get3A_3907 = arith.index_cast %add3A_3717 : i32 to index
      %get3A_3908 = arith.index_cast %add3A_3906 : i32 to index
      %get3A_3909 = tpu.vector_load %arg28[%get3A_3907, %get3A_3908] {strides = array<i32>} : memref<128x128xf32, #tpu.memory_space<vmem>>, vector<16xf32>,
      %sub3A_3910 = arith.subf %bitcast3A_3880, %bitcast3A_3893 : vector<16xf32>
      %add3A_3911 = arith.addf %sub3A_3910, %get3A_3902 : vector<16xf32>
      %abs3A_3912 = math.absf %add3A_3911 : vector<16xf32>
      %add3A_3913 = arith.addf %add3A_3825, %abs3A_3912 : vector<16xf32>
      %sub3A_3914 = arith.subf %bitcast3A_3884, %bitcast3A_3897 : vector<16xf32>
      %add3A_3915 = arith.addf %sub3A_3914, %get3A_3909 : vector<16xf32>
      %abs3A_3916 = math.absf %add3A_3915 : vector<16xf32>
      %add3A_3917 = arith.addf %add3A_3913, %abs3A_3916 : vector<16xf32>
      %reduce_sum3A_3918 = arith.constant true
      %reduce_sum3A_3919 = vector.broadcast %reduce_sum3A_3918 : i1 to vector<16xi1>
      %reduce_sum3A_3920 = tpu.scan <sum>, %add3A_3871 masked %reduce_sum3A_3919 : vector<16xf32>, vector<16xi1> -> vector<16xf32>
      %reduce_sum3A_3921 = vector.extract %reduce_sum3A_3920[15] : f32 from vector<16xf32>
      %reduce_sum3A_3922 = arith.constant true
      %reduce_sum3A_3923 = vector.broadcast %reduce_sum3A_3922 : i1 to vector<16xi1>
      %reduce_sum3A_3924 = tpu.scan <sum>, %add3A_3917 masked %reduce_sum3A_3923 : vector<16xf32>, vector<16xi1> -> vector<16xf32>
      %reduce_sum3A_3925 = vector.extract %reduce_sum3A_3924[15] : f32 from vector<16xf32>
      %sub3A_3926 = arith.subf %reduce_sum3A_3921, %reduce_sum3A_3925 : f32
      %add3A_3927 = arith.constant 1.000000e+00 : f32
      %add3A_3928 = arith.addf %sub3A_3926, %add3A_3927 : f32
      %max3A_3929 = arith.constant 0.000000e+00 : f32
      %max3A_3930 = arith.maximumf %add3A_3928, %max3A_3929 : f32
      %add3A_3931 = arith.addf %add3A_3713, %max3A_3930 : f32
      %mul3A_3932 = arith.constant 16 : i32
      %mul3A_3933 = arith.muli %scan3A_605, %mul3A_3932 : i32
      %add3A_3934 = arith.constant 15 : i32
      %add3A_3935 = arith.addi %mul3A_3933, %add3A_3934 : i32
      %slice3A_3936 = vector.extract_strided_slice %mul3A_619 {offsets = [15], sizes = [1], strides = [1]} : vector<16xi32> to vector<1xi32>
      %squeeze3A_3937 = vector.extract %slice3A_3936[0] : i32 from vector<1xi32>
      %slice3A_3938 = vector.extract_strided_slice %mul3A_630 {offsets = [15], sizes = [1], strides = [1]} : vector<16xi32> to vector<1xi32>
      %squeeze3A_3939 = vector.extract %slice3A_3938[0] : i32 from vector<1xi32>
      %slice3A_3940 = vector.extract_strided_slice %mul3A_638 {offsets = [15], sizes = [1], strides = [1]} : vector<16xi32> to vector<1xi32>
      %squeeze3A_3941 = vector.extract %slice3A_3940[0] : i32 from vector<1xi32>
      %slice3A_3942 = vector.extract_strided_slice %mul3A_649 {offsets = [15], sizes = [1], strides = [1]} : vector<16xi32> to vector<1xi32>
      %squeeze3A_3943 = vector.extract %slice3A_3942[0] : i32 from vector<1xi32>
      %slice3A_3944 = vector.extract_strided_slice %mul3A_660 {offsets = [15], sizes = [1], strides = [1]} : vector<16xi32> to vector<1xi32>
      %squeeze3A_3945 = vector.extract %slice3A_3944[0] : i32 from vector<1xi32>
      %slice3A_3946 = vector.extract_strided_slice %mul3A_668 {offsets = [15], sizes = [1], strides = [1]} : vector<16xi32> to vector<1xi32>
      %squeeze3A_3947 = vector.extract %slice3A_3946[0] : i32 from vector<1xi32>
      %broadcast_in_dim3A_3948 = arith.constant 0.000000e+00 : f32
      %broadcast_in_dim3A_3949 = vector.broadcast %broadcast_in_dim3A_3948 : f32 to vector<16xf32>
      %broadcast_in_dim3A_3950 = arith.constant 0.000000e+00 : f32
      %broadcast_in_dim3A_3951 = vector.broadcast %broadcast_in_dim3A_3950 : f32 to vector<16xf32>
      %add3A_3952 = arith.constant 0 : i32
      %add3A_3953 = arith.addi %squeeze3A_3937, %add3A_3952 : i32
      %get3A_3954 = arith.index_cast %add3A_3935 : i32 to index
      %get3A_3955 = arith.index_cast %add3A_3953 : i32 to index
      %get3A_3956 = tpu.vector_load %arg23[%get3A_3954, %get3A_3955] {strides = array<i32>} : memref<128x128xi32, #tpu.memory_space<vmem>>, vector<16xi32>,
      %shift_left3A_3957 = arith.constant 16 : i32
      %shift_left3A_3958 = vector.broadcast %shift_left3A_3957 : i32 to vector<16xi32>
      %shift_left3A_3959 = arith.shli %get3A_3956, %shift_left3A_3958 : vector<16xi32>
      %bitcast3A_3960 = vector.bitcast %shift_left3A_3959 : vector<16xi32> to vector<16xf32>
      %and3A_3961 = arith.constant -65536 : i32
      %and3A_3962 = vector.broadcast %and3A_3961 : i32 to vector<16xi32>
      %and3A_3963 = arith.andi %get3A_3956, %and3A_3962 : vector<16xi32>
      %bitcast3A_3964 = vector.bitcast %and3A_3963 : vector<16xi32> to vector<16xf32>
      %add3A_3965 = arith.constant 0 : i32
      %add3A_3966 = arith.addi %squeeze3A_3939, %add3A_3965 : i32
      %get3A_3967 = arith.index_cast %add3A_3935 : i32 to index
      %get3A_3968 = arith.index_cast %add3A_3966 : i32 to index
      %get3A_3969 = tpu.vector_load %arg24[%get3A_3967, %get3A_3968] {strides = array<i32>} : memref<128x128xi32, #tpu.memory_space<vmem>>, vector<16xi32>,
      %shift_left3A_3970 = arith.constant 16 : i32
      %shift_left3A_3971 = vector.broadcast %shift_left3A_3970 : i32 to vector<16xi32>
      %shift_left3A_3972 = arith.shli %get3A_3969, %shift_left3A_3971 : vector<16xi32>
      %bitcast3A_3973 = vector.bitcast %shift_left3A_3972 : vector<16xi32> to vector<16xf32>
      %and3A_3974 = arith.constant -65536 : i32
      %and3A_3975 = vector.broadcast %and3A_3974 : i32 to vector<16xi32>
      %and3A_3976 = arith.andi %get3A_3969, %and3A_3975 : vector<16xi32>
      %bitcast3A_3977 = vector.bitcast %and3A_3976 : vector<16xi32> to vector<16xf32>
      %add3A_3978 = arith.constant 0 : i32
      %add3A_3979 = arith.addi %squeeze3A_3941, %add3A_3978 : i32
      %get3A_3980 = arith.index_cast %add3A_3935 : i32 to index
      %get3A_3981 = arith.index_cast %add3A_3979 : i32 to index
      %get3A_3982 = tpu.vector_load %arg25[%get3A_3980, %get3A_3981] {strides = array<i32>} : memref<128x128xf32, #tpu.memory_space<vmem>>, vector<16xf32>,
      %add3A_3983 = arith.constant 32 : i32
      %add3A_3984 = arith.addi %squeeze3A_3941, %add3A_3983 : i32
      %add3A_3985 = arith.constant 0 : i32
      %add3A_3986 = arith.addi %add3A_3984, %add3A_3985 : i32
      %get3A_3987 = arith.index_cast %add3A_3935 : i32 to index
      %get3A_3988 = arith.index_cast %add3A_3986 : i32 to index
      %get3A_3989 = tpu.vector_load %arg25[%get3A_3987, %get3A_3988] {strides = array<i32>} : memref<128x128xf32, #tpu.memory_space<vmem>>, vector<16xf32>,
      %sub3A_3990 = arith.subf %bitcast3A_3960, %bitcast3A_3973 : vector<16xf32>
      %add3A_3991 = arith.addf %sub3A_3990, %get3A_3982 : vector<16xf32>
      %abs3A_3992 = math.absf %add3A_3991 : vector<16xf32>
      %add3A_3993 = arith.addf %broadcast_in_dim3A_3949, %abs3A_3992 : vector<16xf32>
      %sub3A_3994 = arith.subf %bitcast3A_3964, %bitcast3A_3977 : vector<16xf32>
      %add3A_3995 = arith.addf %sub3A_3994, %get3A_3989 : vector<16xf32>
      %abs3A_3996 = math.absf %add3A_3995 : vector<16xf32>
      %add3A_3997 = arith.addf %add3A_3993, %abs3A_3996 : vector<16xf32>
      %add3A_3998 = arith.constant 0 : i32
      %add3A_3999 = arith.addi %squeeze3A_3943, %add3A_3998 : i32
      %get3A_4000 = arith.index_cast %add3A_3935 : i32 to index
      %get3A_4001 = arith.index_cast %add3A_3999 : i32 to index
      %get3A_4002 = tpu.vector_load %arg26[%get3A_4000, %get3A_4001] {strides = array<i32>} : memref<128x128xi32, #tpu.memory_space<vmem>>, vector<16xi32>,
      %shift_left3A_4003 = arith.constant 16 : i32
      %shift_left3A_4004 = vector.broadcast %shift_left3A_4003 : i32 to vector<16xi32>
      %shift_left3A_4005 = arith.shli %get3A_4002, %shift_left3A_4004 : vector<16xi32>
      %bitcast3A_4006 = vector.bitcast %shift_left3A_4005 : vector<16xi32> to vector<16xf32>
      %and3A_4007 = arith.constant -65536 : i32
      %and3A_4008 = vector.broadcast %and3A_4007 : i32 to vector<16xi32>
      %and3A_4009 = arith.andi %get3A_4002, %and3A_4008 : vector<16xi32>
      %bitcast3A_4010 = vector.bitcast %and3A_4009 : vector<16xi32> to vector<16xf32>
      %add3A_4011 = arith.constant 0 : i32
      %add3A_4012 = arith.addi %squeeze3A_3945, %add3A_4011 : i32
      %get3A_4013 = arith.index_cast %add3A_3935 : i32 to index
      %get3A_4014 = arith.index_cast %add3A_4012 : i32 to index
      %get3A_4015 = tpu.vector_load %arg27[%get3A_4013, %get3A_4014] {strides = array<i32>} : memref<128x128xi32, #tpu.memory_space<vmem>>, vector<16xi32>,
      %shift_left3A_4016 = arith.constant 16 : i32
      %shift_left3A_4017 = vector.broadcast %shift_left3A_4016 : i32 to vector<16xi32>
      %shift_left3A_4018 = arith.shli %get3A_4015, %shift_left3A_4017 : vector<16xi32>
      %bitcast3A_4019 = vector.bitcast %shift_left3A_4018 : vector<16xi32> to vector<16xf32>
      %and3A_4020 = arith.constant -65536 : i32
      %and3A_4021 = vector.broadcast %and3A_4020 : i32 to vector<16xi32>
      %and3A_4022 = arith.andi %get3A_4015, %and3A_4021 : vector<16xi32>
      %bitcast3A_4023 = vector.bitcast %and3A_4022 : vector<16xi32> to vector<16xf32>
      %add3A_4024 = arith.constant 0 : i32
      %add3A_4025 = arith.addi %squeeze3A_3947, %add3A_4024 : i32
      %get3A_4026 = arith.index_cast %add3A_3935 : i32 to index
      %get3A_4027 = arith.index_cast %add3A_4025 : i32 to index
      %get3A_4028 = tpu.vector_load %arg28[%get3A_4026, %get3A_4027] {strides = array<i32>} : memref<128x128xf32, #tpu.memory_space<vmem>>, vector<16xf32>,
      %add3A_4029 = arith.constant 32 : i32
      %add3A_4030 = arith.addi %squeeze3A_3947, %add3A_4029 : i32
      %add3A_4031 = arith.constant 0 : i32
      %add3A_4032 = arith.addi %add3A_4030, %add3A_4031 : i32
      %get3A_4033 = arith.index_cast %add3A_3935 : i32 to index
      %get3A_4034 = arith.index_cast %add3A_4032 : i32 to index
      %get3A_4035 = tpu.vector_load %arg28[%get3A_4033, %get3A_4034] {strides = array<i32>} : memref<128x128xf32, #tpu.memory_space<vmem>>, vector<16xf32>,
      %sub3A_4036 = arith.subf %bitcast3A_4006, %bitcast3A_4019 : vector<16xf32>
      %add3A_4037 = arith.addf %sub3A_4036, %get3A_4028 : vector<16xf32>
      %abs3A_4038 = math.absf %add3A_4037 : vector<16xf32>
      %add3A_4039 = arith.addf %broadcast_in_dim3A_3951, %abs3A_4038 : vector<16xf32>
      %sub3A_4040 = arith.subf %bitcast3A_4010, %bitcast3A_4023 : vector<16xf32>
      %add3A_4041 = arith.addf %sub3A_4040, %get3A_4035 : vector<16xf32>
      %abs3A_4042 = math.absf %add3A_4041 : vector<16xf32>
      %add3A_4043 = arith.addf %add3A_4039, %abs3A_4042 : vector<16xf32>
      %add3A_4044 = arith.constant 16 : i32
      %add3A_4045 = arith.addi %squeeze3A_3937, %add3A_4044 : i32
      %get3A_4046 = arith.index_cast %add3A_3935 : i32 to index
      %get3A_4047 = arith.index_cast %add3A_4045 : i32 to index
      %get3A_4048 = tpu.vector_load %arg23[%get3A_4046, %get3A_4047] {strides = array<i32>} : memref<128x128xi32, #tpu.memory_space<vmem>>, vector<16xi32>,
      %shift_left3A_4049 = arith.constant 16 : i32
      %shift_left3A_4050 = vector.broadcast %shift_left3A_4049 : i32 to vector<16xi32>
      %shift_left3A_4051 = arith.shli %get3A_4048, %shift_left3A_4050 : vector<16xi32>
      %bitcast3A_4052 = vector.bitcast %shift_left3A_4051 : vector<16xi32> to vector<16xf32>
      %and3A_4053 = arith.constant -65536 : i32
      %and3A_4054 = vector.broadcast %and3A_4053 : i32 to vector<16xi32>
      %and3A_4055 = arith.andi %get3A_4048, %and3A_4054 : vector<16xi32>
      %bitcast3A_4056 = vector.bitcast %and3A_4055 : vector<16xi32> to vector<16xf32>
      %add3A_4057 = arith.constant 16 : i32
      %add3A_4058 = arith.addi %squeeze3A_3939, %add3A_4057 : i32
      %get3A_4059 = arith.index_cast %add3A_3935 : i32 to index
      %get3A_4060 = arith.index_cast %add3A_4058 : i32 to index
      %get3A_4061 = tpu.vector_load %arg24[%get3A_4059, %get3A_4060] {strides = array<i32>} : memref<128x128xi32, #tpu.memory_space<vmem>>, vector<16xi32>,
      %shift_left3A_4062 = arith.constant 16 : i32
      %shift_left3A_4063 = vector.broadcast %shift_left3A_4062 : i32 to vector<16xi32>
      %shift_left3A_4064 = arith.shli %get3A_4061, %shift_left3A_4063 : vector<16xi32>
      %bitcast3A_4065 = vector.bitcast %shift_left3A_4064 : vector<16xi32> to vector<16xf32>
      %and3A_4066 = arith.constant -65536 : i32
      %and3A_4067 = vector.broadcast %and3A_4066 : i32 to vector<16xi32>
      %and3A_4068 = arith.andi %get3A_4061, %and3A_4067 : vector<16xi32>
      %bitcast3A_4069 = vector.bitcast %and3A_4068 : vector<16xi32> to vector<16xf32>
      %add3A_4070 = arith.constant 16 : i32
      %add3A_4071 = arith.addi %squeeze3A_3941, %add3A_4070 : i32
      %get3A_4072 = arith.index_cast %add3A_3935 : i32 to index
      %get3A_4073 = arith.index_cast %add3A_4071 : i32 to index
      %get3A_4074 = tpu.vector_load %arg25[%get3A_4072, %get3A_4073] {strides = array<i32>} : memref<128x128xf32, #tpu.memory_space<vmem>>, vector<16xf32>,
      %add3A_4075 = arith.constant 32 : i32
      %add3A_4076 = arith.addi %squeeze3A_3941, %add3A_4075 : i32
      %add3A_4077 = arith.constant 16 : i32
      %add3A_4078 = arith.addi %add3A_4076, %add3A_4077 : i32
      %get3A_4079 = arith.index_cast %add3A_3935 : i32 to index
      %get3A_4080 = arith.index_cast %add3A_4078 : i32 to index
      %get3A_4081 = tpu.vector_load %arg25[%get3A_4079, %get3A_4080] {strides = array<i32>} : memref<128x128xf32, #tpu.memory_space<vmem>>, vector<16xf32>,
      %sub3A_4082 = arith.subf %bitcast3A_4052, %bitcast3A_4065 : vector<16xf32>
      %add3A_4083 = arith.addf %sub3A_4082, %get3A_4074 : vector<16xf32>
      %abs3A_4084 = math.absf %add3A_4083 : vector<16xf32>
      %add3A_4085 = arith.addf %add3A_3997, %abs3A_4084 : vector<16xf32>
      %sub3A_4086 = arith.subf %bitcast3A_4056, %bitcast3A_4069 : vector<16xf32>
      %add3A_4087 = arith.addf %sub3A_4086, %get3A_4081 : vector<16xf32>
      %abs3A_4088 = math.absf %add3A_4087 : vector<16xf32>
      %add3A_4089 = arith.addf %add3A_4085, %abs3A_4088 : vector<16xf32>
      %add3A_4090 = arith.constant 16 : i32
      %add3A_4091 = arith.addi %squeeze3A_3943, %add3A_4090 : i32
      %get3A_4092 = arith.index_cast %add3A_3935 : i32 to index
      %get3A_4093 = arith.index_cast %add3A_4091 : i32 to index
      %get3A_4094 = tpu.vector_load %arg26[%get3A_4092, %get3A_4093] {strides = array<i32>} : memref<128x128xi32, #tpu.memory_space<vmem>>, vector<16xi32>,
      %shift_left3A_4095 = arith.constant 16 : i32
      %shift_left3A_4096 = vector.broadcast %shift_left3A_4095 : i32 to vector<16xi32>
      %shift_left3A_4097 = arith.shli %get3A_4094, %shift_left3A_4096 : vector<16xi32>
      %bitcast3A_4098 = vector.bitcast %shift_left3A_4097 : vector<16xi32> to vector<16xf32>
      %and3A_4099 = arith.constant -65536 : i32
      %and3A_4100 = vector.broadcast %and3A_4099 : i32 to vector<16xi32>
      %and3A_4101 = arith.andi %get3A_4094, %and3A_4100 : vector<16xi32>
      %bitcast3A_4102 = vector.bitcast %and3A_4101 : vector<16xi32> to vector<16xf32>
      %add3A_4103 = arith.constant 16 : i32
      %add3A_4104 = arith.addi %squeeze3A_3945, %add3A_4103 : i32
      %get3A_4105 = arith.index_cast %add3A_3935 : i32 to index
      %get3A_4106 = arith.index_cast %add3A_4104 : i32 to index
      %get3A_4107 = tpu.vector_load %arg27[%get3A_4105, %get3A_4106] {strides = array<i32>} : memref<128x128xi32, #tpu.memory_space<vmem>>, vector<16xi32>,
      %shift_left3A_4108 = arith.constant 16 : i32
      %shift_left3A_4109 = vector.broadcast %shift_left3A_4108 : i32 to vector<16xi32>
      %shift_left3A_4110 = arith.shli %get3A_4107, %shift_left3A_4109 : vector<16xi32>
      %bitcast3A_4111 = vector.bitcast %shift_left3A_4110 : vector<16xi32> to vector<16xf32>
      %and3A_4112 = arith.constant -65536 : i32
      %and3A_4113 = vector.broadcast %and3A_4112 : i32 to vector<16xi32>
      %and3A_4114 = arith.andi %get3A_4107, %and3A_4113 : vector<16xi32>
      %bitcast3A_4115 = vector.bitcast %and3A_4114 : vector<16xi32> to vector<16xf32>
      %add3A_4116 = arith.constant 16 : i32
      %add3A_4117 = arith.addi %squeeze3A_3947, %add3A_4116 : i32
      %get3A_4118 = arith.index_cast %add3A_3935 : i32 to index
      %get3A_4119 = arith.index_cast %add3A_4117 : i32 to index
      %get3A_4120 = tpu.vector_load %arg28[%get3A_4118, %get3A_4119] {strides = array<i32>} : memref<128x128xf32, #tpu.memory_space<vmem>>, vector<16xf32>,
      %add3A_4121 = arith.constant 32 : i32
      %add3A_4122 = arith.addi %squeeze3A_3947, %add3A_4121 : i32
      %add3A_4123 = arith.constant 16 : i32
      %add3A_4124 = arith.addi %add3A_4122, %add3A_4123 : i32
      %get3A_4125 = arith.index_cast %add3A_3935 : i32 to index
      %get3A_4126 = arith.index_cast %add3A_4124 : i32 to index
      %get3A_4127 = tpu.vector_load %arg28[%get3A_4125, %get3A_4126] {strides = array<i32>} : memref<128x128xf32, #tpu.memory_space<vmem>>, vector<16xf32>,
      %sub3A_4128 = arith.subf %bitcast3A_4098, %bitcast3A_4111 : vector<16xf32>
      %add3A_4129 = arith.addf %sub3A_4128, %get3A_4120 : vector<16xf32>
      %abs3A_4130 = math.absf %add3A_4129 : vector<16xf32>
      %add3A_4131 = arith.addf %add3A_4043, %abs3A_4130 : vector<16xf32>
      %sub3A_4132 = arith.subf %bitcast3A_4102, %bitcast3A_4115 : vector<16xf32>
      %add3A_4133 = arith.addf %sub3A_4132, %get3A_4127 : vector<16xf32>
      %abs3A_4134 = math.absf %add3A_4133 : vector<16xf32>
      %add3A_4135 = arith.addf %add3A_4131, %abs3A_4134 : vector<16xf32>
      %reduce_sum3A_4136 = arith.constant true
      %reduce_sum3A_4137 = vector.broadcast %reduce_sum3A_4136 : i1 to vector<16xi1>
      %reduce_sum3A_4138 = tpu.scan <sum>, %add3A_4089 masked %reduce_sum3A_4137 : vector<16xf32>, vector<16xi1> -> vector<16xf32>
      %reduce_sum3A_4139 = vector.extract %reduce_sum3A_4138[15] : f32 from vector<16xf32>
      %reduce_sum3A_4140 = arith.constant true
      %reduce_sum3A_4141 = vector.broadcast %reduce_sum3A_4140 : i1 to vector<16xi1>
      %reduce_sum3A_4142 = tpu.scan <sum>, %add3A_4135 masked %reduce_sum3A_4141 : vector<16xf32>, vector<16xi1> -> vector<16xf32>
      %reduce_sum3A_4143 = vector.extract %reduce_sum3A_4142[15] : f32 from vector<16xf32>
      %sub3A_4144 = arith.subf %reduce_sum3A_4139, %reduce_sum3A_4143 : f32
      %add3A_4145 = arith.constant 1.000000e+00 : f32
      %add3A_4146 = arith.addf %sub3A_4144, %add3A_4145 : f32
      %max3A_4147 = arith.constant 0.000000e+00 : f32
      %max3A_4148 = arith.maximumf %add3A_4146, %max3A_4147 : f32
      %add3A_4149 = arith.addf %add3A_3931, %max3A_4148 : f32
      scf.yield %add3A_4149 : f32
    }
    %scan3A_597 = arith.constant 8 : i32
    %eq3A = arith.constant 0 : i32
    %eq3A_598 = vector.broadcast %eq3A : i32 to vector<16xi32>
    %eq3A_599 = arith.cmpi eq, %iota3A, %eq3A_598 : vector<16xi32>
    %jit3A = arith.constant 0.000000e+00 : f32
    %broadcast_in_dim3A = vector.broadcast %scan3A_596 : f32 to vector<16xf32>
    %broadcast_in_dim3A_600 = vector.broadcast %jit3A : f32 to vector<16xf32>
    %select_n3A = arith.select %eq3A_599, %broadcast_in_dim3A, %broadcast_in_dim3A_600 : vector<16xi1>, vector<16xf32>
    %swap3A_601 = arith.constant 0 : index
    %swap3A_602 = tpu.vector_load %arg29[%swap3A_601] {strides = array<i32>} : memref<16xf32, #tpu.memory_space<vmem>>, vector<16xf32>,
    tpu.vector_store %arg29[%swap3A_601], %select_n3A {strides = array<i32>} : memref<16xf32, #tpu.memory_space<vmem>>, vector<16xf32>,
    %mul3A_603 = arith.constant 16 : i32
    %mul3A_604 = arith.muli %add3A, %mul3A_603 : i32
    "tpu.region"() ({
      %run_scoped3A = tpu.sem_alloc : memref<!tpu.dma_semaphore, #tpu.memory_space<semaphore_mem>>
      %dma_start3A_605 = tpu.memref_slice %arg10[%mul3A_604] : memref<512xf32, #tpu.memory_space<hbm>> -> memref<16xf32, #tpu.memory_space<hbm>>
      %dma_start3A_606 = tpu.memref_slice %arg10[%mul3A_604] : memref<512xf32, #tpu.memory_space<hbm>> -> memref<16xf32, #tpu.memory_space<hbm>>
      tpu.enqueue_dma source(%arg29 : memref<16xf32, #tpu.memory_space<vmem>>) target(%dma_start3A_606 : memref<16xf32, #tpu.memory_space<hbm>>) target_semaphore(%run_scoped3A : memref<!tpu.dma_semaphore, #tpu.memory_space<semaphore_mem>>)
      %dma_wait3A_607 = tpu.memref_slice %arg10[%mul3A_604] : memref<512xf32, #tpu.memory_space<hbm>> -> memref<16xf32, #tpu.memory_space<hbm>>
      %dma_wait3A_608 = tpu.memref_slice %arg10[%mul3A_604] : memref<512xf32, #tpu.memory_space<hbm>> -> memref<16xf32, #tpu.memory_space<hbm>>
      tpu.wait_dma2 semaphore(%run_scoped3A : memref<!tpu.dma_semaphore, #tpu.memory_space<semaphore_mem>>) src(%arg29 : memref<16xf32, #tpu.memory_space<vmem>>) dst(%dma_wait3A_608 : memref<16xf32, #tpu.memory_space<hbm>>)
      tpu.yield
    }) : () -> ()
    return
  }
}

module attributes {stable_mosaic.version = 14 : i64} {
  func.func @_tc_pack_body(%arg0: i32, %arg1: memref<64x8192xf32, #tpu.memory_space<vmem>>, %arg2: memref<2048x128xi32, #tpu.memory_space<vmem>>) attributes {dimension_semantics = [#tpu.dimension_semantics<arbitrary>], iteration_bounds = array<i64: 123>, scalar_prefetch = 0 : i64, scratch_operands = 0 : i64, tpu.core_type = #tpu.core_type<tc>, window_params = [{transform_indices = @transform_0, window_bounds = array<i64: 64, 8192>}, {transform_indices = @transform_1, window_bounds = array<i64: 2048, 128>}]} {
    %get3A = arith.constant 0 : index
    %get3A_0 = arith.constant 0 : index
    %get3A_1 = vector.load %arg1[%get3A, %get3A_0] : memref<64x8192xf32, #tpu.memory_space<vmem>>, vector<64x2048xf32>
    %slice3A = vector.extract_strided_slice %get3A_1 {offsets = [0, 0], sizes = [32, 2048], strides = [1, 1]} : vector<64x2048xf32> to vector<32x2048xf32>
    %bitcast_convert_type3A = tpu.bitcast %slice3A : vector<32x2048xf32> -> vector<32x2048xi32>
    %slice3A_2 = vector.extract_strided_slice %get3A_1 {offsets = [32, 0], sizes = [32, 2048], strides = [1, 1]} : vector<64x2048xf32> to vector<32x2048xf32>
    %bitcast_convert_type3A_3 = tpu.bitcast %slice3A_2 : vector<32x2048xf32> -> vector<32x2048xi32>
    %add3A = arith.constant 32768 : i32
    %add3A_4 = vector.broadcast %add3A : i32 to vector<32x2048xi32>
    %add3A_5 = arith.addi %bitcast_convert_type3A, %add3A_4 : vector<32x2048xi32>
    %shift_right_logical3A = arith.constant 16 : i32
    %shift_right_logical3A_6 = vector.broadcast %shift_right_logical3A : i32 to vector<32x2048xi32>
    %shift_right_logical3A_7 = arith.shrui %add3A_5, %shift_right_logical3A_6 : vector<32x2048xi32>
    %add3A_8 = arith.constant 32768 : i32
    %add3A_9 = vector.broadcast %add3A_8 : i32 to vector<32x2048xi32>
    %add3A_10 = arith.addi %bitcast_convert_type3A_3, %add3A_9 : vector<32x2048xi32>
    %and3A = arith.constant -65536 : i32
    %and3A_11 = vector.broadcast %and3A : i32 to vector<32x2048xi32>
    %and3A_12 = arith.andi %add3A_10, %and3A_11 : vector<32x2048xi32>
    %or3A = arith.ori %shift_right_logical3A_7, %and3A_12 : vector<32x2048xi32>
    %bitcast_convert_type3A_13 = tpu.bitcast %or3A : vector<32x2048xi32> -> vector<32x2048xi32>
    %transpose3A = tpu.transpose %bitcast_convert_type3A_13, [1, 0] : vector<32x2048xi32> -> vector<2048x32xi32>
    %swap3A = arith.constant 0 : index
    %swap3A_14 = arith.constant 0 : index
    %swap3A_15 = vector.load %arg2[%swap3A, %swap3A_14] : memref<2048x128xi32, #tpu.memory_space<vmem>>, vector<2048x32xi32>
    tpu.vector_store %arg2[%swap3A, %swap3A_14], %transpose3A {strides = array<i32>} : memref<2048x128xi32, #tpu.memory_space<vmem>>, vector<2048x32xi32>,
    %get3A_16 = arith.constant 0 : index
    %get3A_17 = arith.constant 2048 : index
    %get3A_18 = vector.load %arg1[%get3A_16, %get3A_17] : memref<64x8192xf32, #tpu.memory_space<vmem>>, vector<64x2048xf32>
    %slice3A_19 = vector.extract_strided_slice %get3A_18 {offsets = [0, 0], sizes = [32, 2048], strides = [1, 1]} : vector<64x2048xf32> to vector<32x2048xf32>
    %bitcast_convert_type3A_20 = tpu.bitcast %slice3A_19 : vector<32x2048xf32> -> vector<32x2048xi32>
    %slice3A_21 = vector.extract_strided_slice %get3A_18 {offsets = [32, 0], sizes = [32, 2048], strides = [1, 1]} : vector<64x2048xf32> to vector<32x2048xf32>
    %bitcast_convert_type3A_22 = tpu.bitcast %slice3A_21 : vector<32x2048xf32> -> vector<32x2048xi32>
    %add3A_23 = arith.constant 32768 : i32
    %add3A_24 = vector.broadcast %add3A_23 : i32 to vector<32x2048xi32>
    %add3A_25 = arith.addi %bitcast_convert_type3A_20, %add3A_24 : vector<32x2048xi32>
    %shift_right_logical3A_26 = arith.constant 16 : i32
    %shift_right_logical3A_27 = vector.broadcast %shift_right_logical3A_26 : i32 to vector<32x2048xi32>
    %shift_right_logical3A_28 = arith.shrui %add3A_25, %shift_right_logical3A_27 : vector<32x2048xi32>
    %add3A_29 = arith.constant 32768 : i32
    %add3A_30 = vector.broadcast %add3A_29 : i32 to vector<32x2048xi32>
    %add3A_31 = arith.addi %bitcast_convert_type3A_22, %add3A_30 : vector<32x2048xi32>
    %and3A_32 = arith.constant -65536 : i32
    %and3A_33 = vector.broadcast %and3A_32 : i32 to vector<32x2048xi32>
    %and3A_34 = arith.andi %add3A_31, %and3A_33 : vector<32x2048xi32>
    %or3A_35 = arith.ori %shift_right_logical3A_28, %and3A_34 : vector<32x2048xi32>
    %bitcast_convert_type3A_36 = tpu.bitcast %or3A_35 : vector<32x2048xi32> -> vector<32x2048xi32>
    %transpose3A_37 = tpu.transpose %bitcast_convert_type3A_36, [1, 0] : vector<32x2048xi32> -> vector<2048x32xi32>
    %swap3A_38 = arith.constant 0 : index
    %swap3A_39 = arith.constant 32 : index
    %swap3A_40 = vector.load %arg2[%swap3A_38, %swap3A_39] : memref<2048x128xi32, #tpu.memory_space<vmem>>, vector<2048x32xi32>
    tpu.vector_store %arg2[%swap3A_38, %swap3A_39], %transpose3A_37 {strides = array<i32>} : memref<2048x128xi32, #tpu.memory_space<vmem>>, vector<2048x32xi32>,
    %get3A_41 = arith.constant 0 : index
    %get3A_42 = arith.constant 4096 : index
    %get3A_43 = vector.load %arg1[%get3A_41, %get3A_42] : memref<64x8192xf32, #tpu.memory_space<vmem>>, vector<64x2048xf32>
    %slice3A_44 = vector.extract_strided_slice %get3A_43 {offsets = [0, 0], sizes = [32, 2048], strides = [1, 1]} : vector<64x2048xf32> to vector<32x2048xf32>
    %bitcast_convert_type3A_45 = tpu.bitcast %slice3A_44 : vector<32x2048xf32> -> vector<32x2048xi32>
    %slice3A_46 = vector.extract_strided_slice %get3A_43 {offsets = [32, 0], sizes = [32, 2048], strides = [1, 1]} : vector<64x2048xf32> to vector<32x2048xf32>
    %bitcast_convert_type3A_47 = tpu.bitcast %slice3A_46 : vector<32x2048xf32> -> vector<32x2048xi32>
    %add3A_48 = arith.constant 32768 : i32
    %add3A_49 = vector.broadcast %add3A_48 : i32 to vector<32x2048xi32>
    %add3A_50 = arith.addi %bitcast_convert_type3A_45, %add3A_49 : vector<32x2048xi32>
    %shift_right_logical3A_51 = arith.constant 16 : i32
    %shift_right_logical3A_52 = vector.broadcast %shift_right_logical3A_51 : i32 to vector<32x2048xi32>
    %shift_right_logical3A_53 = arith.shrui %add3A_50, %shift_right_logical3A_52 : vector<32x2048xi32>
    %add3A_54 = arith.constant 32768 : i32
    %add3A_55 = vector.broadcast %add3A_54 : i32 to vector<32x2048xi32>
    %add3A_56 = arith.addi %bitcast_convert_type3A_47, %add3A_55 : vector<32x2048xi32>
    %and3A_57 = arith.constant -65536 : i32
    %and3A_58 = vector.broadcast %and3A_57 : i32 to vector<32x2048xi32>
    %and3A_59 = arith.andi %add3A_56, %and3A_58 : vector<32x2048xi32>
    %or3A_60 = arith.ori %shift_right_logical3A_53, %and3A_59 : vector<32x2048xi32>
    %bitcast_convert_type3A_61 = tpu.bitcast %or3A_60 : vector<32x2048xi32> -> vector<32x2048xi32>
    %transpose3A_62 = tpu.transpose %bitcast_convert_type3A_61, [1, 0] : vector<32x2048xi32> -> vector<2048x32xi32>
    %swap3A_63 = arith.constant 0 : index
    %swap3A_64 = arith.constant 64 : index
    %swap3A_65 = vector.load %arg2[%swap3A_63, %swap3A_64] : memref<2048x128xi32, #tpu.memory_space<vmem>>, vector<2048x32xi32>
    tpu.vector_store %arg2[%swap3A_63, %swap3A_64], %transpose3A_62 {strides = array<i32>} : memref<2048x128xi32, #tpu.memory_space<vmem>>, vector<2048x32xi32>,
    %get3A_66 = arith.constant 0 : index
    %get3A_67 = arith.constant 6144 : index
    %get3A_68 = vector.load %arg1[%get3A_66, %get3A_67] : memref<64x8192xf32, #tpu.memory_space<vmem>>, vector<64x2048xf32>
    %slice3A_69 = vector.extract_strided_slice %get3A_68 {offsets = [0, 0], sizes = [32, 2048], strides = [1, 1]} : vector<64x2048xf32> to vector<32x2048xf32>
    %bitcast_convert_type3A_70 = tpu.bitcast %slice3A_69 : vector<32x2048xf32> -> vector<32x2048xi32>
    %slice3A_71 = vector.extract_strided_slice %get3A_68 {offsets = [32, 0], sizes = [32, 2048], strides = [1, 1]} : vector<64x2048xf32> to vector<32x2048xf32>
    %bitcast_convert_type3A_72 = tpu.bitcast %slice3A_71 : vector<32x2048xf32> -> vector<32x2048xi32>
    %add3A_73 = arith.constant 32768 : i32
    %add3A_74 = vector.broadcast %add3A_73 : i32 to vector<32x2048xi32>
    %add3A_75 = arith.addi %bitcast_convert_type3A_70, %add3A_74 : vector<32x2048xi32>
    %shift_right_logical3A_76 = arith.constant 16 : i32
    %shift_right_logical3A_77 = vector.broadcast %shift_right_logical3A_76 : i32 to vector<32x2048xi32>
    %shift_right_logical3A_78 = arith.shrui %add3A_75, %shift_right_logical3A_77 : vector<32x2048xi32>
    %add3A_79 = arith.constant 32768 : i32
    %add3A_80 = vector.broadcast %add3A_79 : i32 to vector<32x2048xi32>
    %add3A_81 = arith.addi %bitcast_convert_type3A_72, %add3A_80 : vector<32x2048xi32>
    %and3A_82 = arith.constant -65536 : i32
    %and3A_83 = vector.broadcast %and3A_82 : i32 to vector<32x2048xi32>
    %and3A_84 = arith.andi %add3A_81, %and3A_83 : vector<32x2048xi32>
    %or3A_85 = arith.ori %shift_right_logical3A_78, %and3A_84 : vector<32x2048xi32>
    %bitcast_convert_type3A_86 = tpu.bitcast %or3A_85 : vector<32x2048xi32> -> vector<32x2048xi32>
    %transpose3A_87 = tpu.transpose %bitcast_convert_type3A_86, [1, 0] : vector<32x2048xi32> -> vector<2048x32xi32>
    %swap3A_88 = arith.constant 0 : index
    %swap3A_89 = arith.constant 96 : index
    %swap3A_90 = vector.load %arg2[%swap3A_88, %swap3A_89] : memref<2048x128xi32, #tpu.memory_space<vmem>>, vector<2048x32xi32>
    tpu.vector_store %arg2[%swap3A_88, %swap3A_89], %transpose3A_87 {strides = array<i32>} : memref<2048x128xi32, #tpu.memory_space<vmem>>, vector<2048x32xi32>,
    return
  }
  func.func @transform_0(%arg0: i32) -> (i32, i32) {
    %c0_i32 = arith.constant 0 : i32
    %c0_i32_0 = arith.constant 0 : i32
    return %c0_i32, %arg0 : i32, i32
  }
  func.func @transform_1(%arg0: i32) -> (i32, i32) {
    %c0_i32 = arith.constant 0 : i32
    %c0_i32_0 = arith.constant 0 : i32
    return %arg0, %c0_i32 : i32, i32
  }
}

</mosaic_0001>

<sc_bundles>
// kernel: kernel.4.cloned.1.call-start
scs
__scs_entry_jumppad:
0x0: {  	(pc) =	sbr.rel $0x88, $3  }
0x1: {  	(tag) =	ssettag $0x0;
	lr =	simm.s32 $0x1  }
0x2: {  	[smem:$0x3F99] =	sst lr;
	_ =	strace $0xD0000000  }
0x3: {  	_ = 	snop  }
0x4: {  	_ = 	snop  }
0x5: {  	_ = 	snop  }
0x6: {  	_ = 	snop  }
0x7: {  	_ = 	snop  }
__scs_overlays_trampoline_lowered:
0x8: {  	[smem:$0x3FA8] =	sst s0  }
0x9: {  	[smem:$0x3FA9] =	sst s1  }
0xa: {  	[smem:$0x3FAA] =	sst s2  }
0xb: {  	[smem:$0x3FAB] =	sst s3  }
0xc: {  	[smem:$0x3FAC] =	sst s4  }
0xd: {  	[smem:$0x3FAD] =	sst s5  }
0xe: {  	[smem:$0x3FAE] =	sst s6  }
0xf: {  	[smem:$0x3FAF] =	sst s7  }
0x10: {  	[smem:$0x3FB0] =	sst s8  }
0x11: {  	[smem:$0x3FB1] =	sst s9;
	s0 =	simm.s32 @!p0 $0x0  }
0x12: {  	s1 =	sld [smem:$0x3F97];
	s0 =	simm.s32 @p0 $0x1  }
0x13: {  	[smem:$0x3FB2] =	sst s0;
	s0 =	simm.s32 @!p1 $0x0  }
0x14: {  	s2 =	sld [smem:$0x3F96];
	s0 =	simm.s32 @p1 $0x1  }
0x15: {  	[smem:$0x3FB3] =	sst s0;
	s0 =	simm.s32 @!p2 $0x0  }
0x16: {  	s3 =	sld [smem:$0x3FDB];
	s0 =	simm.s32 @p2 $0x1  }
0x17: {  	s4 =	simm.s32 $0x1BF5;
	[smem:$0x3FB5] =	sst s0  }
0x18: {  	s0 =	sld [smem:$0x3F98];
	_ =	swait.ge [sflag:s4], $0x0  }
0x19: {  	s7 =	sld [smem:$0x3F99]  }
0x1a: {  	s8 =	sadd.s32 $0xFFFFE003, lr  }
0x1b: {  	s9 =	sadd.s32 $0xFFFFFEF7, lr;
	s5 =	simm.s32 $0xFFFFFFFF;
	p2 =	slt.u32 s8, $0xFFFFF086  }
0x1c: {  	p1 =	slt.u32 s9, $0xF7A;
	s5 =	simm.s32 @!p2 $0x0  }
0x1d: {  	s5 =	simm.s32 @p1 $0x1;
	p0 =	seq.s32 s7, s2  }
0x1e: {  	s7 =	smul.u32 @!p0 $0xF7A, s2;
	p2 =	seq.s32 @!p0 s5, $0x0  }
0x1f: {  	s9 =	smul.u32 $0xF7A, s1;
	s8 =	simm.s32 @!p0 $0x1BF5;
	p2 =	por !p2, p0  }
0x20: {  	[sflag:s8] =	ssyncset.s32 @!p0 $0xFFFFF086;
	s6 =	sadd.s32 @!p0 s3, s7;
	s7 =	simm.s32 @!p0 $0x108  }
0x21: {  	s3 =	sadd.s32 s3, s9;
	s6 =	sadd.s32 @!p0 $0x88, s6;
	s7 =	simm.s32 @p2 $0x1082  }
0x22: {  	[simem:s7], [sflag:s8] =	dma.local @!p0 [hbm:s6], $0xF7A  }
0x23: {  	s9 =	sor.u32 $0xD0000000, s2;
	s6 =	simm.s32 $0x108;
	_ =	swait.ge @!p0 [sflag:s8], $0x0  }
0x24: {  	s3 =	sadd.s32 $0x88, s3;
	s6 =	simm.s32 @!p1 $0x1082;
	[sflag:s4] =	ssyncset.s32 $0xFFFFF086  }
0x25: {  	[simem:s6], [sflag:s4] =	dma.local [hbm:s3], $0xF7A  }
0x26: {  	[smem:$0x3F99] =	sst s1;
	(tag) =	ssettag s2;
	_ =	strace s9  }
0x27: {  	s1 =	sld [smem:$0x3FA9]  }
0x28: {  	s2 =	sld [smem:$0x3FAA]  }
0x29: {  	s4 =	sld [smem:$0x3FAC]  }
0x2a: {  	p0 =	seq.s32 s5, $0x0;
	s5 =	sld [smem:$0x3FAD]  }
0x2b: {  	s6 =	sld [smem:$0x3FAE]  }
0x2c: {  	s7 =	sld [smem:$0x3FAF]  }
0x2d: {  	s3 =	simm.s32 $0x108;
	s8 =	sld [smem:$0x3FB0]  }
0x2e: {  	s3 =	simm.s32 @!p0 $0x1082;
	s9 =	sld [smem:$0x3FB1]  }
0x2f: {  	lr =	sadd.s32 s0, s3;
	s0 =	sld [smem:$0x3FA8]  }
0x30: {  	s3 =	sld [smem:$0x3FAB]  }
0x31: {  	[smem:$0x3FB4] =	sst s10  }
0x32: {  	s10 =	sld [smem:$0x3FB2];
	_ =	sdelay $0x3  }
0x33: {  	p0 =	seq.s32 s10, $0x1;
	s10 =	sld [smem:$0x3FB4];
	_ =	sdelay $0x3  }
0x34: {  	[smem:$0x3FB4] =	sst s10  }
0x35: {  	s10 =	sld [smem:$0x3FB3];
	_ =	sdelay $0x3  }
0x36: {  	p1 =	seq.s32 s10, $0x1;
	s10 =	sld [smem:$0x3FB4];
	_ =	sdelay $0x3  }
0x37: {  	[smem:$0x3FB4] =	sst s10  }
0x38: {  	s10 =	sld [smem:$0x3FB5]  }
0x39: {  	_ = 	snop;
	(pc) =	sbr.ind lr, $3  }
0x3a: {  	_ = 	snop  }
0x3b: {  	_ = 	snop  }
0x3c: {  	p2 =	seq.s32 s10, $0x1;
	s10 =	sld [smem:$0x3FB4]  }
0x3d: {  	_ =	shalt  }
0x3e: {  	_ =	shalt  }
0x3f: {  	_ =	shalt  }
0x40: {  	_ =	shalt  }
0x41: {  	_ =	shalt  }
0x42: {  	_ =	shalt  }
0x43: {  	_ =	shalt  }
0x44: {  	_ =	shalt  }
0x45: {  	_ =	shalt  }
0x46: {  	_ =	shalt  }
0x47: {  	_ =	shalt  }
0x48: {  	_ =	shalt  }
0x49: {  	_ =	shalt  }
0x4a: {  	_ =	shalt  }
0x4b: {  	_ =	shalt  }
0x4c: {  	_ =	shalt  }
0x4d: {  	_ =	shalt  }
0x4e: {  	_ =	shalt  }
0x4f: {  	_ =	shalt  }
0x50: {  	_ =	shalt  }
0x51: {  	_ =	shalt  }
0x52: {  	_ =	shalt  }
0x53: {  	_ =	shalt  }
0x54: {  	_ =	shalt  }
0x55: {  	_ =	shalt  }
0x56: {  	_ =	shalt  }
0x57: {  	_ =	shalt  }
0x58: {  	_ =	shalt  }
0x59: {  	_ =	shalt  }
0x5a: {  	_ =	shalt  }
0x5b: {  	_ =	shalt  }
0x5c: {  	_ =	shalt  }
0x5d: {  	_ =	shalt  }
0x5e: {  	_ =	shalt  }
0x5f: {  	_ =	shalt  }
0x60: {  	_ =	shalt  }
0x61: {  	_ =	shalt  }
0x62: {  	_ =	shalt  }
0x63: {  	_ =	shalt  }
0x64: {  	_ =	shalt  }
0x65: {  	_ =	shalt  }
0x66: {  	_ =	shalt  }
0x67: {  	_ =	shalt  }
0x68: {  	_ =	shalt  }
0x69: {  	_ =	shalt  }
0x6a: {  	_ =	shalt  }
0x6b: {  	_ =	shalt  }
0x6c: {  	_ =	shalt  }
0x6d: {  	_ =	shalt  }
0x6e: {  	_ =	shalt  }
0x6f: {  	_ =	shalt  }
0x70: {  	_ =	shalt  }
0x71: {  	_ =	shalt  }
0x72: {  	_ =	shalt  }
0x73: {  	_ =	shalt  }
0x74: {  	_ =	shalt  }
0x75: {  	_ =	shalt  }
0x76: {  	_ =	shalt  }
0x77: {  	_ =	shalt  }
0x78: {  	_ =	shalt  }
0x79: {  	_ =	shalt  }
0x7a: {  	_ =	shalt  }
0x7b: {  	_ =	shalt  }
0x7c: {  	_ =	shalt  }
0x7d: {  	_ =	shalt  }
0x7e: {  	_ =	shalt  }
0x7f: {  	_ =	shalt  }
0x80: {  	_ =	shalt  }
0x81: {  	_ =	shalt  }
0x82: {  	_ =	shalt  }
0x83: {  	_ =	shalt  }
0x84: {  	_ =	shalt  }
0x85: {  	_ =	shalt  }
0x86: {  	_ =	shalt  }
0x87: {  	_ =	shalt  }
.Lfunc_end0:
.L_simem_size_0:
called_computation_lowered:
.L_overlay_start_0:
0x88: {  	s2 =	sld [smem:$0x3FD9]  }
0x89: {  	s3 =	sld [smem:$0x3FFE];
	_ =	sdelay $0x1  }
0x8a: {  	s1 =	srdreg.scid  }
0x8b: {  	s0 =	sand.u32 $0x1, s1  }
0x8c: {  	s17 =	sshll.u32 s0, $0xA;
	s2 =	sadd.s32 s3, s2  }
0x8d: {  	s2 =	sadd.s32 s2, s17  }
0x8e: {  	[smem:$0x3FC0] =	sst s2  }
0x8f: {  	_ = 	snop  }
0x90: {  	s2 =	sld [smem:$0x3FC9]  }
0x91: {  	s18 =	sld [smem:$0x3FC8]  }
0x92: {  	s4 =	sld [smem:$0x3FC7]  }
0x93: {  	s5 =	sld [smem:$0x3FC6]  }
0x94: {  	s6 =	sld [smem:$0x3FC5]  }
0x95: {  	s7 =	sld [smem:$0x3FC4];
	(tm) =	ssettm $0x1  }
0x96: {  	s8 =	sld [smem:$0x3FFB];
	_ =	sdelay $0x3  }
0x97: {  	_ =	strace s8  }
0x98: {  	s8 =	sld [smem:$0x3FFC];
	_ =	sdelay $0x3  }
0x99: {  	_ =	strace s8  }
0x9a: {  	s8 =	sld [smem:$0x3FFD];
	_ =	sdelay $0x3  }
0x9b: {  	_ =	strace s8  }
0x9c: {  	_ =	strace $0x8FFFFFFF  }
0x9d: {  	s19 =	sld [smem:$0x3FDB];
	_ =	sdelay $0x1  }
0x9e: {  	s9 =	simm.s32 $_scs_section_size  }
0x9f: {  	s10 =	simm.s32 $_size__tile_overlayer_lowered;
	s11 =	simm.s32 $_tile_overlayer_lowered  }
0xa0: {  	s22 =	simm.s32 $0x1BFF;
	s21 =	sshll.u32 s11, $0x1;
	s8 =	sadd.s32 s9, s19  }
0xa1: {  	s12 =	simm.s32 $0x0;
	s20 =	sshll.u32 s10, $0x1;
	s10 =	sadd.s32 s21, s8  }
0xa2: {  	[timem:s12], [sflag:s22] =	dma.local [hbm:s10], s20  }
0xa3: {  	_ =	swait.ge [sflag:s22], s20  }
0xa4: {  	s9 =	ssub.s32 $0x0, s20;
	[sflag:s22] =	ssyncset.done $0x0  }
0xa5: {  	[sflag:s22] =	ssyncadd.s32 s9;
	_ =	sdelay $0x1  }
0xa6: {  	s23 =	simm.s32 $0x1B8B  }
0xa7: {  	_ =	swait.ge [sflag:s23], $0x1  }
0xa8: {  	[sflag:s23] =	ssyncset.done $0x0  }
0xa9: {  	s25 =	simm.s32 $0x1B8E;
	s24 =	sld [smem:$0x3FFE];
	[sflag:s23] =	ssyncadd.s32 $0xFFFFFFFF  }
0xaa: {  	s26 =	simm.s32 $execute0_lowered;
	[smem:$0x3FD2] =	sst s25  }
0xab: {  	s10 =	sshll.u32 s26, $0x1;
	_ =	strace $0x80000046;
	[dreg:$0x1] =	wrdreg $0xFFFFFFFF  }
0xac: {  	s28 =	simm.s32 $_size_execute0_lowered;
	s8 =	sadd.s32 s8, s10;
	[dreg:$0x0] =	wrdreg $0x0  }
0xad: {  	s10 =	sshll.u32 s28, $0x1;
	[dreg:$0x2] =	wrdreg s8  }
0xae: {  	[dreg:$0x3] =	wrdreg s10  }
0xaf: {  	[dreg:$0x4] =	wrdreg $0xC0  }
0xb0: {  	_ =	task [dreg:s12], $0x5FFFF  }
0xb1: {  	[dreg:$0x1] =	wrdreg $0xFFFFFFFF  }
0xb2: {  	[dreg:$0x0] =	wrdreg $0x60  }
0xb3: {  	[dreg:$0x2] =	wrdreg s2  }
0xb4: {  	[dreg:$0x3] =	wrdreg s18  }
0xb5: {  	[dreg:$0x4] =	wrdreg s4  }
0xb6: {  	[dreg:$0x5] =	wrdreg s5  }
0xb7: {  	[dreg:$0x6] =	wrdreg s6  }
0xb8: {  	[dreg:$0x7] =	wrdreg s7  }
0xb9: {  	[dreg:$0x8] =	wrdreg s24  }
0xba: {  	[dreg:$0x9] =	wrdreg $0x9  }
0xbb: {  	_ =	task.clear_ibuf [dreg:s12], $0xAFFFF;
	_ =	strace $0x90000046  }
0xbc: {  	s29 =	simm.s32 $0x9;
	_ =	strace $0x80000048  }
0xbd: {  	_ =	swait.ge [sflag:s29], $0x1  }
0xbe: {  	[sflag:s29] =	ssyncadd.s32 $0xFFFFFFFF  }
0xbf: {  	_ =	strace $0x90000048  }
0xc0: {  	_ =	sfence  }
0xc1: {  	s30 =	sld [smem:$0x0];
	_ =	sdelay $0x2  }
0xc2: {  	s31 =	sshll.u32 s1, $0xD;
	s1 =	sshrl.u32 s1, $0x2  }
0xc3: {  	s3 =	sand.u32 $0x4000, s31;
	s1 =	sadd.s32 s1, s30  }
0xc4: {  	s0 =	sor.u32 s3, s0;
	s1 =	sshll.u32 s1, $0x11  }
0xc5: {  	s0 =	sor.u32 s1, s0  }
0xc6: {  	s0 =	sadd.s32 $0x8F2B, s0  }
0xc7: {  	[sflag:s0] =	ssyncadd.remote.s32 $0x1  }
0xc8: {  	_ =	sfence.sel $0xFFFF  }
0xc9: {  	[dreg:$0x0] =	wrdreg $0xFFFFFFFF;
	(pc) =	sbr.abs _section_cstart, $3  }
0xca: {  	[dreg:$0x1] =	wrdreg $0xFFFFFFFF  }
0xcb: {  	_ =	task.clear_ibuf [dreg:s12], $0x2FFFF;
	_ =	strace $0x9FFFFFFF  }
0xcc: {  	(tm) =	ssettm $0x7FFFFFFF  }
0xcd: {  	_ =	shalt  }
tec
execute0_lowered:
.L_overlay_start_1:
0x0: {  	(tag) =	ssettag $0x1  }
0x1: {  	s0 =	rddreg [dreg:$0x0]  }
0x2: {  	s1 =	rddreg [dreg:$0x1]  }
0x3: {  	s2 =	rddreg [dreg:$0x2]  }
0x4: {  	s3 =	rddreg [dreg:$0x3]  }
0x5: {  	s4 =	rddreg [dreg:$0x4]  }
0x6: {  	s5 =	rddreg [dreg:$0x5]  }
0x7: {  	s9 =	rddreg [dreg:$0x6]  }
0x8: {  	s6 =	srdreg.scid;
	s7 =	stileid.u32  }
0x9: {  	s10 =	simm.s32 $0x0;
	s6 =	sand.u32 $0x1, s6;
	s7 =	sshll.u32 s7, $0x1  }
0xa: {  	[smem:$0x7FF] =	sst s10;
	s7 =	sor.u32 s6, s7  }
0xb: {  	s8 =	sadd.s32 $0x2000, s9;
	s22 =	sshll.u32 s7, $0x1;
	s7 =	sshll.u32 s7, $0x4  }
0xc: {  	_ =	strace $0x80000047;
	[dreg:$0x8] =	wrdreg s8;
	s0 =	sadd.s32 s0, s7  }
0xd: {  	s24 =	sadd.s32 s1, s7;
	[dreg:$0x9] =	wrdreg s0  }
0xe: {  	s25 =	sadd.s32 s2, s7;
	[dreg:$0xa] =	wrdreg s24  }
0xf: {  	s6 =	ssub.s32 $0x2, s6;
	s26 =	sadd.s32 s3, s7;
	[dreg:$0xb] =	wrdreg s25  }
0x10: {  	s23 =	sshrl.u32 s6, $0x1;
	s28 =	sadd.s32 s4, s7;
	[dreg:$0xc] =	wrdreg s26  }
0x11: {  	s8 =	sadd.s32 s22, s9;
	s29 =	sadd.s32 s5, s7;
	[dreg:$0xd] =	wrdreg s28  }
0x12: {  	s6 =	ssub.s32 s6, s23;
	[dreg:$0xe] =	wrdreg s29;
	s30 =	sadd.s32 $0x3DA000, s8  }
0x13: {  	s31 =	smax.u32 s6, $0x1;
	[dreg:$0xf] =	wrdreg s30  }
0x14: {  	vm0 =	vcmask $0x300;
	s1 =	simm.s32 $0x2;
	s2 =	simm.s32 $0x0;
	[dreg:$0x10] =	wrdreg s31  }
.LBB2_1:
0x15: {  	[dreg:$0x11] =	wrdreg s2  }
0x16: {  	s0 =	rddreg [dreg:$0x9]  }
0x17: {  	[tilespmem:s10], [sflag:$0x2] =	stream.linear.gather [hbm4b:s0+s10], $0x80, $0x38;
	[tilespmem:$0x18680] =	vst v63  }
0x18: {  	_ =	swait.ge [sflag:s1], $0x80  }
0x19: {  	[sflag:s1] =	ssyncset.done $0x0  }
0x1a: {  	s8 =	simm.s32 $0x80;
	s7 =	rddreg [dreg:$0xa];
	[sflag:s1] =	ssyncadd.s32 $0xFFFFFF80  }
0x1b: {  	[tilespmem:s8], [sflag:$0x2] =	stream.linear.gather [hbm4b:s7+s10], $0x80, $0x38;
	[tilespmem:$0x18680] =	vst v63  }
0x1c: {  	_ =	swait.ge [sflag:s1], $0x80  }
0x1d: {  	[sflag:s1] =	ssyncset.done $0x0  }
0x1e: {  	s3 =	simm.s32 $0x100;
	s9 =	rddreg [dreg:$0xb];
	[sflag:s1] =	ssyncadd.s32 $0xFFFFFF80  }
0x1f: {  	[tilespmem:s3], [sflag:$0x2] =	stream.linear.gather [hbm4b:s9+s10], $0x80, $0x38;
	[tilespmem:$0x18680] =	vst v63  }
0x20: {  	_ =	swait.ge [sflag:s1], $0x80  }
0x21: {  	[sflag:s1] =	ssyncset.done $0x0  }
0x22: {  	s12 =	simm.s32 $0x180;
	s11 =	rddreg [dreg:$0xc];
	[sflag:s1] =	ssyncadd.s32 $0xFFFFFF80  }
0x23: {  	[tilespmem:s12], [sflag:$0x2] =	stream.linear.gather [hbm4b:s11+s10], $0x80, $0x38;
	[tilespmem:$0x18680] =	vst v63  }
0x24: {  	_ =	swait.ge [sflag:s1], $0x80  }
0x25: {  	[sflag:s1] =	ssyncset.done $0x0  }
0x26: {  	s14 =	simm.s32 $0x200;
	s13 =	rddreg [dreg:$0xd];
	[sflag:s1] =	ssyncadd.s32 $0xFFFFFF80  }
0x27: {  	[tilespmem:s14], [sflag:$0x2] =	stream.linear.gather [hbm4b:s13+s10], $0x80, $0x38;
	[tilespmem:$0x18680] =	vst v63  }
0x28: {  	_ =	swait.ge [sflag:s1], $0x80  }
0x29: {  	[sflag:s1] =	ssyncset.done $0x0  }
0x2a: {  	s16 =	simm.s32 $0x280;
	s15 =	rddreg [dreg:$0xe];
	[sflag:s1] =	ssyncadd.s32 $0xFFFFFF80  }
0x2b: {  	[tilespmem:s16], [sflag:$0x2] =	stream.linear.gather [hbm4b:s15+s10], $0x80, $0x38;
	[tilespmem:$0x18680] =	vst v63  }
0x2c: {  	_ =	swait.ge [sflag:s1], $0x80  }
0x2d: {  	[sflag:s1] =	ssyncset.done $0x0  }
0x2e: {  	[sflag:s1] =	ssyncadd.s32 $0xFFFFFF80  }
0x2f: {  	v0 =	vld [tilespmem:$0x0]  }
0x30: {  	v1 =	vld [tilespmem:$0x10]  }
0x31: {  	v2 =	vld [tilespmem:$0x20]  }
0x32: {  	v3 =	vld [tilespmem:$0x30]  }
0x33: {  	v4 =	vld [tilespmem:$0x40]  }
0x34: {  	v6 =	vld [tilespmem:$0x50]  }
0x35: {  	v8 =	vld [tilespmem:$0x60]  }
0x36: {  	v9 =	vld [tilespmem:$0x70]  }
0x37: {  	v27 =	vld [tilespmem:$0x80]  }
0x38: {  	v11 =	vld [tilespmem:$0x90]  }
0x39: {  	v31 =	vld [tilespmem:$0xC0]  }
0x3a: {  	v37 =	vld [tilespmem:$0xE0];
	v5 =	vshrl.u32 v0, $0x2;
	v7 =	vshrl.u32 v1, $0x2;
	v0 =	vand.u32 $0x7FF, v0  }
0x3b: {  	v46 =	vld [tilespmem:$0x110];
	v1 =	vand.u32 $0x7FF, v1;
	v26 =	vshrl.u32 v2, $0x2;
	v2 =	vand.u32 $0x7FF, v2  }
0x3c: {  	v63 =	vld [tilespmem:$0x160];
	v10 =	vshrl.u32 v3, $0x2;
	v29 =	vshrl.u32 v4, $0x2;
	v3 =	vand.u32 $0x7FF, v3  }
0x3d: {  	v43 =	vld [tilespmem:$0x100];
	v4 =	vand.u32 $0x7FF, v4;
	v30 =	vshrl.u32 v6, $0x2;
	v33 =	vand.u32 $0x7FF, v6  }
0x3e: {  	v53 =	vld [tilespmem:$0x130];
	v34 =	vshrl.u32 v8, $0x2;
	v36 =	vshrl.u32 v9, $0x2;
	v38 =	vand.u32 $0x7FF, v8  }
0x3f: {  	v12 =	vld [tilespmem:$0xA0];
	v39 =	vand.u32 $0x7FF, v9;
	v42 =	vshrl.u32 v27, $0x2;
	v44 =	vand.u32 $0x7FF, v27  }
0x40: {  	v59 =	vshrl.u32 v31, $0x2;
	v16 =	vand.u32 $0x7FF, v31;
	v31 =	vshrl.u32 v46, $0x1  }
0x41: {  	v21 =	vshrl.u32 v37, $0x2;
	v24 =	vand.u32 $0x7FF, v37;
	v37 =	vshrl.u32 v63, $0x1;
	[tilespmem:$0x410] =	vst v31  }
0x42: {  	v13 =	vld [tilespmem:$0xB0];
	v45 =	vshrl.u32 v11, $0x2;
	v32 =	vand.u32 $0x3FFFF800, v30;
	v30 =	vshrl.u32 v43, $0x1;
	[tilespmem:$0x460] =	vst v37  }
0x43: {  	v40 =	vld [tilespmem:$0xF0];
	v5 =	vand.u32 $0x3FFFF800, v5;
	v35 =	vand.u32 $0x3FFFF800, v34;
	v34 =	vshrl.u32 v53, $0x1;
	[tilespmem:$0x400] =	vst v30  }
0x44: {  	v18 =	vld [tilespmem:$0x170];
	v49 =	vshrl.u32 v12, $0x2;
	v7 =	vand.u32 $0x3FFFF800, v7;
	v0 =	vor.u32 v0, v5;
	[tilespmem:$0x430] =	vst v34  }
0x45: {  	v14 =	vld [tilespmem:$0xD0];
	v51 =	vand.u32 $0x7FF, v11;
	v28 =	vand.u32 $0x3FFFF800, v10;
	v1 =	vor.u32 v1, v7;
	[tilespmem:$0x300] =	vst v0  }
0x46: {  	v52 =	vand.u32 $0x7FF, v12;
	v10 =	vand.u32 $0x3FFFF800, v29;
	v3 =	vor.u32 v3, v28;
	[tilespmem:$0x310] =	vst v1  }
0x47: {  	v55 =	vshrl.u32 v13, $0x2;
	v61 =	vand.u32 $0x3FFFF800, v59;
	v4 =	vor.u32 v4, v10;
	[tilespmem:$0x330] =	vst v3  }
0x48: {  	v50 =	vld [tilespmem:$0x120];
	v58 =	vand.u32 $0x7FF, v13;
	v25 =	vshrl.u32 v40, $0x2;
	v19 =	vor.u32 v16, v61;
	[tilespmem:$0x340] =	vst v4  }
0x49: {  	v60 =	vld [tilespmem:$0x150];
	v5 =	vand.u32 $0x3FFFF800, v26;
	v28 =	vand.u32 $0x7FF, v40;
	v40 =	vshrl.u32 v18, $0x1;
	[tilespmem:$0x3C0] =	vst v19  }
0x4a: {  	v22 =	vld [tilespmem:$0x180];
	v62 =	vshrl.u32 v14, $0x2;
	v17 =	vand.u32 $0x7FF, v14;
	v2 =	vor.u32 v2, v5;
	[tilespmem:$0x470] =	vst v40  }
0x4b: {  	v56 =	vld [tilespmem:$0x140];
	v48 =	vand.u32 $0x3FFFF800, v45;
	v57 =	vand.u32 $0x3FFFF800, v55;
	v0 =	vor.u32 v33, v32;
	[tilespmem:$0x320] =	vst v2  }
0x4c: {  	v46 =	vld [tilespmem:$0x1E0];
	v23 =	vand.u32 $0x3FFFF800, v21;
	v27 =	vand.u32 $0x3FFFF800, v25;
	v1 =	vor.u32 v38, v35;
	[tilespmem:$0x350] =	vst v0  }
0x4d: {  	v63 =	vld [tilespmem:$0x220];
	v5 =	vand.u32 $0x3FFFF800, v36;
	v3 =	vand.u32 $0x3FFFF800, v42;
	v29 =	vor.u32 v28, v27;
	[tilespmem:$0x360] =	vst v1  }
0x4e: {  	v55 =	vld [tilespmem:$0x200];
	v4 =	vand.u32 $0x3FFFF800, v49;
	v33 =	vshrl.u32 v50, $0x1;
	v36 =	vshrl.u32 v60, $0x1;
	[tilespmem:$0x3F0] =	vst v29  }
0x4f: {  	v59 =	vld [tilespmem:$0x210];
	v38 =	vshrl.u32 v22, $0x2;
	v42 =	vand.u32 $0x7FF, v22;
	v41 =	vor.u32 v39, v5;
	[tilespmem:$0x420] =	vst v33  }
0x50: {  	v31 =	vld [tilespmem:$0x270];
	v47 =	vor.u32 v44, v3;
	v1 =	vor.u32 v51, v48;
	v54 =	vor.u32 v52, v4;
	[tilespmem:$0x450] =	vst v36  }
0x51: {  	v26 =	vld [tilespmem:$0x190];
	v0 =	vor.u32 v58, v57;
	v3 =	vand.u32 $0x3FFFF800, v62;
	v4 =	vshrl.u32 v56, $0x1;
	[tilespmem:$0x370] =	vst v41  }
0x52: {  	v16 =	vld [tilespmem:$0x230];
	v9 =	vand.u32 $0x3FFFF800, v38;
	[tilespmem:$0x3B0] =	vst v0;
	v20 =	vor.u32 v17, v3;
	v0 =	vor.u32 v24, v23  }
0x53: {  	v32 =	vld [tilespmem:$0x1A0];
	[tilespmem:$0x380] =	vst v47;
	v62 =	vshrl.u32 v46, $0x2;
	v14 =	vand.u32 $0x7FF, v46;
	v25 =	vshrl.u32 v63, $0x2  }
0x54: {  	v35 =	vld [tilespmem:$0x1B0];
	v27 =	vand.u32 $0x7FF, v63;
	[tilespmem:$0x3E0] =	vst v0;
	v0 =	vor.u32 v42, v9;
	v12 =	vand.u32 $0x3FFFF800, v62  }
0x55: {  	v49 =	vld [tilespmem:$0x1F0];
	[tilespmem:$0x3D0] =	vst v20;
	v18 =	vshrl.u32 v55, $0x2;
	v20 =	vand.u32 $0x7FF, v55;
	v21 =	vshrl.u32 v59, $0x2  }
0x56: {  	v19 =	vld [tilespmem:$0x240];
	[tilespmem:$0x440] =	vst v4;
	v4 =	vand.u32 $0x3FFFF800, v25;
	v46 =	vshrl.u32 v31, $0x2;
	v41 =	vshrl.u32 v26, $0x2  }
0x57: {  	[tilespmem:$0x390] =	vst v1;
	v10 =	vand.u32 $0x7FF, v26;
	v1 =	vor.u32 v14, v12;
	v24 =	vand.u32 $0x3FFFF800, v21  }
0x58: {  	[tilespmem:$0x3A0] =	vst v54;
	v26 =	vand.u32 $0x7FF, v59;
	v29 =	vor.u32 v27, v4;
	v30 =	vshrl.u32 v16, $0x2  }
0x59: {  	v39 =	vld [tilespmem:$0x1C0];
	[tilespmem:$0x480] =	vst v0;
	v43 =	vand.u32 $0x3FFFF800, v41;
	v45 =	vshrl.u32 v32, $0x2;
	v5 =	vand.u32 $0x7FF, v32  }
0x5a: {  	v48 =	vshrl.u32 v35, $0x2;
	v53 =	vand.u32 $0x7FF, v35;
	v13 =	vshrl.u32 v49, $0x2;
	[tilespmem:$0x4E0] =	vst v1  }
0x5b: {  	v44 =	vld [tilespmem:$0x1D0];
	v15 =	vand.u32 $0x7FF, v49;
	v1 =	vor.u32 v26, v24;
	v34 =	vshrl.u32 v19, $0x2;
	[tilespmem:$0x520] =	vst v29  }
0x5c: {  	v37 =	vand.u32 $0x7FF, v19;
	v3 =	vor.u32 v10, v43;
	v47 =	vand.u32 $0x3FFFF800, v45;
	[tilespmem:$0x510] =	vst v1  }
0x5d: {  	v49 =	vand.u32 $0x7FF, v31;
	v51 =	vand.u32 $0x3FFFF800, v48;
	v50 =	vor.u32 v5, v47;
	[tilespmem:$0x490] =	vst v3  }
0x5e: {  	v52 =	vshrl.u32 v39, $0x2;
	v35 =	vand.u32 $0x3FFFF800, v34;
	v56 =	vor.u32 v53, v51;
	[tilespmem:$0x4A0] =	vst v50  }
0x5f: {  	v22 =	vld [tilespmem:$0x250];
	v54 =	vand.u32 $0x7FF, v39;
	v48 =	vand.u32 $0x3FFFF800, v46;
	v40 =	vor.u32 v37, v35;
	[tilespmem:$0x4B0] =	vst v56  }
0x60: {  	v28 =	vld [tilespmem:$0x260];
	v58 =	vshrl.u32 v44, $0x2;
	v5 =	vand.u32 $0x3FFFF800, v52;
	v51 =	vor.u32 v49, v48;
	[tilespmem:$0x540] =	vst v40  }
0x61: {  	v61 =	vand.u32 $0x7FF, v44;
	v60 =	vand.u32 $0x3FFFF800, v58;
	v57 =	vor.u32 v54, v5;
	[tilespmem:$0x570] =	vst v51  }
0x62: {  	v33 =	vand.u32 $0x7FF, v16;
	v3 =	vand.u32 $0x3FFFF800, v18;
	v0 =	vor.u32 v61, v60;
	[tilespmem:$0x4C0] =	vst v57  }
0x63: {  	v32 =	vand.u32 $0x3FFFF800, v30;
	v39 =	vld [tilespmem:$0x280];
	v5 =	vand.u32 $0x3FFFF800, v13;
	v23 =	vor.u32 v20, v3;
	[tilespmem:$0x4D0] =	vst v0  }
0x64: {  	v36 =	vshrl.u32 v22, $0x2;
	v38 =	vand.u32 $0x7FF, v22;
	v43 =	vld [tilespmem:$0x290];
	v17 =	vor.u32 v15, v5;
	[tilespmem:$0x500] =	vst v23  }
0x65: {  	v42 =	vshrl.u32 v28, $0x2;
	v47 =	vld [tilespmem:$0x2A0];
	v3 =	vand.u32 $0x3FFFF800, v36;
	v0 =	vor.u32 v33, v32;
	[tilespmem:$0x4F0] =	vst v17  }
0x66: {  	v44 =	vand.u32 $0x3FFFF800, v42;
	v45 =	vand.u32 $0x7FF, v28;
	v52 =	vld [tilespmem:$0x2C0];
	v41 =	vor.u32 v38, v3;
	[tilespmem:$0x530] =	vst v0  }
0x67: {  	v58 =	vld [tilespmem:$0x2F0];
	[tilespmem:$0x550] =	vst v41;
	v0 =	vor.u32 v45, v44  }
0x68: {  	v50 =	vld [tilespmem:$0x2B0];
	[tilespmem:$0x560] =	vst v0;
	v53 =	vshrl.u32 v39, $0x1  }
0x69: {  	v54 =	vld [tilespmem:$0x2D0];
	v55 =	vshrl.u32 v43, $0x1;
	[tilespmem:$0x580] =	vst v53  }
0x6a: {  	v56 =	vld [tilespmem:$0x2E0];
	[tilespmem:$0x590] =	vst v55;
	v57 =	vshrl.u32 v47, $0x1  }
0x6b: {  	v60 =	vshrl.u32 v52, $0x1;
	[tilespmem:$0x5A0] =	vst v57  }
0x6c: {  	v63 =	vshrl.u32 v58, $0x1;
	[tilespmem:$0x5C0] =	vst v60  }
0x6d: {  	v59 =	vshrl.u32 v50, $0x1;
	[tilespmem:$0x5F0] =	vst v63  }
0x6e: {  	v61 =	vshrl.u32 v54, $0x1;
	[tilespmem:$0x5B0] =	vst v59  }
0x6f: {  	v62 =	vshrl.u32 v56, $0x1;
	[tilespmem:$0x5D0] =	vst v61  }
0x70: {  	s18 =	simm.s32 $0x300;
	s19 =	simm.s32 $0x600;
	s17 =	rddreg [dreg:$0x8];
	[tilespmem:$0x5E0] =	vst v62  }
0x71: {  	[tilespmem:s19], [sflag:$0x1] =	stream.indirect.gather [hbm4b:s17+s8], $0x80, s18, s8, $0xb8;
	[tilespmem:$0x18680] =	vst v63  }
0x72: {  	s20 =	simm.s32 $0x380;
	s21 =	simm.s32 $0x4600  }
0x73: {  	[tilespmem:s21], [sflag:$0x1] =	stream.indirect.gather [hbm4b:s17+s8], $0x80, s20, s8, $0xb8;
	[tilespmem:$0x18680] =	vst v63  }
0x74: {  	s23 =	simm.s32 $0x400;
	s4 =	simm.s32 $0x8600;
	s22 =	rddreg [dreg:$0x6]  }
0x75: {  	[tilespmem:s4], [sflag:$0x1] =	stream.indirect.gather [hbm4b:s22+s8], $0x80, s23, s8, $0xb8;
	[tilespmem:$0x18680] =	vst v63  }
0x76: {  	s24 =	simm.s32 $0x480;
	s25 =	simm.s32 $0xC600  }
0x77: {  	[tilespmem:s25], [sflag:$0x1] =	stream.indirect.gather [hbm4b:s17+s8], $0x80, s24, s8, $0xb8;
	[tilespmem:$0x18680] =	vst v63  }
0x78: {  	s26 =	simm.s32 $0x500;
	s28 =	simm.s32 $0x10600  }
0x79: {  	[tilespmem:s28], [sflag:$0x1] =	stream.indirect.gather [hbm4b:s17+s8], $0x80, s26, s8, $0xb8;
	[tilespmem:$0x18680] =	vst v63  }
0x7a: {  	s29 =	simm.s32 $0x580;
	s30 =	simm.s32 $0x14600;
	s31 =	simm.s32 $0x1  }
0x7b: {  	[tilespmem:s30], [sflag:$0x1] =	stream.indirect.gather [hbm4b:s22+s8], $0x80, s29, s8, $0xb8;
	[tilespmem:$0x18680] =	vst v63  }
0x7c: {  	_ =	swait.ge [sflag:s31], $0x4000  }
0x7d: {  	[sflag:s31] =	ssyncset.done $0x0  }
0x7e: {  	[sflag:s31] =	ssyncadd.s32 $0xFFFFC000  }
0x7f: {  	_ =	swait.ge [sflag:s31], $0x4000  }
0x80: {  	[sflag:s31] =	ssyncset.done $0x0  }
0x81: {  	[sflag:s31] =	ssyncadd.s32 $0xFFFFC000  }
0x82: {  	_ =	swait.ge [sflag:s31], $0x4000  }
0x83: {  	[sflag:s31] =	ssyncset.done $0x0  }
0x84: {  	[sflag:s31] =	ssyncadd.s32 $0xFFFFC000  }
0x85: {  	_ =	swait.ge [sflag:s31], $0x4000  }
0x86: {  	[sflag:s31] =	ssyncset.done $0x0  }
0x87: {  	[sflag:s31] =	ssyncadd.s32 $0xFFFFC000  }
0x88: {  	_ =	swait.ge [sflag:s31], $0x4000  }
0x89: {  	[sflag:s31] =	ssyncset.done $0x0  }
0x8a: {  	[sflag:s31] =	ssyncadd.s32 $0xFFFFC000  }
0x8b: {  	_ =	swait.ge [sflag:s31], $0x4000  }
0x8c: {  	[sflag:s31] =	ssyncset.done $0x0  }
0x8d: {  	s16 =	simm.s32 $0x0;
	s26 =	simm.f32 $0.0e+00;
	[sflag:s31] =	ssyncadd.s32 $0xFFFFC000  }
.LBB2_2:
0x8e: {  	s0 =	sshll.u32 s16, $0x4  }
0x8f: {  	v0 =	vld [tilespmem:s0+$0x0];
	_ =	sdelay $0x1  }
0x90: {  	v1 =	vld [tilespmem:s0+$0x80];
	_ =	sdelay $0x1  }
0x91: {  	v2 =	vld [tilespmem:s0+$0x100]  }
0x92: {  	v0 =	vshrl.u32 v0, $0x6  }
0x93: {  	v3 =	vld [tilespmem:s0+$0x180];
	v0 =	vand.u32 $0x60, v0  }
0x94: {  	v1 =	vshrl.u32 v1, $0x6;
	(v2sf) =	vpush v0, $0x0  }
0x95: {  	v4 =	vld [tilespmem:s0+$0x200];
	v1 =	vand.u32 $0x60, v1  }
0x96: {  	v2 =	vshll.u32 v2, $0x6;
	(v2sf) =	vpush v1, $0x0  }
0x97: {  	v2 =	vand.u32 $0x40, v2  }
0x98: {  	v5 =	vld [tilespmem:s0+$0x280];
	v3 =	vshrl.u32 v3, $0x6;
	(v2sf) =	vpush v2, $0x0  }
0x99: {  	v3 =	vand.u32 $0x60, v3  }
0x9a: {  	v4 =	vshrl.u32 v4, $0x6;
	(v2sf) =	vpush v3, $0x0  }
0x9b: {  	v4 =	vand.u32 $0x60, v4  }
0x9c: {  	(v2sf) =	vpush v4, $0x0  }
0x9d: {  	v5 =	vshll.u32 v5, $0x6  }
0x9e: {  	v5 =	vand.u32 $0x40, v5  }
0x9f: {  	(v2sf) =	vpush v5, $0x0;
	_ =	sdelay $0x2  }
0xa0: {  	s18 =	sshll.u32 s16, $0xB  }
0xa1: {  	s25 =	sor.u32 $0x600, s18;
	s17 =	spop (v2sf)  }
0xa2: {  	s0 =	sor.u32 s17, s25  }
0xa3: {  	s1 =	spop (v2sf);
	v6 =	vld [tilespmem:s0+$0x0]  }
0xa4: {  	s1 =	sor.u32 s1, s18;
	v32 =	vld [tilespmem:s0+$0x10]  }
0xa5: {  	s2 =	spop (v2sf);
	v7 =	vld [tilespmem:s1+$0x4600]  }
0xa6: {  	s2 =	sor.u32 s2, s18;
	v33 =	vld [tilespmem:s1+$0x4610]  }
0xa7: {  	s3 =	spop (v2sf);
	v8 =	vld [tilespmem:s2+$0x8600]  }
0xa8: {  	v9 =	vld [tilespmem:s2+$0x8620];
	s3 =	sor.u32 s3, s18  }
0xa9: {  	s4 =	spop (v2sf);
	v10 =	vld [tilespmem:s3+$0xC600]  }
0xaa: {  	s4 =	sor.u32 s4, s18;
	v17 =	vld [tilespmem:s3+$0xC610]  }
0xab: {  	v11 =	vld [tilespmem:s4+$0x10600];
	s19 =	sadd.s32 $0x10600, s4;
	v13 =	vshll.u32 v6, $0x10;
	v6 =	vand.u32 $0xFFFF0000, v6;
	v38 =	vshll.u32 v32, $0x10  }
0xac: {  	s5 =	spop (v2sf);
	v36 =	vld [tilespmem:s19+$0x10];
	v42 =	vand.u32 $0xFFFF0000, v32;
	v14 =	vshll.u32 v7, $0x10;
	v7 =	vand.u32 $0xFFFF0000, v7  }
0xad: {  	s5 =	sor.u32 s5, s18;
	v39 =	vshll.u32 v33, $0x10;
	v13 =	vsub.f32 v13, v14;
	v6 =	vsub.f32 v6, v7  }
0xae: {  	s6 =	sadd.s32 $0x14600, s5;
	v12 =	vld [tilespmem:s5+$0x14600];
	v7 =	vand.u32 $0xFFFF0000, v33;
	v34 =	vshll.u32 v10, $0x10;
	v10 =	vand.u32 $0xFFFF0000, v10  }
0xaf: {  	v15 =	vld [tilespmem:s6+$0x20];
	v43 =	vshll.u32 v17, $0x10;
	v7 =	vsub.f32 v42, v7;
	v8 =	vadd.f32 v13, v8  }
0xb0: {  	v37 =	vld [tilespmem:s2+$0x8610];
	v16 =	vshll.u32 v11, $0x10;
	v6 =	vadd.f32 v6, v9;
	v11 =	vand.u32 $0xFFFF0000, v11  }
0xb1: {  	v40 =	vld [tilespmem:s6+$0x10];
	v35 =	vsub.f32 v34, v16;
	v10 =	vsub.f32 v10, v11;
	v18 =	vshll.u32 v36, $0x10  }
0xb2: {  	v41 =	vld [tilespmem:s2+$0x8630];
	v8 =	vand.u32 $0x7FFFFFFF, v8;
	v6 =	vand.u32 $0x7FFFFFFF, v6;
	v14 =	vsub.f32 v43, v18  }
0xb3: {  	v19 =	vld [tilespmem:s6+$0x30];
	v44 =	vand.u32 $0xFFFF0000, v17;
	v6 =	vadd.f32 v6, v8;
	v8 =	vsub.f32 v38, v39  }
0xb4: {  	v13 =	vand.u32 $0xFFFF0000, v36;
	v9 =	vadd.f32 v35, v12;
	v10 =	vadd.f32 v10, v15  }
0xb5: {  	v11 =	vsub.f32 v44, v13;
	v8 =	vadd.f32 v8, v37  }
0xb6: {  	v12 =	vadd.f32 v14, v40;
	v9 =	vand.u32 $0x7FFFFFFF, v9;
	v10 =	vand.u32 $0x7FFFFFFF, v10  }
0xb7: {  	v7 =	vadd.f32 v7, v41;
	v9 =	vadd.f32 v10, v9;
	v8 =	vand.u32 $0x7FFFFFFF, v8  }
0xb8: {  	v46 =	vadd.f32 v11, v19;
	v45 =	vand.u32 $0x7FFFFFFF, v12;
	v6 =	vadd.f32 v8, v6  }
0xb9: {  	v7 =	vand.u32 $0x7FFFFFFF, v7;
	v8 =	vadd.f32 v45, v9  }
0xba: {  	v47 =	vand.u32 $0x7FFFFFFF, v46;
	v6 =	vadd.f32 v6, v7  }
0xbb: {  	v7 =	vadd.f32 v8, v47  }
0xbc: {  	(xrf2) =	vadd.scan.msk.f32 $0xffff, v6  }
0xbd: {  	(xrf2) =	vadd.scan.msk.f32 $0xffff, v7;
	_ =	sdelay $0x8  }
0xbe: {  	v6, _, _ =	vpop (xrf2)  }
0xbf: {  	(v2sf) =	vpush v6, $0xF;
	v48, _, _ =	vpop (xrf2)  }
0xc0: {  	(v2sf) =	vpush v48, $0xF  }
0xc1: {  	(v2sf) =	vpush v0, $0x1;
	_ =	sdelay $0x1  }
0xc2: {  	(v2sf) =	vpush v1, $0x1;
	_ =	sdelay $0x1  }
0xc3: {  	(v2sf) =	vpush v2, $0x1;
	_ =	sdelay $0x1  }
0xc4: {  	(v2sf) =	vpush v3, $0x1;
	_ =	sdelay $0x1  }
0xc5: {  	(v2sf) =	vpush v4, $0x1;
	_ =	sdelay $0x2  }
0xc6: {  	(v2sf) =	vpush v5, $0x1;
	_ =	sdelay $0x1  }
0xc7: {  	s23 =	spop (v2sf)  }
0xc8: {  	s24 =	spop (v2sf)  }
0xc9: {  	s21 =	sor.u32 $0x80, s18;
	s20 =	spop (v2sf)  }
0xca: {  	s0 =	sor.u32 s20, s21  }
0xcb: {  	s22 =	spop (v2sf);
	v49 =	vld [tilespmem:s0+$0x600]  }
0xcc: {  	s2 =	sor.u32 s22, s21;
	v59 =	vld [tilespmem:s0+$0x610]  }
0xcd: {  	s28 =	spop (v2sf);
	v50 =	vld [tilespmem:s2+$0x4600]  }
0xce: {  	s3 =	sor.u32 s28, s21;
	v60 =	vld [tilespmem:s2+$0x4610]  }
0xcf: {  	s29 =	spop (v2sf);
	v51 =	vld [tilespmem:s3+$0x8600]  }
0xd0: {  	v52 =	vld [tilespmem:s3+$0x8620];
	s4 =	sor.u32 s29, s21  }
0xd1: {  	s30 =	spop (v2sf);
	v53 =	vld [tilespmem:s4+$0xC600]  }
0xd2: {  	s5 =	sor.u32 s30, s21;
	v63 =	vld [tilespmem:s4+$0xC610]  }
0xd3: {  	v54 =	vld [tilespmem:s5+$0x10600];
	s5 =	sadd.s32 $0x10600, s5;
	v56 =	vshll.u32 v49, $0x10;
	v6 =	vand.u32 $0xFFFF0000, v49;
	v24 =	vshll.u32 v59, $0x10  }
0xd4: {  	s31 =	spop (v2sf);
	v22 =	vld [tilespmem:s5+$0x10];
	v28 =	vand.u32 $0xFFFF0000, v59;
	v57 =	vshll.u32 v50, $0x10;
	v7 =	vand.u32 $0xFFFF0000, v50  }
0xd5: {  	s1 =	sor.u32 s31, s21;
	v25 =	vshll.u32 v60, $0x10;
	v13 =	vsub.f32 v56, v57;
	v6 =	vsub.f32 v6, v7  }
0xd6: {  	s6 =	sadd.s32 $0x14600, s1;
	v55 =	vld [tilespmem:s1+$0x14600];
	v7 =	vand.u32 $0xFFFF0000, v60;
	v61 =	vshll.u32 v53, $0x10;
	v10 =	vand.u32 $0xFFFF0000, v53  }
0xd7: {  	v58 =	vld [tilespmem:s6+$0x20];
	v29 =	vshll.u32 v63, $0x10;
	v7 =	vsub.f32 v28, v7;
	v8 =	vadd.f32 v13, v51  }
0xd8: {  	v23 =	vld [tilespmem:s3+$0x8610];
	v62 =	vshll.u32 v54, $0x10;
	v6 =	vadd.f32 v6, v52;
	v11 =	vand.u32 $0xFFFF0000, v54  }
0xd9: {  	v26 =	vld [tilespmem:s6+$0x10];
	v21 =	vsub.f32 v61, v62;
	v10 =	vsub.f32 v10, v11;
	v30 =	vshll.u32 v22, $0x10  }
0xda: {  	v27 =	vld [tilespmem:s3+$0x8630];
	v8 =	vand.u32 $0x7FFFFFFF, v8;
	v6 =	vand.u32 $0x7FFFFFFF, v6;
	v14 =	vsub.f32 v29, v30  }
0xdb: {  	v31 =	vld [tilespmem:s6+$0x30];
	v32 =	vand.u32 $0xFFFF0000, v63;
	v6 =	vadd.f32 v6, v8;
	v8 =	vsub.f32 v24, v25  }
0xdc: {  	v13 =	vand.u32 $0xFFFF0000, v22;
	v9 =	vadd.f32 v21, v55;
	v10 =	vadd.f32 v10, v58  }
0xdd: {  	v11 =	vsub.f32 v32, v13;
	v8 =	vadd.f32 v8, v23  }
0xde: {  	v12 =	vadd.f32 v14, v26;
	v9 =	vand.u32 $0x7FFFFFFF, v9;
	v10 =	vand.u32 $0x7FFFFFFF, v10  }
0xdf: {  	v7 =	vadd.f32 v7, v27;
	v9 =	vadd.f32 v10, v9;
	v8 =	vand.u32 $0x7FFFFFFF, v8  }
0xe0: {  	v34 =	vadd.f32 v11, v31;
	v33 =	vand.u32 $0x7FFFFFFF, v12;
	v6 =	vadd.f32 v8, v6  }
0xe1: {  	v7 =	vand.u32 $0x7FFFFFFF, v7;
	v8 =	vadd.f32 v33, v9  }
0xe2: {  	v35 =	vand.u32 $0x7FFFFFFF, v34;
	v6 =	vadd.f32 v6, v7  }
0xe3: {  	v7 =	vadd.f32 v8, v35  }
0xe4: {  	(xrf2) =	vadd.scan.msk.f32 $0xffff, v6  }
0xe5: {  	(xrf2) =	vadd.scan.msk.f32 $0xffff, v7;
	_ =	sdelay $0x8  }
0xe6: {  	v6, _, _ =	vpop (xrf2)  }
0xe7: {  	(v2sf) =	vpush v6, $0xF;
	v36, _, _ =	vpop (xrf2)  }
0xe8: {  	(v2sf) =	vpush v36, $0xF  }
0xe9: {  	(v2sf) =	vpush v0, $0x2;
	_ =	sdelay $0x6  }
0xea: {  	(v2sf) =	vpush v1, $0x2;
	_ =	sdelay $0x5  }
0xeb: {  	s6 =	spop (v2sf);
	(v2sf) =	vpush v2, $0x2  }
0xec: {  	s7 =	spop (v2sf);
	(v2sf) =	vpush v3, $0x2  }
0xed: {  	s8 =	spop (v2sf);
	(v2sf) =	vpush v4, $0x2;
	_ =	sdelay $0x6  }
0xee: {  	s9 =	spop (v2sf);
	(v2sf) =	vpush v5, $0x2;
	_ =	sdelay $0x3  }
0xef: {  	s10 =	sor.u32 $0x100, s18  }
0xf0: {  	s0 =	sor.u32 s8, s10  }
0xf1: {  	v37 =	vld [tilespmem:s0+$0x600];
	s1 =	sor.u32 s9, s10;
	s11 =	spop (v2sf)  }
0xf2: {  	[dreg:$0x12] =	wrdreg s6;
	v38 =	vld [tilespmem:s1+$0x4600];
	s3 =	sor.u32 s11, s10;
	s12 =	spop (v2sf)  }
0xf3: {  	[dreg:$0x13] =	wrdreg s7;
	v39 =	vld [tilespmem:s3+$0x8600];
	s13 =	spop (v2sf)  }
0xf4: {  	s4 =	sor.u32 s12, s10;
	v40 =	vld [tilespmem:s3+$0x8620]  }
0xf5: {  	v41 =	vld [tilespmem:s4+$0xC600]  }
0xf6: {  	v47 =	vld [tilespmem:s0+$0x610]  }
0xf7: {  	v44 =	vshll.u32 v37, $0x10;
	v48 =	vld [tilespmem:s1+$0x4610]  }
0xf8: {  	v6 =	vand.u32 $0xFFFF0000, v37;
	v45 =	vshll.u32 v38, $0x10;
	v7 =	vand.u32 $0xFFFF0000, v38;
	s5 =	sor.u32 s13, s10;
	v51 =	vld [tilespmem:s4+$0xC610]  }
0xf9: {  	v13 =	vsub.f32 v44, v45;
	v6 =	vsub.f32 v6, v7;
	v42 =	vld [tilespmem:s5+$0x10600]  }
0xfa: {  	s14 =	spop (v2sf);
	s15 =	sadd.s32 $0x10600, s5  }
0xfb: {  	s2 =	sor.u32 s14, s10;
	v53 =	vld [tilespmem:s15+$0x10];
	v8 =	vadd.f32 v13, v39;
	v49 =	vshll.u32 v41, $0x10;
	v6 =	vadd.f32 v6, v40  }
0xfc: {  	s6 =	sadd.s32 $0x14600, s2;
	v43 =	vld [tilespmem:s2+$0x14600];
	v10 =	vand.u32 $0xFFFF0000, v41;
	v55 =	vshll.u32 v47, $0x10;
	v56 =	vshll.u32 v48, $0x10  }
0xfd: {  	v46 =	vld [tilespmem:s6+$0x20];
	v59 =	vand.u32 $0xFFFF0000, v47;
	v60 =	vshll.u32 v51, $0x10;
	v7 =	vand.u32 $0xFFFF0000, v48  }
0xfe: {  	v54 =	vld [tilespmem:s3+$0x8610];
	v50 =	vshll.u32 v42, $0x10;
	v8 =	vand.u32 $0x7FFFFFFF, v8;
	v11 =	vand.u32 $0xFFFF0000, v42  }
0xff: {  	v57 =	vld [tilespmem:s6+$0x10];
	v7 =	vsub.f32 v59, v7;
	v52 =	vsub.f32 v49, v50;
	v6 =	vand.u32 $0x7FFFFFFF, v6  }
0x100: {  	v58 =	vld [tilespmem:s3+$0x8630];
	v10 =	vsub.f32 v10, v11;
	v61 =	vshll.u32 v53, $0x10;
	v6 =	vadd.f32 v6, v8  }
0x101: {  	v62 =	vld [tilespmem:s6+$0x30];
	v63 =	vand.u32 $0xFFFF0000, v51;
	v8 =	vsub.f32 v55, v56;
	v14 =	vsub.f32 v60, v61  }
0x102: {  	v13 =	vand.u32 $0xFFFF0000, v53;
	v9 =	vadd.f32 v52, v43;
	v10 =	vadd.f32 v10, v46  }
0x103: {  	v11 =	vsub.f32 v63, v13;
	v8 =	vadd.f32 v8, v54  }
0x104: {  	v12 =	vadd.f32 v14, v57;
	v9 =	vand.u32 $0x7FFFFFFF, v9;
	v10 =	vand.u32 $0x7FFFFFFF, v10  }
0x105: {  	v7 =	vadd.f32 v7, v58;
	v9 =	vadd.f32 v10, v9;
	v8 =	vand.u32 $0x7FFFFFFF, v8  }
0x106: {  	v15 =	vadd.f32 v11, v62;
	v14 =	vand.u32 $0x7FFFFFFF, v12;
	v6 =	vadd.f32 v8, v6  }
0x107: {  	v7 =	vand.u32 $0x7FFFFFFF, v7;
	v8 =	vadd.f32 v14, v9  }
0x108: {  	v16 =	vand.u32 $0x7FFFFFFF, v15;
	v6 =	vadd.f32 v6, v7  }
0x109: {  	v7 =	vadd.f32 v8, v16  }
0x10a: {  	(xrf2) =	vadd.scan.msk.f32 $0xffff, v6  }
0x10b: {  	(xrf2) =	vadd.scan.msk.f32 $0xffff, v7;
	_ =	sdelay $0x8  }
0x10c: {  	v6, _, _ =	vpop (xrf2)  }
0x10d: {  	(v2sf) =	vpush v6, $0xF;
	v17, _, _ =	vpop (xrf2)  }
0x10e: {  	(v2sf) =	vpush v17, $0xF  }
0x10f: {  	(v2sf) =	vpush v0, $0x3;
	_ =	sdelay $0x1  }
0x110: {  	(v2sf) =	vpush v1, $0x3;
	_ =	sdelay $0x1  }
0x111: {  	(v2sf) =	vpush v2, $0x3;
	_ =	sdelay $0x1  }
0x112: {  	(v2sf) =	vpush v3, $0x3;
	_ =	sdelay $0x1  }
0x113: {  	(v2sf) =	vpush v4, $0x3;
	_ =	sdelay $0x2  }
0x114: {  	(v2sf) =	vpush v5, $0x3;
	_ =	sdelay $0x1  }
0x115: {  	s17 =	spop (v2sf)  }
0x116: {  	s19 =	spop (v2sf)  }
0x117: {  	s21 =	sor.u32 $0x180, s18;
	s20 =	spop (v2sf)  }
0x118: {  	s0 =	sor.u32 s20, s21  }
0x119: {  	s22 =	spop (v2sf);
	v18 =	vld [tilespmem:s0+$0x600]  }
0x11a: {  	s2 =	sor.u32 s22, s21;
	v28 =	vld [tilespmem:s0+$0x610]  }
0x11b: {  	s28 =	spop (v2sf);
	v19 =	vld [tilespmem:s2+$0x4600]  }
0x11c: {  	s3 =	sor.u32 s28, s21;
	v29 =	vld [tilespmem:s2+$0x4610]  }
0x11d: {  	s29 =	spop (v2sf);
	v20 =	vld [tilespmem:s3+$0x8600]  }
0x11e: {  	v21 =	vld [tilespmem:s3+$0x8620];
	s4 =	sor.u32 s29, s21  }
0x11f: {  	s30 =	spop (v2sf);
	v22 =	vld [tilespmem:s4+$0xC600]  }
0x120: {  	s5 =	sor.u32 s30, s21;
	v32 =	vld [tilespmem:s4+$0xC610]  }
0x121: {  	v23 =	vld [tilespmem:s5+$0x10600];
	s5 =	sadd.s32 $0x10600, s5;
	v25 =	vshll.u32 v18, $0x10;
	v6 =	vand.u32 $0xFFFF0000, v18;
	v36 =	vshll.u32 v28, $0x10  }
0x122: {  	s31 =	spop (v2sf);
	v34 =	vld [tilespmem:s5+$0x10];
	v40 =	vand.u32 $0xFFFF0000, v28;
	v26 =	vshll.u32 v19, $0x10;
	v7 =	vand.u32 $0xFFFF0000, v19  }
0x123: {  	s1 =	sor.u32 s31, s21;
	v37 =	vshll.u32 v29, $0x10;
	v13 =	vsub.f32 v25, v26;
	v6 =	vsub.f32 v6, v7  }
0x124: {  	s6 =	sadd.s32 $0x14600, s1;
	v24 =	vld [tilespmem:s1+$0x14600];
	v7 =	vand.u32 $0xFFFF0000, v29;
	v30 =	vshll.u32 v22, $0x10;
	v10 =	vand.u32 $0xFFFF0000, v22  }
0x125: {  	v27 =	vld [tilespmem:s6+$0x20];
	v41 =	vshll.u32 v32, $0x10;
	v7 =	vsub.f32 v40, v7;
	v8 =	vadd.f32 v13, v20  }
0x126: {  	v35 =	vld [tilespmem:s3+$0x8610];
	v31 =	vshll.u32 v23, $0x10;
	v6 =	vadd.f32 v6, v21;
	v11 =	vand.u32 $0xFFFF0000, v23  }
0x127: {  	v38 =	vld [tilespmem:s6+$0x10];
	v33 =	vsub.f32 v30, v31;
	v10 =	vsub.f32 v10, v11;
	v42 =	vshll.u32 v34, $0x10  }
0x128: {  	v39 =	vld [tilespmem:s3+$0x8630];
	v8 =	vand.u32 $0x7FFFFFFF, v8;
	v6 =	vand.u32 $0x7FFFFFFF, v6;
	v14 =	vsub.f32 v41, v42  }
0x129: {  	v43 =	vld [tilespmem:s6+$0x30];
	v44 =	vand.u32 $0xFFFF0000, v32;
	v6 =	vadd.f32 v6, v8;
	v8 =	vsub.f32 v36, v37  }
0x12a: {  	v13 =	vand.u32 $0xFFFF0000, v34;
	v9 =	vadd.f32 v33, v24;
	v10 =	vadd.f32 v10, v27  }
0x12b: {  	v11 =	vsub.f32 v44, v13;
	v8 =	vadd.f32 v8, v35  }
0x12c: {  	v12 =	vadd.f32 v14, v38;
	v9 =	vand.u32 $0x7FFFFFFF, v9;
	v10 =	vand.u32 $0x7FFFFFFF, v10  }
0x12d: {  	v7 =	vadd.f32 v7, v39;
	v9 =	vadd.f32 v10, v9;
	v8 =	vand.u32 $0x7FFFFFFF, v8  }
0x12e: {  	v46 =	vadd.f32 v11, v43;
	v45 =	vand.u32 $0x7FFFFFFF, v12;
	v6 =	vadd.f32 v8, v6  }
0x12f: {  	v7 =	vand.u32 $0x7FFFFFFF, v7;
	v8 =	vadd.f32 v45, v9  }
0x130: {  	v47 =	vand.u32 $0x7FFFFFFF, v46;
	v6 =	vadd.f32 v6, v7  }
0x131: {  	v7 =	vadd.f32 v8, v47  }
0x132: {  	(xrf2) =	vadd.scan.msk.f32 $0xffff, v6  }
0x133: {  	(xrf2) =	vadd.scan.msk.f32 $0xffff, v7;
	_ =	sdelay $0x8  }
0x134: {  	v6, _, _ =	vpop (xrf2)  }
0x135: {  	(v2sf) =	vpush v6, $0xF;
	v48, _, _ =	vpop (xrf2)  }
0x136: {  	(v2sf) =	vpush v48, $0xF  }
0x137: {  	(v2sf) =	vpush v0, $0x4;
	_ =	sdelay $0x1  }
0x138: {  	(v2sf) =	vpush v1, $0x4;
	_ =	sdelay $0x1  }
0x139: {  	(v2sf) =	vpush v2, $0x4;
	_ =	sdelay $0x1  }
0x13a: {  	(v2sf) =	vpush v3, $0x4;
	_ =	sdelay $0x1  }
0x13b: {  	(v2sf) =	vpush v4, $0x4;
	_ =	sdelay $0x2  }
0x13c: {  	(v2sf) =	vpush v5, $0x4;
	_ =	sdelay $0x1  }
0x13d: {  	s6 =	spop (v2sf)  }
0x13e: {  	s7 =	spop (v2sf)  }
0x13f: {  	s9 =	sor.u32 $0x200, s18;
	s8 =	spop (v2sf)  }
0x140: {  	s0 =	sor.u32 s8, s9  }
0x141: {  	s10 =	spop (v2sf);
	v49 =	vld [tilespmem:s0+$0x600]  }
0x142: {  	s2 =	sor.u32 s10, s9;
	v59 =	vld [tilespmem:s0+$0x610]  }
0x143: {  	s11 =	spop (v2sf);
	v50 =	vld [tilespmem:s2+$0x4600]  }
0x144: {  	s3 =	sor.u32 s11, s9;
	v60 =	vld [tilespmem:s2+$0x4610]  }
0x145: {  	s12 =	spop (v2sf);
	v51 =	vld [tilespmem:s3+$0x8600]  }
0x146: {  	v52 =	vld [tilespmem:s3+$0x8620];
	s4 =	sor.u32 s12, s9  }
0x147: {  	s13 =	spop (v2sf);
	v53 =	vld [tilespmem:s4+$0xC600]  }
0x148: {  	s5 =	sor.u32 s13, s9;
	v63 =	vld [tilespmem:s4+$0xC610]  }
0x149: {  	v54 =	vld [tilespmem:s5+$0x10600];
	s15 =	sadd.s32 $0x10600, s5;
	v56 =	vshll.u32 v49, $0x10;
	v6 =	vand.u32 $0xFFFF0000, v49;
	v24 =	vshll.u32 v59, $0x10  }
0x14a: {  	s14 =	spop (v2sf);
	v22 =	vld [tilespmem:s15+$0x10];
	v28 =	vand.u32 $0xFFFF0000, v59;
	v57 =	vshll.u32 v50, $0x10;
	v7 =	vand.u32 $0xFFFF0000, v50  }
0x14b: {  	s1 =	sor.u32 s14, s9;
	v25 =	vshll.u32 v60, $0x10;
	v13 =	vsub.f32 v56, v57;
	v6 =	vsub.f32 v6, v7  }
0x14c: {  	[dreg:$0x16] =	wrdreg s6;
	s6 =	sadd.s32 $0x14600, s1;
	v55 =	vld [tilespmem:s1+$0x14600];
	v7 =	vand.u32 $0xFFFF0000, v60;
	v61 =	vshll.u32 v53, $0x10;
	v10 =	vand.u32 $0xFFFF0000, v53  }
0x14d: {  	v58 =	vld [tilespmem:s6+$0x20];
	v29 =	vshll.u32 v63, $0x10;
	v7 =	vsub.f32 v28, v7;
	v8 =	vadd.f32 v13, v51  }
0x14e: {  	v23 =	vld [tilespmem:s3+$0x8610];
	v62 =	vshll.u32 v54, $0x10;
	v6 =	vadd.f32 v6, v52;
	v11 =	vand.u32 $0xFFFF0000, v54  }
0x14f: {  	v26 =	vld [tilespmem:s6+$0x10];
	v21 =	vsub.f32 v61, v62;
	v10 =	vsub.f32 v10, v11;
	v30 =	vshll.u32 v22, $0x10  }
0x150: {  	v27 =	vld [tilespmem:s3+$0x8630];
	v8 =	vand.u32 $0x7FFFFFFF, v8;
	v6 =	vand.u32 $0x7FFFFFFF, v6;
	v14 =	vsub.f32 v29, v30  }
0x151: {  	v31 =	vld [tilespmem:s6+$0x30];
	v32 =	vand.u32 $0xFFFF0000, v63;
	v6 =	vadd.f32 v6, v8;
	v8 =	vsub.f32 v24, v25  }
0x152: {  	v13 =	vand.u32 $0xFFFF0000, v22;
	v9 =	vadd.f32 v21, v55;
	v10 =	vadd.f32 v10, v58  }
0x153: {  	v11 =	vsub.f32 v32, v13;
	v8 =	vadd.f32 v8, v23  }
0x154: {  	v12 =	vadd.f32 v14, v26;
	v9 =	vand.u32 $0x7FFFFFFF, v9;
	v10 =	vand.u32 $0x7FFFFFFF, v10  }
0x155: {  	v7 =	vadd.f32 v7, v27;
	v9 =	vadd.f32 v10, v9;
	v8 =	vand.u32 $0x7FFFFFFF, v8  }
0x156: {  	v34 =	vadd.f32 v11, v31;
	v33 =	vand.u32 $0x7FFFFFFF, v12;
	v6 =	vadd.f32 v8, v6  }
0x157: {  	v7 =	vand.u32 $0x7FFFFFFF, v7;
	v8 =	vadd.f32 v33, v9  }
0x158: {  	v35 =	vand.u32 $0x7FFFFFFF, v34;
	v6 =	vadd.f32 v6, v7  }
0x159: {  	v7 =	vadd.f32 v8, v35  }
0x15a: {  	(xrf2) =	vadd.scan.msk.f32 $0xffff, v6  }
0x15b: {  	(xrf2) =	vadd.scan.msk.f32 $0xffff, v7;
	_ =	sdelay $0x8  }
0x15c: {  	v6, _, _ =	vpop (xrf2)  }
0x15d: {  	(v2sf) =	vpush v6, $0xF;
	v36, _, _ =	vpop (xrf2)  }
0x15e: {  	(v2sf) =	vpush v36, $0xF  }
0x15f: {  	(v2sf) =	vpush v0, $0x5;
	_ =	sdelay $0x1  }
0x160: {  	(v2sf) =	vpush v1, $0x5;
	_ =	sdelay $0x1  }
0x161: {  	(v2sf) =	vpush v2, $0x5;
	_ =	sdelay $0x1  }
0x162: {  	(v2sf) =	vpush v3, $0x5;
	_ =	sdelay $0x1  }
0x163: {  	(v2sf) =	vpush v4, $0x5;
	_ =	sdelay $0x2  }
0x164: {  	(v2sf) =	vpush v5, $0x5;
	_ =	sdelay $0x1  }
0x165: {  	s29 =	spop (v2sf)  }
0x166: {  	[dreg:$0x14] =	wrdreg s17;
	s30 =	spop (v2sf)  }
0x167: {  	[dreg:$0x15] =	wrdreg s19;
	s19 =	sor.u32 $0x280, s18;
	s17 =	spop (v2sf)  }
0x168: {  	s0 =	sor.u32 s17, s19  }
0x169: {  	s20 =	spop (v2sf);
	v37 =	vld [tilespmem:s0+$0x600]  }
0x16a: {  	s2 =	sor.u32 s20, s19;
	v47 =	vld [tilespmem:s0+$0x610]  }
0x16b: {  	s21 =	spop (v2sf);
	v38 =	vld [tilespmem:s2+$0x4600]  }
0x16c: {  	s3 =	sor.u32 s21, s19;
	v48 =	vld [tilespmem:s2+$0x4610]  }
0x16d: {  	s22 =	spop (v2sf);
	v39 =	vld [tilespmem:s3+$0x8600]  }
0x16e: {  	v40 =	vld [tilespmem:s3+$0x8620];
	s4 =	sor.u32 s22, s19  }
0x16f: {  	s28 =	spop (v2sf);
	v41 =	vld [tilespmem:s4+$0xC600]  }
0x170: {  	s5 =	sor.u32 s28, s19;
	v51 =	vld [tilespmem:s4+$0xC610]  }
0x171: {  	v42 =	vld [tilespmem:s5+$0x10600];
	s5 =	sadd.s32 $0x10600, s5;
	v44 =	vshll.u32 v37, $0x10;
	v6 =	vand.u32 $0xFFFF0000, v37;
	v55 =	vshll.u32 v47, $0x10  }
0x172: {  	s31 =	spop (v2sf);
	v53 =	vld [tilespmem:s5+$0x10];
	v59 =	vand.u32 $0xFFFF0000, v47;
	v45 =	vshll.u32 v38, $0x10;
	v7 =	vand.u32 $0xFFFF0000, v38  }
0x173: {  	s1 =	sor.u32 s31, s19;
	v56 =	vshll.u32 v48, $0x10;
	v13 =	vsub.f32 v44, v45;
	v6 =	vsub.f32 v6, v7  }
0x174: {  	s6 =	sadd.s32 $0x14600, s1;
	v43 =	vld [tilespmem:s1+$0x14600];
	v7 =	vand.u32 $0xFFFF0000, v48;
	v49 =	vshll.u32 v41, $0x10;
	v10 =	vand.u32 $0xFFFF0000, v41  }
0x175: {  	v46 =	vld [tilespmem:s6+$0x20];
	v60 =	vshll.u32 v51, $0x10;
	v7 =	vsub.f32 v59, v7;
	v8 =	vadd.f32 v13, v39  }
0x176: {  	v54 =	vld [tilespmem:s3+$0x8610];
	v50 =	vshll.u32 v42, $0x10;
	v6 =	vadd.f32 v6, v40;
	v11 =	vand.u32 $0xFFFF0000, v42  }
0x177: {  	v57 =	vld [tilespmem:s6+$0x10];
	v52 =	vsub.f32 v49, v50;
	v10 =	vsub.f32 v10, v11;
	v61 =	vshll.u32 v53, $0x10  }
0x178: {  	v58 =	vld [tilespmem:s3+$0x8630];
	v8 =	vand.u32 $0x7FFFFFFF, v8;
	v6 =	vand.u32 $0x7FFFFFFF, v6;
	v14 =	vsub.f32 v60, v61  }
0x179: {  	v62 =	vld [tilespmem:s6+$0x30];
	v63 =	vand.u32 $0xFFFF0000, v51;
	v6 =	vadd.f32 v6, v8;
	v8 =	vsub.f32 v55, v56  }
0x17a: {  	v13 =	vand.u32 $0xFFFF0000, v53;
	v9 =	vadd.f32 v52, v43;
	v10 =	vadd.f32 v10, v46  }
0x17b: {  	v11 =	vsub.f32 v63, v13;
	v8 =	vadd.f32 v8, v54  }
0x17c: {  	v12 =	vadd.f32 v14, v57;
	v9 =	vand.u32 $0x7FFFFFFF, v9;
	v10 =	vand.u32 $0x7FFFFFFF, v10  }
0x17d: {  	v7 =	vadd.f32 v7, v58;
	v9 =	vadd.f32 v10, v9;
	v8 =	vand.u32 $0x7FFFFFFF, v8  }
0x17e: {  	v17 =	vadd.f32 v11, v62;
	v16 =	vand.u32 $0x7FFFFFFF, v12;
	v6 =	vadd.f32 v8, v6  }
0x17f: {  	v7 =	vand.u32 $0x7FFFFFFF, v7;
	v8 =	vadd.f32 v16, v9  }
0x180: {  	v18 =	vand.u32 $0x7FFFFFFF, v17;
	v6 =	vadd.f32 v6, v7  }
0x181: {  	v7 =	vadd.f32 v8, v18  }
0x182: {  	(xrf2) =	vadd.scan.msk.f32 $0xffff, v6  }
0x183: {  	(xrf2) =	vadd.scan.msk.f32 $0xffff, v7;
	_ =	sdelay $0x8  }
0x184: {  	v6, _, _ =	vpop (xrf2)  }
0x185: {  	(v2sf) =	vpush v6, $0xF;
	v19, _, _ =	vpop (xrf2)  }
0x186: {  	(v2sf) =	vpush v19, $0xF  }
0x187: {  	(v2sf) =	vpush v0, $0x6;
	_ =	sdelay $0x1  }
0x188: {  	(v2sf) =	vpush v1, $0x6;
	_ =	sdelay $0x1  }
0x189: {  	(v2sf) =	vpush v2, $0x6;
	_ =	sdelay $0x1  }
0x18a: {  	(v2sf) =	vpush v3, $0x6;
	_ =	sdelay $0x1  }
0x18b: {  	(v2sf) =	vpush v4, $0x6;
	_ =	sdelay $0x2  }
0x18c: {  	(v2sf) =	vpush v5, $0x6;
	_ =	sdelay $0x1  }
0x18d: {  	s31 =	spop (v2sf)  }
0x18e: {  	s21 =	spop (v2sf)  }
0x18f: {  	[dreg:$0x17] =	wrdreg s7;
	s8 =	sor.u32 $0x300, s18;
	s7 =	spop (v2sf)  }
0x190: {  	s0 =	sor.u32 s7, s8  }
0x191: {  	s9 =	spop (v2sf);
	v20 =	vld [tilespmem:s0+$0x600]  }
0x192: {  	s3 =	sor.u32 s9, s8;
	v30 =	vld [tilespmem:s0+$0x610]  }
0x193: {  	s10 =	spop (v2sf);
	v21 =	vld [tilespmem:s3+$0x4600]  }
0x194: {  	s4 =	sor.u32 s10, s8;
	v31 =	vld [tilespmem:s3+$0x4610]  }
0x195: {  	s11 =	spop (v2sf);
	v22 =	vld [tilespmem:s4+$0x8600]  }
0x196: {  	v23 =	vld [tilespmem:s4+$0x8620];
	s5 =	sor.u32 s11, s8  }
0x197: {  	s12 =	spop (v2sf);
	v24 =	vld [tilespmem:s5+$0xC600]  }
0x198: {  	s6 =	sor.u32 s12, s8;
	v34 =	vld [tilespmem:s5+$0xC610]  }
0x199: {  	v25 =	vld [tilespmem:s6+$0x10600];
	s13 =	sadd.s32 $0x10600, s6;
	v27 =	vshll.u32 v20, $0x10;
	v6 =	vand.u32 $0xFFFF0000, v20;
	v38 =	vshll.u32 v30, $0x10  }
0x19a: {  	s7 =	spop (v2sf);
	v36 =	vld [tilespmem:s13+$0x10];
	v42 =	vand.u32 $0xFFFF0000, v30;
	v28 =	vshll.u32 v21, $0x10;
	v7 =	vand.u32 $0xFFFF0000, v21  }
0x19b: {  	s2 =	sor.u32 s7, s8;
	v39 =	vshll.u32 v31, $0x10;
	v13 =	vsub.f32 v27, v28;
	v6 =	vsub.f32 v6, v7  }
0x19c: {  	s7 =	sadd.s32 $0x14600, s2;
	v26 =	vld [tilespmem:s2+$0x14600];
	v7 =	vand.u32 $0xFFFF0000, v31;
	v32 =	vshll.u32 v24, $0x10;
	v10 =	vand.u32 $0xFFFF0000, v24  }
0x19d: {  	v29 =	vld [tilespmem:s7+$0x20];
	v43 =	vshll.u32 v34, $0x10;
	v7 =	vsub.f32 v42, v7;
	v8 =	vadd.f32 v13, v22  }
0x19e: {  	v37 =	vld [tilespmem:s4+$0x8610];
	v33 =	vshll.u32 v25, $0x10;
	v6 =	vadd.f32 v6, v23;
	v11 =	vand.u32 $0xFFFF0000, v25  }
0x19f: {  	v40 =	vld [tilespmem:s7+$0x10];
	v35 =	vsub.f32 v32, v33;
	v10 =	vsub.f32 v10, v11;
	v44 =	vshll.u32 v36, $0x10  }
0x1a0: {  	v41 =	vld [tilespmem:s4+$0x8630];
	v8 =	vand.u32 $0x7FFFFFFF, v8;
	v6 =	vand.u32 $0x7FFFFFFF, v6;
	v14 =	vsub.f32 v43, v44  }
0x1a1: {  	v45 =	vld [tilespmem:s7+$0x30];
	v46 =	vand.u32 $0xFFFF0000, v34;
	v6 =	vadd.f32 v6, v8;
	v8 =	vsub.f32 v38, v39  }
0x1a2: {  	v13 =	vand.u32 $0xFFFF0000, v36;
	v9 =	vadd.f32 v35, v26;
	v10 =	vadd.f32 v10, v29  }
0x1a3: {  	v11 =	vsub.f32 v46, v13;
	v8 =	vadd.f32 v8, v37  }
0x1a4: {  	v12 =	vadd.f32 v14, v40;
	v9 =	vand.u32 $0x7FFFFFFF, v9;
	v10 =	vand.u32 $0x7FFFFFFF, v10  }
0x1a5: {  	v7 =	vadd.f32 v7, v41;
	v9 =	vadd.f32 v10, v9;
	v8 =	vand.u32 $0x7FFFFFFF, v8  }
0x1a6: {  	v48 =	vadd.f32 v11, v45;
	v47 =	vand.u32 $0x7FFFFFFF, v12;
	v6 =	vadd.f32 v8, v6  }
0x1a7: {  	v7 =	vand.u32 $0x7FFFFFFF, v7;
	v8 =	vadd.f32 v47, v9  }
0x1a8: {  	v49 =	vand.u32 $0x7FFFFFFF, v48;
	v6 =	vadd.f32 v6, v7  }
0x1a9: {  	v7 =	vadd.f32 v8, v49  }
0x1aa: {  	(xrf2) =	vadd.scan.msk.f32 $0xffff, v6  }
0x1ab: {  	(xrf2) =	vadd.scan.msk.f32 $0xffff, v7;
	_ =	sdelay $0x8  }
0x1ac: {  	v6, _, _ =	vpop (xrf2)  }
0x1ad: {  	(v2sf) =	vpush v6, $0xF;
	v50, _, _ =	vpop (xrf2)  }
0x1ae: {  	(v2sf) =	vpush v50, $0xF  }
0x1af: {  	(v2sf) =	vpush v0, $0x7;
	_ =	sdelay $0x1  }
0x1b0: {  	(v2sf) =	vpush v1, $0x7;
	_ =	sdelay $0x1  }
0x1b1: {  	(v2sf) =	vpush v2, $0x7;
	_ =	sdelay $0x1  }
0x1b2: {  	(v2sf) =	vpush v3, $0x7;
	_ =	sdelay $0x1  }
0x1b3: {  	(v2sf) =	vpush v4, $0x7;
	_ =	sdelay $0x2  }
0x1b4: {  	(v2sf) =	vpush v5, $0x7;
	_ =	sdelay $0x1  }
0x1b5: {  	s5 =	spop (v2sf)  }
0x1b6: {  	s6 =	spop (v2sf)  }
0x1b7: {  	s15 =	sor.u32 $0x380, s18;
	s14 =	spop (v2sf)  }
0x1b8: {  	s0 =	sor.u32 s14, s15  }
0x1b9: {  	s17 =	spop (v2sf);
	v51 =	vld [tilespmem:s0+$0x600]  }
0x1ba: {  	s3 =	sor.u32 s17, s15;
	v61 =	vld [tilespmem:s0+$0x610]  }
0x1bb: {  	s19 =	spop (v2sf);
	v52 =	vld [tilespmem:s3+$0x4600]  }
0x1bc: {  	s4 =	sor.u32 s19, s15;
	v62 =	vld [tilespmem:s3+$0x4610]  }
0x1bd: {  	s20 =	spop (v2sf);
	v53 =	vld [tilespmem:s4+$0x8600]  }
0x1be: {  	v54 =	vld [tilespmem:s4+$0x8620];
	s7 =	sor.u32 s20, s15  }
0x1bf: {  	s8 =	spop (v2sf);
	v55 =	vld [tilespmem:s7+$0xC600]  }
0x1c0: {  	s8 =	sor.u32 s8, s15;
	v21 =	vld [tilespmem:s7+$0xC610]  }
0x1c1: {  	v56 =	vld [tilespmem:s8+$0x10600];
	s22 =	sadd.s32 $0x10600, s8;
	v58 =	vshll.u32 v51, $0x10;
	v6 =	vand.u32 $0xFFFF0000, v51;
	v25 =	vshll.u32 v61, $0x10  }
0x1c2: {  	s9 =	spop (v2sf);
	v23 =	vld [tilespmem:s22+$0x10];
	v29 =	vand.u32 $0xFFFF0000, v61;
	v59 =	vshll.u32 v52, $0x10;
	v7 =	vand.u32 $0xFFFF0000, v52  }
0x1c3: {  	s2 =	sor.u32 s9, s15;
	v26 =	vshll.u32 v62, $0x10;
	v13 =	vsub.f32 v58, v59;
	v6 =	vsub.f32 v6, v7  }
0x1c4: {  	s9 =	sadd.s32 $0x14600, s2;
	v57 =	vld [tilespmem:s2+$0x14600];
	v7 =	vand.u32 $0xFFFF0000, v62;
	v63 =	vshll.u32 v55, $0x10;
	v10 =	vand.u32 $0xFFFF0000, v55  }
0x1c5: {  	v60 =	vld [tilespmem:s9+$0x20];
	v30 =	vshll.u32 v21, $0x10;
	v7 =	vsub.f32 v29, v7;
	v8 =	vadd.f32 v13, v53  }
0x1c6: {  	v24 =	vld [tilespmem:s4+$0x8610];
	v20 =	vshll.u32 v56, $0x10;
	v6 =	vadd.f32 v6, v54;
	v11 =	vand.u32 $0xFFFF0000, v56  }
0x1c7: {  	v27 =	vld [tilespmem:s9+$0x10];
	v22 =	vsub.f32 v63, v20;
	v10 =	vsub.f32 v10, v11;
	v31 =	vshll.u32 v23, $0x10  }
0x1c8: {  	v28 =	vld [tilespmem:s4+$0x8630];
	v8 =	vand.u32 $0x7FFFFFFF, v8;
	v6 =	vand.u32 $0x7FFFFFFF, v6;
	v14 =	vsub.f32 v30, v31  }
0x1c9: {  	v32 =	vld [tilespmem:s9+$0x30];
	v33 =	vand.u32 $0xFFFF0000, v21;
	v6 =	vadd.f32 v6, v8;
	v8 =	vsub.f32 v25, v26  }
0x1ca: {  	v13 =	vand.u32 $0xFFFF0000, v23;
	v9 =	vadd.f32 v22, v57;
	v10 =	vadd.f32 v10, v60  }
0x1cb: {  	v11 =	vsub.f32 v33, v13;
	v8 =	vadd.f32 v8, v24  }
0x1cc: {  	v12 =	vadd.f32 v14, v27;
	v9 =	vand.u32 $0x7FFFFFFF, v9;
	v10 =	vand.u32 $0x7FFFFFFF, v10  }
0x1cd: {  	v7 =	vadd.f32 v7, v28;
	v9 =	vadd.f32 v10, v9;
	v8 =	vand.u32 $0x7FFFFFFF, v8  }
0x1ce: {  	v35 =	vadd.f32 v11, v32;
	v34 =	vand.u32 $0x7FFFFFFF, v12;
	v6 =	vadd.f32 v8, v6  }
0x1cf: {  	v7 =	vand.u32 $0x7FFFFFFF, v7;
	v8 =	vadd.f32 v34, v9  }
0x1d0: {  	v36 =	vand.u32 $0x7FFFFFFF, v35;
	v6 =	vadd.f32 v6, v7  }
0x1d1: {  	v7 =	vadd.f32 v8, v36  }
0x1d2: {  	(xrf2) =	vadd.scan.msk.f32 $0xffff, v6  }
0x1d3: {  	(xrf2) =	vadd.scan.msk.f32 $0xffff, v7;
	_ =	sdelay $0x8  }
0x1d4: {  	v6, _, _ =	vpop (xrf2)  }
0x1d5: {  	(v2sf) =	vpush v6, $0xF;
	v37, _, _ =	vpop (xrf2)  }
0x1d6: {  	(v2sf) =	vpush v37, $0xF  }
0x1d7: {  	(v2sf) =	vpush v0, $0x8;
	_ =	sdelay $0x1  }
0x1d8: {  	(v2sf) =	vpush v1, $0x8;
	_ =	sdelay $0x1  }
0x1d9: {  	(v2sf) =	vpush v2, $0x8;
	_ =	sdelay $0x1  }
0x1da: {  	(v2sf) =	vpush v3, $0x8;
	_ =	sdelay $0x1  }
0x1db: {  	(v2sf) =	vpush v4, $0x8;
	_ =	sdelay $0x2  }
0x1dc: {  	(v2sf) =	vpush v5, $0x8;
	_ =	sdelay $0x1  }
0x1dd: {  	s7 =	spop (v2sf)  }
0x1de: {  	s8 =	spop (v2sf)  }
0x1df: {  	s1 =	sor.u32 $0x400, s18;
	s28 =	spop (v2sf)  }
0x1e0: {  	s0 =	sor.u32 s28, s1  }
0x1e1: {  	s10 =	spop (v2sf);
	v38 =	vld [tilespmem:s0+$0x600]  }
0x1e2: {  	s3 =	sor.u32 s10, s1;
	v48 =	vld [tilespmem:s0+$0x610]  }
0x1e3: {  	s11 =	spop (v2sf);
	v39 =	vld [tilespmem:s3+$0x4600]  }
0x1e4: {  	s4 =	sor.u32 s11, s1;
	v49 =	vld [tilespmem:s3+$0x4610]  }
0x1e5: {  	s12 =	spop (v2sf);
	v40 =	vld [tilespmem:s4+$0x8600]  }
0x1e6: {  	v41 =	vld [tilespmem:s4+$0x8620];
	s9 =	sor.u32 s12, s1  }
0x1e7: {  	s10 =	spop (v2sf);
	v42 =	vld [tilespmem:s9+$0xC600]  }
0x1e8: {  	s10 =	sor.u32 s10, s1;
	v52 =	vld [tilespmem:s9+$0xC610]  }
0x1e9: {  	v43 =	vld [tilespmem:s10+$0x10600];
	s13 =	sadd.s32 $0x10600, s10;
	v45 =	vshll.u32 v38, $0x10;
	v6 =	vand.u32 $0xFFFF0000, v38;
	v56 =	vshll.u32 v48, $0x10  }
0x1ea: {  	s11 =	spop (v2sf);
	v54 =	vld [tilespmem:s13+$0x10];
	v60 =	vand.u32 $0xFFFF0000, v48;
	v46 =	vshll.u32 v39, $0x10;
	v7 =	vand.u32 $0xFFFF0000, v39  }
0x1eb: {  	s2 =	sor.u32 s11, s1;
	v57 =	vshll.u32 v49, $0x10;
	v13 =	vsub.f32 v45, v46;
	v6 =	vsub.f32 v6, v7  }
0x1ec: {  	s11 =	sadd.s32 $0x14600, s2;
	v44 =	vld [tilespmem:s2+$0x14600];
	v7 =	vand.u32 $0xFFFF0000, v49;
	v50 =	vshll.u32 v42, $0x10;
	v10 =	vand.u32 $0xFFFF0000, v42  }
0x1ed: {  	v47 =	vld [tilespmem:s11+$0x20];
	v61 =	vshll.u32 v52, $0x10;
	v7 =	vsub.f32 v60, v7;
	v8 =	vadd.f32 v13, v40  }
0x1ee: {  	v55 =	vld [tilespmem:s4+$0x8610];
	v51 =	vshll.u32 v43, $0x10;
	v6 =	vadd.f32 v6, v41;
	v11 =	vand.u32 $0xFFFF0000, v43  }
0x1ef: {  	v58 =	vld [tilespmem:s11+$0x10];
	v53 =	vsub.f32 v50, v51;
	v10 =	vsub.f32 v10, v11;
	v62 =	vshll.u32 v54, $0x10  }
0x1f0: {  	v59 =	vld [tilespmem:s4+$0x8630];
	v8 =	vand.u32 $0x7FFFFFFF, v8;
	v6 =	vand.u32 $0x7FFFFFFF, v6;
	v14 =	vsub.f32 v61, v62  }
0x1f1: {  	v63 =	vld [tilespmem:s11+$0x30];
	v17 =	vand.u32 $0xFFFF0000, v52;
	v6 =	vadd.f32 v6, v8;
	v8 =	vsub.f32 v56, v57  }
0x1f2: {  	v13 =	vand.u32 $0xFFFF0000, v54;
	v9 =	vadd.f32 v53, v44;
	v10 =	vadd.f32 v10, v47  }
0x1f3: {  	v11 =	vsub.f32 v17, v13;
	v8 =	vadd.f32 v8, v55  }
0x1f4: {  	v12 =	vadd.f32 v14, v58;
	v9 =	vand.u32 $0x7FFFFFFF, v9;
	v10 =	vand.u32 $0x7FFFFFFF, v10  }
0x1f5: {  	v7 =	vadd.f32 v7, v59;
	v9 =	vadd.f32 v10, v9;
	v8 =	vand.u32 $0x7FFFFFFF, v8  }
0x1f6: {  	v20 =	vadd.f32 v11, v63;
	v18 =	vand.u32 $0x7FFFFFFF, v12;
	v6 =	vadd.f32 v8, v6  }
0x1f7: {  	v7 =	vand.u32 $0x7FFFFFFF, v7;
	v8 =	vadd.f32 v18, v9  }
0x1f8: {  	v21 =	vand.u32 $0x7FFFFFFF, v20;
	v6 =	vadd.f32 v6, v7  }
0x1f9: {  	v7 =	vadd.f32 v8, v21  }
0x1fa: {  	(xrf2) =	vadd.scan.msk.f32 $0xffff, v6  }
0x1fb: {  	(xrf2) =	vadd.scan.msk.f32 $0xffff, v7;
	_ =	sdelay $0x8  }
0x1fc: {  	v6, _, _ =	vpop (xrf2)  }
0x1fd: {  	(v2sf) =	vpush v6, $0xF;
	v22, _, _ =	vpop (xrf2)  }
0x1fe: {  	(v2sf) =	vpush v22, $0xF  }
0x1ff: {  	(v2sf) =	vpush v0, $0x9;
	_ =	sdelay $0x1  }
0x200: {  	(v2sf) =	vpush v1, $0x9;
	_ =	sdelay $0x1  }
0x201: {  	(v2sf) =	vpush v2, $0x9;
	_ =	sdelay $0x1  }
0x202: {  	(v2sf) =	vpush v3, $0x9;
	_ =	sdelay $0x1  }
0x203: {  	(v2sf) =	vpush v4, $0x9;
	_ =	sdelay $0x2  }
0x204: {  	(v2sf) =	vpush v5, $0x9;
	_ =	sdelay $0x1  }
0x205: {  	s9 =	spop (v2sf)  }
0x206: {  	s10 =	spop (v2sf)  }
0x207: {  	s15 =	sor.u32 $0x480, s18;
	s14 =	spop (v2sf)  }
0x208: {  	s0 =	sor.u32 s14, s15  }
0x209: {  	s17 =	spop (v2sf);
	v23 =	vld [tilespmem:s0+$0x600]  }
0x20a: {  	s3 =	sor.u32 s17, s15;
	v25 =	vld [tilespmem:s0+$0x610]  }
0x20b: {  	s19 =	spop (v2sf);
	v24 =	vld [tilespmem:s3+$0x4600]  }
0x20c: {  	s4 =	sor.u32 s19, s15;
	v34 =	vld [tilespmem:s3+$0x4610]  }
0x20d: {  	s20 =	spop (v2sf);
	v26 =	vld [tilespmem:s4+$0x8600]  }
0x20e: {  	s11 =	sor.u32 s20, s15;
	v29 =	vld [tilespmem:s4+$0x8620]  }
0x20f: {  	s22 =	spop (v2sf);
	v27 =	vld [tilespmem:s11+$0xC600]  }
0x210: {  	s0 =	sor.u32 s22, s15;
	v37 =	vld [tilespmem:s11+$0xC610]  }
0x211: {  	v28 =	vld [tilespmem:s0+$0x10600];
	s0 =	sadd.s32 $0x10600, s0;
	v30 =	vshll.u32 v23, $0x10;
	v6 =	vand.u32 $0xFFFF0000, v23;
	v41 =	vshll.u32 v25, $0x10  }
0x212: {  	s12 =	spop (v2sf);
	v39 =	vld [tilespmem:s0+$0x10];
	v8 =	vand.u32 $0xFFFF0000, v25;
	v31 =	vshll.u32 v24, $0x10;
	v7 =	vand.u32 $0xFFFF0000, v24  }
0x213: {  	s2 =	sor.u32 s12, s15;
	v42 =	vshll.u32 v34, $0x10;
	v13 =	vsub.f32 v30, v31;
	v6 =	vsub.f32 v6, v7  }
0x214: {  	v32 =	vld [tilespmem:s2+$0x14600];
	s2 =	sadd.s32 $0x14600, s2;
	v7 =	vand.u32 $0xFFFF0000, v34;
	v35 =	vshll.u32 v27, $0x10;
	v10 =	vand.u32 $0xFFFF0000, v27  }
0x215: {  	v33 =	vld [tilespmem:s2+$0x20];
	v45 =	vshll.u32 v37, $0x10;
	v7 =	vsub.f32 v8, v7;
	v9 =	vadd.f32 v13, v26  }
0x216: {  	v40 =	vld [tilespmem:s4+$0x8610];
	v36 =	vshll.u32 v28, $0x10;
	v6 =	vadd.f32 v6, v29;
	v11 =	vand.u32 $0xFFFF0000, v28  }
0x217: {  	v43 =	vld [tilespmem:s2+$0x10];
	v38 =	vsub.f32 v35, v36;
	v10 =	vsub.f32 v10, v11;
	v46 =	vshll.u32 v39, $0x10  }
0x218: {  	v44 =	vld [tilespmem:s4+$0x8630];
	v9 =	vand.u32 $0x7FFFFFFF, v9;
	v6 =	vand.u32 $0x7FFFFFFF, v6;
	v11 =	vsub.f32 v45, v46  }
0x219: {  	v47 =	vld [tilespmem:s2+$0x30];
	v48 =	vand.u32 $0xFFFF0000, v37;
	v6 =	vadd.f32 v6, v9;
	v9 =	vsub.f32 v41, v42  }
0x21a: {  	v13 =	vand.u32 $0xFFFF0000, v39;
	v12 =	vadd.f32 v38, v32;
	v10 =	vadd.f32 v10, v33  }
0x21b: {  	v8 =	vsub.f32 v48, v13;
	v9 =	vadd.f32 v9, v40  }
0x21c: {  	v11 =	vadd.f32 v11, v43;
	v12 =	vand.u32 $0x7FFFFFFF, v12;
	v10 =	vand.u32 $0x7FFFFFFF, v10  }
0x21d: {  	v7 =	vadd.f32 v7, v44;
	v10 =	vadd.f32 v10, v12;
	v9 =	vand.u32 $0x7FFFFFFF, v9  }
0x21e: {  	v8 =	vadd.f32 v8, v47;
	v49 =	vand.u32 $0x7FFFFFFF, v11;
	v6 =	vadd.f32 v9, v6  }
0x21f: {  	v7 =	vand.u32 $0x7FFFFFFF, v7;
	v9 =	vadd.f32 v49, v10  }
0x220: {  	v50 =	vand.u32 $0x7FFFFFFF, v8;
	v6 =	vadd.f32 v6, v7  }
0x221: {  	v7 =	vadd.f32 v9, v50  }
0x222: {  	(xrf2) =	vadd.scan.msk.f32 $0xffff, v6  }
0x223: {  	(xrf2) =	vadd.scan.msk.f32 $0xffff, v7;
	_ =	sdelay $0x8  }
0x224: {  	v6, _, _ =	vpop (xrf2)  }
0x225: {  	(v2sf) =	vpush v6, $0xF;
	v51, _, _ =	vpop (xrf2)  }
0x226: {  	(v2sf) =	vpush v51, $0xF  }
0x227: {  	(v2sf) =	vpush v0, $0xA;
	_ =	sdelay $0x1  }
0x228: {  	(v2sf) =	vpush v1, $0xA;
	_ =	sdelay $0x1  }
0x229: {  	(v2sf) =	vpush v2, $0xA;
	_ =	sdelay $0x1  }
0x22a: {  	(v2sf) =	vpush v3, $0xA;
	_ =	sdelay $0x1  }
0x22b: {  	(v2sf) =	vpush v4, $0xA;
	_ =	sdelay $0x2  }
0x22c: {  	(v2sf) =	vpush v5, $0xA;
	_ =	sdelay $0x1  }
0x22d: {  	s11 =	spop (v2sf)  }
0x22e: {  	s12 =	spop (v2sf)  }
0x22f: {  	s1 =	sor.u32 $0x500, s18;
	s28 =	spop (v2sf)  }
0x230: {  	s0 =	sor.u32 s28, s1  }
0x231: {  	s14 =	spop (v2sf);
	v52 =	vld [tilespmem:s0+$0x600]  }
0x232: {  	v53 =	vld [tilespmem:s0+$0x610];
	s3 =	sor.u32 s14, s1  }
0x233: {  	s15 =	spop (v2sf);
	v54 =	vld [tilespmem:s3+$0x4600]  }
0x234: {  	s0 =	sor.u32 s15, s1;
	v59 =	vld [tilespmem:s3+$0x4610]  }
0x235: {  	s17 =	spop (v2sf);
	v55 =	vld [tilespmem:s0+$0x8600]  }
0x236: {  	s4 =	sor.u32 s17, s1;
	v58 =	vld [tilespmem:s0+$0x8620]  }
0x237: {  	s13 =	spop (v2sf);
	v56 =	vld [tilespmem:s4+$0xC600]  }
0x238: {  	s13 =	sor.u32 s13, s1;
	v63 =	vld [tilespmem:s4+$0xC610]  }
0x239: {  	v57 =	vld [tilespmem:s13+$0x10600];
	s19 =	sadd.s32 $0x10600, s13;
	v60 =	vshll.u32 v52, $0x10;
	v6 =	vand.u32 $0xFFFF0000, v52;
	v27 =	vshll.u32 v53, $0x10  }
0x23a: {  	s14 =	spop (v2sf);
	v25 =	vld [tilespmem:s19+$0x10];
	v7 =	vand.u32 $0xFFFF0000, v53;
	v61 =	vshll.u32 v54, $0x10;
	v8 =	vand.u32 $0xFFFF0000, v54  }
0x23b: {  	s2 =	sor.u32 s14, s1;
	v28 =	vshll.u32 v59, $0x10;
	v13 =	vand.u32 $0xFFFF0000, v59;
	v14 =	vsub.f32 v60, v61  }
0x23c: {  	v62 =	vld [tilespmem:s2+$0x14600];
	s2 =	sadd.s32 $0x14600, s2;
	v6 =	vsub.f32 v6, v8;
	v7 =	vsub.f32 v7, v13;
	v22 =	vshll.u32 v56, $0x10  }
0x23d: {  	v24 =	vld [tilespmem:s2+$0x20];
	v10 =	vand.u32 $0xFFFF0000, v56;
	v31 =	vshll.u32 v63, $0x10;
	v21 =	vadd.f32 v14, v55  }
0x23e: {  	v26 =	vld [tilespmem:s0+$0x8610];
	v23 =	vshll.u32 v57, $0x10;
	v6 =	vadd.f32 v6, v58;
	v11 =	vand.u32 $0xFFFF0000, v57  }
0x23f: {  	v29 =	vld [tilespmem:s2+$0x10];
	v9 =	vsub.f32 v22, v23;
	v10 =	vsub.f32 v10, v11;
	v32 =	vshll.u32 v25, $0x10  }
0x240: {  	v30 =	vld [tilespmem:s0+$0x8630];
	v8 =	vand.u32 $0x7FFFFFFF, v21;
	v6 =	vand.u32 $0x7FFFFFFF, v6;
	v11 =	vsub.f32 v31, v32  }
0x241: {  	v33 =	vld [tilespmem:s2+$0x30];
	v34 =	vand.u32 $0xFFFF0000, v63;
	v6 =	vadd.f32 v6, v8;
	v8 =	vsub.f32 v27, v28  }
0x242: {  	v12 =	vand.u32 $0xFFFF0000, v25;
	v9 =	vadd.f32 v9, v62;
	v10 =	vadd.f32 v10, v24  }
0x243: {  	v12 =	vsub.f32 v34, v12;
	v8 =	vadd.f32 v8, v26  }
0x244: {  	v11 =	vadd.f32 v11, v29;
	v9 =	vand.u32 $0x7FFFFFFF, v9;
	v10 =	vand.u32 $0x7FFFFFFF, v10  }
0x245: {  	v7 =	vadd.f32 v7, v30;
	v9 =	vadd.f32 v10, v9;
	v8 =	vand.u32 $0x7FFFFFFF, v8  }
0x246: {  	v36 =	vadd.f32 v12, v33;
	v35 =	vand.u32 $0x7FFFFFFF, v11;
	v6 =	vadd.f32 v8, v6  }
0x247: {  	v7 =	vand.u32 $0x7FFFFFFF, v7;
	v8 =	vadd.f32 v35, v9  }
0x248: {  	v37 =	vand.u32 $0x7FFFFFFF, v36;
	v6 =	vadd.f32 v6, v7  }
0x249: {  	v7 =	vadd.f32 v8, v37  }
0x24a: {  	(xrf2) =	vadd.scan.msk.f32 $0xffff, v6  }
0x24b: {  	(xrf2) =	vadd.scan.msk.f32 $0xffff, v7;
	_ =	sdelay $0x8  }
0x24c: {  	v6, _, _ =	vpop (xrf2)  }
0x24d: {  	(v2sf) =	vpush v6, $0xF;
	v38, _, _ =	vpop (xrf2)  }
0x24e: {  	(v2sf) =	vpush v38, $0xF  }
0x24f: {  	(v2sf) =	vpush v0, $0xB;
	_ =	sdelay $0x1  }
0x250: {  	(v2sf) =	vpush v1, $0xB;
	_ =	sdelay $0x1  }
0x251: {  	(v2sf) =	vpush v2, $0xB;
	_ =	sdelay $0x1  }
0x252: {  	(v2sf) =	vpush v3, $0xB;
	_ =	sdelay $0x1  }
0x253: {  	(v2sf) =	vpush v4, $0xB;
	_ =	sdelay $0x2  }
0x254: {  	(v2sf) =	vpush v5, $0xB;
	_ =	sdelay $0x1  }
0x255: {  	s2 =	spop (v2sf)  }
0x256: {  	s3 =	spop (v2sf)  }
0x257: {  	s22 =	sor.u32 $0x580, s18;
	s20 =	spop (v2sf)  }
0x258: {  	s0 =	sor.u32 s20, s22  }
0x259: {  	s28 =	spop (v2sf);
	v39 =	vld [tilespmem:s0+$0x600]  }
0x25a: {  	v40 =	vld [tilespmem:s0+$0x610];
	s1 =	sor.u32 s28, s22  }
0x25b: {  	s15 =	spop (v2sf);
	v41 =	vld [tilespmem:s1+$0x4600]  }
0x25c: {  	s13 =	sor.u32 s15, s22;
	v46 =	vld [tilespmem:s1+$0x4610]  }
0x25d: {  	s17 =	spop (v2sf);
	v42 =	vld [tilespmem:s13+$0x8600]  }
0x25e: {  	s14 =	sor.u32 s17, s22;
	v45 =	vld [tilespmem:s13+$0x8620]  }
0x25f: {  	s15 =	spop (v2sf);
	v43 =	vld [tilespmem:s14+$0xC600]  }
0x260: {  	s15 =	sor.u32 s15, s22;
	v50 =	vld [tilespmem:s14+$0xC610]  }
0x261: {  	v44 =	vld [tilespmem:s15+$0x10600];
	s20 =	sadd.s32 $0x10600, s15;
	v47 =	vshll.u32 v39, $0x10;
	v6 =	vand.u32 $0xFFFF0000, v39;
	v57 =	vshll.u32 v40, $0x10  }
0x262: {  	s17 =	spop (v2sf);
	v55 =	vld [tilespmem:s20+$0x10];
	v7 =	vand.u32 $0xFFFF0000, v40;
	v48 =	vshll.u32 v41, $0x10;
	v8 =	vand.u32 $0xFFFF0000, v41  }
0x263: {  	s4 =	sor.u32 s17, s22;
	v58 =	vshll.u32 v46, $0x10;
	v13 =	vand.u32 $0xFFFF0000, v46;
	v14 =	vsub.f32 v47, v48  }
0x264: {  	v49 =	vld [tilespmem:s4+$0x14600];
	s19 =	sadd.s32 $0x14600, s4;
	v6 =	vsub.f32 v6, v8;
	v7 =	vsub.f32 v7, v13;
	v52 =	vshll.u32 v43, $0x10  }
0x265: {  	v54 =	vld [tilespmem:s19+$0x20];
	v10 =	vand.u32 $0xFFFF0000, v43;
	v61 =	vshll.u32 v50, $0x10;
	v51 =	vadd.f32 v14, v42  }
0x266: {  	v56 =	vld [tilespmem:s13+$0x8610];
	v53 =	vshll.u32 v44, $0x10;
	v6 =	vadd.f32 v6, v45;
	v11 =	vand.u32 $0xFFFF0000, v44  }
0x267: {  	v59 =	vld [tilespmem:s19+$0x10];
	v9 =	vsub.f32 v52, v53;
	v10 =	vsub.f32 v10, v11;
	v62 =	vshll.u32 v55, $0x10  }
0x268: {  	v60 =	vld [tilespmem:s13+$0x8630];
	v8 =	vand.u32 $0x7FFFFFFF, v51;
	v6 =	vand.u32 $0x7FFFFFFF, v6;
	v11 =	vsub.f32 v61, v62  }
0x269: {  	v63 =	vld [tilespmem:s19+$0x30];
	v17 =	vand.u32 $0xFFFF0000, v50;
	v6 =	vadd.f32 v6, v8;
	v8 =	vsub.f32 v57, v58  }
0x26a: {  	v18 =	vand.u32 $0xFFFF0000, v55;
	v9 =	vadd.f32 v9, v49;
	v10 =	vadd.f32 v10, v54  }
0x26b: {  	v12 =	vsub.f32 v17, v18;
	v8 =	vadd.f32 v8, v56  }
0x26c: {  	v11 =	vadd.f32 v11, v59;
	v9 =	vand.u32 $0x7FFFFFFF, v9;
	v10 =	vand.u32 $0x7FFFFFFF, v10  }
0x26d: {  	v7 =	vadd.f32 v7, v60;
	v9 =	vadd.f32 v10, v9;
	v8 =	vand.u32 $0x7FFFFFFF, v8  }
0x26e: {  	v21 =	vadd.f32 v12, v63;
	v20 =	vand.u32 $0x7FFFFFFF, v11;
	v6 =	vadd.f32 v8, v6  }
0x26f: {  	v7 =	vand.u32 $0x7FFFFFFF, v7;
	v8 =	vadd.f32 v20, v9  }
0x270: {  	v22 =	vand.u32 $0x7FFFFFFF, v21;
	v6 =	vadd.f32 v6, v7  }
0x271: {  	v7 =	vadd.f32 v8, v22  }
0x272: {  	(xrf2) =	vadd.scan.msk.f32 $0xffff, v6  }
0x273: {  	(xrf2) =	vadd.scan.msk.f32 $0xffff, v7;
	_ =	sdelay $0x8  }
0x274: {  	v6, _, _ =	vpop (xrf2)  }
0x275: {  	(v2sf) =	vpush v6, $0xF;
	v23, _, _ =	vpop (xrf2)  }
0x276: {  	(v2sf) =	vpush v23, $0xF  }
0x277: {  	(v2sf) =	vpush v0, $0xC;
	_ =	sdelay $0x1  }
0x278: {  	(v2sf) =	vpush v1, $0xC;
	_ =	sdelay $0x1  }
0x279: {  	(v2sf) =	vpush v2, $0xC;
	_ =	sdelay $0x1  }
0x27a: {  	(v2sf) =	vpush v3, $0xC;
	_ =	sdelay $0x1  }
0x27b: {  	(v2sf) =	vpush v4, $0xC;
	_ =	sdelay $0x2  }
0x27c: {  	(v2sf) =	vpush v5, $0xC;
	_ =	sdelay $0x1  }
0x27d: {  	s14 =	spop (v2sf)  }
0x27e: {  	s4 =	spop (v2sf)  }
0x27f: {  	s22 =	spop (v2sf)  }
0x280: {  	s0 =	sor.u32 s22, s25  }
0x281: {  	s28 =	spop (v2sf);
	v24 =	vld [tilespmem:s0+$0x600]  }
0x282: {  	v25 =	vld [tilespmem:s0+$0x610];
	s1 =	sor.u32 s28, s25  }
0x283: {  	s19 =	spop (v2sf);
	v26 =	vld [tilespmem:s1+$0x4600]  }
0x284: {  	s13 =	sor.u32 s19, s25;
	v31 =	vld [tilespmem:s1+$0x4610]  }
0x285: {  	s20 =	spop (v2sf);
	v27 =	vld [tilespmem:s13+$0x8600]  }
0x286: {  	s15 =	sor.u32 s20, s25;
	v30 =	vld [tilespmem:s13+$0x8620]  }
0x287: {  	s22 =	spop (v2sf);
	v28 =	vld [tilespmem:s15+$0xC600]  }
0x288: {  	s17 =	sor.u32 s22, s25;
	v35 =	vld [tilespmem:s15+$0xC610]  }
0x289: {  	v29 =	vld [tilespmem:s17+$0x10600];
	s1 =	sadd.s32 $0x10600, s17;
	v32 =	vshll.u32 v24, $0x10;
	v6 =	vand.u32 $0xFFFF0000, v24;
	v42 =	vshll.u32 v25, $0x10  }
0x28a: {  	s19 =	spop (v2sf);
	v40 =	vld [tilespmem:s1+$0x10];
	v7 =	vand.u32 $0xFFFF0000, v25;
	v33 =	vshll.u32 v26, $0x10;
	v8 =	vand.u32 $0xFFFF0000, v26  }
0x28b: {  	s19 =	sor.u32 s19, s25;
	v43 =	vshll.u32 v31, $0x10;
	v13 =	vand.u32 $0xFFFF0000, v31;
	v14 =	vsub.f32 v32, v33  }
0x28c: {  	v34 =	vld [tilespmem:s19+$0x14600];
	s28 =	sadd.s32 $0x14600, s19;
	v6 =	vsub.f32 v6, v8;
	v7 =	vsub.f32 v7, v13;
	v37 =	vshll.u32 v28, $0x10  }
0x28d: {  	v39 =	vld [tilespmem:s28+$0x20];
	v10 =	vand.u32 $0xFFFF0000, v28;
	v47 =	vshll.u32 v35, $0x10;
	v36 =	vadd.f32 v14, v27  }
0x28e: {  	v41 =	vld [tilespmem:s13+$0x8610];
	v38 =	vshll.u32 v29, $0x10;
	v6 =	vadd.f32 v6, v30;
	v11 =	vand.u32 $0xFFFF0000, v29  }
0x28f: {  	v44 =	vld [tilespmem:s28+$0x10];
	v9 =	vsub.f32 v37, v38;
	v10 =	vsub.f32 v10, v11;
	v48 =	vshll.u32 v40, $0x10  }
0x290: {  	v45 =	vld [tilespmem:s13+$0x8630];
	v8 =	vand.u32 $0x7FFFFFFF, v36;
	v6 =	vand.u32 $0x7FFFFFFF, v6;
	v49 =	vsub.f32 v47, v48  }
0x291: {  	v46 =	vld [tilespmem:s28+$0x30];
	v50 =	vand.u32 $0xFFFF0000, v35;
	v6 =	vadd.f32 v6, v8;
	v8 =	vsub.f32 v42, v43  }
0x292: {  	v51 =	vand.u32 $0xFFFF0000, v40;
	v9 =	vadd.f32 v9, v34;
	v10 =	vadd.f32 v10, v39  }
0x293: {  	v13 =	vsub.f32 v50, v51;
	v8 =	vadd.f32 v8, v41  }
0x294: {  	v12 =	vadd.f32 v49, v44;
	v9 =	vand.u32 $0x7FFFFFFF, v9;
	v10 =	vand.u32 $0x7FFFFFFF, v10  }
0x295: {  	v7 =	vadd.f32 v7, v45;
	v9 =	vadd.f32 v10, v9;
	v8 =	vand.u32 $0x7FFFFFFF, v8  }
0x296: {  	v53 =	vadd.f32 v13, v46;
	v52 =	vand.u32 $0x7FFFFFFF, v12;
	v6 =	vadd.f32 v8, v6  }
0x297: {  	v7 =	vand.u32 $0x7FFFFFFF, v7;
	v8 =	vadd.f32 v52, v9  }
0x298: {  	v54 =	vand.u32 $0x7FFFFFFF, v53;
	v6 =	vadd.f32 v6, v7  }
0x299: {  	v7 =	vadd.f32 v8, v54  }
0x29a: {  	(xrf2) =	vadd.scan.msk.f32 $0xffff, v6  }
0x29b: {  	(xrf2) =	vadd.scan.msk.f32 $0xffff, v7;
	_ =	sdelay $0x8  }
0x29c: {  	v6, _, _ =	vpop (xrf2)  }
0x29d: {  	(v2sf) =	vpush v6, $0xF;
	v55, _, _ =	vpop (xrf2)  }
0x29e: {  	(v2sf) =	vpush v55, $0xF  }
0x29f: {  	(v2sf) =	vpush v0, $0xD;
	_ =	sdelay $0x1  }
0x2a0: {  	(v2sf) =	vpush v1, $0xD;
	_ =	sdelay $0x1  }
0x2a1: {  	(v2sf) =	vpush v2, $0xD;
	_ =	sdelay $0x1  }
0x2a2: {  	(v2sf) =	vpush v3, $0xD;
	_ =	sdelay $0x1  }
0x2a3: {  	(v2sf) =	vpush v4, $0xD;
	_ =	sdelay $0x2  }
0x2a4: {  	(v2sf) =	vpush v5, $0xD;
	_ =	sdelay $0x1  }
0x2a5: {  	s25 =	spop (v2sf)  }
0x2a6: {  	s15 =	spop (v2sf)  }
0x2a7: {  	s13 =	sor.u32 $0x680, s18;
	s17 =	spop (v2sf)  }
0x2a8: {  	s0 =	sor.u32 s17, s13  }
0x2a9: {  	s19 =	spop (v2sf);
	v56 =	vld [tilespmem:s0+$0x600]  }
0x2aa: {  	v57 =	vld [tilespmem:s0+$0x610];
	s0 =	sor.u32 s19, s13  }
0x2ab: {  	s20 =	spop (v2sf);
	v58 =	vld [tilespmem:s0+$0x4600]  }
0x2ac: {  	s17 =	sor.u32 s20, s13;
	v63 =	vld [tilespmem:s0+$0x4610]  }
0x2ad: {  	s22 =	spop (v2sf);
	v59 =	vld [tilespmem:s17+$0x8600]  }
0x2ae: {  	s19 =	sor.u32 s22, s13;
	v62 =	vld [tilespmem:s17+$0x8620]  }
0x2af: {  	s28 =	spop (v2sf);
	v60 =	vld [tilespmem:s19+$0xC600]  }
0x2b0: {  	s1 =	sor.u32 s28, s13;
	v24 =	vld [tilespmem:s19+$0xC610]  }
0x2b1: {  	v61 =	vld [tilespmem:s1+$0x10600];
	s1 =	sadd.s32 $0x10600, s1;
	v21 =	vshll.u32 v56, $0x10;
	v6 =	vand.u32 $0xFFFF0000, v56;
	v31 =	vshll.u32 v57, $0x10  }
0x2b2: {  	s22 =	spop (v2sf);
	v29 =	vld [tilespmem:s1+$0x10];
	v7 =	vand.u32 $0xFFFF0000, v57;
	v22 =	vshll.u32 v58, $0x10;
	v8 =	vand.u32 $0xFFFF0000, v58  }
0x2b3: {  	s13 =	sor.u32 s22, s13;
	v32 =	vshll.u32 v63, $0x10;
	v13 =	vand.u32 $0xFFFF0000, v63;
	v14 =	vsub.f32 v21, v22  }
0x2b4: {  	v23 =	vld [tilespmem:s13+$0x14600];
	s19 =	sadd.s32 $0x14600, s13;
	v6 =	vsub.f32 v6, v8;
	v7 =	vsub.f32 v7, v13;
	v26 =	vshll.u32 v60, $0x10  }
0x2b5: {  	v28 =	vld [tilespmem:s19+$0x20];
	v10 =	vand.u32 $0xFFFF0000, v60;
	v36 =	vshll.u32 v24, $0x10;
	v25 =	vadd.f32 v14, v59  }
0x2b6: {  	v30 =	vld [tilespmem:s17+$0x8610];
	v27 =	vshll.u32 v61, $0x10;
	v6 =	vadd.f32 v6, v62;
	v11 =	vand.u32 $0xFFFF0000, v61  }
0x2b7: {  	v33 =	vld [tilespmem:s19+$0x10];
	v9 =	vsub.f32 v26, v27;
	v10 =	vsub.f32 v10, v11;
	v37 =	vshll.u32 v29, $0x10  }
0x2b8: {  	v34 =	vld [tilespmem:s17+$0x8630];
	v8 =	vand.u32 $0x7FFFFFFF, v25;
	v6 =	vand.u32 $0x7FFFFFFF, v6;
	v38 =	vsub.f32 v36, v37  }
0x2b9: {  	v35 =	vld [tilespmem:s19+$0x30];
	v39 =	vand.u32 $0xFFFF0000, v24;
	v6 =	vadd.f32 v6, v8;
	v8 =	vsub.f32 v31, v32  }
0x2ba: {  	v40 =	vand.u32 $0xFFFF0000, v29;
	v9 =	vadd.f32 v9, v23;
	v10 =	vadd.f32 v10, v28  }
0x2bb: {  	v13 =	vsub.f32 v39, v40;
	v8 =	vadd.f32 v8, v30  }
0x2bc: {  	v12 =	vadd.f32 v38, v33;
	v9 =	vand.u32 $0x7FFFFFFF, v9;
	v10 =	vand.u32 $0x7FFFFFFF, v10  }
0x2bd: {  	v7 =	vadd.f32 v7, v34;
	v9 =	vadd.f32 v10, v9;
	v8 =	vand.u32 $0x7FFFFFFF, v8  }
0x2be: {  	v42 =	vadd.f32 v13, v35;
	v41 =	vand.u32 $0x7FFFFFFF, v12;
	v6 =	vadd.f32 v8, v6  }
0x2bf: {  	v7 =	vand.u32 $0x7FFFFFFF, v7;
	v8 =	vadd.f32 v41, v9  }
0x2c0: {  	v43 =	vand.u32 $0x7FFFFFFF, v42;
	v6 =	vadd.f32 v6, v7  }
0x2c1: {  	v7 =	vadd.f32 v8, v43  }
0x2c2: {  	(xrf2) =	vadd.scan.msk.f32 $0xffff, v6  }
0x2c3: {  	(xrf2) =	vadd.scan.msk.f32 $0xffff, v7;
	_ =	sdelay $0x8  }
0x2c4: {  	v6, _, _ =	vpop (xrf2)  }
0x2c5: {  	(v2sf) =	vpush v6, $0xF;
	v44, _, _ =	vpop (xrf2)  }
0x2c6: {  	(v2sf) =	vpush v44, $0xF  }
0x2c7: {  	(v2sf) =	vpush v0, $0xE;
	_ =	sdelay $0x1  }
0x2c8: {  	(v2sf) =	vpush v1, $0xE;
	_ =	sdelay $0x1  }
0x2c9: {  	(v2sf) =	vpush v2, $0xE;
	_ =	sdelay $0x1  }
0x2ca: {  	(v2sf) =	vpush v3, $0xE;
	_ =	sdelay $0x1  }
0x2cb: {  	(v2sf) =	vpush v4, $0xE;
	_ =	sdelay $0x1  }
0x2cc: {  	(v2sf) =	vpush v5, $0xE;
	_ =	sdelay $0x2  }
0x2cd: {  	s0 =	spop (v2sf)  }
0x2ce: {  	s13 =	spop (v2sf)  }
0x2cf: {  	s17 =	sor.u32 $0x700, s18;
	s20 =	spop (v2sf)  }
0x2d0: {  	s1 =	sor.u32 s20, s17  }
0x2d1: {  	s22 =	spop (v2sf);
	v45 =	vld [tilespmem:s1+$0x600]  }
0x2d2: {  	v46 =	vld [tilespmem:s1+$0x610];
	s1 =	sor.u32 s22, s17  }
0x2d3: {  	s28 =	spop (v2sf);
	v47 =	vld [tilespmem:s1+$0x4600]  }
0x2d4: {  	s19 =	sor.u32 s28, s17;
	v52 =	vld [tilespmem:s1+$0x4610]  }
0x2d5: {  	s20 =	spop (v2sf);
	v48 =	vld [tilespmem:s19+$0x8600]  }
0x2d6: {  	v49 =	vld [tilespmem:s19+$0x8620];
	s22 =	sor.u32 s20, s17  }
0x2d7: {  	s20 =	spop (v2sf);
	v50 =	vld [tilespmem:s22+$0xC600]  }
0x2d8: {  	s20 =	sor.u32 s20, s17;
	v55 =	vld [tilespmem:s22+$0xC610]  }
0x2d9: {  	s28 =	spop (v2sf);
	v51 =	vld [tilespmem:s20+$0x10600];
	s20 =	sadd.s32 $0x10600, s20;
	v53 =	vshll.u32 v45, $0x10;
	v6 =	vand.u32 $0xFFFF0000, v45;
	v20 =	vshll.u32 v46, $0x10  }
0x2da: {  	s1 =	sor.u32 s28, s17;
	v58 =	vld [tilespmem:s20+$0x10];
	v7 =	vand.u32 $0xFFFF0000, v46;
	v54 =	vshll.u32 v47, $0x10;
	v8 =	vand.u32 $0xFFFF0000, v47  }
0x2db: {  	v56 =	vld [tilespmem:s1+$0x14600];
	s1 =	sadd.s32 $0x14600, s1;
	v21 =	vshll.u32 v52, $0x10;
	v13 =	vand.u32 $0xFFFF0000, v52;
	v14 =	vsub.f32 v53, v54  }
0x2dc: {  	v57 =	vld [tilespmem:s1+$0x20];
	v6 =	vsub.f32 v6, v8;
	v7 =	vsub.f32 v7, v13;
	v59 =	vshll.u32 v50, $0x10  }
0x2dd: {  	v11 =	vand.u32 $0xFFFF0000, v50;
	v23 =	vshll.u32 v55, $0x10;
	v26 =	vand.u32 $0xFFFF0000, v55  }
0x2de: {  	v61 =	vld [tilespmem:s19+$0x8610];
	v9 =	vadd.f32 v14, v48;
	v6 =	vadd.f32 v6, v49;
	v12 =	vand.u32 $0xFFFF0000, v51  }
0x2df: {  	v62 =	vld [tilespmem:s1+$0x10];
	v60 =	vshll.u32 v51, $0x10;
	v11 =	vsub.f32 v11, v12;
	v24 =	vshll.u32 v58, $0x10  }
0x2e0: {  	v22 =	vld [tilespmem:s19+$0x8630];
	v10 =	vsub.f32 v59, v60;
	v27 =	vand.u32 $0xFFFF0000, v58;
	v14 =	vsub.f32 v23, v24  }
0x2e1: {  	v25 =	vld [tilespmem:s1+$0x30];
	v9 =	vand.u32 $0x7FFFFFFF, v9;
	v63 =	vadd.f32 v11, v57;
	v11 =	vsub.f32 v20, v21  }
0x2e2: {  	v6 =	vand.u32 $0x7FFFFFFF, v6;
	v12 =	vsub.f32 v26, v27;
	v8 =	vadd.f32 v10, v56  }
0x2e3: {  	v6 =	vadd.f32 v6, v9;
	v11 =	vadd.f32 v11, v61  }
0x2e4: {  	v9 =	vadd.f32 v14, v62;
	v8 =	vand.u32 $0x7FFFFFFF, v8;
	v10 =	vand.u32 $0x7FFFFFFF, v63  }
0x2e5: {  	v7 =	vadd.f32 v7, v22;
	v8 =	vadd.f32 v10, v8;
	v28 =	vand.u32 $0x7FFFFFFF, v11  }
0x2e6: {  	v29 =	vadd.f32 v12, v25;
	v9 =	vand.u32 $0x7FFFFFFF, v9;
	v6 =	vadd.f32 v28, v6  }
0x2e7: {  	v7 =	vand.u32 $0x7FFFFFFF, v7;
	v8 =	vadd.f32 v9, v8  }
0x2e8: {  	v30 =	vand.u32 $0x7FFFFFFF, v29;
	v6 =	vadd.f32 v6, v7  }
0x2e9: {  	v7 =	vadd.f32 v8, v30  }
0x2ea: {  	(xrf2) =	vadd.scan.msk.f32 $0xffff, v6  }
0x2eb: {  	(xrf2) =	vadd.scan.msk.f32 $0xffff, v7;
	_ =	sdelay $0x8  }
0x2ec: {  	v6, _, _ =	vpop (xrf2)  }
0x2ed: {  	(v2sf) =	vpush v6, $0xF;
	v31, _, _ =	vpop (xrf2)  }
0x2ee: {  	(v2sf) =	vpush v31, $0xF  }
0x2ef: {  	(v2sf) =	vpush v0, $0xF;
	_ =	sdelay $0x1  }
0x2f0: {  	(v2sf) =	vpush v1, $0xF;
	_ =	sdelay $0x1  }
0x2f1: {  	(v2sf) =	vpush v2, $0xF;
	_ =	sdelay $0x1  }
0x2f2: {  	(v2sf) =	vpush v3, $0xF;
	_ =	sdelay $0x1  }
0x2f3: {  	(v2sf) =	vpush v4, $0xF;
	_ =	sdelay $0x2  }
0x2f4: {  	(v2sf) =	vpush v5, $0xF;
	_ =	sdelay $0x1  }
0x2f5: {  	s17 =	spop (v2sf)  }
0x2f6: {  	s19 =	spop (v2sf)  }
0x2f7: {  	s1 =	sor.u32 $0x780, s18;
	s22 =	spop (v2sf)  }
0x2f8: {  	s18 =	sor.u32 s22, s1  }
0x2f9: {  	s28 =	spop (v2sf);
	v32 =	vld [tilespmem:s18+$0x600]  }
0x2fa: {  	v33 =	vld [tilespmem:s18+$0x610];
	s18 =	sor.u32 s28, s1  }
0x2fb: {  	s22 =	spop (v2sf);
	v34 =	vld [tilespmem:s18+$0x4600]  }
0x2fc: {  	s20 =	sor.u32 s22, s1;
	v39 =	vld [tilespmem:s18+$0x4610]  }
0x2fd: {  	s23 =	ssub.f32 s23, s24;
	s28 =	spop (v2sf);
	v35 =	vld [tilespmem:s20+$0x8600]  }
0x2fe: {  	s5 =	ssub.f32 s5, s6;
	s22 =	sor.u32 s28, s1;
	v38 =	vld [tilespmem:s20+$0x8620]  }
0x2ff: {  	s23 =	sadd.f32 $1.000000000e+00, s23;
	s28 =	spop (v2sf);
	v36 =	vld [tilespmem:s22+$0xC600]  }
0x300: {  	s5 =	sadd.f32 $1.000000000e+00, s5;
	s24 =	sor.u32 s28, s1;
	v43 =	vld [tilespmem:s22+$0xC610]  }
0x301: {  	s8 =	ssub.f32 s7, s8;
	v37 =	vld [tilespmem:s24+$0x10600];
	s24 =	sadd.s32 $0x10600, s24;
	v40 =	vshll.u32 v32, $0x10;
	v0 =	vand.u32 $0xFFFF0000, v32;
	v50 =	vshll.u32 v33, $0x10  }
0x302: {  	s9 =	ssub.f32 s9, s10;
	s28 =	spop (v2sf);
	v48 =	vld [tilespmem:s24+$0x10];
	v1 =	vand.u32 $0xFFFF0000, v33;
	v41 =	vshll.u32 v34, $0x10;
	v2 =	vand.u32 $0xFFFF0000, v34  }
0x303: {  	s10 =	ssub.f32 s11, s12;
	s1 =	sor.u32 s28, s1;
	v51 =	vshll.u32 v39, $0x10;
	v7 =	vand.u32 $0xFFFF0000, v39;
	v8 =	vsub.f32 v40, v41  }
0x304: {  	s6 =	sadd.f32 $1.000000000e+00, s9;
	v42 =	vld [tilespmem:s1+$0x14600];
	s1 =	sadd.s32 $0x14600, s1;
	v0 =	vsub.f32 v0, v2;
	v1 =	vsub.f32 v1, v7;
	v45 =	vshll.u32 v36, $0x10  }
0x305: {  	s23 =	smax.f32 s23, $0.0e+00;
	s12 =	sadd.f32 $1.000000000e+00, s10;
	v47 =	vld [tilespmem:s1+$0x20];
	v4 =	vand.u32 $0xFFFF0000, v36;
	v55 =	vshll.u32 v43, $0x10;
	v44 =	vadd.f32 v8, v35  }
0x306: {  	s18 =	sadd.f32 s23, s26;
	v49 =	vld [tilespmem:s20+$0x8610];
	v46 =	vshll.u32 v37, $0x10;
	v0 =	vadd.f32 v0, v38;
	v5 =	vand.u32 $0xFFFF0000, v37  }
0x307: {  	s26 =	rddreg [dreg:$0x12];
	v52 =	vld [tilespmem:s1+$0x10];
	v3 =	vsub.f32 v45, v46;
	v4 =	vsub.f32 v4, v5;
	v56 =	vshll.u32 v48, $0x10  }
0x308: {  	v53 =	vld [tilespmem:s20+$0x8630];
	s28 =	rddreg [dreg:$0x13];
	v2 =	vand.u32 $0x7FFFFFFF, v44;
	v0 =	vand.u32 $0x7FFFFFFF, v0;
	v57 =	vsub.f32 v55, v56  }
0x309: {  	s23 =	ssub.f32 s26, s28;
	v54 =	vld [tilespmem:s1+$0x30];
	v58 =	vand.u32 $0xFFFF0000, v43;
	v0 =	vadd.f32 v0, v2;
	v2 =	vsub.f32 v50, v51  }
0x30a: {  	s26 =	rddreg [dreg:$0x14];
	v59 =	vand.u32 $0xFFFF0000, v48;
	v3 =	vadd.f32 v3, v42;
	v4 =	vadd.f32 v4, v47  }
0x30b: {  	s28 =	rddreg [dreg:$0x15];
	v7 =	vsub.f32 v58, v59;
	v2 =	vadd.f32 v2, v49  }
0x30c: {  	s22 =	ssub.f32 s26, s28;
	v6 =	vadd.f32 v57, v52;
	v3 =	vand.u32 $0x7FFFFFFF, v3;
	v4 =	vand.u32 $0x7FFFFFFF, v4  }
0x30d: {  	s26 =	rddreg [dreg:$0x16];
	v1 =	vadd.f32 v1, v53;
	v3 =	vadd.f32 v4, v3;
	v2 =	vand.u32 $0x7FFFFFFF, v2  }
0x30e: {  	s28 =	rddreg [dreg:$0x17];
	v61 =	vadd.f32 v7, v54;
	v60 =	vand.u32 $0x7FFFFFFF, v6;
	v0 =	vadd.f32 v2, v0  }
0x30f: {  	s23 =	sadd.f32 $1.000000000e+00, s23;
	v1 =	vand.u32 $0x7FFFFFFF, v1;
	v2 =	vadd.f32 v60, v3  }
0x310: {  	s24 =	ssub.f32 s26, s28;
	v62 =	vand.u32 $0x7FFFFFFF, v61;
	v0 =	vadd.f32 v0, v1  }
0x311: {  	s26 =	ssub.f32 s29, s30;
	v1 =	vadd.f32 v2, v62  }
0x312: {  	s22 =	sadd.f32 $1.000000000e+00, s22;
	s23 =	smax.f32 s23, $0.0e+00;
	(xrf2) =	vadd.scan.msk.f32 $0xffff, v0  }
0x313: {  	s18 =	sadd.f32 s23, s18;
	(xrf2) =	vadd.scan.msk.f32 $0xffff, v1  }
0x314: {  	s22 =	smax.f32 s22, $0.0e+00;
	s23 =	sadd.f32 $1.000000000e+00, s24  }
0x315: {  	s18 =	sadd.f32 s22, s18  }
0x316: {  	s28 =	ssub.f32 s31, s21;
	s24 =	smax.f32 s23, $0.0e+00  }
0x317: {  	s1 =	sadd.f32 s24, s18  }
0x318: {  	s18 =	sadd.f32 $1.000000000e+00, s26  }
0x319: {  	s2 =	ssub.f32 s2, s3  }
0x31a: {  	s30 =	sadd.f32 $1.000000000e+00, s28;
	s29 =	smax.f32 s18, $0.0e+00  }
0x31b: {  	s1 =	sadd.f32 s29, s1  }
0x31c: {  	s2 =	sadd.f32 $1.000000000e+00, s2;
	s31 =	smax.f32 s30, $0.0e+00;
	v0, _, _ =	vpop (xrf2)  }
0x31d: {  	s1 =	sadd.f32 s31, s1;
	(v2sf) =	vpush v0, $0xF;
	v63, _, _ =	vpop (xrf2)  }
0x31e: {  	s5 =	smax.f32 s5, $0.0e+00;
	s0 =	ssub.f32 s0, s13;
	(v2sf) =	vpush v63, $0xF  }
0x31f: {  	s1 =	sadd.f32 s5, s1  }
0x320: {  	s5 =	sadd.f32 $1.000000000e+00, s8  }
0x321: {  	s0 =	sadd.f32 $1.000000000e+00, s0  }
0x322: {  	s20 =	ssub.f32 s14, s4;
	s5 =	smax.f32 s5, $0.0e+00  }
0x323: {  	s1 =	sadd.f32 s5, s1  }
0x324: {  	s11 =	smax.f32 s6, $0.0e+00;
	s3 =	sadd.f32 $1.000000000e+00, s20  }
0x325: {  	s1 =	sadd.f32 s11, s1  }
0x326: {  	s21 =	ssub.f32 s25, s15;
	s18 =	smax.f32 s12, $0.0e+00  }
0x327: {  	s1 =	sadd.f32 s18, s1  }
0x328: {  	s2 =	smax.f32 s2, $0.0e+00;
	s23 =	sadd.f32 $1.000000000e+00, s21  }
0x329: {  	s1 =	sadd.f32 s2, s1  }
0x32a: {  	s25 =	ssub.f32 s17, s19;
	s22 =	smax.f32 s3, $0.0e+00  }
0x32b: {  	s24 =	smax.f32 s23, $0.0e+00;
	s1 =	sadd.f32 s22, s1  }
0x32c: {  	s2 =	sadd.f32 $1.000000000e+00, s25;
	s26 =	spop (v2sf)  }
0x32d: {  	s1 =	sadd.f32 s24, s1;
	s28 =	spop (v2sf)  }
0x32e: {  	p0 =	sne.s32 s16, $0x7;
	s0 =	smax.f32 s0, $0.0e+00;
	s3 =	ssub.f32 s26, s28  }
.Ltmp0:
0x32f: {  	s0 =	sadd.f32 s0, s1;
	(pc) =	sbr.rel @p0 .LBB2_2-.Ltmp0, $4  }
0x330: {  	s29 =	smax.f32 s2, $0.0e+00;
	s30 =	sadd.f32 $1.000000000e+00, s3  }
0x331: {  	s0 =	sadd.f32 s29, s0  }
0x332: {  	s31 =	smax.f32 s30, $0.0e+00  }
0x333: {  	s16 =	sadd.s32 $0x1, s16;
	s26 =	sadd.f32 s31, s0  }
0x334: {  	_ = 	snop  }
0x335: {  	v0 =	vmov s26  }
0x336: {  	v0 =	vnsel vm0, $0x0, v0  }
0x337: {  	s10 =	simm.s32 $0x0;
	s0 =	rddreg [dreg:$0xf];
	s1 =	simm.s32 $0x18600;
	[tilespmem:$0x18600] =	vst v0  }
0x338: {  	[hbm4b:s0+s10] =	stream.linear.scatter [tilespmem:s1], [sflag:$0x2], $0x10, $0x38;
	[tilespmem:$0x18680] =	vst v63  }
0x339: {  	s1 =	simm.s32 $0x2  }
0x33a: {  	_ =	swait.ge [sflag:s1], $0x10  }
0x33b: {  	s2 =	rddreg [dreg:$0x11]  }
0x33c: {  	s31 =	rddreg [dreg:$0x10];
	s2 =	sadd.s32 $0x1, s2  }
0x33d: {  	p0 =	sne.s32 s2, s31  }
.Ltmp1:
0x33e: {  	_ = 	snop;
	(pc) =	sbr.rel @p0 .LBB2_1-.Ltmp1, $3  }
0x33f: {  	_ =	sdelay $0x1  }
0x340: {  	[sflag:s1] =	ssyncset.done $0x0  }
0x341: {  	[sflag:s1] =	ssyncadd.s32 $0xFFFFFFF0  }
0x342: {  	_ =	sfence.sel $0x180000  }
0x343: {  	[bflag:$0x0] =	sbarrier.arrive $0xFFFF  }
0x344: {  	_ =	strace $0x90000047  }
0x345: {  	s0 =	stileid.u32;
	[bflag:$0x2] =	sbarrier.arrive $0xFFFF  }
0x346: {  	p0 =	sne.s32 s0, $0x0;
	s0 =	rddreg [dreg:$0x7]  }
0x347: {  	s0 =	sadd.s32 @!p0 $0x100000, s0  }
0x348: {  	[sflag:s0] =	ssyncadd.tile.s32 @!p0 $0x1;
	_ =	shalt  }
.Lfunc_end2:
_tile_overlayer_lowered:
.L_overlay_start_2:
0x349: {  	(tag) =	ssettag $0x2  }
0x34a: {  	s0 =	rddreg [dreg:$0x0];
	s2 =	stileid.u32  }
0x34b: {  	s1 =	rddreg [dreg:$0x1];
	p0 =	sne.s32 s2, $0x0  }
0x34c: {  	s3 =	rddreg [dreg:$0x2];
	[bflag:$0x3] =	sbarrier.arrive $0xFFFF;
	s2 =	simm.s32 @!p0 $0x1C02  }
0x34d: {  	[timem:s3], [sflag:s2] =	dma.local @!p0 [hbm:s0], s1  }
0x34e: {  	s0 =	simm.s32 @!p0 $0x2  }
0x34f: {  	_ =	swait.ge @!p0 [sflag:s0], s1  }
0x350: {  	s1 =	ssub.s32 @!p0 $0x0, s1;
	[sflag:s0] =	ssyncset.done @!p0 $0x0  }
0x351: {  	[sflag:s0] =	ssyncadd.s32 @!p0 s1  }
0x352: {  	[bflag:$0x3] =	sbarrier.arrive $0xFFFF  }
0x353: {  	_ =	shalt  }

</sc_bundles>
